<compile_context>
chip_gen: v7x
topology: tpu7x:2x2x1
jax: 0.10.2.dev20260603
libtpu: 0.0.44.dev20260713+nightly
codegen_flags: <defaults>
</compile_context>

<pallas_src>
import jax
import jax.numpy as jnp
from jax import lax
from jax.experimental import pallas as pl
from jax.experimental.pallas import tpu as pltpu
from jax.experimental.pallas import tpu_sc as plsc

P = 3
N_CTRL = 100000
N_KNOT = N_CTRL + P + 1
NSPAN = N_CTRL - P
NDIM = 3
N_EVAL = 1000001

NW = 32
BLK = 3920
NBLK = 8
CHUNK = NBLK * BLK
CNT = 3176
SCALE = float(NSPAN) / 1000000.0
LAST_OFF = N_EVAL - 1 - BLK
INV = 1.0 / float(NSPAN)


def _t(m):
    return jnp.clip(m.astype(jnp.float32) * jnp.float32(INV),
                    jnp.float32(0.0), jnp.float32(1.0))


def _points(u, lo, ctrl_v):
    sc = jnp.clip((u * jnp.float32(NSPAN)).astype(jnp.int32) + P,
                  P, N_CTRL - 1)
    m = sc - P
    inc = jnp.where((u >= _t(m + 1)) & (sc < N_CTRL - 1), 1, 0)
    dec = jnp.where((u < _t(m)) & (sc > P), 1, 0)
    sc = sc + inc - dec
    m = m + inc - dec
    t0 = _t(m - 2)
    t1 = _t(m - 1)
    t2 = _t(m)
    t3 = _t(m + 1)
    t4 = _t(m + 2)
    t5 = _t(m + 3)
    l1 = u - t2
    l2 = u - t1
    l3 = u - t0
    r1 = t3 - u
    r2 = t4 - u
    r3 = t5 - u
    tmp = 1.0 / (r1 + l1)
    n0 = r1 * tmp
    n1 = l1 * tmp
    tmp = n0 / (r1 + l2)
    m0 = r1 * tmp
    sv = l2 * tmp
    tmp = n1 / (r2 + l1)
    m1 = sv + r2 * tmp
    m2 = l1 * tmp
    tmp = m0 / (r1 + l3)
    q0 = r1 * tmp
    sv = l3 * tmp
    tmp = m1 / (r2 + l2)
    q1 = sv + r2 * tmp
    sv = l2 * tmp
    tmp = m2 / (r3 + l1)
    q2 = sv + r3 * tmp
    q3 = l1 * tmp
    rb = sc - lo - 3
    zero = rb * 0
    c = [plsc.load_gather(ctrl_v, [rb + j, zero + d])
         for j in range(4) for d in range(3)]
    return tuple(q0 * c[d] + q1 * c[3 + d] + q2 * c[6 + d] + q3 * c[9 + d]
                 for d in range(3))


def _nurbs_body(ctrl_hbm, knot_hbm, u_hbm, ox_hbm, oy_hbm, oz_hbm,
                u_v0, u_v1, out_v0, out_v1, ctrl_v,
                su0, su1, so0, so1):
    wid = lax.axis_index("c") * 16 + lax.axis_index("s")
    base = wid * CHUNK

    lo = (base.astype(jnp.float32) * jnp.float32(SCALE)).astype(jnp.int32) - 16
    lo = jnp.clip(lo, 0, N_CTRL - CNT)
    lo = (lo // 8) * 8
    pltpu.sync_copy(ctrl_hbm.at[pl.ds(lo, CNT)], ctrl_v)

    lane = lax.iota(jnp.int32, 16)
    u_bufs = [u_v0, u_v1]
    o_bufs = [out_v0, out_v1]
    u_sems = [su0, su1]
    o_sems = [so0, so1]
    offs = [jnp.minimum((NBLK * wid + j) * BLK, LAST_OFF) for j in range(NBLK)]

    u_dma = [None] * NBLK
    o_dma = [None] * NBLK
    u_dma[0] = pltpu.async_copy(u_hbm.at[pl.ds(offs[0], BLK)],
                                u_bufs[0], u_sems[0])
    for j in range(NBLK):
        cur = j % 2
        if j + 1 < NBLK:
            u_dma[j + 1] = pltpu.async_copy(
                u_hbm.at[pl.ds(offs[j + 1], BLK)],
                u_bufs[1 - cur], u_sems[1 - cur])
        u_dma[j].wait()
        if j >= 2:
            for dma in o_dma[j - 2]:
                dma.wait()
        u_v = u_bufs[cur]
        out_v = o_bufs[cur]

        def vbody(i, carry, u_v=u_v, out_v=out_v):
            u = u_v[pl.ds(i * 16, 16)]
            ox, oy, oz = _points(u, lo, ctrl_v)
            out_v[0, pl.ds(i * 16, 16)] = ox
            out_v[1, pl.ds(i * 16, 16)] = oy
            out_v[2, pl.ds(i * 16, 16)] = oz
            return carry

        lax.fori_loop(0, BLK // 16, vbody, jnp.int32(0))
        o_dma[j] = [
            pltpu.async_copy(out_v.at[d],
                             hbm.at[pl.ds(offs[j], BLK)], o_sems[cur])
            for d, hbm in enumerate((ox_hbm, oy_hbm, oz_hbm))]
    for dma in o_dma[NBLK - 2] + o_dma[NBLK - 1]:
        dma.wait()

    @pl.when(wid == NW - 1)
    def _():
        u1 = jnp.full((16,), 1.0, jnp.float32)
        ox, oy, oz = _points(u1, lo, ctrl_v)
        out_v0[0, pl.ds(0, 16)] = ox
        out_v0[1, pl.ds(0, 16)] = oy
        out_v0[2, pl.ds(0, 16)] = oz
        for d, hbm in enumerate((ox_hbm, oy_hbm, oz_hbm)):
            pltpu.sync_copy(out_v0.at[d, pl.ds(0, 1)],
                            hbm.at[pl.ds(N_EVAL - 1, 1)])


def kernel(control_points, knot_vector, eval_params):
    mesh = plsc.VectorSubcoreMesh(core_axis_name="c", subcore_axis_name="s")
    planes = pl.kernel(
        _nurbs_body,
        mesh=mesh,
        compiler_params=pltpu.CompilerParams(
            needs_layout_passes=False, use_tc_tiling_on_sc=False),
        out_type=[jax.ShapeDtypeStruct((N_EVAL,), jnp.float32)] * NDIM,
        scratch_types=[
            pltpu.VMEM((BLK,), jnp.float32),
            pltpu.VMEM((BLK,), jnp.float32),
            pltpu.VMEM((NDIM, BLK), jnp.float32),
            pltpu.VMEM((NDIM, BLK), jnp.float32),
            pltpu.VMEM((CNT, NDIM), jnp.float32),
            pltpu.SemaphoreType.DMA,
            pltpu.SemaphoreType.DMA,
            pltpu.SemaphoreType.DMA,
            pltpu.SemaphoreType.DMA,
        ],
    )(control_points, knot_vector, eval_params)
    return jnp.stack(planes, axis=-1)

# --- scband reference (transcript-rebuilt; emitter-appended) ---
"""Pipeline reference for scband-abstract-nurbs-89781996355764 (READ-ONLY COPY).

The authoritative reference and input builder live on the scoring server;
editing this copy changes nothing except your own understanding.
"""

import jax, jax.numpy as jnp
import numpy as np

P = 3
N_CTRL = 100000
NDIM = 3
N_EVAL = 1000001


def _knot_vector(p, n):
    # Clamped uniform knot vector: (p+1) zeros, n-p-1 uniform interior knots, (p+1) ones.
    interior = jnp.arange(1, n - p, dtype=jnp.float32) / jnp.float32(n - p)
    return jnp.concatenate([jnp.zeros(p + 1, jnp.float32), interior, jnp.ones(p + 1, jnp.float32)])


def setup_inputs(seed: int = 0) -> dict:
    key = jax.random.key(seed)
    control_points = jax.random.normal(key, (N_CTRL, NDIM), dtype=jnp.float32)
    knot_vector = _knot_vector(P, N_CTRL)
    eval_params = jnp.linspace(0.0, 1.0, N_EVAL, dtype=jnp.float32)
    return {"control_points": control_points, "knot_vector": knot_vector, "eval_params": eval_params}


def reference(control_points, knot_vector, eval_params):
    p = P
    n_ctrl = control_points.shape[0]
    u = eval_params
    # find_spans: binary search into the knot vector, clamped to valid span range [p, n_ctrl-1]
    span = jnp.clip(jnp.searchsorted(knot_vector, u, side='right') - 1, p, n_ctrl - 1)
    # Cox-de Boor basis functions (NURBS book algorithm A2.2), vectorized over eval points
    j_idx = jnp.arange(1, p + 1)
    left = u[:, None] - knot_vector[span[:, None] + 1 - j_idx]   # [M, p]
    right = knot_vector[span[:, None] + j_idx] - u[:, None]      # [M, p]
    N = jnp.zeros((u.shape[0], p + 1), dtype=u.dtype).at[:, 0].set(1.0)
    for j in range(1, p + 1):
        saved = jnp.zeros_like(u)
        for r in range(j):
            temp = N[:, r] / (right[:, r] + left[:, j - r - 1])
            N = N.at[:, r].set(saved + right[:, r] * temp)
            saved = left[:, j - r - 1] * temp
        N = N.at[:, j].set(saved)
    # span_points: gather the (p+1) control points influencing each eval point
    idx = span[:, None] - p + jnp.arange(p + 1)                  # [M, p+1]
    ctrl = control_points[idx]                                   # [M, p+1, ndim]
    # do_eval: weighted sum of gathered control points by basis functions
    return jnp.einsum('mk,mkd->md', N, ctrl)

if __name__ == "__main__":
    import jax
    _d = setup_inputs()
    print(jax.jit(kernel)(*tuple(_d.values())))

</pallas_src>

<mosaic_0001>
#map = affine_map<(d0, d1) -> (0, 0)>
#map1 = affine_map<(d0, d1) -> (0)>
module attributes {stable_mosaic.version = 14 : i64} {
  func.func @_nurbs_body(%arg0: i32, %arg1: i32, %arg2: memref<100000x3xf32, #tpu.memory_space<hbm>>, %arg3: memref<100004xf32, #tpu.memory_space<hbm>>, %arg4: memref<1000001xf32, #tpu.memory_space<hbm>>, %arg5: memref<1000001xf32, #tpu.memory_space<hbm>>, %arg6: memref<1000001xf32, #tpu.memory_space<hbm>>, %arg7: memref<1000001xf32, #tpu.memory_space<hbm>>, %arg8: memref<3920xf32, #tpu.memory_space<vmem>>, %arg9: memref<3920xf32, #tpu.memory_space<vmem>>, %arg10: memref<3x3920xf32, #tpu.memory_space<vmem>>, %arg11: memref<3x3920xf32, #tpu.memory_space<vmem>>, %arg12: memref<3176x3xf32, #tpu.memory_space<vmem>>, %arg13: memref<!tpu.dma_semaphore, #tpu.memory_space<semaphore_mem>>, %arg14: memref<!tpu.dma_semaphore, #tpu.memory_space<semaphore_mem>>, %arg15: memref<!tpu.dma_semaphore, #tpu.memory_space<semaphore_mem>>, %arg16: memref<!tpu.dma_semaphore, #tpu.memory_space<semaphore_mem>>) attributes {dimension_semantics = [#tpu.dimension_semantics<core_parallel>, #tpu.dimension_semantics<subcore_parallel>], iteration_bounds = array<i64: 2, 16>, scalar_prefetch = 0 : i64, scratch_operands = 9 : i64, tpu.core_type = #tpu.core_type<sc_vector_subcore>, window_params = [{transform_indices = #map}, {transform_indices = #map1}, {transform_indices = #map1}, {transform_indices = #map1}, {transform_indices = #map1}, {transform_indices = #map1}]} {
    %mul3A = arith.constant 16 : i32
    %mul3A_0 = arith.muli %arg0, %mul3A : i32
    %add3A = arith.addi %mul3A_0, %arg1 : i32
    %mul3A_1 = arith.constant 31360 : i32
    %mul3A_2 = arith.muli %add3A, %mul3A_1 : i32
    %convert_element_type3A = arith.sitofp %mul3A_2 : i32 to f32
    %mul3A_3 = arith.constant 0.0999969989 : f32
    %mul3A_4 = arith.mulf %convert_element_type3A, %mul3A_3 : f32
    %convert_element_type3A_5 = arith.fptosi %mul3A_4 : f32 to i32
    %sub3A = arith.constant 16 : i32
    %sub3A_6 = arith.subi %convert_element_type3A_5, %sub3A : i32
    %jit3A = arith.constant 0 : i32
    %jit3A_7 = arith.constant 96824 : i32
    %max3A = arith.maxsi %jit3A, %sub3A_6 : i32
    %min3A = arith.minsi %jit3A_7, %max3A : i32
    %jit3A_8 = arith.constant 8 : i32
    %div3A = arith.divsi %min3A, %jit3A_8 : i32
    %sign3A = arith.constant 0 : i32
    %sign3A_9 = arith.cmpi sgt, %min3A, %sign3A : i32
    %sign3A_10 = arith.extui %sign3A_9 : i1 to i32
    %sign3A_11 = arith.constant 0 : i32
    %sign3A_12 = arith.cmpi slt, %min3A, %sign3A_11 : i32
    %sign3A_13 = arith.extui %sign3A_12 : i1 to i32
    %sign3A_14 = arith.subi %sign3A_10, %sign3A_13 : i32
    %sign3A_15 = arith.constant 0 : i32
    %sign3A_16 = arith.cmpi sgt, %jit3A_8, %sign3A_15 : i32
    %sign3A_17 = arith.extui %sign3A_16 : i1 to i32
    %sign3A_18 = arith.constant 0 : i32
    %sign3A_19 = arith.cmpi slt, %jit3A_8, %sign3A_18 : i32
    %sign3A_20 = arith.extui %sign3A_19 : i1 to i32
    %sign3A_21 = arith.subi %sign3A_17, %sign3A_20 : i32
    %ne3A = arith.cmpi ne, %sign3A_14, %sign3A_21 : i32
    %rem3A = arith.remsi %min3A, %jit3A_8 : i32
    %ne3A_22 = arith.constant 0 : i32
    %ne3A_23 = arith.cmpi ne, %rem3A, %ne3A_22 : i32
    %and3A = arith.andi %ne3A, %ne3A_23 : i1
    %sub3A_24 = arith.constant 1 : i32
    %sub3A_25 = arith.subi %div3A, %sub3A_24 : i32
    %select_n3A = arith.select %and3A, %sub3A_25, %div3A : i32
    %mul3A_26 = arith.constant 8 : i32
    %mul3A_27 = arith.muli %select_n3A, %mul3A_26 : i32
    "tpu.region"() ({
      %run_scoped3A = tpu.sem_alloc : memref<!tpu.dma_semaphore, #tpu.memory_space<semaphore_mem>>
      %dma_start3A_604 = arith.constant 0 : i32
      %dma_start3A_605 = tpu.memref_slice %arg2[%mul3A_27, %dma_start3A_604] : memref<100000x3xf32, #tpu.memory_space<hbm>> -> memref<3176x3xf32, #tpu.memory_space<hbm>>
      %dma_start3A_606 = arith.constant 0 : i32
      %dma_start3A_607 = tpu.memref_slice %arg2[%mul3A_27, %dma_start3A_606] : memref<100000x3xf32, #tpu.memory_space<hbm>> -> memref<3176x3xf32, #tpu.memory_space<hbm>>
      tpu.enqueue_dma source(%dma_start3A_607 : memref<3176x3xf32, #tpu.memory_space<hbm>>) target(%arg12 : memref<3176x3xf32, #tpu.memory_space<vmem>>) target_semaphore(%run_scoped3A : memref<!tpu.dma_semaphore, #tpu.memory_space<semaphore_mem>>)
      %dma_wait3A_608 = arith.constant 0 : i32
      %dma_wait3A_609 = tpu.memref_slice %arg2[%mul3A_27, %dma_wait3A_608] : memref<100000x3xf32, #tpu.memory_space<hbm>> -> memref<3176x3xf32, #tpu.memory_space<hbm>>
      %dma_wait3A_610 = arith.constant 0 : i32
      %dma_wait3A_611 = tpu.memref_slice %arg2[%mul3A_27, %dma_wait3A_610] : memref<100000x3xf32, #tpu.memory_space<hbm>> -> memref<3176x3xf32, #tpu.memory_space<hbm>>
      tpu.wait_dma2 semaphore(%run_scoped3A : memref<!tpu.dma_semaphore, #tpu.memory_space<semaphore_mem>>) src(%dma_wait3A_611 : memref<3176x3xf32, #tpu.memory_space<hbm>>) dst(%arg12 : memref<3176x3xf32, #tpu.memory_space<vmem>>)
      tpu.yield
    }) : () -> ()
    %iota3A = tpu.iota {dimensions = array<i32: 0>} : vector<16xi32>
    %mul3A_28 = arith.constant 8 : i32
    %mul3A_29 = arith.muli %mul3A_28, %add3A : i32
    %add3A_30 = arith.constant 0 : i32
    %add3A_31 = arith.addi %mul3A_29, %add3A_30 : i32
    %mul3A_32 = arith.constant 3920 : i32
    %mul3A_33 = arith.muli %add3A_31, %mul3A_32 : i32
    %min3A_34 = arith.constant 996080 : i32
    %min3A_35 = arith.minsi %mul3A_33, %min3A_34 : i32
    %mul3A_36 = arith.constant 8 : i32
    %mul3A_37 = arith.muli %mul3A_36, %add3A : i32
    %add3A_38 = arith.constant 1 : i32
    %add3A_39 = arith.addi %mul3A_37, %add3A_38 : i32
    %mul3A_40 = arith.constant 3920 : i32
    %mul3A_41 = arith.muli %add3A_39, %mul3A_40 : i32
    %min3A_42 = arith.constant 996080 : i32
    %min3A_43 = arith.minsi %mul3A_41, %min3A_42 : i32
    %mul3A_44 = arith.constant 8 : i32
    %mul3A_45 = arith.muli %mul3A_44, %add3A : i32
    %add3A_46 = arith.constant 2 : i32
    %add3A_47 = arith.addi %mul3A_45, %add3A_46 : i32
    %mul3A_48 = arith.constant 3920 : i32
    %mul3A_49 = arith.muli %add3A_47, %mul3A_48 : i32
    %min3A_50 = arith.constant 996080 : i32
    %min3A_51 = arith.minsi %mul3A_49, %min3A_50 : i32
    %mul3A_52 = arith.constant 8 : i32
    %mul3A_53 = arith.muli %mul3A_52, %add3A : i32
    %add3A_54 = arith.constant 3 : i32
    %add3A_55 = arith.addi %mul3A_53, %add3A_54 : i32
    %mul3A_56 = arith.constant 3920 : i32
    %mul3A_57 = arith.muli %add3A_55, %mul3A_56 : i32
    %min3A_58 = arith.constant 996080 : i32
    %min3A_59 = arith.minsi %mul3A_57, %min3A_58 : i32
    %mul3A_60 = arith.constant 8 : i32
    %mul3A_61 = arith.muli %mul3A_60, %add3A : i32
    %add3A_62 = arith.constant 4 : i32
    %add3A_63 = arith.addi %mul3A_61, %add3A_62 : i32
    %mul3A_64 = arith.constant 3920 : i32
    %mul3A_65 = arith.muli %add3A_63, %mul3A_64 : i32
    %min3A_66 = arith.constant 996080 : i32
    %min3A_67 = arith.minsi %mul3A_65, %min3A_66 : i32
    %mul3A_68 = arith.constant 8 : i32
    %mul3A_69 = arith.muli %mul3A_68, %add3A : i32
    %add3A_70 = arith.constant 5 : i32
    %add3A_71 = arith.addi %mul3A_69, %add3A_70 : i32
    %mul3A_72 = arith.constant 3920 : i32
    %mul3A_73 = arith.muli %add3A_71, %mul3A_72 : i32
    %min3A_74 = arith.constant 996080 : i32
    %min3A_75 = arith.minsi %mul3A_73, %min3A_74 : i32
    %mul3A_76 = arith.constant 8 : i32
    %mul3A_77 = arith.muli %mul3A_76, %add3A : i32
    %add3A_78 = arith.constant 6 : i32
    %add3A_79 = arith.addi %mul3A_77, %add3A_78 : i32
    %mul3A_80 = arith.constant 3920 : i32
    %mul3A_81 = arith.muli %add3A_79, %mul3A_80 : i32
    %min3A_82 = arith.constant 996080 : i32
    %min3A_83 = arith.minsi %mul3A_81, %min3A_82 : i32
    %mul3A_84 = arith.constant 8 : i32
    %mul3A_85 = arith.muli %mul3A_84, %add3A : i32
    %add3A_86 = arith.constant 7 : i32
    %add3A_87 = arith.addi %mul3A_85, %add3A_86 : i32
    %mul3A_88 = arith.constant 3920 : i32
    %mul3A_89 = arith.muli %add3A_87, %mul3A_88 : i32
    %min3A_90 = arith.constant 996080 : i32
    %min3A_91 = arith.minsi %mul3A_89, %min3A_90 : i32
    %dma_start3A = tpu.memref_slice %arg4[%min3A_35] : memref<1000001xf32, #tpu.memory_space<hbm>> -> memref<3920xf32, #tpu.memory_space<hbm>>
    %dma_start3A_92 = tpu.memref_slice %arg4[%min3A_35] : memref<1000001xf32, #tpu.memory_space<hbm>> -> memref<3920xf32, #tpu.memory_space<hbm>>
    tpu.enqueue_dma source(%dma_start3A_92 : memref<3920xf32, #tpu.memory_space<hbm>>) target(%arg8 : memref<3920xf32, #tpu.memory_space<vmem>>) target_semaphore(%arg13 : memref<!tpu.dma_semaphore, #tpu.memory_space<semaphore_mem>>)
    %dma_start3A_93 = tpu.memref_slice %arg4[%min3A_43] : memref<1000001xf32, #tpu.memory_space<hbm>> -> memref<3920xf32, #tpu.memory_space<hbm>>
    %dma_start3A_94 = tpu.memref_slice %arg4[%min3A_43] : memref<1000001xf32, #tpu.memory_space<hbm>> -> memref<3920xf32, #tpu.memory_space<hbm>>
    tpu.enqueue_dma source(%dma_start3A_94 : memref<3920xf32, #tpu.memory_space<hbm>>) target(%arg9 : memref<3920xf32, #tpu.memory_space<vmem>>) target_semaphore(%arg14 : memref<!tpu.dma_semaphore, #tpu.memory_space<semaphore_mem>>)
    %dma_wait3A = tpu.memref_slice %arg4[%min3A_35] : memref<1000001xf32, #tpu.memory_space<hbm>> -> memref<3920xf32, #tpu.memory_space<hbm>>
    %dma_wait3A_95 = tpu.memref_slice %arg4[%min3A_35] : memref<1000001xf32, #tpu.memory_space<hbm>> -> memref<3920xf32, #tpu.memory_space<hbm>>
    tpu.wait_dma2 semaphore(%arg13 : memref<!tpu.dma_semaphore, #tpu.memory_space<semaphore_mem>>) src(%dma_wait3A_95 : memref<3920xf32, #tpu.memory_space<hbm>>) dst(%arg8 : memref<3920xf32, #tpu.memory_space<vmem>>)
    %scan3A = arith.constant 0 : i32
    %scan3A_96 = arith.constant 0 : i32
    %scan3A_97 = arith.constant 245 : i32
    %scan3A_98 = arith.addi %scan3A_96, %scan3A_97 : i32
    %scan3A_99 = arith.constant 1 : i32
    scf.for %scan3A_604 = %scan3A_96 to %scan3A_98 step %scan3A_99  : i32 {
      %mul3A_605 = arith.constant 16 : i32
      %mul3A_606 = arith.muli %scan3A_604, %mul3A_605 : i32
      %get3A = arith.index_cast %mul3A_606 : i32 to index
      %get3A_607 = tpu.vector_load %arg8[%get3A] {strides = array<i32>} : memref<3920xf32, #tpu.memory_space<vmem>>, vector<16xf32>,
      %mul3A_608 = arith.constant 9.999700e+04 : f32
      %mul3A_609 = vector.broadcast %mul3A_608 : f32 to vector<16xf32>
      %mul3A_610 = arith.mulf %get3A_607, %mul3A_609 : vector<16xf32>
      %convert_element_type3A_611 = arith.fptosi %mul3A_610 : vector<16xf32> to vector<16xi32>
      %add3A_612 = arith.constant 3 : i32
      %add3A_613 = vector.broadcast %add3A_612 : i32 to vector<16xi32>
      %add3A_614 = arith.addi %convert_element_type3A_611, %add3A_613 : vector<16xi32>
      %jit3A_615 = arith.constant 3 : i32
      %jit3A_616 = arith.constant 99999 : i32
      %max3A_617 = vector.broadcast %jit3A_615 : i32 to vector<16xi32>
      %max3A_618 = arith.maxsi %max3A_617, %add3A_614 : vector<16xi32>
      %min3A_619 = vector.broadcast %jit3A_616 : i32 to vector<16xi32>
      %min3A_620 = arith.minsi %min3A_619, %max3A_618 : vector<16xi32>
      %sub3A_621 = arith.constant 3 : i32
      %sub3A_622 = vector.broadcast %sub3A_621 : i32 to vector<16xi32>
      %sub3A_623 = arith.subi %min3A_620, %sub3A_622 : vector<16xi32>
      %add3A_624 = arith.constant 1 : i32
      %add3A_625 = vector.broadcast %add3A_624 : i32 to vector<16xi32>
      %add3A_626 = arith.addi %sub3A_623, %add3A_625 : vector<16xi32>
      %convert_element_type3A_627 = arith.sitofp %add3A_626 : vector<16xi32> to vector<16xf32>
      %mul3A_628 = arith.constant 1.000030e-05 : f32
      %mul3A_629 = vector.broadcast %mul3A_628 : f32 to vector<16xf32>
      %mul3A_630 = arith.mulf %convert_element_type3A_627, %mul3A_629 : vector<16xf32>
      %jit3A_631 = arith.constant 0.000000e+00 : f32
      %jit3A_632 = arith.constant 1.000000e+00 : f32
      %max3A_633 = vector.broadcast %jit3A_631 : f32 to vector<16xf32>
      %max3A_634 = arith.maximumf %max3A_633, %mul3A_630 : vector<16xf32>
      %min3A_635 = vector.broadcast %jit3A_632 : f32 to vector<16xf32>
      %min3A_636 = arith.minimumf %min3A_635, %max3A_634 : vector<16xf32>
      %ge3A = arith.cmpf oge, %get3A_607, %min3A_636 : vector<16xf32>
      %lt3A = arith.constant 99999 : i32
      %lt3A_637 = vector.broadcast %lt3A : i32 to vector<16xi32>
      %lt3A_638 = arith.cmpi slt, %min3A_620, %lt3A_637 : vector<16xi32>
      %and3A_639 = arith.andi %ge3A, %lt3A_638 : vector<16xi1>
      %jit3A_640 = arith.constant 1 : i32
      %jit3A_641 = arith.constant 0 : i32
      %broadcast_in_dim3A = vector.broadcast %jit3A_640 : i32 to vector<16xi32>
      %broadcast_in_dim3A_642 = vector.broadcast %jit3A_641 : i32 to vector<16xi32>
      %select_n3A_643 = arith.select %and3A_639, %broadcast_in_dim3A, %broadcast_in_dim3A_642 : vector<16xi1>, vector<16xi32>
      %convert_element_type3A_644 = arith.sitofp %sub3A_623 : vector<16xi32> to vector<16xf32>
      %mul3A_645 = arith.constant 1.000030e-05 : f32
      %mul3A_646 = vector.broadcast %mul3A_645 : f32 to vector<16xf32>
      %mul3A_647 = arith.mulf %convert_element_type3A_644, %mul3A_646 : vector<16xf32>
      %jit3A_648 = arith.constant 0.000000e+00 : f32
      %jit3A_649 = arith.constant 1.000000e+00 : f32
      %max3A_650 = vector.broadcast %jit3A_648 : f32 to vector<16xf32>
      %max3A_651 = arith.maximumf %max3A_650, %mul3A_647 : vector<16xf32>
      %min3A_652 = vector.broadcast %jit3A_649 : f32 to vector<16xf32>
      %min3A_653 = arith.minimumf %min3A_652, %max3A_651 : vector<16xf32>
      %lt3A_654 = arith.cmpf olt, %get3A_607, %min3A_653 : vector<16xf32>
      %gt3A = arith.constant 3 : i32
      %gt3A_655 = vector.broadcast %gt3A : i32 to vector<16xi32>
      %gt3A_656 = arith.cmpi sgt, %min3A_620, %gt3A_655 : vector<16xi32>
      %and3A_657 = arith.andi %lt3A_654, %gt3A_656 : vector<16xi1>
      %jit3A_658 = arith.constant 1 : i32
      %jit3A_659 = arith.constant 0 : i32
      %broadcast_in_dim3A_660 = vector.broadcast %jit3A_658 : i32 to vector<16xi32>
      %broadcast_in_dim3A_661 = vector.broadcast %jit3A_659 : i32 to vector<16xi32>
      %select_n3A_662 = arith.select %and3A_657, %broadcast_in_dim3A_660, %broadcast_in_dim3A_661 : vector<16xi1>, vector<16xi32>
      %add3A_663 = arith.addi %min3A_620, %select_n3A_643 : vector<16xi32>
      %sub3A_664 = arith.subi %add3A_663, %select_n3A_662 : vector<16xi32>
      %add3A_665 = arith.addi %sub3A_623, %select_n3A_643 : vector<16xi32>
      %sub3A_666 = arith.subi %add3A_665, %select_n3A_662 : vector<16xi32>
      %sub3A_667 = arith.constant 2 : i32
      %sub3A_668 = vector.broadcast %sub3A_667 : i32 to vector<16xi32>
      %sub3A_669 = arith.subi %sub3A_666, %sub3A_668 : vector<16xi32>
      %convert_element_type3A_670 = arith.sitofp %sub3A_669 : vector<16xi32> to vector<16xf32>
      %mul3A_671 = arith.constant 1.000030e-05 : f32
      %mul3A_672 = vector.broadcast %mul3A_671 : f32 to vector<16xf32>
      %mul3A_673 = arith.mulf %convert_element_type3A_670, %mul3A_672 : vector<16xf32>
      %jit3A_674 = arith.constant 0.000000e+00 : f32
      %jit3A_675 = arith.constant 1.000000e+00 : f32
      %max3A_676 = vector.broadcast %jit3A_674 : f32 to vector<16xf32>
      %max3A_677 = arith.maximumf %max3A_676, %mul3A_673 : vector<16xf32>
      %min3A_678 = vector.broadcast %jit3A_675 : f32 to vector<16xf32>
      %min3A_679 = arith.minimumf %min3A_678, %max3A_677 : vector<16xf32>
      %sub3A_680 = arith.constant 1 : i32
      %sub3A_681 = vector.broadcast %sub3A_680 : i32 to vector<16xi32>
      %sub3A_682 = arith.subi %sub3A_666, %sub3A_681 : vector<16xi32>
      %convert_element_type3A_683 = arith.sitofp %sub3A_682 : vector<16xi32> to vector<16xf32>
      %mul3A_684 = arith.constant 1.000030e-05 : f32
      %mul3A_685 = vector.broadcast %mul3A_684 : f32 to vector<16xf32>
      %mul3A_686 = arith.mulf %convert_element_type3A_683, %mul3A_685 : vector<16xf32>
      %jit3A_687 = arith.constant 0.000000e+00 : f32
      %jit3A_688 = arith.constant 1.000000e+00 : f32
      %max3A_689 = vector.broadcast %jit3A_687 : f32 to vector<16xf32>
      %max3A_690 = arith.maximumf %max3A_689, %mul3A_686 : vector<16xf32>
      %min3A_691 = vector.broadcast %jit3A_688 : f32 to vector<16xf32>
      %min3A_692 = arith.minimumf %min3A_691, %max3A_690 : vector<16xf32>
      %convert_element_type3A_693 = arith.sitofp %sub3A_666 : vector<16xi32> to vector<16xf32>
      %mul3A_694 = arith.constant 1.000030e-05 : f32
      %mul3A_695 = vector.broadcast %mul3A_694 : f32 to vector<16xf32>
      %mul3A_696 = arith.mulf %convert_element_type3A_693, %mul3A_695 : vector<16xf32>
      %jit3A_697 = arith.constant 0.000000e+00 : f32
      %jit3A_698 = arith.constant 1.000000e+00 : f32
      %max3A_699 = vector.broadcast %jit3A_697 : f32 to vector<16xf32>
      %max3A_700 = arith.maximumf %max3A_699, %mul3A_696 : vector<16xf32>
      %min3A_701 = vector.broadcast %jit3A_698 : f32 to vector<16xf32>
      %min3A_702 = arith.minimumf %min3A_701, %max3A_700 : vector<16xf32>
      %add3A_703 = arith.constant 1 : i32
      %add3A_704 = vector.broadcast %add3A_703 : i32 to vector<16xi32>
      %add3A_705 = arith.addi %sub3A_666, %add3A_704 : vector<16xi32>
      %convert_element_type3A_706 = arith.sitofp %add3A_705 : vector<16xi32> to vector<16xf32>
      %mul3A_707 = arith.constant 1.000030e-05 : f32
      %mul3A_708 = vector.broadcast %mul3A_707 : f32 to vector<16xf32>
      %mul3A_709 = arith.mulf %convert_element_type3A_706, %mul3A_708 : vector<16xf32>
      %jit3A_710 = arith.constant 0.000000e+00 : f32
      %jit3A_711 = arith.constant 1.000000e+00 : f32
      %max3A_712 = vector.broadcast %jit3A_710 : f32 to vector<16xf32>
      %max3A_713 = arith.maximumf %max3A_712, %mul3A_709 : vector<16xf32>
      %min3A_714 = vector.broadcast %jit3A_711 : f32 to vector<16xf32>
      %min3A_715 = arith.minimumf %min3A_714, %max3A_713 : vector<16xf32>
      %add3A_716 = arith.constant 2 : i32
      %add3A_717 = vector.broadcast %add3A_716 : i32 to vector<16xi32>
      %add3A_718 = arith.addi %sub3A_666, %add3A_717 : vector<16xi32>
      %convert_element_type3A_719 = arith.sitofp %add3A_718 : vector<16xi32> to vector<16xf32>
      %mul3A_720 = arith.constant 1.000030e-05 : f32
      %mul3A_721 = vector.broadcast %mul3A_720 : f32 to vector<16xf32>
      %mul3A_722 = arith.mulf %convert_element_type3A_719, %mul3A_721 : vector<16xf32>
      %jit3A_723 = arith.constant 0.000000e+00 : f32
      %jit3A_724 = arith.constant 1.000000e+00 : f32
      %max3A_725 = vector.broadcast %jit3A_723 : f32 to vector<16xf32>
      %max3A_726 = arith.maximumf %max3A_725, %mul3A_722 : vector<16xf32>
      %min3A_727 = vector.broadcast %jit3A_724 : f32 to vector<16xf32>
      %min3A_728 = arith.minimumf %min3A_727, %max3A_726 : vector<16xf32>
      %add3A_729 = arith.constant 3 : i32
      %add3A_730 = vector.broadcast %add3A_729 : i32 to vector<16xi32>
      %add3A_731 = arith.addi %sub3A_666, %add3A_730 : vector<16xi32>
      %convert_element_type3A_732 = arith.sitofp %add3A_731 : vector<16xi32> to vector<16xf32>
      %mul3A_733 = arith.constant 1.000030e-05 : f32
      %mul3A_734 = vector.broadcast %mul3A_733 : f32 to vector<16xf32>
      %mul3A_735 = arith.mulf %convert_element_type3A_732, %mul3A_734 : vector<16xf32>
      %jit3A_736 = arith.constant 0.000000e+00 : f32
      %jit3A_737 = arith.constant 1.000000e+00 : f32
      %max3A_738 = vector.broadcast %jit3A_736 : f32 to vector<16xf32>
      %max3A_739 = arith.maximumf %max3A_738, %mul3A_735 : vector<16xf32>
      %min3A_740 = vector.broadcast %jit3A_737 : f32 to vector<16xf32>
      %min3A_741 = arith.minimumf %min3A_740, %max3A_739 : vector<16xf32>
      %sub3A_742 = arith.subf %get3A_607, %min3A_702 : vector<16xf32>
      %sub3A_743 = arith.subf %get3A_607, %min3A_692 : vector<16xf32>
      %sub3A_744 = arith.subf %get3A_607, %min3A_679 : vector<16xf32>
      %sub3A_745 = arith.subf %min3A_715, %get3A_607 : vector<16xf32>
      %sub3A_746 = arith.subf %min3A_728, %get3A_607 : vector<16xf32>
      %sub3A_747 = arith.subf %min3A_741, %get3A_607 : vector<16xf32>
      %add3A_748 = arith.addf %sub3A_745, %sub3A_742 : vector<16xf32>
      %div3A_749 = arith.constant 1.000000e+00 : f32
      %div3A_750 = vector.broadcast %div3A_749 : f32 to vector<16xf32>
      %div3A_751 = arith.divf %div3A_750, %add3A_748 : vector<16xf32>
      %mul3A_752 = arith.mulf %sub3A_745, %div3A_751 : vector<16xf32>
      %mul3A_753 = arith.mulf %sub3A_742, %div3A_751 : vector<16xf32>
      %add3A_754 = arith.addf %sub3A_745, %sub3A_743 : vector<16xf32>
      %div3A_755 = arith.divf %mul3A_752, %add3A_754 : vector<16xf32>
      %mul3A_756 = arith.mulf %sub3A_745, %div3A_755 : vector<16xf32>
      %mul3A_757 = arith.mulf %sub3A_743, %div3A_755 : vector<16xf32>
      %add3A_758 = arith.addf %sub3A_746, %sub3A_742 : vector<16xf32>
      %div3A_759 = arith.divf %mul3A_753, %add3A_758 : vector<16xf32>
      %mul3A_760 = arith.mulf %sub3A_746, %div3A_759 : vector<16xf32>
      %add3A_761 = arith.addf %mul3A_757, %mul3A_760 : vector<16xf32>
      %mul3A_762 = arith.mulf %sub3A_742, %div3A_759 : vector<16xf32>
      %add3A_763 = arith.addf %sub3A_745, %sub3A_744 : vector<16xf32>
      %div3A_764 = arith.divf %mul3A_756, %add3A_763 : vector<16xf32>
      %mul3A_765 = arith.mulf %sub3A_745, %div3A_764 : vector<16xf32>
      %mul3A_766 = arith.mulf %sub3A_744, %div3A_764 : vector<16xf32>
      %add3A_767 = arith.addf %sub3A_746, %sub3A_743 : vector<16xf32>
      %div3A_768 = arith.divf %add3A_761, %add3A_767 : vector<16xf32>
      %mul3A_769 = arith.mulf %sub3A_746, %div3A_768 : vector<16xf32>
      %add3A_770 = arith.addf %mul3A_766, %mul3A_769 : vector<16xf32>
      %mul3A_771 = arith.mulf %sub3A_743, %div3A_768 : vector<16xf32>
      %add3A_772 = arith.addf %sub3A_747, %sub3A_742 : vector<16xf32>
      %div3A_773 = arith.divf %mul3A_762, %add3A_772 : vector<16xf32>
      %mul3A_774 = arith.mulf %sub3A_747, %div3A_773 : vector<16xf32>
      %add3A_775 = arith.addf %mul3A_771, %mul3A_774 : vector<16xf32>
      %mul3A_776 = arith.mulf %sub3A_742, %div3A_773 : vector<16xf32>
      %sub3A_777 = vector.broadcast %mul3A_27 : i32 to vector<16xi32>
      %sub3A_778 = arith.subi %sub3A_664, %sub3A_777 : vector<16xi32>
      %sub3A_779 = arith.constant 3 : i32
      %sub3A_780 = vector.broadcast %sub3A_779 : i32 to vector<16xi32>
      %sub3A_781 = arith.subi %sub3A_778, %sub3A_780 : vector<16xi32>
      %mul3A_782 = arith.constant 0 : i32
      %mul3A_783 = vector.broadcast %mul3A_782 : i32 to vector<16xi32>
      %mul3A_784 = arith.muli %sub3A_781, %mul3A_783 : vector<16xi32>
      %add3A_785 = arith.constant 0 : i32
      %add3A_786 = vector.broadcast %add3A_785 : i32 to vector<16xi32>
      %add3A_787 = arith.addi %sub3A_781, %add3A_786 : vector<16xi32>
      %add3A_788 = arith.constant 0 : i32
      %add3A_789 = vector.broadcast %add3A_788 : i32 to vector<16xi32>
      %add3A_790 = arith.addi %mul3A_784, %add3A_789 : vector<16xi32>
      %gather3A = tpu.vector_load_idx %arg12[%add3A_787, %add3A_790] : memref<3176x3xf32, #tpu.memory_space<vmem>>[vector<16xi32>, vector<16xi32>], vector<16xf32>,
      %add3A_791 = arith.constant 0 : i32
      %add3A_792 = vector.broadcast %add3A_791 : i32 to vector<16xi32>
      %add3A_793 = arith.addi %sub3A_781, %add3A_792 : vector<16xi32>
      %add3A_794 = arith.constant 1 : i32
      %add3A_795 = vector.broadcast %add3A_794 : i32 to vector<16xi32>
      %add3A_796 = arith.addi %mul3A_784, %add3A_795 : vector<16xi32>
      %gather3A_797 = tpu.vector_load_idx %arg12[%add3A_793, %add3A_796] : memref<3176x3xf32, #tpu.memory_space<vmem>>[vector<16xi32>, vector<16xi32>], vector<16xf32>,
      %add3A_798 = arith.constant 0 : i32
      %add3A_799 = vector.broadcast %add3A_798 : i32 to vector<16xi32>
      %add3A_800 = arith.addi %sub3A_781, %add3A_799 : vector<16xi32>
      %add3A_801 = arith.constant 2 : i32
      %add3A_802 = vector.broadcast %add3A_801 : i32 to vector<16xi32>
      %add3A_803 = arith.addi %mul3A_784, %add3A_802 : vector<16xi32>
      %gather3A_804 = tpu.vector_load_idx %arg12[%add3A_800, %add3A_803] : memref<3176x3xf32, #tpu.memory_space<vmem>>[vector<16xi32>, vector<16xi32>], vector<16xf32>,
      %add3A_805 = arith.constant 1 : i32
      %add3A_806 = vector.broadcast %add3A_805 : i32 to vector<16xi32>
      %add3A_807 = arith.addi %sub3A_781, %add3A_806 : vector<16xi32>
      %add3A_808 = arith.constant 0 : i32
      %add3A_809 = vector.broadcast %add3A_808 : i32 to vector<16xi32>
      %add3A_810 = arith.addi %mul3A_784, %add3A_809 : vector<16xi32>
      %gather3A_811 = tpu.vector_load_idx %arg12[%add3A_807, %add3A_810] : memref<3176x3xf32, #tpu.memory_space<vmem>>[vector<16xi32>, vector<16xi32>], vector<16xf32>,
      %add3A_812 = arith.constant 1 : i32
      %add3A_813 = vector.broadcast %add3A_812 : i32 to vector<16xi32>
      %add3A_814 = arith.addi %sub3A_781, %add3A_813 : vector<16xi32>
      %add3A_815 = arith.constant 1 : i32
      %add3A_816 = vector.broadcast %add3A_815 : i32 to vector<16xi32>
      %add3A_817 = arith.addi %mul3A_784, %add3A_816 : vector<16xi32>
      %gather3A_818 = tpu.vector_load_idx %arg12[%add3A_814, %add3A_817] : memref<3176x3xf32, #tpu.memory_space<vmem>>[vector<16xi32>, vector<16xi32>], vector<16xf32>,
      %add3A_819 = arith.constant 1 : i32
      %add3A_820 = vector.broadcast %add3A_819 : i32 to vector<16xi32>
      %add3A_821 = arith.addi %sub3A_781, %add3A_820 : vector<16xi32>
      %add3A_822 = arith.constant 2 : i32
      %add3A_823 = vector.broadcast %add3A_822 : i32 to vector<16xi32>
      %add3A_824 = arith.addi %mul3A_784, %add3A_823 : vector<16xi32>
      %gather3A_825 = tpu.vector_load_idx %arg12[%add3A_821, %add3A_824] : memref<3176x3xf32, #tpu.memory_space<vmem>>[vector<16xi32>, vector<16xi32>], vector<16xf32>,
      %add3A_826 = arith.constant 2 : i32
      %add3A_827 = vector.broadcast %add3A_826 : i32 to vector<16xi32>
      %add3A_828 = arith.addi %sub3A_781, %add3A_827 : vector<16xi32>
      %add3A_829 = arith.constant 0 : i32
      %add3A_830 = vector.broadcast %add3A_829 : i32 to vector<16xi32>
      %add3A_831 = arith.addi %mul3A_784, %add3A_830 : vector<16xi32>
      %gather3A_832 = tpu.vector_load_idx %arg12[%add3A_828, %add3A_831] : memref<3176x3xf32, #tpu.memory_space<vmem>>[vector<16xi32>, vector<16xi32>], vector<16xf32>,
      %add3A_833 = arith.constant 2 : i32
      %add3A_834 = vector.broadcast %add3A_833 : i32 to vector<16xi32>
      %add3A_835 = arith.addi %sub3A_781, %add3A_834 : vector<16xi32>
      %add3A_836 = arith.constant 1 : i32
      %add3A_837 = vector.broadcast %add3A_836 : i32 to vector<16xi32>
      %add3A_838 = arith.addi %mul3A_784, %add3A_837 : vector<16xi32>
      %gather3A_839 = tpu.vector_load_idx %arg12[%add3A_835, %add3A_838] : memref<3176x3xf32, #tpu.memory_space<vmem>>[vector<16xi32>, vector<16xi32>], vector<16xf32>,
      %add3A_840 = arith.constant 2 : i32
      %add3A_841 = vector.broadcast %add3A_840 : i32 to vector<16xi32>
      %add3A_842 = arith.addi %sub3A_781, %add3A_841 : vector<16xi32>
      %add3A_843 = arith.constant 2 : i32
      %add3A_844 = vector.broadcast %add3A_843 : i32 to vector<16xi32>
      %add3A_845 = arith.addi %mul3A_784, %add3A_844 : vector<16xi32>
      %gather3A_846 = tpu.vector_load_idx %arg12[%add3A_842, %add3A_845] : memref<3176x3xf32, #tpu.memory_space<vmem>>[vector<16xi32>, vector<16xi32>], vector<16xf32>,
      %add3A_847 = arith.constant 3 : i32
      %add3A_848 = vector.broadcast %add3A_847 : i32 to vector<16xi32>
      %add3A_849 = arith.addi %sub3A_781, %add3A_848 : vector<16xi32>
      %add3A_850 = arith.constant 0 : i32
      %add3A_851 = vector.broadcast %add3A_850 : i32 to vector<16xi32>
      %add3A_852 = arith.addi %mul3A_784, %add3A_851 : vector<16xi32>
      %gather3A_853 = tpu.vector_load_idx %arg12[%add3A_849, %add3A_852] : memref<3176x3xf32, #tpu.memory_space<vmem>>[vector<16xi32>, vector<16xi32>], vector<16xf32>,
      %add3A_854 = arith.constant 3 : i32
      %add3A_855 = vector.broadcast %add3A_854 : i32 to vector<16xi32>
      %add3A_856 = arith.addi %sub3A_781, %add3A_855 : vector<16xi32>
      %add3A_857 = arith.constant 1 : i32
      %add3A_858 = vector.broadcast %add3A_857 : i32 to vector<16xi32>
      %add3A_859 = arith.addi %mul3A_784, %add3A_858 : vector<16xi32>
      %gather3A_860 = tpu.vector_load_idx %arg12[%add3A_856, %add3A_859] : memref<3176x3xf32, #tpu.memory_space<vmem>>[vector<16xi32>, vector<16xi32>], vector<16xf32>,
      %add3A_861 = arith.constant 3 : i32
      %add3A_862 = vector.broadcast %add3A_861 : i32 to vector<16xi32>
      %add3A_863 = arith.addi %sub3A_781, %add3A_862 : vector<16xi32>
      %add3A_864 = arith.constant 2 : i32
      %add3A_865 = vector.broadcast %add3A_864 : i32 to vector<16xi32>
      %add3A_866 = arith.addi %mul3A_784, %add3A_865 : vector<16xi32>
      %gather3A_867 = tpu.vector_load_idx %arg12[%add3A_863, %add3A_866] : memref<3176x3xf32, #tpu.memory_space<vmem>>[vector<16xi32>, vector<16xi32>], vector<16xf32>,
      %mul3A_868 = arith.mulf %mul3A_765, %gather3A : vector<16xf32>
      %mul3A_869 = arith.mulf %add3A_770, %gather3A_811 : vector<16xf32>
      %add3A_870 = arith.addf %mul3A_868, %mul3A_869 : vector<16xf32>
      %mul3A_871 = arith.mulf %add3A_775, %gather3A_832 : vector<16xf32>
      %add3A_872 = arith.addf %add3A_870, %mul3A_871 : vector<16xf32>
      %mul3A_873 = arith.mulf %mul3A_776, %gather3A_853 : vector<16xf32>
      %add3A_874 = arith.addf %add3A_872, %mul3A_873 : vector<16xf32>
      %mul3A_875 = arith.mulf %mul3A_765, %gather3A_797 : vector<16xf32>
      %mul3A_876 = arith.mulf %add3A_770, %gather3A_818 : vector<16xf32>
      %add3A_877 = arith.addf %mul3A_875, %mul3A_876 : vector<16xf32>
      %mul3A_878 = arith.mulf %add3A_775, %gather3A_839 : vector<16xf32>
      %add3A_879 = arith.addf %add3A_877, %mul3A_878 : vector<16xf32>
      %mul3A_880 = arith.mulf %mul3A_776, %gather3A_860 : vector<16xf32>
      %add3A_881 = arith.addf %add3A_879, %mul3A_880 : vector<16xf32>
      %mul3A_882 = arith.mulf %mul3A_765, %gather3A_804 : vector<16xf32>
      %mul3A_883 = arith.mulf %add3A_770, %gather3A_825 : vector<16xf32>
      %add3A_884 = arith.addf %mul3A_882, %mul3A_883 : vector<16xf32>
      %mul3A_885 = arith.mulf %add3A_775, %gather3A_846 : vector<16xf32>
      %add3A_886 = arith.addf %add3A_884, %mul3A_885 : vector<16xf32>
      %mul3A_887 = arith.mulf %mul3A_776, %gather3A_867 : vector<16xf32>
      %add3A_888 = arith.addf %add3A_886, %mul3A_887 : vector<16xf32>
      %mul3A_889 = arith.constant 16 : i32
      %mul3A_890 = arith.muli %scan3A_604, %mul3A_889 : i32
      %swap3A = arith.constant 0 : i32
      %swap3A_891 = arith.index_cast %swap3A : i32 to index
      %swap3A_892 = arith.index_cast %mul3A_890 : i32 to index
      %swap3A_893 = tpu.vector_load %arg10[%swap3A_891, %swap3A_892] {strides = array<i32>} : memref<3x3920xf32, #tpu.memory_space<vmem>>, vector<16xf32>,
      tpu.vector_store %arg10[%swap3A_891, %swap3A_892], %add3A_874 {strides = array<i32>} : memref<3x3920xf32, #tpu.memory_space<vmem>>, vector<16xf32>,
      %mul3A_894 = arith.constant 16 : i32
      %mul3A_895 = arith.muli %scan3A_604, %mul3A_894 : i32
      %swap3A_896 = arith.constant 1 : i32
      %swap3A_897 = arith.index_cast %swap3A_896 : i32 to index
      %swap3A_898 = arith.index_cast %mul3A_895 : i32 to index
      %swap3A_899 = tpu.vector_load %arg10[%swap3A_897, %swap3A_898] {strides = array<i32>} : memref<3x3920xf32, #tpu.memory_space<vmem>>, vector<16xf32>,
      tpu.vector_store %arg10[%swap3A_897, %swap3A_898], %add3A_881 {strides = array<i32>} : memref<3x3920xf32, #tpu.memory_space<vmem>>, vector<16xf32>,
      %mul3A_900 = arith.constant 16 : i32
      %mul3A_901 = arith.muli %scan3A_604, %mul3A_900 : i32
      %swap3A_902 = arith.constant 2 : i32
      %swap3A_903 = arith.index_cast %swap3A_902 : i32 to index
      %swap3A_904 = arith.index_cast %mul3A_901 : i32 to index
      %swap3A_905 = tpu.vector_load %arg10[%swap3A_903, %swap3A_904] {strides = array<i32>} : memref<3x3920xf32, #tpu.memory_space<vmem>>, vector<16xf32>,
      tpu.vector_store %arg10[%swap3A_903, %swap3A_904], %add3A_888 {strides = array<i32>} : memref<3x3920xf32, #tpu.memory_space<vmem>>, vector<16xf32>,
    }
    %scan3A_100 = arith.constant 245 : i32
    %dma_start3A_101 = arith.constant 0 : i32
    %dma_start3A_102 = arith.constant 0 : i32
    %dma_start3A_103 = tpu.memref_slice %arg10[%dma_start3A_101, %dma_start3A_102] : memref<3x3920xf32, #tpu.memory_space<vmem>> -> memref<1x3920xf32, #tpu.memory_space<vmem>>
    %dma_start3A_104 = tpu.memref_squeeze %dma_start3A_103 : memref<1x3920xf32, #tpu.memory_space<vmem>> -> memref<3920xf32, #tpu.memory_space<vmem>>
    %dma_start3A_105 = tpu.memref_slice %arg5[%min3A_35] : memref<1000001xf32, #tpu.memory_space<hbm>> -> memref<3920xf32, #tpu.memory_space<hbm>>
    %dma_start3A_106 = tpu.memref_slice %arg5[%min3A_35] : memref<1000001xf32, #tpu.memory_space<hbm>> -> memref<3920xf32, #tpu.memory_space<hbm>>
    %dma_start3A_107 = arith.constant 0 : i32
    %dma_start3A_108 = tpu.memref_slice %arg10[%dma_start3A_101, %dma_start3A_107] : memref<3x3920xf32, #tpu.memory_space<vmem>> -> memref<1x3920xf32, #tpu.memory_space<vmem>>
    %dma_start3A_109 = tpu.memref_squeeze %dma_start3A_108 : memref<1x3920xf32, #tpu.memory_space<vmem>> -> memref<3920xf32, #tpu.memory_space<vmem>>
    tpu.enqueue_dma source(%dma_start3A_109 : memref<3920xf32, #tpu.memory_space<vmem>>) target(%dma_start3A_106 : memref<3920xf32, #tpu.memory_space<hbm>>) target_semaphore(%arg15 : memref<!tpu.dma_semaphore, #tpu.memory_space<semaphore_mem>>)
    %dma_start3A_110 = arith.constant 1 : i32
    %dma_start3A_111 = arith.constant 0 : i32
    %dma_start3A_112 = tpu.memref_slice %arg10[%dma_start3A_110, %dma_start3A_111] : memref<3x3920xf32, #tpu.memory_space<vmem>> -> memref<1x3920xf32, #tpu.memory_space<vmem>>
    %dma_start3A_113 = tpu.memref_squeeze %dma_start3A_112 : memref<1x3920xf32, #tpu.memory_space<vmem>> -> memref<3920xf32, #tpu.memory_space<vmem>>
    %dma_start3A_114 = tpu.memref_slice %arg6[%min3A_35] : memref<1000001xf32, #tpu.memory_space<hbm>> -> memref<3920xf32, #tpu.memory_space<hbm>>
    %dma_start3A_115 = tpu.memref_slice %arg6[%min3A_35] : memref<1000001xf32, #tpu.memory_space<hbm>> -> memref<3920xf32, #tpu.memory_space<hbm>>
    %dma_start3A_116 = arith.constant 0 : i32
    %dma_start3A_117 = tpu.memref_slice %arg10[%dma_start3A_110, %dma_start3A_116] : memref<3x3920xf32, #tpu.memory_space<vmem>> -> memref<1x3920xf32, #tpu.memory_space<vmem>>
    %dma_start3A_118 = tpu.memref_squeeze %dma_start3A_117 : memref<1x3920xf32, #tpu.memory_space<vmem>> -> memref<3920xf32, #tpu.memory_space<vmem>>
    tpu.enqueue_dma source(%dma_start3A_118 : memref<3920xf32, #tpu.memory_space<vmem>>) target(%dma_start3A_115 : memref<3920xf32, #tpu.memory_space<hbm>>) target_semaphore(%arg15 : memref<!tpu.dma_semaphore, #tpu.memory_space<semaphore_mem>>)
    %dma_start3A_119 = arith.constant 2 : i32
    %dma_start3A_120 = arith.constant 0 : i32
    %dma_start3A_121 = tpu.memref_slice %arg10[%dma_start3A_119, %dma_start3A_120] : memref<3x3920xf32, #tpu.memory_space<vmem>> -> memref<1x3920xf32, #tpu.memory_space<vmem>>
    %dma_start3A_122 = tpu.memref_squeeze %dma_start3A_121 : memref<1x3920xf32, #tpu.memory_space<vmem>> -> memref<3920xf32, #tpu.memory_space<vmem>>
    %dma_start3A_123 = tpu.memref_slice %arg7[%min3A_35] : memref<1000001xf32, #tpu.memory_space<hbm>> -> memref<3920xf32, #tpu.memory_space<hbm>>
    %dma_start3A_124 = tpu.memref_slice %arg7[%min3A_35] : memref<1000001xf32, #tpu.memory_space<hbm>> -> memref<3920xf32, #tpu.memory_space<hbm>>
    %dma_start3A_125 = arith.constant 0 : i32
    %dma_start3A_126 = tpu.memref_slice %arg10[%dma_start3A_119, %dma_start3A_125] : memref<3x3920xf32, #tpu.memory_space<vmem>> -> memref<1x3920xf32, #tpu.memory_space<vmem>>
    %dma_start3A_127 = tpu.memref_squeeze %dma_start3A_126 : memref<1x3920xf32, #tpu.memory_space<vmem>> -> memref<3920xf32, #tpu.memory_space<vmem>>
    tpu.enqueue_dma source(%dma_start3A_127 : memref<3920xf32, #tpu.memory_space<vmem>>) target(%dma_start3A_124 : memref<3920xf32, #tpu.memory_space<hbm>>) target_semaphore(%arg15 : memref<!tpu.dma_semaphore, #tpu.memory_space<semaphore_mem>>)
    %dma_start3A_128 = tpu.memref_slice %arg4[%min3A_51] : memref<1000001xf32, #tpu.memory_space<hbm>> -> memref<3920xf32, #tpu.memory_space<hbm>>
    %dma_start3A_129 = tpu.memref_slice %arg4[%min3A_51] : memref<1000001xf32, #tpu.memory_space<hbm>> -> memref<3920xf32, #tpu.memory_space<hbm>>
    tpu.enqueue_dma source(%dma_start3A_129 : memref<3920xf32, #tpu.memory_space<hbm>>) target(%arg8 : memref<3920xf32, #tpu.memory_space<vmem>>) target_semaphore(%arg13 : memref<!tpu.dma_semaphore, #tpu.memory_space<semaphore_mem>>)
    %dma_wait3A_130 = tpu.memref_slice %arg4[%min3A_43] : memref<1000001xf32, #tpu.memory_space<hbm>> -> memref<3920xf32, #tpu.memory_space<hbm>>
    %dma_wait3A_131 = tpu.memref_slice %arg4[%min3A_43] : memref<1000001xf32, #tpu.memory_space<hbm>> -> memref<3920xf32, #tpu.memory_space<hbm>>
    tpu.wait_dma2 semaphore(%arg14 : memref<!tpu.dma_semaphore, #tpu.memory_space<semaphore_mem>>) src(%dma_wait3A_131 : memref<3920xf32, #tpu.memory_space<hbm>>) dst(%arg9 : memref<3920xf32, #tpu.memory_space<vmem>>)
    %scan3A_132 = arith.constant 0 : i32
    %scan3A_133 = arith.constant 0 : i32
    %scan3A_134 = arith.constant 245 : i32
    %scan3A_135 = arith.addi %scan3A_133, %scan3A_134 : i32
    %scan3A_136 = arith.constant 1 : i32
    scf.for %scan3A_604 = %scan3A_133 to %scan3A_135 step %scan3A_136  : i32 {
      %mul3A_605 = arith.constant 16 : i32
      %mul3A_606 = arith.muli %scan3A_604, %mul3A_605 : i32
      %get3A = arith.index_cast %mul3A_606 : i32 to index
      %get3A_607 = tpu.vector_load %arg9[%get3A] {strides = array<i32>} : memref<3920xf32, #tpu.memory_space<vmem>>, vector<16xf32>,
      %mul3A_608 = arith.constant 9.999700e+04 : f32
      %mul3A_609 = vector.broadcast %mul3A_608 : f32 to vector<16xf32>
      %mul3A_610 = arith.mulf %get3A_607, %mul3A_609 : vector<16xf32>
      %convert_element_type3A_611 = arith.fptosi %mul3A_610 : vector<16xf32> to vector<16xi32>
      %add3A_612 = arith.constant 3 : i32
      %add3A_613 = vector.broadcast %add3A_612 : i32 to vector<16xi32>
      %add3A_614 = arith.addi %convert_element_type3A_611, %add3A_613 : vector<16xi32>
      %jit3A_615 = arith.constant 3 : i32
      %jit3A_616 = arith.constant 99999 : i32
      %max3A_617 = vector.broadcast %jit3A_615 : i32 to vector<16xi32>
      %max3A_618 = arith.maxsi %max3A_617, %add3A_614 : vector<16xi32>
      %min3A_619 = vector.broadcast %jit3A_616 : i32 to vector<16xi32>
      %min3A_620 = arith.minsi %min3A_619, %max3A_618 : vector<16xi32>
      %sub3A_621 = arith.constant 3 : i32
      %sub3A_622 = vector.broadcast %sub3A_621 : i32 to vector<16xi32>
      %sub3A_623 = arith.subi %min3A_620, %sub3A_622 : vector<16xi32>
      %add3A_624 = arith.constant 1 : i32
      %add3A_625 = vector.broadcast %add3A_624 : i32 to vector<16xi32>
      %add3A_626 = arith.addi %sub3A_623, %add3A_625 : vector<16xi32>
      %convert_element_type3A_627 = arith.sitofp %add3A_626 : vector<16xi32> to vector<16xf32>
      %mul3A_628 = arith.constant 1.000030e-05 : f32
      %mul3A_629 = vector.broadcast %mul3A_628 : f32 to vector<16xf32>
      %mul3A_630 = arith.mulf %convert_element_type3A_627, %mul3A_629 : vector<16xf32>
      %jit3A_631 = arith.constant 0.000000e+00 : f32
      %jit3A_632 = arith.constant 1.000000e+00 : f32
      %max3A_633 = vector.broadcast %jit3A_631 : f32 to vector<16xf32>
      %max3A_634 = arith.maximumf %max3A_633, %mul3A_630 : vector<16xf32>
      %min3A_635 = vector.broadcast %jit3A_632 : f32 to vector<16xf32>
      %min3A_636 = arith.minimumf %min3A_635, %max3A_634 : vector<16xf32>
      %ge3A = arith.cmpf oge, %get3A_607, %min3A_636 : vector<16xf32>
      %lt3A = arith.constant 99999 : i32
      %lt3A_637 = vector.broadcast %lt3A : i32 to vector<16xi32>
      %lt3A_638 = arith.cmpi slt, %min3A_620, %lt3A_637 : vector<16xi32>
      %and3A_639 = arith.andi %ge3A, %lt3A_638 : vector<16xi1>
      %jit3A_640 = arith.constant 1 : i32
      %jit3A_641 = arith.constant 0 : i32
      %broadcast_in_dim3A = vector.broadcast %jit3A_640 : i32 to vector<16xi32>
      %broadcast_in_dim3A_642 = vector.broadcast %jit3A_641 : i32 to vector<16xi32>
      %select_n3A_643 = arith.select %and3A_639, %broadcast_in_dim3A, %broadcast_in_dim3A_642 : vector<16xi1>, vector<16xi32>
      %convert_element_type3A_644 = arith.sitofp %sub3A_623 : vector<16xi32> to vector<16xf32>
      %mul3A_645 = arith.constant 1.000030e-05 : f32
      %mul3A_646 = vector.broadcast %mul3A_645 : f32 to vector<16xf32>
      %mul3A_647 = arith.mulf %convert_element_type3A_644, %mul3A_646 : vector<16xf32>
      %jit3A_648 = arith.constant 0.000000e+00 : f32
      %jit3A_649 = arith.constant 1.000000e+00 : f32
      %max3A_650 = vector.broadcast %jit3A_648 : f32 to vector<16xf32>
      %max3A_651 = arith.maximumf %max3A_650, %mul3A_647 : vector<16xf32>
      %min3A_652 = vector.broadcast %jit3A_649 : f32 to vector<16xf32>
      %min3A_653 = arith.minimumf %min3A_652, %max3A_651 : vector<16xf32>
      %lt3A_654 = arith.cmpf olt, %get3A_607, %min3A_653 : vector<16xf32>
      %gt3A = arith.constant 3 : i32
      %gt3A_655 = vector.broadcast %gt3A : i32 to vector<16xi32>
      %gt3A_656 = arith.cmpi sgt, %min3A_620, %gt3A_655 : vector<16xi32>
      %and3A_657 = arith.andi %lt3A_654, %gt3A_656 : vector<16xi1>
      %jit3A_658 = arith.constant 1 : i32
      %jit3A_659 = arith.constant 0 : i32
      %broadcast_in_dim3A_660 = vector.broadcast %jit3A_658 : i32 to vector<16xi32>
      %broadcast_in_dim3A_661 = vector.broadcast %jit3A_659 : i32 to vector<16xi32>
      %select_n3A_662 = arith.select %and3A_657, %broadcast_in_dim3A_660, %broadcast_in_dim3A_661 : vector<16xi1>, vector<16xi32>
      %add3A_663 = arith.addi %min3A_620, %select_n3A_643 : vector<16xi32>
      %sub3A_664 = arith.subi %add3A_663, %select_n3A_662 : vector<16xi32>
      %add3A_665 = arith.addi %sub3A_623, %select_n3A_643 : vector<16xi32>
      %sub3A_666 = arith.subi %add3A_665, %select_n3A_662 : vector<16xi32>
      %sub3A_667 = arith.constant 2 : i32
      %sub3A_668 = vector.broadcast %sub3A_667 : i32 to vector<16xi32>
      %sub3A_669 = arith.subi %sub3A_666, %sub3A_668 : vector<16xi32>
      %convert_element_type3A_670 = arith.sitofp %sub3A_669 : vector<16xi32> to vector<16xf32>
      %mul3A_671 = arith.constant 1.000030e-05 : f32
      %mul3A_672 = vector.broadcast %mul3A_671 : f32 to vector<16xf32>
      %mul3A_673 = arith.mulf %convert_element_type3A_670, %mul3A_672 : vector<16xf32>
      %jit3A_674 = arith.constant 0.000000e+00 : f32
      %jit3A_675 = arith.constant 1.000000e+00 : f32
      %max3A_676 = vector.broadcast %jit3A_674 : f32 to vector<16xf32>
      %max3A_677 = arith.maximumf %max3A_676, %mul3A_673 : vector<16xf32>
      %min3A_678 = vector.broadcast %jit3A_675 : f32 to vector<16xf32>
      %min3A_679 = arith.minimumf %min3A_678, %max3A_677 : vector<16xf32>
      %sub3A_680 = arith.constant 1 : i32
      %sub3A_681 = vector.broadcast %sub3A_680 : i32 to vector<16xi32>
      %sub3A_682 = arith.subi %sub3A_666, %sub3A_681 : vector<16xi32>
      %convert_element_type3A_683 = arith.sitofp %sub3A_682 : vector<16xi32> to vector<16xf32>
      %mul3A_684 = arith.constant 1.000030e-05 : f32
      %mul3A_685 = vector.broadcast %mul3A_684 : f32 to vector<16xf32>
      %mul3A_686 = arith.mulf %convert_element_type3A_683, %mul3A_685 : vector<16xf32>
      %jit3A_687 = arith.constant 0.000000e+00 : f32
      %jit3A_688 = arith.constant 1.000000e+00 : f32
      %max3A_689 = vector.broadcast %jit3A_687 : f32 to vector<16xf32>
      %max3A_690 = arith.maximumf %max3A_689, %mul3A_686 : vector<16xf32>
      %min3A_691 = vector.broadcast %jit3A_688 : f32 to vector<16xf32>
      %min3A_692 = arith.minimumf %min3A_691, %max3A_690 : vector<16xf32>
      %convert_element_type3A_693 = arith.sitofp %sub3A_666 : vector<16xi32> to vector<16xf32>
      %mul3A_694 = arith.constant 1.000030e-05 : f32
      %mul3A_695 = vector.broadcast %mul3A_694 : f32 to vector<16xf32>
      %mul3A_696 = arith.mulf %convert_element_type3A_693, %mul3A_695 : vector<16xf32>
      %jit3A_697 = arith.constant 0.000000e+00 : f32
      %jit3A_698 = arith.constant 1.000000e+00 : f32
      %max3A_699 = vector.broadcast %jit3A_697 : f32 to vector<16xf32>
      %max3A_700 = arith.maximumf %max3A_699, %mul3A_696 : vector<16xf32>
      %min3A_701 = vector.broadcast %jit3A_698 : f32 to vector<16xf32>
      %min3A_702 = arith.minimumf %min3A_701, %max3A_700 : vector<16xf32>
      %add3A_703 = arith.constant 1 : i32
      %add3A_704 = vector.broadcast %add3A_703 : i32 to vector<16xi32>
      %add3A_705 = arith.addi %sub3A_666, %add3A_704 : vector<16xi32>
      %convert_element_type3A_706 = arith.sitofp %add3A_705 : vector<16xi32> to vector<16xf32>
      %mul3A_707 = arith.constant 1.000030e-05 : f32
      %mul3A_708 = vector.broadcast %mul3A_707 : f32 to vector<16xf32>
      %mul3A_709 = arith.mulf %convert_element_type3A_706, %mul3A_708 : vector<16xf32>
      %jit3A_710 = arith.constant 0.000000e+00 : f32
      %jit3A_711 = arith.constant 1.000000e+00 : f32
      %max3A_712 = vector.broadcast %jit3A_710 : f32 to vector<16xf32>
      %max3A_713 = arith.maximumf %max3A_712, %mul3A_709 : vector<16xf32>
      %min3A_714 = vector.broadcast %jit3A_711 : f32 to vector<16xf32>
      %min3A_715 = arith.minimumf %min3A_714, %max3A_713 : vector<16xf32>
      %add3A_716 = arith.constant 2 : i32
      %add3A_717 = vector.broadcast %add3A_716 : i32 to vector<16xi32>
      %add3A_718 = arith.addi %sub3A_666, %add3A_717 : vector<16xi32>
      %convert_element_type3A_719 = arith.sitofp %add3A_718 : vector<16xi32> to vector<16xf32>
      %mul3A_720 = arith.constant 1.000030e-05 : f32
      %mul3A_721 = vector.broadcast %mul3A_720 : f32 to vector<16xf32>
      %mul3A_722 = arith.mulf %convert_element_type3A_719, %mul3A_721 : vector<16xf32>
      %jit3A_723 = arith.constant 0.000000e+00 : f32
      %jit3A_724 = arith.constant 1.000000e+00 : f32
      %max3A_725 = vector.broadcast %jit3A_723 : f32 to vector<16xf32>
      %max3A_726 = arith.maximumf %max3A_725, %mul3A_722 : vector<16xf32>
      %min3A_727 = vector.broadcast %jit3A_724 : f32 to vector<16xf32>
      %min3A_728 = arith.minimumf %min3A_727, %max3A_726 : vector<16xf32>
      %add3A_729 = arith.constant 3 : i32
      %add3A_730 = vector.broadcast %add3A_729 : i32 to vector<16xi32>
      %add3A_731 = arith.addi %sub3A_666, %add3A_730 : vector<16xi32>
      %convert_element_type3A_732 = arith.sitofp %add3A_731 : vector<16xi32> to vector<16xf32>
      %mul3A_733 = arith.constant 1.000030e-05 : f32
      %mul3A_734 = vector.broadcast %mul3A_733 : f32 to vector<16xf32>
      %mul3A_735 = arith.mulf %convert_element_type3A_732, %mul3A_734 : vector<16xf32>
      %jit3A_736 = arith.constant 0.000000e+00 : f32
      %jit3A_737 = arith.constant 1.000000e+00 : f32
      %max3A_738 = vector.broadcast %jit3A_736 : f32 to vector<16xf32>
      %max3A_739 = arith.maximumf %max3A_738, %mul3A_735 : vector<16xf32>
      %min3A_740 = vector.broadcast %jit3A_737 : f32 to vector<16xf32>
      %min3A_741 = arith.minimumf %min3A_740, %max3A_739 : vector<16xf32>
      %sub3A_742 = arith.subf %get3A_607, %min3A_702 : vector<16xf32>
      %sub3A_743 = arith.subf %get3A_607, %min3A_692 : vector<16xf32>
      %sub3A_744 = arith.subf %get3A_607, %min3A_679 : vector<16xf32>
      %sub3A_745 = arith.subf %min3A_715, %get3A_607 : vector<16xf32>
      %sub3A_746 = arith.subf %min3A_728, %get3A_607 : vector<16xf32>
      %sub3A_747 = arith.subf %min3A_741, %get3A_607 : vector<16xf32>
      %add3A_748 = arith.addf %sub3A_745, %sub3A_742 : vector<16xf32>
      %div3A_749 = arith.constant 1.000000e+00 : f32
      %div3A_750 = vector.broadcast %div3A_749 : f32 to vector<16xf32>
      %div3A_751 = arith.divf %div3A_750, %add3A_748 : vector<16xf32>
      %mul3A_752 = arith.mulf %sub3A_745, %div3A_751 : vector<16xf32>
      %mul3A_753 = arith.mulf %sub3A_742, %div3A_751 : vector<16xf32>
      %add3A_754 = arith.addf %sub3A_745, %sub3A_743 : vector<16xf32>
      %div3A_755 = arith.divf %mul3A_752, %add3A_754 : vector<16xf32>
      %mul3A_756 = arith.mulf %sub3A_745, %div3A_755 : vector<16xf32>
      %mul3A_757 = arith.mulf %sub3A_743, %div3A_755 : vector<16xf32>
      %add3A_758 = arith.addf %sub3A_746, %sub3A_742 : vector<16xf32>
      %div3A_759 = arith.divf %mul3A_753, %add3A_758 : vector<16xf32>
      %mul3A_760 = arith.mulf %sub3A_746, %div3A_759 : vector<16xf32>
      %add3A_761 = arith.addf %mul3A_757, %mul3A_760 : vector<16xf32>
      %mul3A_762 = arith.mulf %sub3A_742, %div3A_759 : vector<16xf32>
      %add3A_763 = arith.addf %sub3A_745, %sub3A_744 : vector<16xf32>
      %div3A_764 = arith.divf %mul3A_756, %add3A_763 : vector<16xf32>
      %mul3A_765 = arith.mulf %sub3A_745, %div3A_764 : vector<16xf32>
      %mul3A_766 = arith.mulf %sub3A_744, %div3A_764 : vector<16xf32>
      %add3A_767 = arith.addf %sub3A_746, %sub3A_743 : vector<16xf32>
      %div3A_768 = arith.divf %add3A_761, %add3A_767 : vector<16xf32>
      %mul3A_769 = arith.mulf %sub3A_746, %div3A_768 : vector<16xf32>
      %add3A_770 = arith.addf %mul3A_766, %mul3A_769 : vector<16xf32>
      %mul3A_771 = arith.mulf %sub3A_743, %div3A_768 : vector<16xf32>
      %add3A_772 = arith.addf %sub3A_747, %sub3A_742 : vector<16xf32>
      %div3A_773 = arith.divf %mul3A_762, %add3A_772 : vector<16xf32>
      %mul3A_774 = arith.mulf %sub3A_747, %div3A_773 : vector<16xf32>
      %add3A_775 = arith.addf %mul3A_771, %mul3A_774 : vector<16xf32>
      %mul3A_776 = arith.mulf %sub3A_742, %div3A_773 : vector<16xf32>
      %sub3A_777 = vector.broadcast %mul3A_27 : i32 to vector<16xi32>
      %sub3A_778 = arith.subi %sub3A_664, %sub3A_777 : vector<16xi32>
      %sub3A_779 = arith.constant 3 : i32
      %sub3A_780 = vector.broadcast %sub3A_779 : i32 to vector<16xi32>
      %sub3A_781 = arith.subi %sub3A_778, %sub3A_780 : vector<16xi32>
      %mul3A_782 = arith.constant 0 : i32
      %mul3A_783 = vector.broadcast %mul3A_782 : i32 to vector<16xi32>
      %mul3A_784 = arith.muli %sub3A_781, %mul3A_783 : vector<16xi32>
      %add3A_785 = arith.constant 0 : i32
      %add3A_786 = vector.broadcast %add3A_785 : i32 to vector<16xi32>
      %add3A_787 = arith.addi %sub3A_781, %add3A_786 : vector<16xi32>
      %add3A_788 = arith.constant 0 : i32
      %add3A_789 = vector.broadcast %add3A_788 : i32 to vector<16xi32>
      %add3A_790 = arith.addi %mul3A_784, %add3A_789 : vector<16xi32>
      %gather3A = tpu.vector_load_idx %arg12[%add3A_787, %add3A_790] : memref<3176x3xf32, #tpu.memory_space<vmem>>[vector<16xi32>, vector<16xi32>], vector<16xf32>,
      %add3A_791 = arith.constant 0 : i32
      %add3A_792 = vector.broadcast %add3A_791 : i32 to vector<16xi32>
      %add3A_793 = arith.addi %sub3A_781, %add3A_792 : vector<16xi32>
      %add3A_794 = arith.constant 1 : i32
      %add3A_795 = vector.broadcast %add3A_794 : i32 to vector<16xi32>
      %add3A_796 = arith.addi %mul3A_784, %add3A_795 : vector<16xi32>
      %gather3A_797 = tpu.vector_load_idx %arg12[%add3A_793, %add3A_796] : memref<3176x3xf32, #tpu.memory_space<vmem>>[vector<16xi32>, vector<16xi32>], vector<16xf32>,
      %add3A_798 = arith.constant 0 : i32
      %add3A_799 = vector.broadcast %add3A_798 : i32 to vector<16xi32>
      %add3A_800 = arith.addi %sub3A_781, %add3A_799 : vector<16xi32>
      %add3A_801 = arith.constant 2 : i32
      %add3A_802 = vector.broadcast %add3A_801 : i32 to vector<16xi32>
      %add3A_803 = arith.addi %mul3A_784, %add3A_802 : vector<16xi32>
      %gather3A_804 = tpu.vector_load_idx %arg12[%add3A_800, %add3A_803] : memref<3176x3xf32, #tpu.memory_space<vmem>>[vector<16xi32>, vector<16xi32>], vector<16xf32>,
      %add3A_805 = arith.constant 1 : i32
      %add3A_806 = vector.broadcast %add3A_805 : i32 to vector<16xi32>
      %add3A_807 = arith.addi %sub3A_781, %add3A_806 : vector<16xi32>
      %add3A_808 = arith.constant 0 : i32
      %add3A_809 = vector.broadcast %add3A_808 : i32 to vector<16xi32>
      %add3A_810 = arith.addi %mul3A_784, %add3A_809 : vector<16xi32>
      %gather3A_811 = tpu.vector_load_idx %arg12[%add3A_807, %add3A_810] : memref<3176x3xf32, #tpu.memory_space<vmem>>[vector<16xi32>, vector<16xi32>], vector<16xf32>,
      %add3A_812 = arith.constant 1 : i32
      %add3A_813 = vector.broadcast %add3A_812 : i32 to vector<16xi32>
      %add3A_814 = arith.addi %sub3A_781, %add3A_813 : vector<16xi32>
      %add3A_815 = arith.constant 1 : i32
      %add3A_816 = vector.broadcast %add3A_815 : i32 to vector<16xi32>
      %add3A_817 = arith.addi %mul3A_784, %add3A_816 : vector<16xi32>
      %gather3A_818 = tpu.vector_load_idx %arg12[%add3A_814, %add3A_817] : memref<3176x3xf32, #tpu.memory_space<vmem>>[vector<16xi32>, vector<16xi32>], vector<16xf32>,
      %add3A_819 = arith.constant 1 : i32
      %add3A_820 = vector.broadcast %add3A_819 : i32 to vector<16xi32>
      %add3A_821 = arith.addi %sub3A_781, %add3A_820 : vector<16xi32>
      %add3A_822 = arith.constant 2 : i32
      %add3A_823 = vector.broadcast %add3A_822 : i32 to vector<16xi32>
      %add3A_824 = arith.addi %mul3A_784, %add3A_823 : vector<16xi32>
      %gather3A_825 = tpu.vector_load_idx %arg12[%add3A_821, %add3A_824] : memref<3176x3xf32, #tpu.memory_space<vmem>>[vector<16xi32>, vector<16xi32>], vector<16xf32>,
      %add3A_826 = arith.constant 2 : i32
      %add3A_827 = vector.broadcast %add3A_826 : i32 to vector<16xi32>
      %add3A_828 = arith.addi %sub3A_781, %add3A_827 : vector<16xi32>
      %add3A_829 = arith.constant 0 : i32
      %add3A_830 = vector.broadcast %add3A_829 : i32 to vector<16xi32>
      %add3A_831 = arith.addi %mul3A_784, %add3A_830 : vector<16xi32>
      %gather3A_832 = tpu.vector_load_idx %arg12[%add3A_828, %add3A_831] : memref<3176x3xf32, #tpu.memory_space<vmem>>[vector<16xi32>, vector<16xi32>], vector<16xf32>,
      %add3A_833 = arith.constant 2 : i32
      %add3A_834 = vector.broadcast %add3A_833 : i32 to vector<16xi32>
      %add3A_835 = arith.addi %sub3A_781, %add3A_834 : vector<16xi32>
      %add3A_836 = arith.constant 1 : i32
      %add3A_837 = vector.broadcast %add3A_836 : i32 to vector<16xi32>
      %add3A_838 = arith.addi %mul3A_784, %add3A_837 : vector<16xi32>
      %gather3A_839 = tpu.vector_load_idx %arg12[%add3A_835, %add3A_838] : memref<3176x3xf32, #tpu.memory_space<vmem>>[vector<16xi32>, vector<16xi32>], vector<16xf32>,
      %add3A_840 = arith.constant 2 : i32
      %add3A_841 = vector.broadcast %add3A_840 : i32 to vector<16xi32>
      %add3A_842 = arith.addi %sub3A_781, %add3A_841 : vector<16xi32>
      %add3A_843 = arith.constant 2 : i32
      %add3A_844 = vector.broadcast %add3A_843 : i32 to vector<16xi32>
      %add3A_845 = arith.addi %mul3A_784, %add3A_844 : vector<16xi32>
      %gather3A_846 = tpu.vector_load_idx %arg12[%add3A_842, %add3A_845] : memref<3176x3xf32, #tpu.memory_space<vmem>>[vector<16xi32>, vector<16xi32>], vector<16xf32>,
      %add3A_847 = arith.constant 3 : i32
      %add3A_848 = vector.broadcast %add3A_847 : i32 to vector<16xi32>
      %add3A_849 = arith.addi %sub3A_781, %add3A_848 : vector<16xi32>
      %add3A_850 = arith.constant 0 : i32
      %add3A_851 = vector.broadcast %add3A_850 : i32 to vector<16xi32>
      %add3A_852 = arith.addi %mul3A_784, %add3A_851 : vector<16xi32>
      %gather3A_853 = tpu.vector_load_idx %arg12[%add3A_849, %add3A_852] : memref<3176x3xf32, #tpu.memory_space<vmem>>[vector<16xi32>, vector<16xi32>], vector<16xf32>,
      %add3A_854 = arith.constant 3 : i32
      %add3A_855 = vector.broadcast %add3A_854 : i32 to vector<16xi32>
      %add3A_856 = arith.addi %sub3A_781, %add3A_855 : vector<16xi32>
      %add3A_857 = arith.constant 1 : i32
      %add3A_858 = vector.broadcast %add3A_857 : i32 to vector<16xi32>
      %add3A_859 = arith.addi %mul3A_784, %add3A_858 : vector<16xi32>
      %gather3A_860 = tpu.vector_load_idx %arg12[%add3A_856, %add3A_859] : memref<3176x3xf32, #tpu.memory_space<vmem>>[vector<16xi32>, vector<16xi32>], vector<16xf32>,
      %add3A_861 = arith.constant 3 : i32
      %add3A_862 = vector.broadcast %add3A_861 : i32 to vector<16xi32>
      %add3A_863 = arith.addi %sub3A_781, %add3A_862 : vector<16xi32>
      %add3A_864 = arith.constant 2 : i32
      %add3A_865 = vector.broadcast %add3A_864 : i32 to vector<16xi32>
      %add3A_866 = arith.addi %mul3A_784, %add3A_865 : vector<16xi32>
      %gather3A_867 = tpu.vector_load_idx %arg12[%add3A_863, %add3A_866] : memref<3176x3xf32, #tpu.memory_space<vmem>>[vector<16xi32>, vector<16xi32>], vector<16xf32>,
      %mul3A_868 = arith.mulf %mul3A_765, %gather3A : vector<16xf32>
      %mul3A_869 = arith.mulf %add3A_770, %gather3A_811 : vector<16xf32>
      %add3A_870 = arith.addf %mul3A_868, %mul3A_869 : vector<16xf32>
      %mul3A_871 = arith.mulf %add3A_775, %gather3A_832 : vector<16xf32>
      %add3A_872 = arith.addf %add3A_870, %mul3A_871 : vector<16xf32>
      %mul3A_873 = arith.mulf %mul3A_776, %gather3A_853 : vector<16xf32>
      %add3A_874 = arith.addf %add3A_872, %mul3A_873 : vector<16xf32>
      %mul3A_875 = arith.mulf %mul3A_765, %gather3A_797 : vector<16xf32>
      %mul3A_876 = arith.mulf %add3A_770, %gather3A_818 : vector<16xf32>
      %add3A_877 = arith.addf %mul3A_875, %mul3A_876 : vector<16xf32>
      %mul3A_878 = arith.mulf %add3A_775, %gather3A_839 : vector<16xf32>
      %add3A_879 = arith.addf %add3A_877, %mul3A_878 : vector<16xf32>
      %mul3A_880 = arith.mulf %mul3A_776, %gather3A_860 : vector<16xf32>
      %add3A_881 = arith.addf %add3A_879, %mul3A_880 : vector<16xf32>
      %mul3A_882 = arith.mulf %mul3A_765, %gather3A_804 : vector<16xf32>
      %mul3A_883 = arith.mulf %add3A_770, %gather3A_825 : vector<16xf32>
      %add3A_884 = arith.addf %mul3A_882, %mul3A_883 : vector<16xf32>
      %mul3A_885 = arith.mulf %add3A_775, %gather3A_846 : vector<16xf32>
      %add3A_886 = arith.addf %add3A_884, %mul3A_885 : vector<16xf32>
      %mul3A_887 = arith.mulf %mul3A_776, %gather3A_867 : vector<16xf32>
      %add3A_888 = arith.addf %add3A_886, %mul3A_887 : vector<16xf32>
      %mul3A_889 = arith.constant 16 : i32
      %mul3A_890 = arith.muli %scan3A_604, %mul3A_889 : i32
      %swap3A = arith.constant 0 : i32
      %swap3A_891 = arith.index_cast %swap3A : i32 to index
      %swap3A_892 = arith.index_cast %mul3A_890 : i32 to index
      %swap3A_893 = tpu.vector_load %arg11[%swap3A_891, %swap3A_892] {strides = array<i32>} : memref<3x3920xf32, #tpu.memory_space<vmem>>, vector<16xf32>,
      tpu.vector_store %arg11[%swap3A_891, %swap3A_892], %add3A_874 {strides = array<i32>} : memref<3x3920xf32, #tpu.memory_space<vmem>>, vector<16xf32>,
      %mul3A_894 = arith.constant 16 : i32
      %mul3A_895 = arith.muli %scan3A_604, %mul3A_894 : i32
      %swap3A_896 = arith.constant 1 : i32
      %swap3A_897 = arith.index_cast %swap3A_896 : i32 to index
      %swap3A_898 = arith.index_cast %mul3A_895 : i32 to index
      %swap3A_899 = tpu.vector_load %arg11[%swap3A_897, %swap3A_898] {strides = array<i32>} : memref<3x3920xf32, #tpu.memory_space<vmem>>, vector<16xf32>,
      tpu.vector_store %arg11[%swap3A_897, %swap3A_898], %add3A_881 {strides = array<i32>} : memref<3x3920xf32, #tpu.memory_space<vmem>>, vector<16xf32>,
      %mul3A_900 = arith.constant 16 : i32
      %mul3A_901 = arith.muli %scan3A_604, %mul3A_900 : i32
      %swap3A_902 = arith.constant 2 : i32
      %swap3A_903 = arith.index_cast %swap3A_902 : i32 to index
      %swap3A_904 = arith.index_cast %mul3A_901 : i32 to index
      %swap3A_905 = tpu.vector_load %arg11[%swap3A_903, %swap3A_904] {strides = array<i32>} : memref<3x3920xf32, #tpu.memory_space<vmem>>, vector<16xf32>,
      tpu.vector_store %arg11[%swap3A_903, %swap3A_904], %add3A_888 {strides = array<i32>} : memref<3x3920xf32, #tpu.memory_space<vmem>>, vector<16xf32>,
    }
    %scan3A_137 = arith.constant 245 : i32
    %dma_start3A_138 = arith.constant 0 : i32
    %dma_start3A_139 = arith.constant 0 : i32
    %dma_start3A_140 = tpu.memref_slice %arg11[%dma_start3A_138, %dma_start3A_139] : memref<3x3920xf32, #tpu.memory_space<vmem>> -> memref<1x3920xf32, #tpu.memory_space<vmem>>
    %dma_start3A_141 = tpu.memref_squeeze %dma_start3A_140 : memref<1x3920xf32, #tpu.memory_space<vmem>> -> memref<3920xf32, #tpu.memory_space<vmem>>
    %dma_start3A_142 = tpu.memref_slice %arg5[%min3A_43] : memref<1000001xf32, #tpu.memory_space<hbm>> -> memref<3920xf32, #tpu.memory_space<hbm>>
    %dma_start3A_143 = tpu.memref_slice %arg5[%min3A_43] : memref<1000001xf32, #tpu.memory_space<hbm>> -> memref<3920xf32, #tpu.memory_space<hbm>>
    %dma_start3A_144 = arith.constant 0 : i32
    %dma_start3A_145 = tpu.memref_slice %arg11[%dma_start3A_138, %dma_start3A_144] : memref<3x3920xf32, #tpu.memory_space<vmem>> -> memref<1x3920xf32, #tpu.memory_space<vmem>>
    %dma_start3A_146 = tpu.memref_squeeze %dma_start3A_145 : memref<1x3920xf32, #tpu.memory_space<vmem>> -> memref<3920xf32, #tpu.memory_space<vmem>>
    tpu.enqueue_dma source(%dma_start3A_146 : memref<3920xf32, #tpu.memory_space<vmem>>) target(%dma_start3A_143 : memref<3920xf32, #tpu.memory_space<hbm>>) target_semaphore(%arg16 : memref<!tpu.dma_semaphore, #tpu.memory_space<semaphore_mem>>)
    %dma_start3A_147 = arith.constant 1 : i32
    %dma_start3A_148 = arith.constant 0 : i32
    %dma_start3A_149 = tpu.memref_slice %arg11[%dma_start3A_147, %dma_start3A_148] : memref<3x3920xf32, #tpu.memory_space<vmem>> -> memref<1x3920xf32, #tpu.memory_space<vmem>>
    %dma_start3A_150 = tpu.memref_squeeze %dma_start3A_149 : memref<1x3920xf32, #tpu.memory_space<vmem>> -> memref<3920xf32, #tpu.memory_space<vmem>>
    %dma_start3A_151 = tpu.memref_slice %arg6[%min3A_43] : memref<1000001xf32, #tpu.memory_space<hbm>> -> memref<3920xf32, #tpu.memory_space<hbm>>
    %dma_start3A_152 = tpu.memref_slice %arg6[%min3A_43] : memref<1000001xf32, #tpu.memory_space<hbm>> -> memref<3920xf32, #tpu.memory_space<hbm>>
    %dma_start3A_153 = arith.constant 0 : i32
    %dma_start3A_154 = tpu.memref_slice %arg11[%dma_start3A_147, %dma_start3A_153] : memref<3x3920xf32, #tpu.memory_space<vmem>> -> memref<1x3920xf32, #tpu.memory_space<vmem>>
    %dma_start3A_155 = tpu.memref_squeeze %dma_start3A_154 : memref<1x3920xf32, #tpu.memory_space<vmem>> -> memref<3920xf32, #tpu.memory_space<vmem>>
    tpu.enqueue_dma source(%dma_start3A_155 : memref<3920xf32, #tpu.memory_space<vmem>>) target(%dma_start3A_152 : memref<3920xf32, #tpu.memory_space<hbm>>) target_semaphore(%arg16 : memref<!tpu.dma_semaphore, #tpu.memory_space<semaphore_mem>>)
    %dma_start3A_156 = arith.constant 2 : i32
    %dma_start3A_157 = arith.constant 0 : i32
    %dma_start3A_158 = tpu.memref_slice %arg11[%dma_start3A_156, %dma_start3A_157] : memref<3x3920xf32, #tpu.memory_space<vmem>> -> memref<1x3920xf32, #tpu.memory_space<vmem>>
    %dma_start3A_159 = tpu.memref_squeeze %dma_start3A_158 : memref<1x3920xf32, #tpu.memory_space<vmem>> -> memref<3920xf32, #tpu.memory_space<vmem>>
    %dma_start3A_160 = tpu.memref_slice %arg7[%min3A_43] : memref<1000001xf32, #tpu.memory_space<hbm>> -> memref<3920xf32, #tpu.memory_space<hbm>>
    %dma_start3A_161 = tpu.memref_slice %arg7[%min3A_43] : memref<1000001xf32, #tpu.memory_space<hbm>> -> memref<3920xf32, #tpu.memory_space<hbm>>
    %dma_start3A_162 = arith.constant 0 : i32
    %dma_start3A_163 = tpu.memref_slice %arg11[%dma_start3A_156, %dma_start3A_162] : memref<3x3920xf32, #tpu.memory_space<vmem>> -> memref<1x3920xf32, #tpu.memory_space<vmem>>
    %dma_start3A_164 = tpu.memref_squeeze %dma_start3A_163 : memref<1x3920xf32, #tpu.memory_space<vmem>> -> memref<3920xf32, #tpu.memory_space<vmem>>
    tpu.enqueue_dma source(%dma_start3A_164 : memref<3920xf32, #tpu.memory_space<vmem>>) target(%dma_start3A_161 : memref<3920xf32, #tpu.memory_space<hbm>>) target_semaphore(%arg16 : memref<!tpu.dma_semaphore, #tpu.memory_space<semaphore_mem>>)
    %dma_start3A_165 = tpu.memref_slice %arg4[%min3A_59] : memref<1000001xf32, #tpu.memory_space<hbm>> -> memref<3920xf32, #tpu.memory_space<hbm>>
    %dma_start3A_166 = tpu.memref_slice %arg4[%min3A_59] : memref<1000001xf32, #tpu.memory_space<hbm>> -> memref<3920xf32, #tpu.memory_space<hbm>>
    tpu.enqueue_dma source(%dma_start3A_166 : memref<3920xf32, #tpu.memory_space<hbm>>) target(%arg9 : memref<3920xf32, #tpu.memory_space<vmem>>) target_semaphore(%arg14 : memref<!tpu.dma_semaphore, #tpu.memory_space<semaphore_mem>>)
    %dma_wait3A_167 = tpu.memref_slice %arg4[%min3A_51] : memref<1000001xf32, #tpu.memory_space<hbm>> -> memref<3920xf32, #tpu.memory_space<hbm>>
    %dma_wait3A_168 = tpu.memref_slice %arg4[%min3A_51] : memref<1000001xf32, #tpu.memory_space<hbm>> -> memref<3920xf32, #tpu.memory_space<hbm>>
    tpu.wait_dma2 semaphore(%arg13 : memref<!tpu.dma_semaphore, #tpu.memory_space<semaphore_mem>>) src(%dma_wait3A_168 : memref<3920xf32, #tpu.memory_space<hbm>>) dst(%arg8 : memref<3920xf32, #tpu.memory_space<vmem>>)
    %dma_wait3A_169 = arith.constant 0 : i32
    %dma_wait3A_170 = arith.constant 0 : i32
    %dma_wait3A_171 = tpu.memref_slice %arg10[%dma_wait3A_169, %dma_wait3A_170] : memref<3x3920xf32, #tpu.memory_space<vmem>> -> memref<1x3920xf32, #tpu.memory_space<vmem>>
    %dma_wait3A_172 = tpu.memref_squeeze %dma_wait3A_171 : memref<1x3920xf32, #tpu.memory_space<vmem>> -> memref<3920xf32, #tpu.memory_space<vmem>>
    %dma_wait3A_173 = tpu.memref_slice %arg5[%min3A_35] : memref<1000001xf32, #tpu.memory_space<hbm>> -> memref<3920xf32, #tpu.memory_space<hbm>>
    %dma_wait3A_174 = tpu.memref_slice %arg5[%min3A_35] : memref<1000001xf32, #tpu.memory_space<hbm>> -> memref<3920xf32, #tpu.memory_space<hbm>>
    %dma_wait3A_175 = arith.constant 0 : i32
    %dma_wait3A_176 = tpu.memref_slice %arg10[%dma_wait3A_169, %dma_wait3A_175] : memref<3x3920xf32, #tpu.memory_space<vmem>> -> memref<1x3920xf32, #tpu.memory_space<vmem>>
    %dma_wait3A_177 = tpu.memref_squeeze %dma_wait3A_176 : memref<1x3920xf32, #tpu.memory_space<vmem>> -> memref<3920xf32, #tpu.memory_space<vmem>>
    tpu.wait_dma2 semaphore(%arg15 : memref<!tpu.dma_semaphore, #tpu.memory_space<semaphore_mem>>) src(%dma_wait3A_177 : memref<3920xf32, #tpu.memory_space<vmem>>) dst(%dma_wait3A_174 : memref<3920xf32, #tpu.memory_space<hbm>>)
    %dma_wait3A_178 = arith.constant 1 : i32
    %dma_wait3A_179 = arith.constant 0 : i32
    %dma_wait3A_180 = tpu.memref_slice %arg10[%dma_wait3A_178, %dma_wait3A_179] : memref<3x3920xf32, #tpu.memory_space<vmem>> -> memref<1x3920xf32, #tpu.memory_space<vmem>>
    %dma_wait3A_181 = tpu.memref_squeeze %dma_wait3A_180 : memref<1x3920xf32, #tpu.memory_space<vmem>> -> memref<3920xf32, #tpu.memory_space<vmem>>
    %dma_wait3A_182 = tpu.memref_slice %arg6[%min3A_35] : memref<1000001xf32, #tpu.memory_space<hbm>> -> memref<3920xf32, #tpu.memory_space<hbm>>
    %dma_wait3A_183 = tpu.memref_slice %arg6[%min3A_35] : memref<1000001xf32, #tpu.memory_space<hbm>> -> memref<3920xf32, #tpu.memory_space<hbm>>
    %dma_wait3A_184 = arith.constant 0 : i32
    %dma_wait3A_185 = tpu.memref_slice %arg10[%dma_wait3A_178, %dma_wait3A_184] : memref<3x3920xf32, #tpu.memory_space<vmem>> -> memref<1x3920xf32, #tpu.memory_space<vmem>>
    %dma_wait3A_186 = tpu.memref_squeeze %dma_wait3A_185 : memref<1x3920xf32, #tpu.memory_space<vmem>> -> memref<3920xf32, #tpu.memory_space<vmem>>
    tpu.wait_dma2 semaphore(%arg15 : memref<!tpu.dma_semaphore, #tpu.memory_space<semaphore_mem>>) src(%dma_wait3A_186 : memref<3920xf32, #tpu.memory_space<vmem>>) dst(%dma_wait3A_183 : memref<3920xf32, #tpu.memory_space<hbm>>)
    %dma_wait3A_187 = arith.constant 2 : i32
    %dma_wait3A_188 = arith.constant 0 : i32
    %dma_wait3A_189 = tpu.memref_slice %arg10[%dma_wait3A_187, %dma_wait3A_188] : memref<3x3920xf32, #tpu.memory_space<vmem>> -> memref<1x3920xf32, #tpu.memory_space<vmem>>
    %dma_wait3A_190 = tpu.memref_squeeze %dma_wait3A_189 : memref<1x3920xf32, #tpu.memory_space<vmem>> -> memref<3920xf32, #tpu.memory_space<vmem>>
    %dma_wait3A_191 = tpu.memref_slice %arg7[%min3A_35] : memref<1000001xf32, #tpu.memory_space<hbm>> -> memref<3920xf32, #tpu.memory_space<hbm>>
    %dma_wait3A_192 = tpu.memref_slice %arg7[%min3A_35] : memref<1000001xf32, #tpu.memory_space<hbm>> -> memref<3920xf32, #tpu.memory_space<hbm>>
    %dma_wait3A_193 = arith.constant 0 : i32
    %dma_wait3A_194 = tpu.memref_slice %arg10[%dma_wait3A_187, %dma_wait3A_193] : memref<3x3920xf32, #tpu.memory_space<vmem>> -> memref<1x3920xf32, #tpu.memory_space<vmem>>
    %dma_wait3A_195 = tpu.memref_squeeze %dma_wait3A_194 : memref<1x3920xf32, #tpu.memory_space<vmem>> -> memref<3920xf32, #tpu.memory_space<vmem>>
    tpu.wait_dma2 semaphore(%arg15 : memref<!tpu.dma_semaphore, #tpu.memory_space<semaphore_mem>>) src(%dma_wait3A_195 : memref<3920xf32, #tpu.memory_space<vmem>>) dst(%dma_wait3A_192 : memref<3920xf32, #tpu.memory_space<hbm>>)
    %scan3A_196 = arith.constant 0 : i32
    %scan3A_197 = arith.constant 0 : i32
    %scan3A_198 = arith.constant 245 : i32
    %scan3A_199 = arith.addi %scan3A_197, %scan3A_198 : i32
    %scan3A_200 = arith.constant 1 : i32
    scf.for %scan3A_604 = %scan3A_197 to %scan3A_199 step %scan3A_200  : i32 {
      %mul3A_605 = arith.constant 16 : i32
      %mul3A_606 = arith.muli %scan3A_604, %mul3A_605 : i32
      %get3A = arith.index_cast %mul3A_606 : i32 to index
      %get3A_607 = tpu.vector_load %arg8[%get3A] {strides = array<i32>} : memref<3920xf32, #tpu.memory_space<vmem>>, vector<16xf32>,
      %mul3A_608 = arith.constant 9.999700e+04 : f32
      %mul3A_609 = vector.broadcast %mul3A_608 : f32 to vector<16xf32>
      %mul3A_610 = arith.mulf %get3A_607, %mul3A_609 : vector<16xf32>
      %convert_element_type3A_611 = arith.fptosi %mul3A_610 : vector<16xf32> to vector<16xi32>
      %add3A_612 = arith.constant 3 : i32
      %add3A_613 = vector.broadcast %add3A_612 : i32 to vector<16xi32>
      %add3A_614 = arith.addi %convert_element_type3A_611, %add3A_613 : vector<16xi32>
      %jit3A_615 = arith.constant 3 : i32
      %jit3A_616 = arith.constant 99999 : i32
      %max3A_617 = vector.broadcast %jit3A_615 : i32 to vector<16xi32>
      %max3A_618 = arith.maxsi %max3A_617, %add3A_614 : vector<16xi32>
      %min3A_619 = vector.broadcast %jit3A_616 : i32 to vector<16xi32>
      %min3A_620 = arith.minsi %min3A_619, %max3A_618 : vector<16xi32>
      %sub3A_621 = arith.constant 3 : i32
      %sub3A_622 = vector.broadcast %sub3A_621 : i32 to vector<16xi32>
      %sub3A_623 = arith.subi %min3A_620, %sub3A_622 : vector<16xi32>
      %add3A_624 = arith.constant 1 : i32
      %add3A_625 = vector.broadcast %add3A_624 : i32 to vector<16xi32>
      %add3A_626 = arith.addi %sub3A_623, %add3A_625 : vector<16xi32>
      %convert_element_type3A_627 = arith.sitofp %add3A_626 : vector<16xi32> to vector<16xf32>
      %mul3A_628 = arith.constant 1.000030e-05 : f32
      %mul3A_629 = vector.broadcast %mul3A_628 : f32 to vector<16xf32>
      %mul3A_630 = arith.mulf %convert_element_type3A_627, %mul3A_629 : vector<16xf32>
      %jit3A_631 = arith.constant 0.000000e+00 : f32
      %jit3A_632 = arith.constant 1.000000e+00 : f32
      %max3A_633 = vector.broadcast %jit3A_631 : f32 to vector<16xf32>
      %max3A_634 = arith.maximumf %max3A_633, %mul3A_630 : vector<16xf32>
      %min3A_635 = vector.broadcast %jit3A_632 : f32 to vector<16xf32>
      %min3A_636 = arith.minimumf %min3A_635, %max3A_634 : vector<16xf32>
      %ge3A = arith.cmpf oge, %get3A_607, %min3A_636 : vector<16xf32>
      %lt3A = arith.constant 99999 : i32
      %lt3A_637 = vector.broadcast %lt3A : i32 to vector<16xi32>
      %lt3A_638 = arith.cmpi slt, %min3A_620, %lt3A_637 : vector<16xi32>
      %and3A_639 = arith.andi %ge3A, %lt3A_638 : vector<16xi1>
      %jit3A_640 = arith.constant 1 : i32
      %jit3A_641 = arith.constant 0 : i32
      %broadcast_in_dim3A = vector.broadcast %jit3A_640 : i32 to vector<16xi32>
      %broadcast_in_dim3A_642 = vector.broadcast %jit3A_641 : i32 to vector<16xi32>
      %select_n3A_643 = arith.select %and3A_639, %broadcast_in_dim3A, %broadcast_in_dim3A_642 : vector<16xi1>, vector<16xi32>
      %convert_element_type3A_644 = arith.sitofp %sub3A_623 : vector<16xi32> to vector<16xf32>
      %mul3A_645 = arith.constant 1.000030e-05 : f32
      %mul3A_646 = vector.broadcast %mul3A_645 : f32 to vector<16xf32>
      %mul3A_647 = arith.mulf %convert_element_type3A_644, %mul3A_646 : vector<16xf32>
      %jit3A_648 = arith.constant 0.000000e+00 : f32
      %jit3A_649 = arith.constant 1.000000e+00 : f32
      %max3A_650 = vector.broadcast %jit3A_648 : f32 to vector<16xf32>
      %max3A_651 = arith.maximumf %max3A_650, %mul3A_647 : vector<16xf32>
      %min3A_652 = vector.broadcast %jit3A_649 : f32 to vector<16xf32>
      %min3A_653 = arith.minimumf %min3A_652, %max3A_651 : vector<16xf32>
      %lt3A_654 = arith.cmpf olt, %get3A_607, %min3A_653 : vector<16xf32>
      %gt3A = arith.constant 3 : i32
      %gt3A_655 = vector.broadcast %gt3A : i32 to vector<16xi32>
      %gt3A_656 = arith.cmpi sgt, %min3A_620, %gt3A_655 : vector<16xi32>
      %and3A_657 = arith.andi %lt3A_654, %gt3A_656 : vector<16xi1>
      %jit3A_658 = arith.constant 1 : i32
      %jit3A_659 = arith.constant 0 : i32
      %broadcast_in_dim3A_660 = vector.broadcast %jit3A_658 : i32 to vector<16xi32>
      %broadcast_in_dim3A_661 = vector.broadcast %jit3A_659 : i32 to vector<16xi32>
      %select_n3A_662 = arith.select %and3A_657, %broadcast_in_dim3A_660, %broadcast_in_dim3A_661 : vector<16xi1>, vector<16xi32>
      %add3A_663 = arith.addi %min3A_620, %select_n3A_643 : vector<16xi32>
      %sub3A_664 = arith.subi %add3A_663, %select_n3A_662 : vector<16xi32>
      %add3A_665 = arith.addi %sub3A_623, %select_n3A_643 : vector<16xi32>
      %sub3A_666 = arith.subi %add3A_665, %select_n3A_662 : vector<16xi32>
      %sub3A_667 = arith.constant 2 : i32
      %sub3A_668 = vector.broadcast %sub3A_667 : i32 to vector<16xi32>
      %sub3A_669 = arith.subi %sub3A_666, %sub3A_668 : vector<16xi32>
      %convert_element_type3A_670 = arith.sitofp %sub3A_669 : vector<16xi32> to vector<16xf32>
      %mul3A_671 = arith.constant 1.000030e-05 : f32
      %mul3A_672 = vector.broadcast %mul3A_671 : f32 to vector<16xf32>
      %mul3A_673 = arith.mulf %convert_element_type3A_670, %mul3A_672 : vector<16xf32>
      %jit3A_674 = arith.constant 0.000000e+00 : f32
      %jit3A_675 = arith.constant 1.000000e+00 : f32
      %max3A_676 = vector.broadcast %jit3A_674 : f32 to vector<16xf32>
      %max3A_677 = arith.maximumf %max3A_676, %mul3A_673 : vector<16xf32>
      %min3A_678 = vector.broadcast %jit3A_675 : f32 to vector<16xf32>
      %min3A_679 = arith.minimumf %min3A_678, %max3A_677 : vector<16xf32>
      %sub3A_680 = arith.constant 1 : i32
      %sub3A_681 = vector.broadcast %sub3A_680 : i32 to vector<16xi32>
      %sub3A_682 = arith.subi %sub3A_666, %sub3A_681 : vector<16xi32>
      %convert_element_type3A_683 = arith.sitofp %sub3A_682 : vector<16xi32> to vector<16xf32>
      %mul3A_684 = arith.constant 1.000030e-05 : f32
      %mul3A_685 = vector.broadcast %mul3A_684 : f32 to vector<16xf32>
      %mul3A_686 = arith.mulf %convert_element_type3A_683, %mul3A_685 : vector<16xf32>
      %jit3A_687 = arith.constant 0.000000e+00 : f32
      %jit3A_688 = arith.constant 1.000000e+00 : f32
      %max3A_689 = vector.broadcast %jit3A_687 : f32 to vector<16xf32>
      %max3A_690 = arith.maximumf %max3A_689, %mul3A_686 : vector<16xf32>
      %min3A_691 = vector.broadcast %jit3A_688 : f32 to vector<16xf32>
      %min3A_692 = arith.minimumf %min3A_691, %max3A_690 : vector<16xf32>
      %convert_element_type3A_693 = arith.sitofp %sub3A_666 : vector<16xi32> to vector<16xf32>
      %mul3A_694 = arith.constant 1.000030e-05 : f32
      %mul3A_695 = vector.broadcast %mul3A_694 : f32 to vector<16xf32>
      %mul3A_696 = arith.mulf %convert_element_type3A_693, %mul3A_695 : vector<16xf32>
      %jit3A_697 = arith.constant 0.000000e+00 : f32
      %jit3A_698 = arith.constant 1.000000e+00 : f32
      %max3A_699 = vector.broadcast %jit3A_697 : f32 to vector<16xf32>
      %max3A_700 = arith.maximumf %max3A_699, %mul3A_696 : vector<16xf32>
      %min3A_701 = vector.broadcast %jit3A_698 : f32 to vector<16xf32>
      %min3A_702 = arith.minimumf %min3A_701, %max3A_700 : vector<16xf32>
      %add3A_703 = arith.constant 1 : i32
      %add3A_704 = vector.broadcast %add3A_703 : i32 to vector<16xi32>
      %add3A_705 = arith.addi %sub3A_666, %add3A_704 : vector<16xi32>
      %convert_element_type3A_706 = arith.sitofp %add3A_705 : vector<16xi32> to vector<16xf32>
      %mul3A_707 = arith.constant 1.000030e-05 : f32
      %mul3A_708 = vector.broadcast %mul3A_707 : f32 to vector<16xf32>
      %mul3A_709 = arith.mulf %convert_element_type3A_706, %mul3A_708 : vector<16xf32>
      %jit3A_710 = arith.constant 0.000000e+00 : f32
      %jit3A_711 = arith.constant 1.000000e+00 : f32
      %max3A_712 = vector.broadcast %jit3A_710 : f32 to vector<16xf32>
      %max3A_713 = arith.maximumf %max3A_712, %mul3A_709 : vector<16xf32>
      %min3A_714 = vector.broadcast %jit3A_711 : f32 to vector<16xf32>
      %min3A_715 = arith.minimumf %min3A_714, %max3A_713 : vector<16xf32>
      %add3A_716 = arith.constant 2 : i32
      %add3A_717 = vector.broadcast %add3A_716 : i32 to vector<16xi32>
      %add3A_718 = arith.addi %sub3A_666, %add3A_717 : vector<16xi32>
      %convert_element_type3A_719 = arith.sitofp %add3A_718 : vector<16xi32> to vector<16xf32>
      %mul3A_720 = arith.constant 1.000030e-05 : f32
      %mul3A_721 = vector.broadcast %mul3A_720 : f32 to vector<16xf32>
      %mul3A_722 = arith.mulf %convert_element_type3A_719, %mul3A_721 : vector<16xf32>
      %jit3A_723 = arith.constant 0.000000e+00 : f32
      %jit3A_724 = arith.constant 1.000000e+00 : f32
      %max3A_725 = vector.broadcast %jit3A_723 : f32 to vector<16xf32>
      %max3A_726 = arith.maximumf %max3A_725, %mul3A_722 : vector<16xf32>
      %min3A_727 = vector.broadcast %jit3A_724 : f32 to vector<16xf32>
      %min3A_728 = arith.minimumf %min3A_727, %max3A_726 : vector<16xf32>
      %add3A_729 = arith.constant 3 : i32
      %add3A_730 = vector.broadcast %add3A_729 : i32 to vector<16xi32>
      %add3A_731 = arith.addi %sub3A_666, %add3A_730 : vector<16xi32>
      %convert_element_type3A_732 = arith.sitofp %add3A_731 : vector<16xi32> to vector<16xf32>
      %mul3A_733 = arith.constant 1.000030e-05 : f32
      %mul3A_734 = vector.broadcast %mul3A_733 : f32 to vector<16xf32>
      %mul3A_735 = arith.mulf %convert_element_type3A_732, %mul3A_734 : vector<16xf32>
      %jit3A_736 = arith.constant 0.000000e+00 : f32
      %jit3A_737 = arith.constant 1.000000e+00 : f32
      %max3A_738 = vector.broadcast %jit3A_736 : f32 to vector<16xf32>
      %max3A_739 = arith.maximumf %max3A_738, %mul3A_735 : vector<16xf32>
      %min3A_740 = vector.broadcast %jit3A_737 : f32 to vector<16xf32>
      %min3A_741 = arith.minimumf %min3A_740, %max3A_739 : vector<16xf32>
      %sub3A_742 = arith.subf %get3A_607, %min3A_702 : vector<16xf32>
      %sub3A_743 = arith.subf %get3A_607, %min3A_692 : vector<16xf32>
      %sub3A_744 = arith.subf %get3A_607, %min3A_679 : vector<16xf32>
      %sub3A_745 = arith.subf %min3A_715, %get3A_607 : vector<16xf32>
      %sub3A_746 = arith.subf %min3A_728, %get3A_607 : vector<16xf32>
      %sub3A_747 = arith.subf %min3A_741, %get3A_607 : vector<16xf32>
      %add3A_748 = arith.addf %sub3A_745, %sub3A_742 : vector<16xf32>
      %div3A_749 = arith.constant 1.000000e+00 : f32
      %div3A_750 = vector.broadcast %div3A_749 : f32 to vector<16xf32>
      %div3A_751 = arith.divf %div3A_750, %add3A_748 : vector<16xf32>
      %mul3A_752 = arith.mulf %sub3A_745, %div3A_751 : vector<16xf32>
      %mul3A_753 = arith.mulf %sub3A_742, %div3A_751 : vector<16xf32>
      %add3A_754 = arith.addf %sub3A_745, %sub3A_743 : vector<16xf32>
      %div3A_755 = arith.divf %mul3A_752, %add3A_754 : vector<16xf32>
      %mul3A_756 = arith.mulf %sub3A_745, %div3A_755 : vector<16xf32>
      %mul3A_757 = arith.mulf %sub3A_743, %div3A_755 : vector<16xf32>
      %add3A_758 = arith.addf %sub3A_746, %sub3A_742 : vector<16xf32>
      %div3A_759 = arith.divf %mul3A_753, %add3A_758 : vector<16xf32>
      %mul3A_760 = arith.mulf %sub3A_746, %div3A_759 : vector<16xf32>
      %add3A_761 = arith.addf %mul3A_757, %mul3A_760 : vector<16xf32>
      %mul3A_762 = arith.mulf %sub3A_742, %div3A_759 : vector<16xf32>
      %add3A_763 = arith.addf %sub3A_745, %sub3A_744 : vector<16xf32>
      %div3A_764 = arith.divf %mul3A_756, %add3A_763 : vector<16xf32>
      %mul3A_765 = arith.mulf %sub3A_745, %div3A_764 : vector<16xf32>
      %mul3A_766 = arith.mulf %sub3A_744, %div3A_764 : vector<16xf32>
      %add3A_767 = arith.addf %sub3A_746, %sub3A_743 : vector<16xf32>
      %div3A_768 = arith.divf %add3A_761, %add3A_767 : vector<16xf32>
      %mul3A_769 = arith.mulf %sub3A_746, %div3A_768 : vector<16xf32>
      %add3A_770 = arith.addf %mul3A_766, %mul3A_769 : vector<16xf32>
      %mul3A_771 = arith.mulf %sub3A_743, %div3A_768 : vector<16xf32>
      %add3A_772 = arith.addf %sub3A_747, %sub3A_742 : vector<16xf32>
      %div3A_773 = arith.divf %mul3A_762, %add3A_772 : vector<16xf32>
      %mul3A_774 = arith.mulf %sub3A_747, %div3A_773 : vector<16xf32>
      %add3A_775 = arith.addf %mul3A_771, %mul3A_774 : vector<16xf32>
      %mul3A_776 = arith.mulf %sub3A_742, %div3A_773 : vector<16xf32>
      %sub3A_777 = vector.broadcast %mul3A_27 : i32 to vector<16xi32>
      %sub3A_778 = arith.subi %sub3A_664, %sub3A_777 : vector<16xi32>
      %sub3A_779 = arith.constant 3 : i32
      %sub3A_780 = vector.broadcast %sub3A_779 : i32 to vector<16xi32>
      %sub3A_781 = arith.subi %sub3A_778, %sub3A_780 : vector<16xi32>
      %mul3A_782 = arith.constant 0 : i32
      %mul3A_783 = vector.broadcast %mul3A_782 : i32 to vector<16xi32>
      %mul3A_784 = arith.muli %sub3A_781, %mul3A_783 : vector<16xi32>
      %add3A_785 = arith.constant 0 : i32
      %add3A_786 = vector.broadcast %add3A_785 : i32 to vector<16xi32>
      %add3A_787 = arith.addi %sub3A_781, %add3A_786 : vector<16xi32>
      %add3A_788 = arith.constant 0 : i32
      %add3A_789 = vector.broadcast %add3A_788 : i32 to vector<16xi32>
      %add3A_790 = arith.addi %mul3A_784, %add3A_789 : vector<16xi32>
      %gather3A = tpu.vector_load_idx %arg12[%add3A_787, %add3A_790] : memref<3176x3xf32, #tpu.memory_space<vmem>>[vector<16xi32>, vector<16xi32>], vector<16xf32>,
      %add3A_791 = arith.constant 0 : i32
      %add3A_792 = vector.broadcast %add3A_791 : i32 to vector<16xi32>
      %add3A_793 = arith.addi %sub3A_781, %add3A_792 : vector<16xi32>
      %add3A_794 = arith.constant 1 : i32
      %add3A_795 = vector.broadcast %add3A_794 : i32 to vector<16xi32>
      %add3A_796 = arith.addi %mul3A_784, %add3A_795 : vector<16xi32>
      %gather3A_797 = tpu.vector_load_idx %arg12[%add3A_793, %add3A_796] : memref<3176x3xf32, #tpu.memory_space<vmem>>[vector<16xi32>, vector<16xi32>], vector<16xf32>,
      %add3A_798 = arith.constant 0 : i32
      %add3A_799 = vector.broadcast %add3A_798 : i32 to vector<16xi32>
      %add3A_800 = arith.addi %sub3A_781, %add3A_799 : vector<16xi32>
      %add3A_801 = arith.constant 2 : i32
      %add3A_802 = vector.broadcast %add3A_801 : i32 to vector<16xi32>
      %add3A_803 = arith.addi %mul3A_784, %add3A_802 : vector<16xi32>
      %gather3A_804 = tpu.vector_load_idx %arg12[%add3A_800, %add3A_803] : memref<3176x3xf32, #tpu.memory_space<vmem>>[vector<16xi32>, vector<16xi32>], vector<16xf32>,
      %add3A_805 = arith.constant 1 : i32
      %add3A_806 = vector.broadcast %add3A_805 : i32 to vector<16xi32>
      %add3A_807 = arith.addi %sub3A_781, %add3A_806 : vector<16xi32>
      %add3A_808 = arith.constant 0 : i32
      %add3A_809 = vector.broadcast %add3A_808 : i32 to vector<16xi32>
      %add3A_810 = arith.addi %mul3A_784, %add3A_809 : vector<16xi32>
      %gather3A_811 = tpu.vector_load_idx %arg12[%add3A_807, %add3A_810] : memref<3176x3xf32, #tpu.memory_space<vmem>>[vector<16xi32>, vector<16xi32>], vector<16xf32>,
      %add3A_812 = arith.constant 1 : i32
      %add3A_813 = vector.broadcast %add3A_812 : i32 to vector<16xi32>
      %add3A_814 = arith.addi %sub3A_781, %add3A_813 : vector<16xi32>
      %add3A_815 = arith.constant 1 : i32
      %add3A_816 = vector.broadcast %add3A_815 : i32 to vector<16xi32>
      %add3A_817 = arith.addi %mul3A_784, %add3A_816 : vector<16xi32>
      %gather3A_818 = tpu.vector_load_idx %arg12[%add3A_814, %add3A_817] : memref<3176x3xf32, #tpu.memory_space<vmem>>[vector<16xi32>, vector<16xi32>], vector<16xf32>,
      %add3A_819 = arith.constant 1 : i32
      %add3A_820 = vector.broadcast %add3A_819 : i32 to vector<16xi32>
      %add3A_821 = arith.addi %sub3A_781, %add3A_820 : vector<16xi32>
      %add3A_822 = arith.constant 2 : i32
      %add3A_823 = vector.broadcast %add3A_822 : i32 to vector<16xi32>
      %add3A_824 = arith.addi %mul3A_784, %add3A_823 : vector<16xi32>
      %gather3A_825 = tpu.vector_load_idx %arg12[%add3A_821, %add3A_824] : memref<3176x3xf32, #tpu.memory_space<vmem>>[vector<16xi32>, vector<16xi32>], vector<16xf32>,
      %add3A_826 = arith.constant 2 : i32
      %add3A_827 = vector.broadcast %add3A_826 : i32 to vector<16xi32>
      %add3A_828 = arith.addi %sub3A_781, %add3A_827 : vector<16xi32>
      %add3A_829 = arith.constant 0 : i32
      %add3A_830 = vector.broadcast %add3A_829 : i32 to vector<16xi32>
      %add3A_831 = arith.addi %mul3A_784, %add3A_830 : vector<16xi32>
      %gather3A_832 = tpu.vector_load_idx %arg12[%add3A_828, %add3A_831] : memref<3176x3xf32, #tpu.memory_space<vmem>>[vector<16xi32>, vector<16xi32>], vector<16xf32>,
      %add3A_833 = arith.constant 2 : i32
      %add3A_834 = vector.broadcast %add3A_833 : i32 to vector<16xi32>
      %add3A_835 = arith.addi %sub3A_781, %add3A_834 : vector<16xi32>
      %add3A_836 = arith.constant 1 : i32
      %add3A_837 = vector.broadcast %add3A_836 : i32 to vector<16xi32>
      %add3A_838 = arith.addi %mul3A_784, %add3A_837 : vector<16xi32>
      %gather3A_839 = tpu.vector_load_idx %arg12[%add3A_835, %add3A_838] : memref<3176x3xf32, #tpu.memory_space<vmem>>[vector<16xi32>, vector<16xi32>], vector<16xf32>,
      %add3A_840 = arith.constant 2 : i32
      %add3A_841 = vector.broadcast %add3A_840 : i32 to vector<16xi32>
      %add3A_842 = arith.addi %sub3A_781, %add3A_841 : vector<16xi32>
      %add3A_843 = arith.constant 2 : i32
      %add3A_844 = vector.broadcast %add3A_843 : i32 to vector<16xi32>
      %add3A_845 = arith.addi %mul3A_784, %add3A_844 : vector<16xi32>
      %gather3A_846 = tpu.vector_load_idx %arg12[%add3A_842, %add3A_845] : memref<3176x3xf32, #tpu.memory_space<vmem>>[vector<16xi32>, vector<16xi32>], vector<16xf32>,
      %add3A_847 = arith.constant 3 : i32
      %add3A_848 = vector.broadcast %add3A_847 : i32 to vector<16xi32>
      %add3A_849 = arith.addi %sub3A_781, %add3A_848 : vector<16xi32>
      %add3A_850 = arith.constant 0 : i32
      %add3A_851 = vector.broadcast %add3A_850 : i32 to vector<16xi32>
      %add3A_852 = arith.addi %mul3A_784, %add3A_851 : vector<16xi32>
      %gather3A_853 = tpu.vector_load_idx %arg12[%add3A_849, %add3A_852] : memref<3176x3xf32, #tpu.memory_space<vmem>>[vector<16xi32>, vector<16xi32>], vector<16xf32>,
      %add3A_854 = arith.constant 3 : i32
      %add3A_855 = vector.broadcast %add3A_854 : i32 to vector<16xi32>
      %add3A_856 = arith.addi %sub3A_781, %add3A_855 : vector<16xi32>
      %add3A_857 = arith.constant 1 : i32
      %add3A_858 = vector.broadcast %add3A_857 : i32 to vector<16xi32>
      %add3A_859 = arith.addi %mul3A_784, %add3A_858 : vector<16xi32>
      %gather3A_860 = tpu.vector_load_idx %arg12[%add3A_856, %add3A_859] : memref<3176x3xf32, #tpu.memory_space<vmem>>[vector<16xi32>, vector<16xi32>], vector<16xf32>,
      %add3A_861 = arith.constant 3 : i32
      %add3A_862 = vector.broadcast %add3A_861 : i32 to vector<16xi32>
      %add3A_863 = arith.addi %sub3A_781, %add3A_862 : vector<16xi32>
      %add3A_864 = arith.constant 2 : i32
      %add3A_865 = vector.broadcast %add3A_864 : i32 to vector<16xi32>
      %add3A_866 = arith.addi %mul3A_784, %add3A_865 : vector<16xi32>
      %gather3A_867 = tpu.vector_load_idx %arg12[%add3A_863, %add3A_866] : memref<3176x3xf32, #tpu.memory_space<vmem>>[vector<16xi32>, vector<16xi32>], vector<16xf32>,
      %mul3A_868 = arith.mulf %mul3A_765, %gather3A : vector<16xf32>
      %mul3A_869 = arith.mulf %add3A_770, %gather3A_811 : vector<16xf32>
      %add3A_870 = arith.addf %mul3A_868, %mul3A_869 : vector<16xf32>
      %mul3A_871 = arith.mulf %add3A_775, %gather3A_832 : vector<16xf32>
      %add3A_872 = arith.addf %add3A_870, %mul3A_871 : vector<16xf32>
      %mul3A_873 = arith.mulf %mul3A_776, %gather3A_853 : vector<16xf32>
      %add3A_874 = arith.addf %add3A_872, %mul3A_873 : vector<16xf32>
      %mul3A_875 = arith.mulf %mul3A_765, %gather3A_797 : vector<16xf32>
      %mul3A_876 = arith.mulf %add3A_770, %gather3A_818 : vector<16xf32>
      %add3A_877 = arith.addf %mul3A_875, %mul3A_876 : vector<16xf32>
      %mul3A_878 = arith.mulf %add3A_775, %gather3A_839 : vector<16xf32>
      %add3A_879 = arith.addf %add3A_877, %mul3A_878 : vector<16xf32>
      %mul3A_880 = arith.mulf %mul3A_776, %gather3A_860 : vector<16xf32>
      %add3A_881 = arith.addf %add3A_879, %mul3A_880 : vector<16xf32>
      %mul3A_882 = arith.mulf %mul3A_765, %gather3A_804 : vector<16xf32>
      %mul3A_883 = arith.mulf %add3A_770, %gather3A_825 : vector<16xf32>
      %add3A_884 = arith.addf %mul3A_882, %mul3A_883 : vector<16xf32>
      %mul3A_885 = arith.mulf %add3A_775, %gather3A_846 : vector<16xf32>
      %add3A_886 = arith.addf %add3A_884, %mul3A_885 : vector<16xf32>
      %mul3A_887 = arith.mulf %mul3A_776, %gather3A_867 : vector<16xf32>
      %add3A_888 = arith.addf %add3A_886, %mul3A_887 : vector<16xf32>
      %mul3A_889 = arith.constant 16 : i32
      %mul3A_890 = arith.muli %scan3A_604, %mul3A_889 : i32
      %swap3A = arith.constant 0 : i32
      %swap3A_891 = arith.index_cast %swap3A : i32 to index
      %swap3A_892 = arith.index_cast %mul3A_890 : i32 to index
      %swap3A_893 = tpu.vector_load %arg10[%swap3A_891, %swap3A_892] {strides = array<i32>} : memref<3x3920xf32, #tpu.memory_space<vmem>>, vector<16xf32>,
      tpu.vector_store %arg10[%swap3A_891, %swap3A_892], %add3A_874 {strides = array<i32>} : memref<3x3920xf32, #tpu.memory_space<vmem>>, vector<16xf32>,
      %mul3A_894 = arith.constant 16 : i32
      %mul3A_895 = arith.muli %scan3A_604, %mul3A_894 : i32
      %swap3A_896 = arith.constant 1 : i32
      %swap3A_897 = arith.index_cast %swap3A_896 : i32 to index
      %swap3A_898 = arith.index_cast %mul3A_895 : i32 to index
      %swap3A_899 = tpu.vector_load %arg10[%swap3A_897, %swap3A_898] {strides = array<i32>} : memref<3x3920xf32, #tpu.memory_space<vmem>>, vector<16xf32>,
      tpu.vector_store %arg10[%swap3A_897, %swap3A_898], %add3A_881 {strides = array<i32>} : memref<3x3920xf32, #tpu.memory_space<vmem>>, vector<16xf32>,
      %mul3A_900 = arith.constant 16 : i32
      %mul3A_901 = arith.muli %scan3A_604, %mul3A_900 : i32
      %swap3A_902 = arith.constant 2 : i32
      %swap3A_903 = arith.index_cast %swap3A_902 : i32 to index
      %swap3A_904 = arith.index_cast %mul3A_901 : i32 to index
      %swap3A_905 = tpu.vector_load %arg10[%swap3A_903, %swap3A_904] {strides = array<i32>} : memref<3x3920xf32, #tpu.memory_space<vmem>>, vector<16xf32>,
      tpu.vector_store %arg10[%swap3A_903, %swap3A_904], %add3A_888 {strides = array<i32>} : memref<3x3920xf32, #tpu.memory_space<vmem>>, vector<16xf32>,
    }
    %scan3A_201 = arith.constant 245 : i32
    %dma_start3A_202 = arith.constant 0 : i32
    %dma_start3A_203 = arith.constant 0 : i32
    %dma_start3A_204 = tpu.memref_slice %arg10[%dma_start3A_202, %dma_start3A_203] : memref<3x3920xf32, #tpu.memory_space<vmem>> -> memref<1x3920xf32, #tpu.memory_space<vmem>>
    %dma_start3A_205 = tpu.memref_squeeze %dma_start3A_204 : memref<1x3920xf32, #tpu.memory_space<vmem>> -> memref<3920xf32, #tpu.memory_space<vmem>>
    %dma_start3A_206 = tpu.memref_slice %arg5[%min3A_51] : memref<1000001xf32, #tpu.memory_space<hbm>> -> memref<3920xf32, #tpu.memory_space<hbm>>
    %dma_start3A_207 = tpu.memref_slice %arg5[%min3A_51] : memref<1000001xf32, #tpu.memory_space<hbm>> -> memref<3920xf32, #tpu.memory_space<hbm>>
    %dma_start3A_208 = arith.constant 0 : i32
    %dma_start3A_209 = tpu.memref_slice %arg10[%dma_start3A_202, %dma_start3A_208] : memref<3x3920xf32, #tpu.memory_space<vmem>> -> memref<1x3920xf32, #tpu.memory_space<vmem>>
    %dma_start3A_210 = tpu.memref_squeeze %dma_start3A_209 : memref<1x3920xf32, #tpu.memory_space<vmem>> -> memref<3920xf32, #tpu.memory_space<vmem>>
    tpu.enqueue_dma source(%dma_start3A_210 : memref<3920xf32, #tpu.memory_space<vmem>>) target(%dma_start3A_207 : memref<3920xf32, #tpu.memory_space<hbm>>) target_semaphore(%arg15 : memref<!tpu.dma_semaphore, #tpu.memory_space<semaphore_mem>>)
    %dma_start3A_211 = arith.constant 1 : i32
    %dma_start3A_212 = arith.constant 0 : i32
    %dma_start3A_213 = tpu.memref_slice %arg10[%dma_start3A_211, %dma_start3A_212] : memref<3x3920xf32, #tpu.memory_space<vmem>> -> memref<1x3920xf32, #tpu.memory_space<vmem>>
    %dma_start3A_214 = tpu.memref_squeeze %dma_start3A_213 : memref<1x3920xf32, #tpu.memory_space<vmem>> -> memref<3920xf32, #tpu.memory_space<vmem>>
    %dma_start3A_215 = tpu.memref_slice %arg6[%min3A_51] : memref<1000001xf32, #tpu.memory_space<hbm>> -> memref<3920xf32, #tpu.memory_space<hbm>>
    %dma_start3A_216 = tpu.memref_slice %arg6[%min3A_51] : memref<1000001xf32, #tpu.memory_space<hbm>> -> memref<3920xf32, #tpu.memory_space<hbm>>
    %dma_start3A_217 = arith.constant 0 : i32
    %dma_start3A_218 = tpu.memref_slice %arg10[%dma_start3A_211, %dma_start3A_217] : memref<3x3920xf32, #tpu.memory_space<vmem>> -> memref<1x3920xf32, #tpu.memory_space<vmem>>
    %dma_start3A_219 = tpu.memref_squeeze %dma_start3A_218 : memref<1x3920xf32, #tpu.memory_space<vmem>> -> memref<3920xf32, #tpu.memory_space<vmem>>
    tpu.enqueue_dma source(%dma_start3A_219 : memref<3920xf32, #tpu.memory_space<vmem>>) target(%dma_start3A_216 : memref<3920xf32, #tpu.memory_space<hbm>>) target_semaphore(%arg15 : memref<!tpu.dma_semaphore, #tpu.memory_space<semaphore_mem>>)
    %dma_start3A_220 = arith.constant 2 : i32
    %dma_start3A_221 = arith.constant 0 : i32
    %dma_start3A_222 = tpu.memref_slice %arg10[%dma_start3A_220, %dma_start3A_221] : memref<3x3920xf32, #tpu.memory_space<vmem>> -> memref<1x3920xf32, #tpu.memory_space<vmem>>
    %dma_start3A_223 = tpu.memref_squeeze %dma_start3A_222 : memref<1x3920xf32, #tpu.memory_space<vmem>> -> memref<3920xf32, #tpu.memory_space<vmem>>
    %dma_start3A_224 = tpu.memref_slice %arg7[%min3A_51] : memref<1000001xf32, #tpu.memory_space<hbm>> -> memref<3920xf32, #tpu.memory_space<hbm>>
    %dma_start3A_225 = tpu.memref_slice %arg7[%min3A_51] : memref<1000001xf32, #tpu.memory_space<hbm>> -> memref<3920xf32, #tpu.memory_space<hbm>>
    %dma_start3A_226 = arith.constant 0 : i32
    %dma_start3A_227 = tpu.memref_slice %arg10[%dma_start3A_220, %dma_start3A_226] : memref<3x3920xf32, #tpu.memory_space<vmem>> -> memref<1x3920xf32, #tpu.memory_space<vmem>>
    %dma_start3A_228 = tpu.memref_squeeze %dma_start3A_227 : memref<1x3920xf32, #tpu.memory_space<vmem>> -> memref<3920xf32, #tpu.memory_space<vmem>>
    tpu.enqueue_dma source(%dma_start3A_228 : memref<3920xf32, #tpu.memory_space<vmem>>) target(%dma_start3A_225 : memref<3920xf32, #tpu.memory_space<hbm>>) target_semaphore(%arg15 : memref<!tpu.dma_semaphore, #tpu.memory_space<semaphore_mem>>)
    %dma_start3A_229 = tpu.memref_slice %arg4[%min3A_67] : memref<1000001xf32, #tpu.memory_space<hbm>> -> memref<3920xf32, #tpu.memory_space<hbm>>
    %dma_start3A_230 = tpu.memref_slice %arg4[%min3A_67] : memref<1000001xf32, #tpu.memory_space<hbm>> -> memref<3920xf32, #tpu.memory_space<hbm>>
    tpu.enqueue_dma source(%dma_start3A_230 : memref<3920xf32, #tpu.memory_space<hbm>>) target(%arg8 : memref<3920xf32, #tpu.memory_space<vmem>>) target_semaphore(%arg13 : memref<!tpu.dma_semaphore, #tpu.memory_space<semaphore_mem>>)
    %dma_wait3A_231 = tpu.memref_slice %arg4[%min3A_59] : memref<1000001xf32, #tpu.memory_space<hbm>> -> memref<3920xf32, #tpu.memory_space<hbm>>
    %dma_wait3A_232 = tpu.memref_slice %arg4[%min3A_59] : memref<1000001xf32, #tpu.memory_space<hbm>> -> memref<3920xf32, #tpu.memory_space<hbm>>
    tpu.wait_dma2 semaphore(%arg14 : memref<!tpu.dma_semaphore, #tpu.memory_space<semaphore_mem>>) src(%dma_wait3A_232 : memref<3920xf32, #tpu.memory_space<hbm>>) dst(%arg9 : memref<3920xf32, #tpu.memory_space<vmem>>)
    %dma_wait3A_233 = arith.constant 0 : i32
    %dma_wait3A_234 = arith.constant 0 : i32
    %dma_wait3A_235 = tpu.memref_slice %arg11[%dma_wait3A_233, %dma_wait3A_234] : memref<3x3920xf32, #tpu.memory_space<vmem>> -> memref<1x3920xf32, #tpu.memory_space<vmem>>
    %dma_wait3A_236 = tpu.memref_squeeze %dma_wait3A_235 : memref<1x3920xf32, #tpu.memory_space<vmem>> -> memref<3920xf32, #tpu.memory_space<vmem>>
    %dma_wait3A_237 = tpu.memref_slice %arg5[%min3A_43] : memref<1000001xf32, #tpu.memory_space<hbm>> -> memref<3920xf32, #tpu.memory_space<hbm>>
    %dma_wait3A_238 = tpu.memref_slice %arg5[%min3A_43] : memref<1000001xf32, #tpu.memory_space<hbm>> -> memref<3920xf32, #tpu.memory_space<hbm>>
    %dma_wait3A_239 = arith.constant 0 : i32
    %dma_wait3A_240 = tpu.memref_slice %arg11[%dma_wait3A_233, %dma_wait3A_239] : memref<3x3920xf32, #tpu.memory_space<vmem>> -> memref<1x3920xf32, #tpu.memory_space<vmem>>
    %dma_wait3A_241 = tpu.memref_squeeze %dma_wait3A_240 : memref<1x3920xf32, #tpu.memory_space<vmem>> -> memref<3920xf32, #tpu.memory_space<vmem>>
    tpu.wait_dma2 semaphore(%arg16 : memref<!tpu.dma_semaphore, #tpu.memory_space<semaphore_mem>>) src(%dma_wait3A_241 : memref<3920xf32, #tpu.memory_space<vmem>>) dst(%dma_wait3A_238 : memref<3920xf32, #tpu.memory_space<hbm>>)
    %dma_wait3A_242 = arith.constant 1 : i32
    %dma_wait3A_243 = arith.constant 0 : i32
    %dma_wait3A_244 = tpu.memref_slice %arg11[%dma_wait3A_242, %dma_wait3A_243] : memref<3x3920xf32, #tpu.memory_space<vmem>> -> memref<1x3920xf32, #tpu.memory_space<vmem>>
    %dma_wait3A_245 = tpu.memref_squeeze %dma_wait3A_244 : memref<1x3920xf32, #tpu.memory_space<vmem>> -> memref<3920xf32, #tpu.memory_space<vmem>>
    %dma_wait3A_246 = tpu.memref_slice %arg6[%min3A_43] : memref<1000001xf32, #tpu.memory_space<hbm>> -> memref<3920xf32, #tpu.memory_space<hbm>>
    %dma_wait3A_247 = tpu.memref_slice %arg6[%min3A_43] : memref<1000001xf32, #tpu.memory_space<hbm>> -> memref<3920xf32, #tpu.memory_space<hbm>>
    %dma_wait3A_248 = arith.constant 0 : i32
    %dma_wait3A_249 = tpu.memref_slice %arg11[%dma_wait3A_242, %dma_wait3A_248] : memref<3x3920xf32, #tpu.memory_space<vmem>> -> memref<1x3920xf32, #tpu.memory_space<vmem>>
    %dma_wait3A_250 = tpu.memref_squeeze %dma_wait3A_249 : memref<1x3920xf32, #tpu.memory_space<vmem>> -> memref<3920xf32, #tpu.memory_space<vmem>>
    tpu.wait_dma2 semaphore(%arg16 : memref<!tpu.dma_semaphore, #tpu.memory_space<semaphore_mem>>) src(%dma_wait3A_250 : memref<3920xf32, #tpu.memory_space<vmem>>) dst(%dma_wait3A_247 : memref<3920xf32, #tpu.memory_space<hbm>>)
    %dma_wait3A_251 = arith.constant 2 : i32
    %dma_wait3A_252 = arith.constant 0 : i32
    %dma_wait3A_253 = tpu.memref_slice %arg11[%dma_wait3A_251, %dma_wait3A_252] : memref<3x3920xf32, #tpu.memory_space<vmem>> -> memref<1x3920xf32, #tpu.memory_space<vmem>>
    %dma_wait3A_254 = tpu.memref_squeeze %dma_wait3A_253 : memref<1x3920xf32, #tpu.memory_space<vmem>> -> memref<3920xf32, #tpu.memory_space<vmem>>
    %dma_wait3A_255 = tpu.memref_slice %arg7[%min3A_43] : memref<1000001xf32, #tpu.memory_space<hbm>> -> memref<3920xf32, #tpu.memory_space<hbm>>
    %dma_wait3A_256 = tpu.memref_slice %arg7[%min3A_43] : memref<1000001xf32, #tpu.memory_space<hbm>> -> memref<3920xf32, #tpu.memory_space<hbm>>
    %dma_wait3A_257 = arith.constant 0 : i32
    %dma_wait3A_258 = tpu.memref_slice %arg11[%dma_wait3A_251, %dma_wait3A_257] : memref<3x3920xf32, #tpu.memory_space<vmem>> -> memref<1x3920xf32, #tpu.memory_space<vmem>>
    %dma_wait3A_259 = tpu.memref_squeeze %dma_wait3A_258 : memref<1x3920xf32, #tpu.memory_space<vmem>> -> memref<3920xf32, #tpu.memory_space<vmem>>
    tpu.wait_dma2 semaphore(%arg16 : memref<!tpu.dma_semaphore, #tpu.memory_space<semaphore_mem>>) src(%dma_wait3A_259 : memref<3920xf32, #tpu.memory_space<vmem>>) dst(%dma_wait3A_256 : memref<3920xf32, #tpu.memory_space<hbm>>)
    %scan3A_260 = arith.constant 0 : i32
    %scan3A_261 = arith.constant 0 : i32
    %scan3A_262 = arith.constant 245 : i32
    %scan3A_263 = arith.addi %scan3A_261, %scan3A_262 : i32
    %scan3A_264 = arith.constant 1 : i32
    scf.for %scan3A_604 = %scan3A_261 to %scan3A_263 step %scan3A_264  : i32 {
      %mul3A_605 = arith.constant 16 : i32
      %mul3A_606 = arith.muli %scan3A_604, %mul3A_605 : i32
      %get3A = arith.index_cast %mul3A_606 : i32 to index
      %get3A_607 = tpu.vector_load %arg9[%get3A] {strides = array<i32>} : memref<3920xf32, #tpu.memory_space<vmem>>, vector<16xf32>,
      %mul3A_608 = arith.constant 9.999700e+04 : f32
      %mul3A_609 = vector.broadcast %mul3A_608 : f32 to vector<16xf32>
      %mul3A_610 = arith.mulf %get3A_607, %mul3A_609 : vector<16xf32>
      %convert_element_type3A_611 = arith.fptosi %mul3A_610 : vector<16xf32> to vector<16xi32>
      %add3A_612 = arith.constant 3 : i32
      %add3A_613 = vector.broadcast %add3A_612 : i32 to vector<16xi32>
      %add3A_614 = arith.addi %convert_element_type3A_611, %add3A_613 : vector<16xi32>
      %jit3A_615 = arith.constant 3 : i32
      %jit3A_616 = arith.constant 99999 : i32
      %max3A_617 = vector.broadcast %jit3A_615 : i32 to vector<16xi32>
      %max3A_618 = arith.maxsi %max3A_617, %add3A_614 : vector<16xi32>
      %min3A_619 = vector.broadcast %jit3A_616 : i32 to vector<16xi32>
      %min3A_620 = arith.minsi %min3A_619, %max3A_618 : vector<16xi32>
      %sub3A_621 = arith.constant 3 : i32
      %sub3A_622 = vector.broadcast %sub3A_621 : i32 to vector<16xi32>
      %sub3A_623 = arith.subi %min3A_620, %sub3A_622 : vector<16xi32>
      %add3A_624 = arith.constant 1 : i32
      %add3A_625 = vector.broadcast %add3A_624 : i32 to vector<16xi32>
      %add3A_626 = arith.addi %sub3A_623, %add3A_625 : vector<16xi32>
      %convert_element_type3A_627 = arith.sitofp %add3A_626 : vector<16xi32> to vector<16xf32>
      %mul3A_628 = arith.constant 1.000030e-05 : f32
      %mul3A_629 = vector.broadcast %mul3A_628 : f32 to vector<16xf32>
      %mul3A_630 = arith.mulf %convert_element_type3A_627, %mul3A_629 : vector<16xf32>
      %jit3A_631 = arith.constant 0.000000e+00 : f32
      %jit3A_632 = arith.constant 1.000000e+00 : f32
      %max3A_633 = vector.broadcast %jit3A_631 : f32 to vector<16xf32>
      %max3A_634 = arith.maximumf %max3A_633, %mul3A_630 : vector<16xf32>
      %min3A_635 = vector.broadcast %jit3A_632 : f32 to vector<16xf32>
      %min3A_636 = arith.minimumf %min3A_635, %max3A_634 : vector<16xf32>
      %ge3A = arith.cmpf oge, %get3A_607, %min3A_636 : vector<16xf32>
      %lt3A = arith.constant 99999 : i32
      %lt3A_637 = vector.broadcast %lt3A : i32 to vector<16xi32>
      %lt3A_638 = arith.cmpi slt, %min3A_620, %lt3A_637 : vector<16xi32>
      %and3A_639 = arith.andi %ge3A, %lt3A_638 : vector<16xi1>
      %jit3A_640 = arith.constant 1 : i32
      %jit3A_641 = arith.constant 0 : i32
      %broadcast_in_dim3A = vector.broadcast %jit3A_640 : i32 to vector<16xi32>
      %broadcast_in_dim3A_642 = vector.broadcast %jit3A_641 : i32 to vector<16xi32>
      %select_n3A_643 = arith.select %and3A_639, %broadcast_in_dim3A, %broadcast_in_dim3A_642 : vector<16xi1>, vector<16xi32>
      %convert_element_type3A_644 = arith.sitofp %sub3A_623 : vector<16xi32> to vector<16xf32>
      %mul3A_645 = arith.constant 1.000030e-05 : f32
      %mul3A_646 = vector.broadcast %mul3A_645 : f32 to vector<16xf32>
      %mul3A_647 = arith.mulf %convert_element_type3A_644, %mul3A_646 : vector<16xf32>
      %jit3A_648 = arith.constant 0.000000e+00 : f32
      %jit3A_649 = arith.constant 1.000000e+00 : f32
      %max3A_650 = vector.broadcast %jit3A_648 : f32 to vector<16xf32>
      %max3A_651 = arith.maximumf %max3A_650, %mul3A_647 : vector<16xf32>
      %min3A_652 = vector.broadcast %jit3A_649 : f32 to vector<16xf32>
      %min3A_653 = arith.minimumf %min3A_652, %max3A_651 : vector<16xf32>
      %lt3A_654 = arith.cmpf olt, %get3A_607, %min3A_653 : vector<16xf32>
      %gt3A = arith.constant 3 : i32
      %gt3A_655 = vector.broadcast %gt3A : i32 to vector<16xi32>
      %gt3A_656 = arith.cmpi sgt, %min3A_620, %gt3A_655 : vector<16xi32>
      %and3A_657 = arith.andi %lt3A_654, %gt3A_656 : vector<16xi1>
      %jit3A_658 = arith.constant 1 : i32
      %jit3A_659 = arith.constant 0 : i32
      %broadcast_in_dim3A_660 = vector.broadcast %jit3A_658 : i32 to vector<16xi32>
      %broadcast_in_dim3A_661 = vector.broadcast %jit3A_659 : i32 to vector<16xi32>
      %select_n3A_662 = arith.select %and3A_657, %broadcast_in_dim3A_660, %broadcast_in_dim3A_661 : vector<16xi1>, vector<16xi32>
      %add3A_663 = arith.addi %min3A_620, %select_n3A_643 : vector<16xi32>
      %sub3A_664 = arith.subi %add3A_663, %select_n3A_662 : vector<16xi32>
      %add3A_665 = arith.addi %sub3A_623, %select_n3A_643 : vector<16xi32>
      %sub3A_666 = arith.subi %add3A_665, %select_n3A_662 : vector<16xi32>
      %sub3A_667 = arith.constant 2 : i32
      %sub3A_668 = vector.broadcast %sub3A_667 : i32 to vector<16xi32>
      %sub3A_669 = arith.subi %sub3A_666, %sub3A_668 : vector<16xi32>
      %convert_element_type3A_670 = arith.sitofp %sub3A_669 : vector<16xi32> to vector<16xf32>
      %mul3A_671 = arith.constant 1.000030e-05 : f32
      %mul3A_672 = vector.broadcast %mul3A_671 : f32 to vector<16xf32>
      %mul3A_673 = arith.mulf %convert_element_type3A_670, %mul3A_672 : vector<16xf32>
      %jit3A_674 = arith.constant 0.000000e+00 : f32
      %jit3A_675 = arith.constant 1.000000e+00 : f32
      %max3A_676 = vector.broadcast %jit3A_674 : f32 to vector<16xf32>
      %max3A_677 = arith.maximumf %max3A_676, %mul3A_673 : vector<16xf32>
      %min3A_678 = vector.broadcast %jit3A_675 : f32 to vector<16xf32>
      %min3A_679 = arith.minimumf %min3A_678, %max3A_677 : vector<16xf32>
      %sub3A_680 = arith.constant 1 : i32
      %sub3A_681 = vector.broadcast %sub3A_680 : i32 to vector<16xi32>
      %sub3A_682 = arith.subi %sub3A_666, %sub3A_681 : vector<16xi32>
      %convert_element_type3A_683 = arith.sitofp %sub3A_682 : vector<16xi32> to vector<16xf32>
      %mul3A_684 = arith.constant 1.000030e-05 : f32
      %mul3A_685 = vector.broadcast %mul3A_684 : f32 to vector<16xf32>
      %mul3A_686 = arith.mulf %convert_element_type3A_683, %mul3A_685 : vector<16xf32>
      %jit3A_687 = arith.constant 0.000000e+00 : f32
      %jit3A_688 = arith.constant 1.000000e+00 : f32
      %max3A_689 = vector.broadcast %jit3A_687 : f32 to vector<16xf32>
      %max3A_690 = arith.maximumf %max3A_689, %mul3A_686 : vector<16xf32>
      %min3A_691 = vector.broadcast %jit3A_688 : f32 to vector<16xf32>
      %min3A_692 = arith.minimumf %min3A_691, %max3A_690 : vector<16xf32>
      %convert_element_type3A_693 = arith.sitofp %sub3A_666 : vector<16xi32> to vector<16xf32>
      %mul3A_694 = arith.constant 1.000030e-05 : f32
      %mul3A_695 = vector.broadcast %mul3A_694 : f32 to vector<16xf32>
      %mul3A_696 = arith.mulf %convert_element_type3A_693, %mul3A_695 : vector<16xf32>
      %jit3A_697 = arith.constant 0.000000e+00 : f32
      %jit3A_698 = arith.constant 1.000000e+00 : f32
      %max3A_699 = vector.broadcast %jit3A_697 : f32 to vector<16xf32>
      %max3A_700 = arith.maximumf %max3A_699, %mul3A_696 : vector<16xf32>
      %min3A_701 = vector.broadcast %jit3A_698 : f32 to vector<16xf32>
      %min3A_702 = arith.minimumf %min3A_701, %max3A_700 : vector<16xf32>
      %add3A_703 = arith.constant 1 : i32
      %add3A_704 = vector.broadcast %add3A_703 : i32 to vector<16xi32>
      %add3A_705 = arith.addi %sub3A_666, %add3A_704 : vector<16xi32>
      %convert_element_type3A_706 = arith.sitofp %add3A_705 : vector<16xi32> to vector<16xf32>
      %mul3A_707 = arith.constant 1.000030e-05 : f32
      %mul3A_708 = vector.broadcast %mul3A_707 : f32 to vector<16xf32>
      %mul3A_709 = arith.mulf %convert_element_type3A_706, %mul3A_708 : vector<16xf32>
      %jit3A_710 = arith.constant 0.000000e+00 : f32
      %jit3A_711 = arith.constant 1.000000e+00 : f32
      %max3A_712 = vector.broadcast %jit3A_710 : f32 to vector<16xf32>
      %max3A_713 = arith.maximumf %max3A_712, %mul3A_709 : vector<16xf32>
      %min3A_714 = vector.broadcast %jit3A_711 : f32 to vector<16xf32>
      %min3A_715 = arith.minimumf %min3A_714, %max3A_713 : vector<16xf32>
      %add3A_716 = arith.constant 2 : i32
      %add3A_717 = vector.broadcast %add3A_716 : i32 to vector<16xi32>
      %add3A_718 = arith.addi %sub3A_666, %add3A_717 : vector<16xi32>
      %convert_element_type3A_719 = arith.sitofp %add3A_718 : vector<16xi32> to vector<16xf32>
      %mul3A_720 = arith.constant 1.000030e-05 : f32
      %mul3A_721 = vector.broadcast %mul3A_720 : f32 to vector<16xf32>
      %mul3A_722 = arith.mulf %convert_element_type3A_719, %mul3A_721 : vector<16xf32>
      %jit3A_723 = arith.constant 0.000000e+00 : f32
      %jit3A_724 = arith.constant 1.000000e+00 : f32
      %max3A_725 = vector.broadcast %jit3A_723 : f32 to vector<16xf32>
      %max3A_726 = arith.maximumf %max3A_725, %mul3A_722 : vector<16xf32>
      %min3A_727 = vector.broadcast %jit3A_724 : f32 to vector<16xf32>
      %min3A_728 = arith.minimumf %min3A_727, %max3A_726 : vector<16xf32>
      %add3A_729 = arith.constant 3 : i32
      %add3A_730 = vector.broadcast %add3A_729 : i32 to vector<16xi32>
      %add3A_731 = arith.addi %sub3A_666, %add3A_730 : vector<16xi32>
      %convert_element_type3A_732 = arith.sitofp %add3A_731 : vector<16xi32> to vector<16xf32>
      %mul3A_733 = arith.constant 1.000030e-05 : f32
      %mul3A_734 = vector.broadcast %mul3A_733 : f32 to vector<16xf32>
      %mul3A_735 = arith.mulf %convert_element_type3A_732, %mul3A_734 : vector<16xf32>
      %jit3A_736 = arith.constant 0.000000e+00 : f32
      %jit3A_737 = arith.constant 1.000000e+00 : f32
      %max3A_738 = vector.broadcast %jit3A_736 : f32 to vector<16xf32>
      %max3A_739 = arith.maximumf %max3A_738, %mul3A_735 : vector<16xf32>
      %min3A_740 = vector.broadcast %jit3A_737 : f32 to vector<16xf32>
      %min3A_741 = arith.minimumf %min3A_740, %max3A_739 : vector<16xf32>
      %sub3A_742 = arith.subf %get3A_607, %min3A_702 : vector<16xf32>
      %sub3A_743 = arith.subf %get3A_607, %min3A_692 : vector<16xf32>
      %sub3A_744 = arith.subf %get3A_607, %min3A_679 : vector<16xf32>
      %sub3A_745 = arith.subf %min3A_715, %get3A_607 : vector<16xf32>
      %sub3A_746 = arith.subf %min3A_728, %get3A_607 : vector<16xf32>
      %sub3A_747 = arith.subf %min3A_741, %get3A_607 : vector<16xf32>
      %add3A_748 = arith.addf %sub3A_745, %sub3A_742 : vector<16xf32>
      %div3A_749 = arith.constant 1.000000e+00 : f32
      %div3A_750 = vector.broadcast %div3A_749 : f32 to vector<16xf32>
      %div3A_751 = arith.divf %div3A_750, %add3A_748 : vector<16xf32>
      %mul3A_752 = arith.mulf %sub3A_745, %div3A_751 : vector<16xf32>
      %mul3A_753 = arith.mulf %sub3A_742, %div3A_751 : vector<16xf32>
      %add3A_754 = arith.addf %sub3A_745, %sub3A_743 : vector<16xf32>
      %div3A_755 = arith.divf %mul3A_752, %add3A_754 : vector<16xf32>
      %mul3A_756 = arith.mulf %sub3A_745, %div3A_755 : vector<16xf32>
      %mul3A_757 = arith.mulf %sub3A_743, %div3A_755 : vector<16xf32>
      %add3A_758 = arith.addf %sub3A_746, %sub3A_742 : vector<16xf32>
      %div3A_759 = arith.divf %mul3A_753, %add3A_758 : vector<16xf32>
      %mul3A_760 = arith.mulf %sub3A_746, %div3A_759 : vector<16xf32>
      %add3A_761 = arith.addf %mul3A_757, %mul3A_760 : vector<16xf32>
      %mul3A_762 = arith.mulf %sub3A_742, %div3A_759 : vector<16xf32>
      %add3A_763 = arith.addf %sub3A_745, %sub3A_744 : vector<16xf32>
      %div3A_764 = arith.divf %mul3A_756, %add3A_763 : vector<16xf32>
      %mul3A_765 = arith.mulf %sub3A_745, %div3A_764 : vector<16xf32>
      %mul3A_766 = arith.mulf %sub3A_744, %div3A_764 : vector<16xf32>
      %add3A_767 = arith.addf %sub3A_746, %sub3A_743 : vector<16xf32>
      %div3A_768 = arith.divf %add3A_761, %add3A_767 : vector<16xf32>
      %mul3A_769 = arith.mulf %sub3A_746, %div3A_768 : vector<16xf32>
      %add3A_770 = arith.addf %mul3A_766, %mul3A_769 : vector<16xf32>
      %mul3A_771 = arith.mulf %sub3A_743, %div3A_768 : vector<16xf32>
      %add3A_772 = arith.addf %sub3A_747, %sub3A_742 : vector<16xf32>
      %div3A_773 = arith.divf %mul3A_762, %add3A_772 : vector<16xf32>
      %mul3A_774 = arith.mulf %sub3A_747, %div3A_773 : vector<16xf32>
      %add3A_775 = arith.addf %mul3A_771, %mul3A_774 : vector<16xf32>
      %mul3A_776 = arith.mulf %sub3A_742, %div3A_773 : vector<16xf32>
      %sub3A_777 = vector.broadcast %mul3A_27 : i32 to vector<16xi32>
      %sub3A_778 = arith.subi %sub3A_664, %sub3A_777 : vector<16xi32>
      %sub3A_779 = arith.constant 3 : i32
      %sub3A_780 = vector.broadcast %sub3A_779 : i32 to vector<16xi32>
      %sub3A_781 = arith.subi %sub3A_778, %sub3A_780 : vector<16xi32>
      %mul3A_782 = arith.constant 0 : i32
      %mul3A_783 = vector.broadcast %mul3A_782 : i32 to vector<16xi32>
      %mul3A_784 = arith.muli %sub3A_781, %mul3A_783 : vector<16xi32>
      %add3A_785 = arith.constant 0 : i32
      %add3A_786 = vector.broadcast %add3A_785 : i32 to vector<16xi32>
      %add3A_787 = arith.addi %sub3A_781, %add3A_786 : vector<16xi32>
      %add3A_788 = arith.constant 0 : i32
      %add3A_789 = vector.broadcast %add3A_788 : i32 to vector<16xi32>
      %add3A_790 = arith.addi %mul3A_784, %add3A_789 : vector<16xi32>
      %gather3A = tpu.vector_load_idx %arg12[%add3A_787, %add3A_790] : memref<3176x3xf32, #tpu.memory_space<vmem>>[vector<16xi32>, vector<16xi32>], vector<16xf32>,
      %add3A_791 = arith.constant 0 : i32
      %add3A_792 = vector.broadcast %add3A_791 : i32 to vector<16xi32>
      %add3A_793 = arith.addi %sub3A_781, %add3A_792 : vector<16xi32>
      %add3A_794 = arith.constant 1 : i32
      %add3A_795 = vector.broadcast %add3A_794 : i32 to vector<16xi32>
      %add3A_796 = arith.addi %mul3A_784, %add3A_795 : vector<16xi32>
      %gather3A_797 = tpu.vector_load_idx %arg12[%add3A_793, %add3A_796] : memref<3176x3xf32, #tpu.memory_space<vmem>>[vector<16xi32>, vector<16xi32>], vector<16xf32>,
      %add3A_798 = arith.constant 0 : i32
      %add3A_799 = vector.broadcast %add3A_798 : i32 to vector<16xi32>
      %add3A_800 = arith.addi %sub3A_781, %add3A_799 : vector<16xi32>
      %add3A_801 = arith.constant 2 : i32
      %add3A_802 = vector.broadcast %add3A_801 : i32 to vector<16xi32>
      %add3A_803 = arith.addi %mul3A_784, %add3A_802 : vector<16xi32>
      %gather3A_804 = tpu.vector_load_idx %arg12[%add3A_800, %add3A_803] : memref<3176x3xf32, #tpu.memory_space<vmem>>[vector<16xi32>, vector<16xi32>], vector<16xf32>,
      %add3A_805 = arith.constant 1 : i32
      %add3A_806 = vector.broadcast %add3A_805 : i32 to vector<16xi32>
      %add3A_807 = arith.addi %sub3A_781, %add3A_806 : vector<16xi32>
      %add3A_808 = arith.constant 0 : i32
      %add3A_809 = vector.broadcast %add3A_808 : i32 to vector<16xi32>
      %add3A_810 = arith.addi %mul3A_784, %add3A_809 : vector<16xi32>
      %gather3A_811 = tpu.vector_load_idx %arg12[%add3A_807, %add3A_810] : memref<3176x3xf32, #tpu.memory_space<vmem>>[vector<16xi32>, vector<16xi32>], vector<16xf32>,
      %add3A_812 = arith.constant 1 : i32
      %add3A_813 = vector.broadcast %add3A_812 : i32 to vector<16xi32>
      %add3A_814 = arith.addi %sub3A_781, %add3A_813 : vector<16xi32>
      %add3A_815 = arith.constant 1 : i32
      %add3A_816 = vector.broadcast %add3A_815 : i32 to vector<16xi32>
      %add3A_817 = arith.addi %mul3A_784, %add3A_816 : vector<16xi32>
      %gather3A_818 = tpu.vector_load_idx %arg12[%add3A_814, %add3A_817] : memref<3176x3xf32, #tpu.memory_space<vmem>>[vector<16xi32>, vector<16xi32>], vector<16xf32>,
      %add3A_819 = arith.constant 1 : i32
      %add3A_820 = vector.broadcast %add3A_819 : i32 to vector<16xi32>
      %add3A_821 = arith.addi %sub3A_781, %add3A_820 : vector<16xi32>
      %add3A_822 = arith.constant 2 : i32
      %add3A_823 = vector.broadcast %add3A_822 : i32 to vector<16xi32>
      %add3A_824 = arith.addi %mul3A_784, %add3A_823 : vector<16xi32>
      %gather3A_825 = tpu.vector_load_idx %arg12[%add3A_821, %add3A_824] : memref<3176x3xf32, #tpu.memory_space<vmem>>[vector<16xi32>, vector<16xi32>], vector<16xf32>,
      %add3A_826 = arith.constant 2 : i32
      %add3A_827 = vector.broadcast %add3A_826 : i32 to vector<16xi32>
      %add3A_828 = arith.addi %sub3A_781, %add3A_827 : vector<16xi32>
      %add3A_829 = arith.constant 0 : i32
      %add3A_830 = vector.broadcast %add3A_829 : i32 to vector<16xi32>
      %add3A_831 = arith.addi %mul3A_784, %add3A_830 : vector<16xi32>
      %gather3A_832 = tpu.vector_load_idx %arg12[%add3A_828, %add3A_831] : memref<3176x3xf32, #tpu.memory_space<vmem>>[vector<16xi32>, vector<16xi32>], vector<16xf32>,
      %add3A_833 = arith.constant 2 : i32
      %add3A_834 = vector.broadcast %add3A_833 : i32 to vector<16xi32>
      %add3A_835 = arith.addi %sub3A_781, %add3A_834 : vector<16xi32>
      %add3A_836 = arith.constant 1 : i32
      %add3A_837 = vector.broadcast %add3A_836 : i32 to vector<16xi32>
      %add3A_838 = arith.addi %mul3A_784, %add3A_837 : vector<16xi32>
      %gather3A_839 = tpu.vector_load_idx %arg12[%add3A_835, %add3A_838] : memref<3176x3xf32, #tpu.memory_space<vmem>>[vector<16xi32>, vector<16xi32>], vector<16xf32>,
      %add3A_840 = arith.constant 2 : i32
      %add3A_841 = vector.broadcast %add3A_840 : i32 to vector<16xi32>
      %add3A_842 = arith.addi %sub3A_781, %add3A_841 : vector<16xi32>
      %add3A_843 = arith.constant 2 : i32
      %add3A_844 = vector.broadcast %add3A_843 : i32 to vector<16xi32>
      %add3A_845 = arith.addi %mul3A_784, %add3A_844 : vector<16xi32>
      %gather3A_846 = tpu.vector_load_idx %arg12[%add3A_842, %add3A_845] : memref<3176x3xf32, #tpu.memory_space<vmem>>[vector<16xi32>, vector<16xi32>], vector<16xf32>,
      %add3A_847 = arith.constant 3 : i32
      %add3A_848 = vector.broadcast %add3A_847 : i32 to vector<16xi32>
      %add3A_849 = arith.addi %sub3A_781, %add3A_848 : vector<16xi32>
      %add3A_850 = arith.constant 0 : i32
      %add3A_851 = vector.broadcast %add3A_850 : i32 to vector<16xi32>
      %add3A_852 = arith.addi %mul3A_784, %add3A_851 : vector<16xi32>
      %gather3A_853 = tpu.vector_load_idx %arg12[%add3A_849, %add3A_852] : memref<3176x3xf32, #tpu.memory_space<vmem>>[vector<16xi32>, vector<16xi32>], vector<16xf32>,
      %add3A_854 = arith.constant 3 : i32
      %add3A_855 = vector.broadcast %add3A_854 : i32 to vector<16xi32>
      %add3A_856 = arith.addi %sub3A_781, %add3A_855 : vector<16xi32>
      %add3A_857 = arith.constant 1 : i32
      %add3A_858 = vector.broadcast %add3A_857 : i32 to vector<16xi32>
      %add3A_859 = arith.addi %mul3A_784, %add3A_858 : vector<16xi32>
      %gather3A_860 = tpu.vector_load_idx %arg12[%add3A_856, %add3A_859] : memref<3176x3xf32, #tpu.memory_space<vmem>>[vector<16xi32>, vector<16xi32>], vector<16xf32>,
      %add3A_861 = arith.constant 3 : i32
      %add3A_862 = vector.broadcast %add3A_861 : i32 to vector<16xi32>
      %add3A_863 = arith.addi %sub3A_781, %add3A_862 : vector<16xi32>
      %add3A_864 = arith.constant 2 : i32
      %add3A_865 = vector.broadcast %add3A_864 : i32 to vector<16xi32>
      %add3A_866 = arith.addi %mul3A_784, %add3A_865 : vector<16xi32>
      %gather3A_867 = tpu.vector_load_idx %arg12[%add3A_863, %add3A_866] : memref<3176x3xf32, #tpu.memory_space<vmem>>[vector<16xi32>, vector<16xi32>], vector<16xf32>,
      %mul3A_868 = arith.mulf %mul3A_765, %gather3A : vector<16xf32>
      %mul3A_869 = arith.mulf %add3A_770, %gather3A_811 : vector<16xf32>
      %add3A_870 = arith.addf %mul3A_868, %mul3A_869 : vector<16xf32>
      %mul3A_871 = arith.mulf %add3A_775, %gather3A_832 : vector<16xf32>
      %add3A_872 = arith.addf %add3A_870, %mul3A_871 : vector<16xf32>
      %mul3A_873 = arith.mulf %mul3A_776, %gather3A_853 : vector<16xf32>
      %add3A_874 = arith.addf %add3A_872, %mul3A_873 : vector<16xf32>
      %mul3A_875 = arith.mulf %mul3A_765, %gather3A_797 : vector<16xf32>
      %mul3A_876 = arith.mulf %add3A_770, %gather3A_818 : vector<16xf32>
      %add3A_877 = arith.addf %mul3A_875, %mul3A_876 : vector<16xf32>
      %mul3A_878 = arith.mulf %add3A_775, %gather3A_839 : vector<16xf32>
      %add3A_879 = arith.addf %add3A_877, %mul3A_878 : vector<16xf32>
      %mul3A_880 = arith.mulf %mul3A_776, %gather3A_860 : vector<16xf32>
      %add3A_881 = arith.addf %add3A_879, %mul3A_880 : vector<16xf32>
      %mul3A_882 = arith.mulf %mul3A_765, %gather3A_804 : vector<16xf32>
      %mul3A_883 = arith.mulf %add3A_770, %gather3A_825 : vector<16xf32>
      %add3A_884 = arith.addf %mul3A_882, %mul3A_883 : vector<16xf32>
      %mul3A_885 = arith.mulf %add3A_775, %gather3A_846 : vector<16xf32>
      %add3A_886 = arith.addf %add3A_884, %mul3A_885 : vector<16xf32>
      %mul3A_887 = arith.mulf %mul3A_776, %gather3A_867 : vector<16xf32>
      %add3A_888 = arith.addf %add3A_886, %mul3A_887 : vector<16xf32>
      %mul3A_889 = arith.constant 16 : i32
      %mul3A_890 = arith.muli %scan3A_604, %mul3A_889 : i32
      %swap3A = arith.constant 0 : i32
      %swap3A_891 = arith.index_cast %swap3A : i32 to index
      %swap3A_892 = arith.index_cast %mul3A_890 : i32 to index
      %swap3A_893 = tpu.vector_load %arg11[%swap3A_891, %swap3A_892] {strides = array<i32>} : memref<3x3920xf32, #tpu.memory_space<vmem>>, vector<16xf32>,
      tpu.vector_store %arg11[%swap3A_891, %swap3A_892], %add3A_874 {strides = array<i32>} : memref<3x3920xf32, #tpu.memory_space<vmem>>, vector<16xf32>,
      %mul3A_894 = arith.constant 16 : i32
      %mul3A_895 = arith.muli %scan3A_604, %mul3A_894 : i32
      %swap3A_896 = arith.constant 1 : i32
      %swap3A_897 = arith.index_cast %swap3A_896 : i32 to index
      %swap3A_898 = arith.index_cast %mul3A_895 : i32 to index
      %swap3A_899 = tpu.vector_load %arg11[%swap3A_897, %swap3A_898] {strides = array<i32>} : memref<3x3920xf32, #tpu.memory_space<vmem>>, vector<16xf32>,
      tpu.vector_store %arg11[%swap3A_897, %swap3A_898], %add3A_881 {strides = array<i32>} : memref<3x3920xf32, #tpu.memory_space<vmem>>, vector<16xf32>,
      %mul3A_900 = arith.constant 16 : i32
      %mul3A_901 = arith.muli %scan3A_604, %mul3A_900 : i32
      %swap3A_902 = arith.constant 2 : i32
      %swap3A_903 = arith.index_cast %swap3A_902 : i32 to index
      %swap3A_904 = arith.index_cast %mul3A_901 : i32 to index
      %swap3A_905 = tpu.vector_load %arg11[%swap3A_903, %swap3A_904] {strides = array<i32>} : memref<3x3920xf32, #tpu.memory_space<vmem>>, vector<16xf32>,
      tpu.vector_store %arg11[%swap3A_903, %swap3A_904], %add3A_888 {strides = array<i32>} : memref<3x3920xf32, #tpu.memory_space<vmem>>, vector<16xf32>,
    }
    %scan3A_265 = arith.constant 245 : i32
    %dma_start3A_266 = arith.constant 0 : i32
    %dma_start3A_267 = arith.constant 0 : i32
    %dma_start3A_268 = tpu.memref_slice %arg11[%dma_start3A_266, %dma_start3A_267] : memref<3x3920xf32, #tpu.memory_space<vmem>> -> memref<1x3920xf32, #tpu.memory_space<vmem>>
    %dma_start3A_269 = tpu.memref_squeeze %dma_start3A_268 : memref<1x3920xf32, #tpu.memory_space<vmem>> -> memref<3920xf32, #tpu.memory_space<vmem>>
    %dma_start3A_270 = tpu.memref_slice %arg5[%min3A_59] : memref<1000001xf32, #tpu.memory_space<hbm>> -> memref<3920xf32, #tpu.memory_space<hbm>>
    %dma_start3A_271 = tpu.memref_slice %arg5[%min3A_59] : memref<1000001xf32, #tpu.memory_space<hbm>> -> memref<3920xf32, #tpu.memory_space<hbm>>
    %dma_start3A_272 = arith.constant 0 : i32
    %dma_start3A_273 = tpu.memref_slice %arg11[%dma_start3A_266, %dma_start3A_272] : memref<3x3920xf32, #tpu.memory_space<vmem>> -> memref<1x3920xf32, #tpu.memory_space<vmem>>
    %dma_start3A_274 = tpu.memref_squeeze %dma_start3A_273 : memref<1x3920xf32, #tpu.memory_space<vmem>> -> memref<3920xf32, #tpu.memory_space<vmem>>
    tpu.enqueue_dma source(%dma_start3A_274 : memref<3920xf32, #tpu.memory_space<vmem>>) target(%dma_start3A_271 : memref<3920xf32, #tpu.memory_space<hbm>>) target_semaphore(%arg16 : memref<!tpu.dma_semaphore, #tpu.memory_space<semaphore_mem>>)
    %dma_start3A_275 = arith.constant 1 : i32
    %dma_start3A_276 = arith.constant 0 : i32
    %dma_start3A_277 = tpu.memref_slice %arg11[%dma_start3A_275, %dma_start3A_276] : memref<3x3920xf32, #tpu.memory_space<vmem>> -> memref<1x3920xf32, #tpu.memory_space<vmem>>
    %dma_start3A_278 = tpu.memref_squeeze %dma_start3A_277 : memref<1x3920xf32, #tpu.memory_space<vmem>> -> memref<3920xf32, #tpu.memory_space<vmem>>
    %dma_start3A_279 = tpu.memref_slice %arg6[%min3A_59] : memref<1000001xf32, #tpu.memory_space<hbm>> -> memref<3920xf32, #tpu.memory_space<hbm>>
    %dma_start3A_280 = tpu.memref_slice %arg6[%min3A_59] : memref<1000001xf32, #tpu.memory_space<hbm>> -> memref<3920xf32, #tpu.memory_space<hbm>>
    %dma_start3A_281 = arith.constant 0 : i32
    %dma_start3A_282 = tpu.memref_slice %arg11[%dma_start3A_275, %dma_start3A_281] : memref<3x3920xf32, #tpu.memory_space<vmem>> -> memref<1x3920xf32, #tpu.memory_space<vmem>>
    %dma_start3A_283 = tpu.memref_squeeze %dma_start3A_282 : memref<1x3920xf32, #tpu.memory_space<vmem>> -> memref<3920xf32, #tpu.memory_space<vmem>>
    tpu.enqueue_dma source(%dma_start3A_283 : memref<3920xf32, #tpu.memory_space<vmem>>) target(%dma_start3A_280 : memref<3920xf32, #tpu.memory_space<hbm>>) target_semaphore(%arg16 : memref<!tpu.dma_semaphore, #tpu.memory_space<semaphore_mem>>)
    %dma_start3A_284 = arith.constant 2 : i32
    %dma_start3A_285 = arith.constant 0 : i32
    %dma_start3A_286 = tpu.memref_slice %arg11[%dma_start3A_284, %dma_start3A_285] : memref<3x3920xf32, #tpu.memory_space<vmem>> -> memref<1x3920xf32, #tpu.memory_space<vmem>>
    %dma_start3A_287 = tpu.memref_squeeze %dma_start3A_286 : memref<1x3920xf32, #tpu.memory_space<vmem>> -> memref<3920xf32, #tpu.memory_space<vmem>>
    %dma_start3A_288 = tpu.memref_slice %arg7[%min3A_59] : memref<1000001xf32, #tpu.memory_space<hbm>> -> memref<3920xf32, #tpu.memory_space<hbm>>
    %dma_start3A_289 = tpu.memref_slice %arg7[%min3A_59] : memref<1000001xf32, #tpu.memory_space<hbm>> -> memref<3920xf32, #tpu.memory_space<hbm>>
    %dma_start3A_290 = arith.constant 0 : i32
    %dma_start3A_291 = tpu.memref_slice %arg11[%dma_start3A_284, %dma_start3A_290] : memref<3x3920xf32, #tpu.memory_space<vmem>> -> memref<1x3920xf32, #tpu.memory_space<vmem>>
    %dma_start3A_292 = tpu.memref_squeeze %dma_start3A_291 : memref<1x3920xf32, #tpu.memory_space<vmem>> -> memref<3920xf32, #tpu.memory_space<vmem>>
    tpu.enqueue_dma source(%dma_start3A_292 : memref<3920xf32, #tpu.memory_space<vmem>>) target(%dma_start3A_289 : memref<3920xf32, #tpu.memory_space<hbm>>) target_semaphore(%arg16 : memref<!tpu.dma_semaphore, #tpu.memory_space<semaphore_mem>>)
    %dma_start3A_293 = tpu.memref_slice %arg4[%min3A_75] : memref<1000001xf32, #tpu.memory_space<hbm>> -> memref<3920xf32, #tpu.memory_space<hbm>>
    %dma_start3A_294 = tpu.memref_slice %arg4[%min3A_75] : memref<1000001xf32, #tpu.memory_space<hbm>> -> memref<3920xf32, #tpu.memory_space<hbm>>
    tpu.enqueue_dma source(%dma_start3A_294 : memref<3920xf32, #tpu.memory_space<hbm>>) target(%arg9 : memref<3920xf32, #tpu.memory_space<vmem>>) target_semaphore(%arg14 : memref<!tpu.dma_semaphore, #tpu.memory_space<semaphore_mem>>)
    %dma_wait3A_295 = tpu.memref_slice %arg4[%min3A_67] : memref<1000001xf32, #tpu.memory_space<hbm>> -> memref<3920xf32, #tpu.memory_space<hbm>>
    %dma_wait3A_296 = tpu.memref_slice %arg4[%min3A_67] : memref<1000001xf32, #tpu.memory_space<hbm>> -> memref<3920xf32, #tpu.memory_space<hbm>>
    tpu.wait_dma2 semaphore(%arg13 : memref<!tpu.dma_semaphore, #tpu.memory_space<semaphore_mem>>) src(%dma_wait3A_296 : memref<3920xf32, #tpu.memory_space<hbm>>) dst(%arg8 : memref<3920xf32, #tpu.memory_space<vmem>>)
    %dma_wait3A_297 = arith.constant 0 : i32
    %dma_wait3A_298 = arith.constant 0 : i32
    %dma_wait3A_299 = tpu.memref_slice %arg10[%dma_wait3A_297, %dma_wait3A_298] : memref<3x3920xf32, #tpu.memory_space<vmem>> -> memref<1x3920xf32, #tpu.memory_space<vmem>>
    %dma_wait3A_300 = tpu.memref_squeeze %dma_wait3A_299 : memref<1x3920xf32, #tpu.memory_space<vmem>> -> memref<3920xf32, #tpu.memory_space<vmem>>
    %dma_wait3A_301 = tpu.memref_slice %arg5[%min3A_51] : memref<1000001xf32, #tpu.memory_space<hbm>> -> memref<3920xf32, #tpu.memory_space<hbm>>
    %dma_wait3A_302 = tpu.memref_slice %arg5[%min3A_51] : memref<1000001xf32, #tpu.memory_space<hbm>> -> memref<3920xf32, #tpu.memory_space<hbm>>
    %dma_wait3A_303 = arith.constant 0 : i32
    %dma_wait3A_304 = tpu.memref_slice %arg10[%dma_wait3A_297, %dma_wait3A_303] : memref<3x3920xf32, #tpu.memory_space<vmem>> -> memref<1x3920xf32, #tpu.memory_space<vmem>>
    %dma_wait3A_305 = tpu.memref_squeeze %dma_wait3A_304 : memref<1x3920xf32, #tpu.memory_space<vmem>> -> memref<3920xf32, #tpu.memory_space<vmem>>
    tpu.wait_dma2 semaphore(%arg15 : memref<!tpu.dma_semaphore, #tpu.memory_space<semaphore_mem>>) src(%dma_wait3A_305 : memref<3920xf32, #tpu.memory_space<vmem>>) dst(%dma_wait3A_302 : memref<3920xf32, #tpu.memory_space<hbm>>)
    %dma_wait3A_306 = arith.constant 1 : i32
    %dma_wait3A_307 = arith.constant 0 : i32
    %dma_wait3A_308 = tpu.memref_slice %arg10[%dma_wait3A_306, %dma_wait3A_307] : memref<3x3920xf32, #tpu.memory_space<vmem>> -> memref<1x3920xf32, #tpu.memory_space<vmem>>
    %dma_wait3A_309 = tpu.memref_squeeze %dma_wait3A_308 : memref<1x3920xf32, #tpu.memory_space<vmem>> -> memref<3920xf32, #tpu.memory_space<vmem>>
    %dma_wait3A_310 = tpu.memref_slice %arg6[%min3A_51] : memref<1000001xf32, #tpu.memory_space<hbm>> -> memref<3920xf32, #tpu.memory_space<hbm>>
    %dma_wait3A_311 = tpu.memref_slice %arg6[%min3A_51] : memref<1000001xf32, #tpu.memory_space<hbm>> -> memref<3920xf32, #tpu.memory_space<hbm>>
    %dma_wait3A_312 = arith.constant 0 : i32
    %dma_wait3A_313 = tpu.memref_slice %arg10[%dma_wait3A_306, %dma_wait3A_312] : memref<3x3920xf32, #tpu.memory_space<vmem>> -> memref<1x3920xf32, #tpu.memory_space<vmem>>
    %dma_wait3A_314 = tpu.memref_squeeze %dma_wait3A_313 : memref<1x3920xf32, #tpu.memory_space<vmem>> -> memref<3920xf32, #tpu.memory_space<vmem>>
    tpu.wait_dma2 semaphore(%arg15 : memref<!tpu.dma_semaphore, #tpu.memory_space<semaphore_mem>>) src(%dma_wait3A_314 : memref<3920xf32, #tpu.memory_space<vmem>>) dst(%dma_wait3A_311 : memref<3920xf32, #tpu.memory_space<hbm>>)
    %dma_wait3A_315 = arith.constant 2 : i32
    %dma_wait3A_316 = arith.constant 0 : i32
    %dma_wait3A_317 = tpu.memref_slice %arg10[%dma_wait3A_315, %dma_wait3A_316] : memref<3x3920xf32, #tpu.memory_space<vmem>> -> memref<1x3920xf32, #tpu.memory_space<vmem>>
    %dma_wait3A_318 = tpu.memref_squeeze %dma_wait3A_317 : memref<1x3920xf32, #tpu.memory_space<vmem>> -> memref<3920xf32, #tpu.memory_space<vmem>>
    %dma_wait3A_319 = tpu.memref_slice %arg7[%min3A_51] : memref<1000001xf32, #tpu.memory_space<hbm>> -> memref<3920xf32, #tpu.memory_space<hbm>>
    %dma_wait3A_320 = tpu.memref_slice %arg7[%min3A_51] : memref<1000001xf32, #tpu.memory_space<hbm>> -> memref<3920xf32, #tpu.memory_space<hbm>>
    %dma_wait3A_321 = arith.constant 0 : i32
    %dma_wait3A_322 = tpu.memref_slice %arg10[%dma_wait3A_315, %dma_wait3A_321] : memref<3x3920xf32, #tpu.memory_space<vmem>> -> memref<1x3920xf32, #tpu.memory_space<vmem>>
    %dma_wait3A_323 = tpu.memref_squeeze %dma_wait3A_322 : memref<1x3920xf32, #tpu.memory_space<vmem>> -> memref<3920xf32, #tpu.memory_space<vmem>>
    tpu.wait_dma2 semaphore(%arg15 : memref<!tpu.dma_semaphore, #tpu.memory_space<semaphore_mem>>) src(%dma_wait3A_323 : memref<3920xf32, #tpu.memory_space<vmem>>) dst(%dma_wait3A_320 : memref<3920xf32, #tpu.memory_space<hbm>>)
    %scan3A_324 = arith.constant 0 : i32
    %scan3A_325 = arith.constant 0 : i32
    %scan3A_326 = arith.constant 245 : i32
    %scan3A_327 = arith.addi %scan3A_325, %scan3A_326 : i32
    %scan3A_328 = arith.constant 1 : i32
    scf.for %scan3A_604 = %scan3A_325 to %scan3A_327 step %scan3A_328  : i32 {
      %mul3A_605 = arith.constant 16 : i32
      %mul3A_606 = arith.muli %scan3A_604, %mul3A_605 : i32
      %get3A = arith.index_cast %mul3A_606 : i32 to index
      %get3A_607 = tpu.vector_load %arg8[%get3A] {strides = array<i32>} : memref<3920xf32, #tpu.memory_space<vmem>>, vector<16xf32>,
      %mul3A_608 = arith.constant 9.999700e+04 : f32
      %mul3A_609 = vector.broadcast %mul3A_608 : f32 to vector<16xf32>
      %mul3A_610 = arith.mulf %get3A_607, %mul3A_609 : vector<16xf32>
      %convert_element_type3A_611 = arith.fptosi %mul3A_610 : vector<16xf32> to vector<16xi32>
      %add3A_612 = arith.constant 3 : i32
      %add3A_613 = vector.broadcast %add3A_612 : i32 to vector<16xi32>
      %add3A_614 = arith.addi %convert_element_type3A_611, %add3A_613 : vector<16xi32>
      %jit3A_615 = arith.constant 3 : i32
      %jit3A_616 = arith.constant 99999 : i32
      %max3A_617 = vector.broadcast %jit3A_615 : i32 to vector<16xi32>
      %max3A_618 = arith.maxsi %max3A_617, %add3A_614 : vector<16xi32>
      %min3A_619 = vector.broadcast %jit3A_616 : i32 to vector<16xi32>
      %min3A_620 = arith.minsi %min3A_619, %max3A_618 : vector<16xi32>
      %sub3A_621 = arith.constant 3 : i32
      %sub3A_622 = vector.broadcast %sub3A_621 : i32 to vector<16xi32>
      %sub3A_623 = arith.subi %min3A_620, %sub3A_622 : vector<16xi32>
      %add3A_624 = arith.constant 1 : i32
      %add3A_625 = vector.broadcast %add3A_624 : i32 to vector<16xi32>
      %add3A_626 = arith.addi %sub3A_623, %add3A_625 : vector<16xi32>
      %convert_element_type3A_627 = arith.sitofp %add3A_626 : vector<16xi32> to vector<16xf32>
      %mul3A_628 = arith.constant 1.000030e-05 : f32
      %mul3A_629 = vector.broadcast %mul3A_628 : f32 to vector<16xf32>
      %mul3A_630 = arith.mulf %convert_element_type3A_627, %mul3A_629 : vector<16xf32>
      %jit3A_631 = arith.constant 0.000000e+00 : f32
      %jit3A_632 = arith.constant 1.000000e+00 : f32
      %max3A_633 = vector.broadcast %jit3A_631 : f32 to vector<16xf32>
      %max3A_634 = arith.maximumf %max3A_633, %mul3A_630 : vector<16xf32>
      %min3A_635 = vector.broadcast %jit3A_632 : f32 to vector<16xf32>
      %min3A_636 = arith.minimumf %min3A_635, %max3A_634 : vector<16xf32>
      %ge3A = arith.cmpf oge, %get3A_607, %min3A_636 : vector<16xf32>
      %lt3A = arith.constant 99999 : i32
      %lt3A_637 = vector.broadcast %lt3A : i32 to vector<16xi32>
      %lt3A_638 = arith.cmpi slt, %min3A_620, %lt3A_637 : vector<16xi32>
      %and3A_639 = arith.andi %ge3A, %lt3A_638 : vector<16xi1>
      %jit3A_640 = arith.constant 1 : i32
      %jit3A_641 = arith.constant 0 : i32
      %broadcast_in_dim3A = vector.broadcast %jit3A_640 : i32 to vector<16xi32>
      %broadcast_in_dim3A_642 = vector.broadcast %jit3A_641 : i32 to vector<16xi32>
      %select_n3A_643 = arith.select %and3A_639, %broadcast_in_dim3A, %broadcast_in_dim3A_642 : vector<16xi1>, vector<16xi32>
      %convert_element_type3A_644 = arith.sitofp %sub3A_623 : vector<16xi32> to vector<16xf32>
      %mul3A_645 = arith.constant 1.000030e-05 : f32
      %mul3A_646 = vector.broadcast %mul3A_645 : f32 to vector<16xf32>
      %mul3A_647 = arith.mulf %convert_element_type3A_644, %mul3A_646 : vector<16xf32>
      %jit3A_648 = arith.constant 0.000000e+00 : f32
      %jit3A_649 = arith.constant 1.000000e+00 : f32
      %max3A_650 = vector.broadcast %jit3A_648 : f32 to vector<16xf32>
      %max3A_651 = arith.maximumf %max3A_650, %mul3A_647 : vector<16xf32>
      %min3A_652 = vector.broadcast %jit3A_649 : f32 to vector<16xf32>
      %min3A_653 = arith.minimumf %min3A_652, %max3A_651 : vector<16xf32>
      %lt3A_654 = arith.cmpf olt, %get3A_607, %min3A_653 : vector<16xf32>
      %gt3A = arith.constant 3 : i32
      %gt3A_655 = vector.broadcast %gt3A : i32 to vector<16xi32>
      %gt3A_656 = arith.cmpi sgt, %min3A_620, %gt3A_655 : vector<16xi32>
      %and3A_657 = arith.andi %lt3A_654, %gt3A_656 : vector<16xi1>
      %jit3A_658 = arith.constant 1 : i32
      %jit3A_659 = arith.constant 0 : i32
      %broadcast_in_dim3A_660 = vector.broadcast %jit3A_658 : i32 to vector<16xi32>
      %broadcast_in_dim3A_661 = vector.broadcast %jit3A_659 : i32 to vector<16xi32>
      %select_n3A_662 = arith.select %and3A_657, %broadcast_in_dim3A_660, %broadcast_in_dim3A_661 : vector<16xi1>, vector<16xi32>
      %add3A_663 = arith.addi %min3A_620, %select_n3A_643 : vector<16xi32>
      %sub3A_664 = arith.subi %add3A_663, %select_n3A_662 : vector<16xi32>
      %add3A_665 = arith.addi %sub3A_623, %select_n3A_643 : vector<16xi32>
      %sub3A_666 = arith.subi %add3A_665, %select_n3A_662 : vector<16xi32>
      %sub3A_667 = arith.constant 2 : i32
      %sub3A_668 = vector.broadcast %sub3A_667 : i32 to vector<16xi32>
      %sub3A_669 = arith.subi %sub3A_666, %sub3A_668 : vector<16xi32>
      %convert_element_type3A_670 = arith.sitofp %sub3A_669 : vector<16xi32> to vector<16xf32>
      %mul3A_671 = arith.constant 1.000030e-05 : f32
      %mul3A_672 = vector.broadcast %mul3A_671 : f32 to vector<16xf32>
      %mul3A_673 = arith.mulf %convert_element_type3A_670, %mul3A_672 : vector<16xf32>
      %jit3A_674 = arith.constant 0.000000e+00 : f32
      %jit3A_675 = arith.constant 1.000000e+00 : f32
      %max3A_676 = vector.broadcast %jit3A_674 : f32 to vector<16xf32>
      %max3A_677 = arith.maximumf %max3A_676, %mul3A_673 : vector<16xf32>
      %min3A_678 = vector.broadcast %jit3A_675 : f32 to vector<16xf32>
      %min3A_679 = arith.minimumf %min3A_678, %max3A_677 : vector<16xf32>
      %sub3A_680 = arith.constant 1 : i32
      %sub3A_681 = vector.broadcast %sub3A_680 : i32 to vector<16xi32>
      %sub3A_682 = arith.subi %sub3A_666, %sub3A_681 : vector<16xi32>
      %convert_element_type3A_683 = arith.sitofp %sub3A_682 : vector<16xi32> to vector<16xf32>
      %mul3A_684 = arith.constant 1.000030e-05 : f32
      %mul3A_685 = vector.broadcast %mul3A_684 : f32 to vector<16xf32>
      %mul3A_686 = arith.mulf %convert_element_type3A_683, %mul3A_685 : vector<16xf32>
      %jit3A_687 = arith.constant 0.000000e+00 : f32
      %jit3A_688 = arith.constant 1.000000e+00 : f32
      %max3A_689 = vector.broadcast %jit3A_687 : f32 to vector<16xf32>
      %max3A_690 = arith.maximumf %max3A_689, %mul3A_686 : vector<16xf32>
      %min3A_691 = vector.broadcast %jit3A_688 : f32 to vector<16xf32>
      %min3A_692 = arith.minimumf %min3A_691, %max3A_690 : vector<16xf32>
      %convert_element_type3A_693 = arith.sitofp %sub3A_666 : vector<16xi32> to vector<16xf32>
      %mul3A_694 = arith.constant 1.000030e-05 : f32
      %mul3A_695 = vector.broadcast %mul3A_694 : f32 to vector<16xf32>
      %mul3A_696 = arith.mulf %convert_element_type3A_693, %mul3A_695 : vector<16xf32>
      %jit3A_697 = arith.constant 0.000000e+00 : f32
      %jit3A_698 = arith.constant 1.000000e+00 : f32
      %max3A_699 = vector.broadcast %jit3A_697 : f32 to vector<16xf32>
      %max3A_700 = arith.maximumf %max3A_699, %mul3A_696 : vector<16xf32>
      %min3A_701 = vector.broadcast %jit3A_698 : f32 to vector<16xf32>
      %min3A_702 = arith.minimumf %min3A_701, %max3A_700 : vector<16xf32>
      %add3A_703 = arith.constant 1 : i32
      %add3A_704 = vector.broadcast %add3A_703 : i32 to vector<16xi32>
      %add3A_705 = arith.addi %sub3A_666, %add3A_704 : vector<16xi32>
      %convert_element_type3A_706 = arith.sitofp %add3A_705 : vector<16xi32> to vector<16xf32>
      %mul3A_707 = arith.constant 1.000030e-05 : f32
      %mul3A_708 = vector.broadcast %mul3A_707 : f32 to vector<16xf32>
      %mul3A_709 = arith.mulf %convert_element_type3A_706, %mul3A_708 : vector<16xf32>
      %jit3A_710 = arith.constant 0.000000e+00 : f32
      %jit3A_711 = arith.constant 1.000000e+00 : f32
      %max3A_712 = vector.broadcast %jit3A_710 : f32 to vector<16xf32>
      %max3A_713 = arith.maximumf %max3A_712, %mul3A_709 : vector<16xf32>
      %min3A_714 = vector.broadcast %jit3A_711 : f32 to vector<16xf32>
      %min3A_715 = arith.minimumf %min3A_714, %max3A_713 : vector<16xf32>
      %add3A_716 = arith.constant 2 : i32
      %add3A_717 = vector.broadcast %add3A_716 : i32 to vector<16xi32>
      %add3A_718 = arith.addi %sub3A_666, %add3A_717 : vector<16xi32>
      %convert_element_type3A_719 = arith.sitofp %add3A_718 : vector<16xi32> to vector<16xf32>
      %mul3A_720 = arith.constant 1.000030e-05 : f32
      %mul3A_721 = vector.broadcast %mul3A_720 : f32 to vector<16xf32>
      %mul3A_722 = arith.mulf %convert_element_type3A_719, %mul3A_721 : vector<16xf32>
      %jit3A_723 = arith.constant 0.000000e+00 : f32
      %jit3A_724 = arith.constant 1.000000e+00 : f32
      %max3A_725 = vector.broadcast %jit3A_723 : f32 to vector<16xf32>
      %max3A_726 = arith.maximumf %max3A_725, %mul3A_722 : vector<16xf32>
      %min3A_727 = vector.broadcast %jit3A_724 : f32 to vector<16xf32>
      %min3A_728 = arith.minimumf %min3A_727, %max3A_726 : vector<16xf32>
      %add3A_729 = arith.constant 3 : i32
      %add3A_730 = vector.broadcast %add3A_729 : i32 to vector<16xi32>
      %add3A_731 = arith.addi %sub3A_666, %add3A_730 : vector<16xi32>
      %convert_element_type3A_732 = arith.sitofp %add3A_731 : vector<16xi32> to vector<16xf32>
      %mul3A_733 = arith.constant 1.000030e-05 : f32
      %mul3A_734 = vector.broadcast %mul3A_733 : f32 to vector<16xf32>
      %mul3A_735 = arith.mulf %convert_element_type3A_732, %mul3A_734 : vector<16xf32>
      %jit3A_736 = arith.constant 0.000000e+00 : f32
      %jit3A_737 = arith.constant 1.000000e+00 : f32
      %max3A_738 = vector.broadcast %jit3A_736 : f32 to vector<16xf32>
      %max3A_739 = arith.maximumf %max3A_738, %mul3A_735 : vector<16xf32>
      %min3A_740 = vector.broadcast %jit3A_737 : f32 to vector<16xf32>
      %min3A_741 = arith.minimumf %min3A_740, %max3A_739 : vector<16xf32>
      %sub3A_742 = arith.subf %get3A_607, %min3A_702 : vector<16xf32>
      %sub3A_743 = arith.subf %get3A_607, %min3A_692 : vector<16xf32>
      %sub3A_744 = arith.subf %get3A_607, %min3A_679 : vector<16xf32>
      %sub3A_745 = arith.subf %min3A_715, %get3A_607 : vector<16xf32>
      %sub3A_746 = arith.subf %min3A_728, %get3A_607 : vector<16xf32>
      %sub3A_747 = arith.subf %min3A_741, %get3A_607 : vector<16xf32>
      %add3A_748 = arith.addf %sub3A_745, %sub3A_742 : vector<16xf32>
      %div3A_749 = arith.constant 1.000000e+00 : f32
      %div3A_750 = vector.broadcast %div3A_749 : f32 to vector<16xf32>
      %div3A_751 = arith.divf %div3A_750, %add3A_748 : vector<16xf32>
      %mul3A_752 = arith.mulf %sub3A_745, %div3A_751 : vector<16xf32>
      %mul3A_753 = arith.mulf %sub3A_742, %div3A_751 : vector<16xf32>
      %add3A_754 = arith.addf %sub3A_745, %sub3A_743 : vector<16xf32>
      %div3A_755 = arith.divf %mul3A_752, %add3A_754 : vector<16xf32>
      %mul3A_756 = arith.mulf %sub3A_745, %div3A_755 : vector<16xf32>
      %mul3A_757 = arith.mulf %sub3A_743, %div3A_755 : vector<16xf32>
      %add3A_758 = arith.addf %sub3A_746, %sub3A_742 : vector<16xf32>
      %div3A_759 = arith.divf %mul3A_753, %add3A_758 : vector<16xf32>
      %mul3A_760 = arith.mulf %sub3A_746, %div3A_759 : vector<16xf32>
      %add3A_761 = arith.addf %mul3A_757, %mul3A_760 : vector<16xf32>
      %mul3A_762 = arith.mulf %sub3A_742, %div3A_759 : vector<16xf32>
      %add3A_763 = arith.addf %sub3A_745, %sub3A_744 : vector<16xf32>
      %div3A_764 = arith.divf %mul3A_756, %add3A_763 : vector<16xf32>
      %mul3A_765 = arith.mulf %sub3A_745, %div3A_764 : vector<16xf32>
      %mul3A_766 = arith.mulf %sub3A_744, %div3A_764 : vector<16xf32>
      %add3A_767 = arith.addf %sub3A_746, %sub3A_743 : vector<16xf32>
      %div3A_768 = arith.divf %add3A_761, %add3A_767 : vector<16xf32>
      %mul3A_769 = arith.mulf %sub3A_746, %div3A_768 : vector<16xf32>
      %add3A_770 = arith.addf %mul3A_766, %mul3A_769 : vector<16xf32>
      %mul3A_771 = arith.mulf %sub3A_743, %div3A_768 : vector<16xf32>
      %add3A_772 = arith.addf %sub3A_747, %sub3A_742 : vector<16xf32>
      %div3A_773 = arith.divf %mul3A_762, %add3A_772 : vector<16xf32>
      %mul3A_774 = arith.mulf %sub3A_747, %div3A_773 : vector<16xf32>
      %add3A_775 = arith.addf %mul3A_771, %mul3A_774 : vector<16xf32>
      %mul3A_776 = arith.mulf %sub3A_742, %div3A_773 : vector<16xf32>
      %sub3A_777 = vector.broadcast %mul3A_27 : i32 to vector<16xi32>
      %sub3A_778 = arith.subi %sub3A_664, %sub3A_777 : vector<16xi32>
      %sub3A_779 = arith.constant 3 : i32
      %sub3A_780 = vector.broadcast %sub3A_779 : i32 to vector<16xi32>
      %sub3A_781 = arith.subi %sub3A_778, %sub3A_780 : vector<16xi32>
      %mul3A_782 = arith.constant 0 : i32
      %mul3A_783 = vector.broadcast %mul3A_782 : i32 to vector<16xi32>
      %mul3A_784 = arith.muli %sub3A_781, %mul3A_783 : vector<16xi32>
      %add3A_785 = arith.constant 0 : i32
      %add3A_786 = vector.broadcast %add3A_785 : i32 to vector<16xi32>
      %add3A_787 = arith.addi %sub3A_781, %add3A_786 : vector<16xi32>
      %add3A_788 = arith.constant 0 : i32
      %add3A_789 = vector.broadcast %add3A_788 : i32 to vector<16xi32>
      %add3A_790 = arith.addi %mul3A_784, %add3A_789 : vector<16xi32>
      %gather3A = tpu.vector_load_idx %arg12[%add3A_787, %add3A_790] : memref<3176x3xf32, #tpu.memory_space<vmem>>[vector<16xi32>, vector<16xi32>], vector<16xf32>,
      %add3A_791 = arith.constant 0 : i32
      %add3A_792 = vector.broadcast %add3A_791 : i32 to vector<16xi32>
      %add3A_793 = arith.addi %sub3A_781, %add3A_792 : vector<16xi32>
      %add3A_794 = arith.constant 1 : i32
      %add3A_795 = vector.broadcast %add3A_794 : i32 to vector<16xi32>
      %add3A_796 = arith.addi %mul3A_784, %add3A_795 : vector<16xi32>
      %gather3A_797 = tpu.vector_load_idx %arg12[%add3A_793, %add3A_796] : memref<3176x3xf32, #tpu.memory_space<vmem>>[vector<16xi32>, vector<16xi32>], vector<16xf32>,
      %add3A_798 = arith.constant 0 : i32
      %add3A_799 = vector.broadcast %add3A_798 : i32 to vector<16xi32>
      %add3A_800 = arith.addi %sub3A_781, %add3A_799 : vector<16xi32>
      %add3A_801 = arith.constant 2 : i32
      %add3A_802 = vector.broadcast %add3A_801 : i32 to vector<16xi32>
      %add3A_803 = arith.addi %mul3A_784, %add3A_802 : vector<16xi32>
      %gather3A_804 = tpu.vector_load_idx %arg12[%add3A_800, %add3A_803] : memref<3176x3xf32, #tpu.memory_space<vmem>>[vector<16xi32>, vector<16xi32>], vector<16xf32>,
      %add3A_805 = arith.constant 1 : i32
      %add3A_806 = vector.broadcast %add3A_805 : i32 to vector<16xi32>
      %add3A_807 = arith.addi %sub3A_781, %add3A_806 : vector<16xi32>
      %add3A_808 = arith.constant 0 : i32
      %add3A_809 = vector.broadcast %add3A_808 : i32 to vector<16xi32>
      %add3A_810 = arith.addi %mul3A_784, %add3A_809 : vector<16xi32>
      %gather3A_811 = tpu.vector_load_idx %arg12[%add3A_807, %add3A_810] : memref<3176x3xf32, #tpu.memory_space<vmem>>[vector<16xi32>, vector<16xi32>], vector<16xf32>,
      %add3A_812 = arith.constant 1 : i32
      %add3A_813 = vector.broadcast %add3A_812 : i32 to vector<16xi32>
      %add3A_814 = arith.addi %sub3A_781, %add3A_813 : vector<16xi32>
      %add3A_815 = arith.constant 1 : i32
      %add3A_816 = vector.broadcast %add3A_815 : i32 to vector<16xi32>
      %add3A_817 = arith.addi %mul3A_784, %add3A_816 : vector<16xi32>
      %gather3A_818 = tpu.vector_load_idx %arg12[%add3A_814, %add3A_817] : memref<3176x3xf32, #tpu.memory_space<vmem>>[vector<16xi32>, vector<16xi32>], vector<16xf32>,
      %add3A_819 = arith.constant 1 : i32
      %add3A_820 = vector.broadcast %add3A_819 : i32 to vector<16xi32>
      %add3A_821 = arith.addi %sub3A_781, %add3A_820 : vector<16xi32>
      %add3A_822 = arith.constant 2 : i32
      %add3A_823 = vector.broadcast %add3A_822 : i32 to vector<16xi32>
      %add3A_824 = arith.addi %mul3A_784, %add3A_823 : vector<16xi32>
      %gather3A_825 = tpu.vector_load_idx %arg12[%add3A_821, %add3A_824] : memref<3176x3xf32, #tpu.memory_space<vmem>>[vector<16xi32>, vector<16xi32>], vector<16xf32>,
      %add3A_826 = arith.constant 2 : i32
      %add3A_827 = vector.broadcast %add3A_826 : i32 to vector<16xi32>
      %add3A_828 = arith.addi %sub3A_781, %add3A_827 : vector<16xi32>
      %add3A_829 = arith.constant 0 : i32
      %add3A_830 = vector.broadcast %add3A_829 : i32 to vector<16xi32>
      %add3A_831 = arith.addi %mul3A_784, %add3A_830 : vector<16xi32>
      %gather3A_832 = tpu.vector_load_idx %arg12[%add3A_828, %add3A_831] : memref<3176x3xf32, #tpu.memory_space<vmem>>[vector<16xi32>, vector<16xi32>], vector<16xf32>,
      %add3A_833 = arith.constant 2 : i32
      %add3A_834 = vector.broadcast %add3A_833 : i32 to vector<16xi32>
      %add3A_835 = arith.addi %sub3A_781, %add3A_834 : vector<16xi32>
      %add3A_836 = arith.constant 1 : i32
      %add3A_837 = vector.broadcast %add3A_836 : i32 to vector<16xi32>
      %add3A_838 = arith.addi %mul3A_784, %add3A_837 : vector<16xi32>
      %gather3A_839 = tpu.vector_load_idx %arg12[%add3A_835, %add3A_838] : memref<3176x3xf32, #tpu.memory_space<vmem>>[vector<16xi32>, vector<16xi32>], vector<16xf32>,
      %add3A_840 = arith.constant 2 : i32
      %add3A_841 = vector.broadcast %add3A_840 : i32 to vector<16xi32>
      %add3A_842 = arith.addi %sub3A_781, %add3A_841 : vector<16xi32>
      %add3A_843 = arith.constant 2 : i32
      %add3A_844 = vector.broadcast %add3A_843 : i32 to vector<16xi32>
      %add3A_845 = arith.addi %mul3A_784, %add3A_844 : vector<16xi32>
      %gather3A_846 = tpu.vector_load_idx %arg12[%add3A_842, %add3A_845] : memref<3176x3xf32, #tpu.memory_space<vmem>>[vector<16xi32>, vector<16xi32>], vector<16xf32>,
      %add3A_847 = arith.constant 3 : i32
      %add3A_848 = vector.broadcast %add3A_847 : i32 to vector<16xi32>
      %add3A_849 = arith.addi %sub3A_781, %add3A_848 : vector<16xi32>
      %add3A_850 = arith.constant 0 : i32
      %add3A_851 = vector.broadcast %add3A_850 : i32 to vector<16xi32>
      %add3A_852 = arith.addi %mul3A_784, %add3A_851 : vector<16xi32>
      %gather3A_853 = tpu.vector_load_idx %arg12[%add3A_849, %add3A_852] : memref<3176x3xf32, #tpu.memory_space<vmem>>[vector<16xi32>, vector<16xi32>], vector<16xf32>,
      %add3A_854 = arith.constant 3 : i32
      %add3A_855 = vector.broadcast %add3A_854 : i32 to vector<16xi32>
      %add3A_856 = arith.addi %sub3A_781, %add3A_855 : vector<16xi32>
      %add3A_857 = arith.constant 1 : i32
      %add3A_858 = vector.broadcast %add3A_857 : i32 to vector<16xi32>
      %add3A_859 = arith.addi %mul3A_784, %add3A_858 : vector<16xi32>
      %gather3A_860 = tpu.vector_load_idx %arg12[%add3A_856, %add3A_859] : memref<3176x3xf32, #tpu.memory_space<vmem>>[vector<16xi32>, vector<16xi32>], vector<16xf32>,
      %add3A_861 = arith.constant 3 : i32
      %add3A_862 = vector.broadcast %add3A_861 : i32 to vector<16xi32>
      %add3A_863 = arith.addi %sub3A_781, %add3A_862 : vector<16xi32>
      %add3A_864 = arith.constant 2 : i32
      %add3A_865 = vector.broadcast %add3A_864 : i32 to vector<16xi32>
      %add3A_866 = arith.addi %mul3A_784, %add3A_865 : vector<16xi32>
      %gather3A_867 = tpu.vector_load_idx %arg12[%add3A_863, %add3A_866] : memref<3176x3xf32, #tpu.memory_space<vmem>>[vector<16xi32>, vector<16xi32>], vector<16xf32>,
      %mul3A_868 = arith.mulf %mul3A_765, %gather3A : vector<16xf32>
      %mul3A_869 = arith.mulf %add3A_770, %gather3A_811 : vector<16xf32>
      %add3A_870 = arith.addf %mul3A_868, %mul3A_869 : vector<16xf32>
      %mul3A_871 = arith.mulf %add3A_775, %gather3A_832 : vector<16xf32>
      %add3A_872 = arith.addf %add3A_870, %mul3A_871 : vector<16xf32>
      %mul3A_873 = arith.mulf %mul3A_776, %gather3A_853 : vector<16xf32>
      %add3A_874 = arith.addf %add3A_872, %mul3A_873 : vector<16xf32>
      %mul3A_875 = arith.mulf %mul3A_765, %gather3A_797 : vector<16xf32>
      %mul3A_876 = arith.mulf %add3A_770, %gather3A_818 : vector<16xf32>
      %add3A_877 = arith.addf %mul3A_875, %mul3A_876 : vector<16xf32>
      %mul3A_878 = arith.mulf %add3A_775, %gather3A_839 : vector<16xf32>
      %add3A_879 = arith.addf %add3A_877, %mul3A_878 : vector<16xf32>
      %mul3A_880 = arith.mulf %mul3A_776, %gather3A_860 : vector<16xf32>
      %add3A_881 = arith.addf %add3A_879, %mul3A_880 : vector<16xf32>
      %mul3A_882 = arith.mulf %mul3A_765, %gather3A_804 : vector<16xf32>
      %mul3A_883 = arith.mulf %add3A_770, %gather3A_825 : vector<16xf32>
      %add3A_884 = arith.addf %mul3A_882, %mul3A_883 : vector<16xf32>
      %mul3A_885 = arith.mulf %add3A_775, %gather3A_846 : vector<16xf32>
      %add3A_886 = arith.addf %add3A_884, %mul3A_885 : vector<16xf32>
      %mul3A_887 = arith.mulf %mul3A_776, %gather3A_867 : vector<16xf32>
      %add3A_888 = arith.addf %add3A_886, %mul3A_887 : vector<16xf32>
      %mul3A_889 = arith.constant 16 : i32
      %mul3A_890 = arith.muli %scan3A_604, %mul3A_889 : i32
      %swap3A = arith.constant 0 : i32
      %swap3A_891 = arith.index_cast %swap3A : i32 to index
      %swap3A_892 = arith.index_cast %mul3A_890 : i32 to index
      %swap3A_893 = tpu.vector_load %arg10[%swap3A_891, %swap3A_892] {strides = array<i32>} : memref<3x3920xf32, #tpu.memory_space<vmem>>, vector<16xf32>,
      tpu.vector_store %arg10[%swap3A_891, %swap3A_892], %add3A_874 {strides = array<i32>} : memref<3x3920xf32, #tpu.memory_space<vmem>>, vector<16xf32>,
      %mul3A_894 = arith.constant 16 : i32
      %mul3A_895 = arith.muli %scan3A_604, %mul3A_894 : i32
      %swap3A_896 = arith.constant 1 : i32
      %swap3A_897 = arith.index_cast %swap3A_896 : i32 to index
      %swap3A_898 = arith.index_cast %mul3A_895 : i32 to index
      %swap3A_899 = tpu.vector_load %arg10[%swap3A_897, %swap3A_898] {strides = array<i32>} : memref<3x3920xf32, #tpu.memory_space<vmem>>, vector<16xf32>,
      tpu.vector_store %arg10[%swap3A_897, %swap3A_898], %add3A_881 {strides = array<i32>} : memref<3x3920xf32, #tpu.memory_space<vmem>>, vector<16xf32>,
      %mul3A_900 = arith.constant 16 : i32
      %mul3A_901 = arith.muli %scan3A_604, %mul3A_900 : i32
      %swap3A_902 = arith.constant 2 : i32
      %swap3A_903 = arith.index_cast %swap3A_902 : i32 to index
      %swap3A_904 = arith.index_cast %mul3A_901 : i32 to index
      %swap3A_905 = tpu.vector_load %arg10[%swap3A_903, %swap3A_904] {strides = array<i32>} : memref<3x3920xf32, #tpu.memory_space<vmem>>, vector<16xf32>,
      tpu.vector_store %arg10[%swap3A_903, %swap3A_904], %add3A_888 {strides = array<i32>} : memref<3x3920xf32, #tpu.memory_space<vmem>>, vector<16xf32>,
    }
    %scan3A_329 = arith.constant 245 : i32
    %dma_start3A_330 = arith.constant 0 : i32
    %dma_start3A_331 = arith.constant 0 : i32
    %dma_start3A_332 = tpu.memref_slice %arg10[%dma_start3A_330, %dma_start3A_331] : memref<3x3920xf32, #tpu.memory_space<vmem>> -> memref<1x3920xf32, #tpu.memory_space<vmem>>
    %dma_start3A_333 = tpu.memref_squeeze %dma_start3A_332 : memref<1x3920xf32, #tpu.memory_space<vmem>> -> memref<3920xf32, #tpu.memory_space<vmem>>
    %dma_start3A_334 = tpu.memref_slice %arg5[%min3A_67] : memref<1000001xf32, #tpu.memory_space<hbm>> -> memref<3920xf32, #tpu.memory_space<hbm>>
    %dma_start3A_335 = tpu.memref_slice %arg5[%min3A_67] : memref<1000001xf32, #tpu.memory_space<hbm>> -> memref<3920xf32, #tpu.memory_space<hbm>>
    %dma_start3A_336 = arith.constant 0 : i32
    %dma_start3A_337 = tpu.memref_slice %arg10[%dma_start3A_330, %dma_start3A_336] : memref<3x3920xf32, #tpu.memory_space<vmem>> -> memref<1x3920xf32, #tpu.memory_space<vmem>>
    %dma_start3A_338 = tpu.memref_squeeze %dma_start3A_337 : memref<1x3920xf32, #tpu.memory_space<vmem>> -> memref<3920xf32, #tpu.memory_space<vmem>>
    tpu.enqueue_dma source(%dma_start3A_338 : memref<3920xf32, #tpu.memory_space<vmem>>) target(%dma_start3A_335 : memref<3920xf32, #tpu.memory_space<hbm>>) target_semaphore(%arg15 : memref<!tpu.dma_semaphore, #tpu.memory_space<semaphore_mem>>)
    %dma_start3A_339 = arith.constant 1 : i32
    %dma_start3A_340 = arith.constant 0 : i32
    %dma_start3A_341 = tpu.memref_slice %arg10[%dma_start3A_339, %dma_start3A_340] : memref<3x3920xf32, #tpu.memory_space<vmem>> -> memref<1x3920xf32, #tpu.memory_space<vmem>>
    %dma_start3A_342 = tpu.memref_squeeze %dma_start3A_341 : memref<1x3920xf32, #tpu.memory_space<vmem>> -> memref<3920xf32, #tpu.memory_space<vmem>>
    %dma_start3A_343 = tpu.memref_slice %arg6[%min3A_67] : memref<1000001xf32, #tpu.memory_space<hbm>> -> memref<3920xf32, #tpu.memory_space<hbm>>
    %dma_start3A_344 = tpu.memref_slice %arg6[%min3A_67] : memref<1000001xf32, #tpu.memory_space<hbm>> -> memref<3920xf32, #tpu.memory_space<hbm>>
    %dma_start3A_345 = arith.constant 0 : i32
    %dma_start3A_346 = tpu.memref_slice %arg10[%dma_start3A_339, %dma_start3A_345] : memref<3x3920xf32, #tpu.memory_space<vmem>> -> memref<1x3920xf32, #tpu.memory_space<vmem>>
    %dma_start3A_347 = tpu.memref_squeeze %dma_start3A_346 : memref<1x3920xf32, #tpu.memory_space<vmem>> -> memref<3920xf32, #tpu.memory_space<vmem>>
    tpu.enqueue_dma source(%dma_start3A_347 : memref<3920xf32, #tpu.memory_space<vmem>>) target(%dma_start3A_344 : memref<3920xf32, #tpu.memory_space<hbm>>) target_semaphore(%arg15 : memref<!tpu.dma_semaphore, #tpu.memory_space<semaphore_mem>>)
    %dma_start3A_348 = arith.constant 2 : i32
    %dma_start3A_349 = arith.constant 0 : i32
    %dma_start3A_350 = tpu.memref_slice %arg10[%dma_start3A_348, %dma_start3A_349] : memref<3x3920xf32, #tpu.memory_space<vmem>> -> memref<1x3920xf32, #tpu.memory_space<vmem>>
    %dma_start3A_351 = tpu.memref_squeeze %dma_start3A_350 : memref<1x3920xf32, #tpu.memory_space<vmem>> -> memref<3920xf32, #tpu.memory_space<vmem>>
    %dma_start3A_352 = tpu.memref_slice %arg7[%min3A_67] : memref<1000001xf32, #tpu.memory_space<hbm>> -> memref<3920xf32, #tpu.memory_space<hbm>>
    %dma_start3A_353 = tpu.memref_slice %arg7[%min3A_67] : memref<1000001xf32, #tpu.memory_space<hbm>> -> memref<3920xf32, #tpu.memory_space<hbm>>
    %dma_start3A_354 = arith.constant 0 : i32
    %dma_start3A_355 = tpu.memref_slice %arg10[%dma_start3A_348, %dma_start3A_354] : memref<3x3920xf32, #tpu.memory_space<vmem>> -> memref<1x3920xf32, #tpu.memory_space<vmem>>
    %dma_start3A_356 = tpu.memref_squeeze %dma_start3A_355 : memref<1x3920xf32, #tpu.memory_space<vmem>> -> memref<3920xf32, #tpu.memory_space<vmem>>
    tpu.enqueue_dma source(%dma_start3A_356 : memref<3920xf32, #tpu.memory_space<vmem>>) target(%dma_start3A_353 : memref<3920xf32, #tpu.memory_space<hbm>>) target_semaphore(%arg15 : memref<!tpu.dma_semaphore, #tpu.memory_space<semaphore_mem>>)
    %dma_start3A_357 = tpu.memref_slice %arg4[%min3A_83] : memref<1000001xf32, #tpu.memory_space<hbm>> -> memref<3920xf32, #tpu.memory_space<hbm>>
    %dma_start3A_358 = tpu.memref_slice %arg4[%min3A_83] : memref<1000001xf32, #tpu.memory_space<hbm>> -> memref<3920xf32, #tpu.memory_space<hbm>>
    tpu.enqueue_dma source(%dma_start3A_358 : memref<3920xf32, #tpu.memory_space<hbm>>) target(%arg8 : memref<3920xf32, #tpu.memory_space<vmem>>) target_semaphore(%arg13 : memref<!tpu.dma_semaphore, #tpu.memory_space<semaphore_mem>>)
    %dma_wait3A_359 = tpu.memref_slice %arg4[%min3A_75] : memref<1000001xf32, #tpu.memory_space<hbm>> -> memref<3920xf32, #tpu.memory_space<hbm>>
    %dma_wait3A_360 = tpu.memref_slice %arg4[%min3A_75] : memref<1000001xf32, #tpu.memory_space<hbm>> -> memref<3920xf32, #tpu.memory_space<hbm>>
    tpu.wait_dma2 semaphore(%arg14 : memref<!tpu.dma_semaphore, #tpu.memory_space<semaphore_mem>>) src(%dma_wait3A_360 : memref<3920xf32, #tpu.memory_space<hbm>>) dst(%arg9 : memref<3920xf32, #tpu.memory_space<vmem>>)
    %dma_wait3A_361 = arith.constant 0 : i32
    %dma_wait3A_362 = arith.constant 0 : i32
    %dma_wait3A_363 = tpu.memref_slice %arg11[%dma_wait3A_361, %dma_wait3A_362] : memref<3x3920xf32, #tpu.memory_space<vmem>> -> memref<1x3920xf32, #tpu.memory_space<vmem>>
    %dma_wait3A_364 = tpu.memref_squeeze %dma_wait3A_363 : memref<1x3920xf32, #tpu.memory_space<vmem>> -> memref<3920xf32, #tpu.memory_space<vmem>>
    %dma_wait3A_365 = tpu.memref_slice %arg5[%min3A_59] : memref<1000001xf32, #tpu.memory_space<hbm>> -> memref<3920xf32, #tpu.memory_space<hbm>>
    %dma_wait3A_366 = tpu.memref_slice %arg5[%min3A_59] : memref<1000001xf32, #tpu.memory_space<hbm>> -> memref<3920xf32, #tpu.memory_space<hbm>>
    %dma_wait3A_367 = arith.constant 0 : i32
    %dma_wait3A_368 = tpu.memref_slice %arg11[%dma_wait3A_361, %dma_wait3A_367] : memref<3x3920xf32, #tpu.memory_space<vmem>> -> memref<1x3920xf32, #tpu.memory_space<vmem>>
    %dma_wait3A_369 = tpu.memref_squeeze %dma_wait3A_368 : memref<1x3920xf32, #tpu.memory_space<vmem>> -> memref<3920xf32, #tpu.memory_space<vmem>>
    tpu.wait_dma2 semaphore(%arg16 : memref<!tpu.dma_semaphore, #tpu.memory_space<semaphore_mem>>) src(%dma_wait3A_369 : memref<3920xf32, #tpu.memory_space<vmem>>) dst(%dma_wait3A_366 : memref<3920xf32, #tpu.memory_space<hbm>>)
    %dma_wait3A_370 = arith.constant 1 : i32
    %dma_wait3A_371 = arith.constant 0 : i32
    %dma_wait3A_372 = tpu.memref_slice %arg11[%dma_wait3A_370, %dma_wait3A_371] : memref<3x3920xf32, #tpu.memory_space<vmem>> -> memref<1x3920xf32, #tpu.memory_space<vmem>>
    %dma_wait3A_373 = tpu.memref_squeeze %dma_wait3A_372 : memref<1x3920xf32, #tpu.memory_space<vmem>> -> memref<3920xf32, #tpu.memory_space<vmem>>
    %dma_wait3A_374 = tpu.memref_slice %arg6[%min3A_59] : memref<1000001xf32, #tpu.memory_space<hbm>> -> memref<3920xf32, #tpu.memory_space<hbm>>
    %dma_wait3A_375 = tpu.memref_slice %arg6[%min3A_59] : memref<1000001xf32, #tpu.memory_space<hbm>> -> memref<3920xf32, #tpu.memory_space<hbm>>
    %dma_wait3A_376 = arith.constant 0 : i32
    %dma_wait3A_377 = tpu.memref_slice %arg11[%dma_wait3A_370, %dma_wait3A_376] : memref<3x3920xf32, #tpu.memory_space<vmem>> -> memref<1x3920xf32, #tpu.memory_space<vmem>>
    %dma_wait3A_378 = tpu.memref_squeeze %dma_wait3A_377 : memref<1x3920xf32, #tpu.memory_space<vmem>> -> memref<3920xf32, #tpu.memory_space<vmem>>
    tpu.wait_dma2 semaphore(%arg16 : memref<!tpu.dma_semaphore, #tpu.memory_space<semaphore_mem>>) src(%dma_wait3A_378 : memref<3920xf32, #tpu.memory_space<vmem>>) dst(%dma_wait3A_375 : memref<3920xf32, #tpu.memory_space<hbm>>)
    %dma_wait3A_379 = arith.constant 2 : i32
    %dma_wait3A_380 = arith.constant 0 : i32
    %dma_wait3A_381 = tpu.memref_slice %arg11[%dma_wait3A_379, %dma_wait3A_380] : memref<3x3920xf32, #tpu.memory_space<vmem>> -> memref<1x3920xf32, #tpu.memory_space<vmem>>
    %dma_wait3A_382 = tpu.memref_squeeze %dma_wait3A_381 : memref<1x3920xf32, #tpu.memory_space<vmem>> -> memref<3920xf32, #tpu.memory_space<vmem>>
    %dma_wait3A_383 = tpu.memref_slice %arg7[%min3A_59] : memref<1000001xf32, #tpu.memory_space<hbm>> -> memref<3920xf32, #tpu.memory_space<hbm>>
    %dma_wait3A_384 = tpu.memref_slice %arg7[%min3A_59] : memref<1000001xf32, #tpu.memory_space<hbm>> -> memref<3920xf32, #tpu.memory_space<hbm>>
    %dma_wait3A_385 = arith.constant 0 : i32
    %dma_wait3A_386 = tpu.memref_slice %arg11[%dma_wait3A_379, %dma_wait3A_385] : memref<3x3920xf32, #tpu.memory_space<vmem>> -> memref<1x3920xf32, #tpu.memory_space<vmem>>
    %dma_wait3A_387 = tpu.memref_squeeze %dma_wait3A_386 : memref<1x3920xf32, #tpu.memory_space<vmem>> -> memref<3920xf32, #tpu.memory_space<vmem>>
    tpu.wait_dma2 semaphore(%arg16 : memref<!tpu.dma_semaphore, #tpu.memory_space<semaphore_mem>>) src(%dma_wait3A_387 : memref<3920xf32, #tpu.memory_space<vmem>>) dst(%dma_wait3A_384 : memref<3920xf32, #tpu.memory_space<hbm>>)
    %scan3A_388 = arith.constant 0 : i32
    %scan3A_389 = arith.constant 0 : i32
    %scan3A_390 = arith.constant 245 : i32
    %scan3A_391 = arith.addi %scan3A_389, %scan3A_390 : i32
    %scan3A_392 = arith.constant 1 : i32
    scf.for %scan3A_604 = %scan3A_389 to %scan3A_391 step %scan3A_392  : i32 {
      %mul3A_605 = arith.constant 16 : i32
      %mul3A_606 = arith.muli %scan3A_604, %mul3A_605 : i32
      %get3A = arith.index_cast %mul3A_606 : i32 to index
      %get3A_607 = tpu.vector_load %arg9[%get3A] {strides = array<i32>} : memref<3920xf32, #tpu.memory_space<vmem>>, vector<16xf32>,
      %mul3A_608 = arith.constant 9.999700e+04 : f32
      %mul3A_609 = vector.broadcast %mul3A_608 : f32 to vector<16xf32>
      %mul3A_610 = arith.mulf %get3A_607, %mul3A_609 : vector<16xf32>
      %convert_element_type3A_611 = arith.fptosi %mul3A_610 : vector<16xf32> to vector<16xi32>
      %add3A_612 = arith.constant 3 : i32
      %add3A_613 = vector.broadcast %add3A_612 : i32 to vector<16xi32>
      %add3A_614 = arith.addi %convert_element_type3A_611, %add3A_613 : vector<16xi32>
      %jit3A_615 = arith.constant 3 : i32
      %jit3A_616 = arith.constant 99999 : i32
      %max3A_617 = vector.broadcast %jit3A_615 : i32 to vector<16xi32>
      %max3A_618 = arith.maxsi %max3A_617, %add3A_614 : vector<16xi32>
      %min3A_619 = vector.broadcast %jit3A_616 : i32 to vector<16xi32>
      %min3A_620 = arith.minsi %min3A_619, %max3A_618 : vector<16xi32>
      %sub3A_621 = arith.constant 3 : i32
      %sub3A_622 = vector.broadcast %sub3A_621 : i32 to vector<16xi32>
      %sub3A_623 = arith.subi %min3A_620, %sub3A_622 : vector<16xi32>
      %add3A_624 = arith.constant 1 : i32
      %add3A_625 = vector.broadcast %add3A_624 : i32 to vector<16xi32>
      %add3A_626 = arith.addi %sub3A_623, %add3A_625 : vector<16xi32>
      %convert_element_type3A_627 = arith.sitofp %add3A_626 : vector<16xi32> to vector<16xf32>
      %mul3A_628 = arith.constant 1.000030e-05 : f32
      %mul3A_629 = vector.broadcast %mul3A_628 : f32 to vector<16xf32>
      %mul3A_630 = arith.mulf %convert_element_type3A_627, %mul3A_629 : vector<16xf32>
      %jit3A_631 = arith.constant 0.000000e+00 : f32
      %jit3A_632 = arith.constant 1.000000e+00 : f32
      %max3A_633 = vector.broadcast %jit3A_631 : f32 to vector<16xf32>
      %max3A_634 = arith.maximumf %max3A_633, %mul3A_630 : vector<16xf32>
      %min3A_635 = vector.broadcast %jit3A_632 : f32 to vector<16xf32>
      %min3A_636 = arith.minimumf %min3A_635, %max3A_634 : vector<16xf32>
      %ge3A = arith.cmpf oge, %get3A_607, %min3A_636 : vector<16xf32>
      %lt3A = arith.constant 99999 : i32
      %lt3A_637 = vector.broadcast %lt3A : i32 to vector<16xi32>
      %lt3A_638 = arith.cmpi slt, %min3A_620, %lt3A_637 : vector<16xi32>
      %and3A_639 = arith.andi %ge3A, %lt3A_638 : vector<16xi1>
      %jit3A_640 = arith.constant 1 : i32
      %jit3A_641 = arith.constant 0 : i32
      %broadcast_in_dim3A = vector.broadcast %jit3A_640 : i32 to vector<16xi32>
      %broadcast_in_dim3A_642 = vector.broadcast %jit3A_641 : i32 to vector<16xi32>
      %select_n3A_643 = arith.select %and3A_639, %broadcast_in_dim3A, %broadcast_in_dim3A_642 : vector<16xi1>, vector<16xi32>
      %convert_element_type3A_644 = arith.sitofp %sub3A_623 : vector<16xi32> to vector<16xf32>
      %mul3A_645 = arith.constant 1.000030e-05 : f32
      %mul3A_646 = vector.broadcast %mul3A_645 : f32 to vector<16xf32>
      %mul3A_647 = arith.mulf %convert_element_type3A_644, %mul3A_646 : vector<16xf32>
      %jit3A_648 = arith.constant 0.000000e+00 : f32
      %jit3A_649 = arith.constant 1.000000e+00 : f32
      %max3A_650 = vector.broadcast %jit3A_648 : f32 to vector<16xf32>
      %max3A_651 = arith.maximumf %max3A_650, %mul3A_647 : vector<16xf32>
      %min3A_652 = vector.broadcast %jit3A_649 : f32 to vector<16xf32>
      %min3A_653 = arith.minimumf %min3A_652, %max3A_651 : vector<16xf32>
      %lt3A_654 = arith.cmpf olt, %get3A_607, %min3A_653 : vector<16xf32>
      %gt3A = arith.constant 3 : i32
      %gt3A_655 = vector.broadcast %gt3A : i32 to vector<16xi32>
      %gt3A_656 = arith.cmpi sgt, %min3A_620, %gt3A_655 : vector<16xi32>
      %and3A_657 = arith.andi %lt3A_654, %gt3A_656 : vector<16xi1>
      %jit3A_658 = arith.constant 1 : i32
      %jit3A_659 = arith.constant 0 : i32
      %broadcast_in_dim3A_660 = vector.broadcast %jit3A_658 : i32 to vector<16xi32>
      %broadcast_in_dim3A_661 = vector.broadcast %jit3A_659 : i32 to vector<16xi32>
      %select_n3A_662 = arith.select %and3A_657, %broadcast_in_dim3A_660, %broadcast_in_dim3A_661 : vector<16xi1>, vector<16xi32>
      %add3A_663 = arith.addi %min3A_620, %select_n3A_643 : vector<16xi32>
      %sub3A_664 = arith.subi %add3A_663, %select_n3A_662 : vector<16xi32>
      %add3A_665 = arith.addi %sub3A_623, %select_n3A_643 : vector<16xi32>
      %sub3A_666 = arith.subi %add3A_665, %select_n3A_662 : vector<16xi32>
      %sub3A_667 = arith.constant 2 : i32
      %sub3A_668 = vector.broadcast %sub3A_667 : i32 to vector<16xi32>
      %sub3A_669 = arith.subi %sub3A_666, %sub3A_668 : vector<16xi32>
      %convert_element_type3A_670 = arith.sitofp %sub3A_669 : vector<16xi32> to vector<16xf32>
      %mul3A_671 = arith.constant 1.000030e-05 : f32
      %mul3A_672 = vector.broadcast %mul3A_671 : f32 to vector<16xf32>
      %mul3A_673 = arith.mulf %convert_element_type3A_670, %mul3A_672 : vector<16xf32>
      %jit3A_674 = arith.constant 0.000000e+00 : f32
      %jit3A_675 = arith.constant 1.000000e+00 : f32
      %max3A_676 = vector.broadcast %jit3A_674 : f32 to vector<16xf32>
      %max3A_677 = arith.maximumf %max3A_676, %mul3A_673 : vector<16xf32>
      %min3A_678 = vector.broadcast %jit3A_675 : f32 to vector<16xf32>
      %min3A_679 = arith.minimumf %min3A_678, %max3A_677 : vector<16xf32>
      %sub3A_680 = arith.constant 1 : i32
      %sub3A_681 = vector.broadcast %sub3A_680 : i32 to vector<16xi32>
      %sub3A_682 = arith.subi %sub3A_666, %sub3A_681 : vector<16xi32>
      %convert_element_type3A_683 = arith.sitofp %sub3A_682 : vector<16xi32> to vector<16xf32>
      %mul3A_684 = arith.constant 1.000030e-05 : f32
      %mul3A_685 = vector.broadcast %mul3A_684 : f32 to vector<16xf32>
      %mul3A_686 = arith.mulf %convert_element_type3A_683, %mul3A_685 : vector<16xf32>
      %jit3A_687 = arith.constant 0.000000e+00 : f32
      %jit3A_688 = arith.constant 1.000000e+00 : f32
      %max3A_689 = vector.broadcast %jit3A_687 : f32 to vector<16xf32>
      %max3A_690 = arith.maximumf %max3A_689, %mul3A_686 : vector<16xf32>
      %min3A_691 = vector.broadcast %jit3A_688 : f32 to vector<16xf32>
      %min3A_692 = arith.minimumf %min3A_691, %max3A_690 : vector<16xf32>
      %convert_element_type3A_693 = arith.sitofp %sub3A_666 : vector<16xi32> to vector<16xf32>
      %mul3A_694 = arith.constant 1.000030e-05 : f32
      %mul3A_695 = vector.broadcast %mul3A_694 : f32 to vector<16xf32>
      %mul3A_696 = arith.mulf %convert_element_type3A_693, %mul3A_695 : vector<16xf32>
      %jit3A_697 = arith.constant 0.000000e+00 : f32
      %jit3A_698 = arith.constant 1.000000e+00 : f32
      %max3A_699 = vector.broadcast %jit3A_697 : f32 to vector<16xf32>
      %max3A_700 = arith.maximumf %max3A_699, %mul3A_696 : vector<16xf32>
      %min3A_701 = vector.broadcast %jit3A_698 : f32 to vector<16xf32>
      %min3A_702 = arith.minimumf %min3A_701, %max3A_700 : vector<16xf32>
      %add3A_703 = arith.constant 1 : i32
      %add3A_704 = vector.broadcast %add3A_703 : i32 to vector<16xi32>
      %add3A_705 = arith.addi %sub3A_666, %add3A_704 : vector<16xi32>
      %convert_element_type3A_706 = arith.sitofp %add3A_705 : vector<16xi32> to vector<16xf32>
      %mul3A_707 = arith.constant 1.000030e-05 : f32
      %mul3A_708 = vector.broadcast %mul3A_707 : f32 to vector<16xf32>
      %mul3A_709 = arith.mulf %convert_element_type3A_706, %mul3A_708 : vector<16xf32>
      %jit3A_710 = arith.constant 0.000000e+00 : f32
      %jit3A_711 = arith.constant 1.000000e+00 : f32
      %max3A_712 = vector.broadcast %jit3A_710 : f32 to vector<16xf32>
      %max3A_713 = arith.maximumf %max3A_712, %mul3A_709 : vector<16xf32>
      %min3A_714 = vector.broadcast %jit3A_711 : f32 to vector<16xf32>
      %min3A_715 = arith.minimumf %min3A_714, %max3A_713 : vector<16xf32>
      %add3A_716 = arith.constant 2 : i32
      %add3A_717 = vector.broadcast %add3A_716 : i32 to vector<16xi32>
      %add3A_718 = arith.addi %sub3A_666, %add3A_717 : vector<16xi32>
      %convert_element_type3A_719 = arith.sitofp %add3A_718 : vector<16xi32> to vector<16xf32>
      %mul3A_720 = arith.constant 1.000030e-05 : f32
      %mul3A_721 = vector.broadcast %mul3A_720 : f32 to vector<16xf32>
      %mul3A_722 = arith.mulf %convert_element_type3A_719, %mul3A_721 : vector<16xf32>
      %jit3A_723 = arith.constant 0.000000e+00 : f32
      %jit3A_724 = arith.constant 1.000000e+00 : f32
      %max3A_725 = vector.broadcast %jit3A_723 : f32 to vector<16xf32>
      %max3A_726 = arith.maximumf %max3A_725, %mul3A_722 : vector<16xf32>
      %min3A_727 = vector.broadcast %jit3A_724 : f32 to vector<16xf32>
      %min3A_728 = arith.minimumf %min3A_727, %max3A_726 : vector<16xf32>
      %add3A_729 = arith.constant 3 : i32
      %add3A_730 = vector.broadcast %add3A_729 : i32 to vector<16xi32>
      %add3A_731 = arith.addi %sub3A_666, %add3A_730 : vector<16xi32>
      %convert_element_type3A_732 = arith.sitofp %add3A_731 : vector<16xi32> to vector<16xf32>
      %mul3A_733 = arith.constant 1.000030e-05 : f32
      %mul3A_734 = vector.broadcast %mul3A_733 : f32 to vector<16xf32>
      %mul3A_735 = arith.mulf %convert_element_type3A_732, %mul3A_734 : vector<16xf32>
      %jit3A_736 = arith.constant 0.000000e+00 : f32
      %jit3A_737 = arith.constant 1.000000e+00 : f32
      %max3A_738 = vector.broadcast %jit3A_736 : f32 to vector<16xf32>
      %max3A_739 = arith.maximumf %max3A_738, %mul3A_735 : vector<16xf32>
      %min3A_740 = vector.broadcast %jit3A_737 : f32 to vector<16xf32>
      %min3A_741 = arith.minimumf %min3A_740, %max3A_739 : vector<16xf32>
      %sub3A_742 = arith.subf %get3A_607, %min3A_702 : vector<16xf32>
      %sub3A_743 = arith.subf %get3A_607, %min3A_692 : vector<16xf32>
      %sub3A_744 = arith.subf %get3A_607, %min3A_679 : vector<16xf32>
      %sub3A_745 = arith.subf %min3A_715, %get3A_607 : vector<16xf32>
      %sub3A_746 = arith.subf %min3A_728, %get3A_607 : vector<16xf32>
      %sub3A_747 = arith.subf %min3A_741, %get3A_607 : vector<16xf32>
      %add3A_748 = arith.addf %sub3A_745, %sub3A_742 : vector<16xf32>
      %div3A_749 = arith.constant 1.000000e+00 : f32
      %div3A_750 = vector.broadcast %div3A_749 : f32 to vector<16xf32>
      %div3A_751 = arith.divf %div3A_750, %add3A_748 : vector<16xf32>
      %mul3A_752 = arith.mulf %sub3A_745, %div3A_751 : vector<16xf32>
      %mul3A_753 = arith.mulf %sub3A_742, %div3A_751 : vector<16xf32>
      %add3A_754 = arith.addf %sub3A_745, %sub3A_743 : vector<16xf32>
      %div3A_755 = arith.divf %mul3A_752, %add3A_754 : vector<16xf32>
      %mul3A_756 = arith.mulf %sub3A_745, %div3A_755 : vector<16xf32>
      %mul3A_757 = arith.mulf %sub3A_743, %div3A_755 : vector<16xf32>
      %add3A_758 = arith.addf %sub3A_746, %sub3A_742 : vector<16xf32>
      %div3A_759 = arith.divf %mul3A_753, %add3A_758 : vector<16xf32>
      %mul3A_760 = arith.mulf %sub3A_746, %div3A_759 : vector<16xf32>
      %add3A_761 = arith.addf %mul3A_757, %mul3A_760 : vector<16xf32>
      %mul3A_762 = arith.mulf %sub3A_742, %div3A_759 : vector<16xf32>
      %add3A_763 = arith.addf %sub3A_745, %sub3A_744 : vector<16xf32>
      %div3A_764 = arith.divf %mul3A_756, %add3A_763 : vector<16xf32>
      %mul3A_765 = arith.mulf %sub3A_745, %div3A_764 : vector<16xf32>
      %mul3A_766 = arith.mulf %sub3A_744, %div3A_764 : vector<16xf32>
      %add3A_767 = arith.addf %sub3A_746, %sub3A_743 : vector<16xf32>
      %div3A_768 = arith.divf %add3A_761, %add3A_767 : vector<16xf32>
      %mul3A_769 = arith.mulf %sub3A_746, %div3A_768 : vector<16xf32>
      %add3A_770 = arith.addf %mul3A_766, %mul3A_769 : vector<16xf32>
      %mul3A_771 = arith.mulf %sub3A_743, %div3A_768 : vector<16xf32>
      %add3A_772 = arith.addf %sub3A_747, %sub3A_742 : vector<16xf32>
      %div3A_773 = arith.divf %mul3A_762, %add3A_772 : vector<16xf32>
      %mul3A_774 = arith.mulf %sub3A_747, %div3A_773 : vector<16xf32>
      %add3A_775 = arith.addf %mul3A_771, %mul3A_774 : vector<16xf32>
      %mul3A_776 = arith.mulf %sub3A_742, %div3A_773 : vector<16xf32>
      %sub3A_777 = vector.broadcast %mul3A_27 : i32 to vector<16xi32>
      %sub3A_778 = arith.subi %sub3A_664, %sub3A_777 : vector<16xi32>
      %sub3A_779 = arith.constant 3 : i32
      %sub3A_780 = vector.broadcast %sub3A_779 : i32 to vector<16xi32>
      %sub3A_781 = arith.subi %sub3A_778, %sub3A_780 : vector<16xi32>
      %mul3A_782 = arith.constant 0 : i32
      %mul3A_783 = vector.broadcast %mul3A_782 : i32 to vector<16xi32>
      %mul3A_784 = arith.muli %sub3A_781, %mul3A_783 : vector<16xi32>
      %add3A_785 = arith.constant 0 : i32
      %add3A_786 = vector.broadcast %add3A_785 : i32 to vector<16xi32>
      %add3A_787 = arith.addi %sub3A_781, %add3A_786 : vector<16xi32>
      %add3A_788 = arith.constant 0 : i32
      %add3A_789 = vector.broadcast %add3A_788 : i32 to vector<16xi32>
      %add3A_790 = arith.addi %mul3A_784, %add3A_789 : vector<16xi32>
      %gather3A = tpu.vector_load_idx %arg12[%add3A_787, %add3A_790] : memref<3176x3xf32, #tpu.memory_space<vmem>>[vector<16xi32>, vector<16xi32>], vector<16xf32>,
      %add3A_791 = arith.constant 0 : i32
      %add3A_792 = vector.broadcast %add3A_791 : i32 to vector<16xi32>
      %add3A_793 = arith.addi %sub3A_781, %add3A_792 : vector<16xi32>
      %add3A_794 = arith.constant 1 : i32
      %add3A_795 = vector.broadcast %add3A_794 : i32 to vector<16xi32>
      %add3A_796 = arith.addi %mul3A_784, %add3A_795 : vector<16xi32>
      %gather3A_797 = tpu.vector_load_idx %arg12[%add3A_793, %add3A_796] : memref<3176x3xf32, #tpu.memory_space<vmem>>[vector<16xi32>, vector<16xi32>], vector<16xf32>,
      %add3A_798 = arith.constant 0 : i32
      %add3A_799 = vector.broadcast %add3A_798 : i32 to vector<16xi32>
      %add3A_800 = arith.addi %sub3A_781, %add3A_799 : vector<16xi32>
      %add3A_801 = arith.constant 2 : i32
      %add3A_802 = vector.broadcast %add3A_801 : i32 to vector<16xi32>
      %add3A_803 = arith.addi %mul3A_784, %add3A_802 : vector<16xi32>
      %gather3A_804 = tpu.vector_load_idx %arg12[%add3A_800, %add3A_803] : memref<3176x3xf32, #tpu.memory_space<vmem>>[vector<16xi32>, vector<16xi32>], vector<16xf32>,
      %add3A_805 = arith.constant 1 : i32
      %add3A_806 = vector.broadcast %add3A_805 : i32 to vector<16xi32>
      %add3A_807 = arith.addi %sub3A_781, %add3A_806 : vector<16xi32>
      %add3A_808 = arith.constant 0 : i32
      %add3A_809 = vector.broadcast %add3A_808 : i32 to vector<16xi32>
      %add3A_810 = arith.addi %mul3A_784, %add3A_809 : vector<16xi32>
      %gather3A_811 = tpu.vector_load_idx %arg12[%add3A_807, %add3A_810] : memref<3176x3xf32, #tpu.memory_space<vmem>>[vector<16xi32>, vector<16xi32>], vector<16xf32>,
      %add3A_812 = arith.constant 1 : i32
      %add3A_813 = vector.broadcast %add3A_812 : i32 to vector<16xi32>
      %add3A_814 = arith.addi %sub3A_781, %add3A_813 : vector<16xi32>
      %add3A_815 = arith.constant 1 : i32
      %add3A_816 = vector.broadcast %add3A_815 : i32 to vector<16xi32>
      %add3A_817 = arith.addi %mul3A_784, %add3A_816 : vector<16xi32>
      %gather3A_818 = tpu.vector_load_idx %arg12[%add3A_814, %add3A_817] : memref<3176x3xf32, #tpu.memory_space<vmem>>[vector<16xi32>, vector<16xi32>], vector<16xf32>,
      %add3A_819 = arith.constant 1 : i32
      %add3A_820 = vector.broadcast %add3A_819 : i32 to vector<16xi32>
      %add3A_821 = arith.addi %sub3A_781, %add3A_820 : vector<16xi32>
      %add3A_822 = arith.constant 2 : i32
      %add3A_823 = vector.broadcast %add3A_822 : i32 to vector<16xi32>
      %add3A_824 = arith.addi %mul3A_784, %add3A_823 : vector<16xi32>
      %gather3A_825 = tpu.vector_load_idx %arg12[%add3A_821, %add3A_824] : memref<3176x3xf32, #tpu.memory_space<vmem>>[vector<16xi32>, vector<16xi32>], vector<16xf32>,
      %add3A_826 = arith.constant 2 : i32
      %add3A_827 = vector.broadcast %add3A_826 : i32 to vector<16xi32>
      %add3A_828 = arith.addi %sub3A_781, %add3A_827 : vector<16xi32>
      %add3A_829 = arith.constant 0 : i32
      %add3A_830 = vector.broadcast %add3A_829 : i32 to vector<16xi32>
      %add3A_831 = arith.addi %mul3A_784, %add3A_830 : vector<16xi32>
      %gather3A_832 = tpu.vector_load_idx %arg12[%add3A_828, %add3A_831] : memref<3176x3xf32, #tpu.memory_space<vmem>>[vector<16xi32>, vector<16xi32>], vector<16xf32>,
      %add3A_833 = arith.constant 2 : i32
      %add3A_834 = vector.broadcast %add3A_833 : i32 to vector<16xi32>
      %add3A_835 = arith.addi %sub3A_781, %add3A_834 : vector<16xi32>
      %add3A_836 = arith.constant 1 : i32
      %add3A_837 = vector.broadcast %add3A_836 : i32 to vector<16xi32>
      %add3A_838 = arith.addi %mul3A_784, %add3A_837 : vector<16xi32>
      %gather3A_839 = tpu.vector_load_idx %arg12[%add3A_835, %add3A_838] : memref<3176x3xf32, #tpu.memory_space<vmem>>[vector<16xi32>, vector<16xi32>], vector<16xf32>,
      %add3A_840 = arith.constant 2 : i32
      %add3A_841 = vector.broadcast %add3A_840 : i32 to vector<16xi32>
      %add3A_842 = arith.addi %sub3A_781, %add3A_841 : vector<16xi32>
      %add3A_843 = arith.constant 2 : i32
      %add3A_844 = vector.broadcast %add3A_843 : i32 to vector<16xi32>
      %add3A_845 = arith.addi %mul3A_784, %add3A_844 : vector<16xi32>
      %gather3A_846 = tpu.vector_load_idx %arg12[%add3A_842, %add3A_845] : memref<3176x3xf32, #tpu.memory_space<vmem>>[vector<16xi32>, vector<16xi32>], vector<16xf32>,
      %add3A_847 = arith.constant 3 : i32
      %add3A_848 = vector.broadcast %add3A_847 : i32 to vector<16xi32>
      %add3A_849 = arith.addi %sub3A_781, %add3A_848 : vector<16xi32>
      %add3A_850 = arith.constant 0 : i32
      %add3A_851 = vector.broadcast %add3A_850 : i32 to vector<16xi32>
      %add3A_852 = arith.addi %mul3A_784, %add3A_851 : vector<16xi32>
      %gather3A_853 = tpu.vector_load_idx %arg12[%add3A_849, %add3A_852] : memref<3176x3xf32, #tpu.memory_space<vmem>>[vector<16xi32>, vector<16xi32>], vector<16xf32>,
      %add3A_854 = arith.constant 3 : i32
      %add3A_855 = vector.broadcast %add3A_854 : i32 to vector<16xi32>
      %add3A_856 = arith.addi %sub3A_781, %add3A_855 : vector<16xi32>
      %add3A_857 = arith.constant 1 : i32
      %add3A_858 = vector.broadcast %add3A_857 : i32 to vector<16xi32>
      %add3A_859 = arith.addi %mul3A_784, %add3A_858 : vector<16xi32>
      %gather3A_860 = tpu.vector_load_idx %arg12[%add3A_856, %add3A_859] : memref<3176x3xf32, #tpu.memory_space<vmem>>[vector<16xi32>, vector<16xi32>], vector<16xf32>,
      %add3A_861 = arith.constant 3 : i32
      %add3A_862 = vector.broadcast %add3A_861 : i32 to vector<16xi32>
      %add3A_863 = arith.addi %sub3A_781, %add3A_862 : vector<16xi32>
      %add3A_864 = arith.constant 2 : i32
      %add3A_865 = vector.broadcast %add3A_864 : i32 to vector<16xi32>
      %add3A_866 = arith.addi %mul3A_784, %add3A_865 : vector<16xi32>
      %gather3A_867 = tpu.vector_load_idx %arg12[%add3A_863, %add3A_866] : memref<3176x3xf32, #tpu.memory_space<vmem>>[vector<16xi32>, vector<16xi32>], vector<16xf32>,
      %mul3A_868 = arith.mulf %mul3A_765, %gather3A : vector<16xf32>
      %mul3A_869 = arith.mulf %add3A_770, %gather3A_811 : vector<16xf32>
      %add3A_870 = arith.addf %mul3A_868, %mul3A_869 : vector<16xf32>
      %mul3A_871 = arith.mulf %add3A_775, %gather3A_832 : vector<16xf32>
      %add3A_872 = arith.addf %add3A_870, %mul3A_871 : vector<16xf32>
      %mul3A_873 = arith.mulf %mul3A_776, %gather3A_853 : vector<16xf32>
      %add3A_874 = arith.addf %add3A_872, %mul3A_873 : vector<16xf32>
      %mul3A_875 = arith.mulf %mul3A_765, %gather3A_797 : vector<16xf32>
      %mul3A_876 = arith.mulf %add3A_770, %gather3A_818 : vector<16xf32>
      %add3A_877 = arith.addf %mul3A_875, %mul3A_876 : vector<16xf32>
      %mul3A_878 = arith.mulf %add3A_775, %gather3A_839 : vector<16xf32>
      %add3A_879 = arith.addf %add3A_877, %mul3A_878 : vector<16xf32>
      %mul3A_880 = arith.mulf %mul3A_776, %gather3A_860 : vector<16xf32>
      %add3A_881 = arith.addf %add3A_879, %mul3A_880 : vector<16xf32>
      %mul3A_882 = arith.mulf %mul3A_765, %gather3A_804 : vector<16xf32>
      %mul3A_883 = arith.mulf %add3A_770, %gather3A_825 : vector<16xf32>
      %add3A_884 = arith.addf %mul3A_882, %mul3A_883 : vector<16xf32>
      %mul3A_885 = arith.mulf %add3A_775, %gather3A_846 : vector<16xf32>
      %add3A_886 = arith.addf %add3A_884, %mul3A_885 : vector<16xf32>
      %mul3A_887 = arith.mulf %mul3A_776, %gather3A_867 : vector<16xf32>
      %add3A_888 = arith.addf %add3A_886, %mul3A_887 : vector<16xf32>
      %mul3A_889 = arith.constant 16 : i32
      %mul3A_890 = arith.muli %scan3A_604, %mul3A_889 : i32
      %swap3A = arith.constant 0 : i32
      %swap3A_891 = arith.index_cast %swap3A : i32 to index
      %swap3A_892 = arith.index_cast %mul3A_890 : i32 to index
      %swap3A_893 = tpu.vector_load %arg11[%swap3A_891, %swap3A_892] {strides = array<i32>} : memref<3x3920xf32, #tpu.memory_space<vmem>>, vector<16xf32>,
      tpu.vector_store %arg11[%swap3A_891, %swap3A_892], %add3A_874 {strides = array<i32>} : memref<3x3920xf32, #tpu.memory_space<vmem>>, vector<16xf32>,
      %mul3A_894 = arith.constant 16 : i32
      %mul3A_895 = arith.muli %scan3A_604, %mul3A_894 : i32
      %swap3A_896 = arith.constant 1 : i32
      %swap3A_897 = arith.index_cast %swap3A_896 : i32 to index
      %swap3A_898 = arith.index_cast %mul3A_895 : i32 to index
      %swap3A_899 = tpu.vector_load %arg11[%swap3A_897, %swap3A_898] {strides = array<i32>} : memref<3x3920xf32, #tpu.memory_space<vmem>>, vector<16xf32>,
      tpu.vector_store %arg11[%swap3A_897, %swap3A_898], %add3A_881 {strides = array<i32>} : memref<3x3920xf32, #tpu.memory_space<vmem>>, vector<16xf32>,
      %mul3A_900 = arith.constant 16 : i32
      %mul3A_901 = arith.muli %scan3A_604, %mul3A_900 : i32
      %swap3A_902 = arith.constant 2 : i32
      %swap3A_903 = arith.index_cast %swap3A_902 : i32 to index
      %swap3A_904 = arith.index_cast %mul3A_901 : i32 to index
      %swap3A_905 = tpu.vector_load %arg11[%swap3A_903, %swap3A_904] {strides = array<i32>} : memref<3x3920xf32, #tpu.memory_space<vmem>>, vector<16xf32>,
      tpu.vector_store %arg11[%swap3A_903, %swap3A_904], %add3A_888 {strides = array<i32>} : memref<3x3920xf32, #tpu.memory_space<vmem>>, vector<16xf32>,
    }
    %scan3A_393 = arith.constant 245 : i32
    %dma_start3A_394 = arith.constant 0 : i32
    %dma_start3A_395 = arith.constant 0 : i32
    %dma_start3A_396 = tpu.memref_slice %arg11[%dma_start3A_394, %dma_start3A_395] : memref<3x3920xf32, #tpu.memory_space<vmem>> -> memref<1x3920xf32, #tpu.memory_space<vmem>>
    %dma_start3A_397 = tpu.memref_squeeze %dma_start3A_396 : memref<1x3920xf32, #tpu.memory_space<vmem>> -> memref<3920xf32, #tpu.memory_space<vmem>>
    %dma_start3A_398 = tpu.memref_slice %arg5[%min3A_75] : memref<1000001xf32, #tpu.memory_space<hbm>> -> memref<3920xf32, #tpu.memory_space<hbm>>
    %dma_start3A_399 = tpu.memref_slice %arg5[%min3A_75] : memref<1000001xf32, #tpu.memory_space<hbm>> -> memref<3920xf32, #tpu.memory_space<hbm>>
    %dma_start3A_400 = arith.constant 0 : i32
    %dma_start3A_401 = tpu.memref_slice %arg11[%dma_start3A_394, %dma_start3A_400] : memref<3x3920xf32, #tpu.memory_space<vmem>> -> memref<1x3920xf32, #tpu.memory_space<vmem>>
    %dma_start3A_402 = tpu.memref_squeeze %dma_start3A_401 : memref<1x3920xf32, #tpu.memory_space<vmem>> -> memref<3920xf32, #tpu.memory_space<vmem>>
    tpu.enqueue_dma source(%dma_start3A_402 : memref<3920xf32, #tpu.memory_space<vmem>>) target(%dma_start3A_399 : memref<3920xf32, #tpu.memory_space<hbm>>) target_semaphore(%arg16 : memref<!tpu.dma_semaphore, #tpu.memory_space<semaphore_mem>>)
    %dma_start3A_403 = arith.constant 1 : i32
    %dma_start3A_404 = arith.constant 0 : i32
    %dma_start3A_405 = tpu.memref_slice %arg11[%dma_start3A_403, %dma_start3A_404] : memref<3x3920xf32, #tpu.memory_space<vmem>> -> memref<1x3920xf32, #tpu.memory_space<vmem>>
    %dma_start3A_406 = tpu.memref_squeeze %dma_start3A_405 : memref<1x3920xf32, #tpu.memory_space<vmem>> -> memref<3920xf32, #tpu.memory_space<vmem>>
    %dma_start3A_407 = tpu.memref_slice %arg6[%min3A_75] : memref<1000001xf32, #tpu.memory_space<hbm>> -> memref<3920xf32, #tpu.memory_space<hbm>>
    %dma_start3A_408 = tpu.memref_slice %arg6[%min3A_75] : memref<1000001xf32, #tpu.memory_space<hbm>> -> memref<3920xf32, #tpu.memory_space<hbm>>
    %dma_start3A_409 = arith.constant 0 : i32
    %dma_start3A_410 = tpu.memref_slice %arg11[%dma_start3A_403, %dma_start3A_409] : memref<3x3920xf32, #tpu.memory_space<vmem>> -> memref<1x3920xf32, #tpu.memory_space<vmem>>
    %dma_start3A_411 = tpu.memref_squeeze %dma_start3A_410 : memref<1x3920xf32, #tpu.memory_space<vmem>> -> memref<3920xf32, #tpu.memory_space<vmem>>
    tpu.enqueue_dma source(%dma_start3A_411 : memref<3920xf32, #tpu.memory_space<vmem>>) target(%dma_start3A_408 : memref<3920xf32, #tpu.memory_space<hbm>>) target_semaphore(%arg16 : memref<!tpu.dma_semaphore, #tpu.memory_space<semaphore_mem>>)
    %dma_start3A_412 = arith.constant 2 : i32
    %dma_start3A_413 = arith.constant 0 : i32
    %dma_start3A_414 = tpu.memref_slice %arg11[%dma_start3A_412, %dma_start3A_413] : memref<3x3920xf32, #tpu.memory_space<vmem>> -> memref<1x3920xf32, #tpu.memory_space<vmem>>
    %dma_start3A_415 = tpu.memref_squeeze %dma_start3A_414 : memref<1x3920xf32, #tpu.memory_space<vmem>> -> memref<3920xf32, #tpu.memory_space<vmem>>
    %dma_start3A_416 = tpu.memref_slice %arg7[%min3A_75] : memref<1000001xf32, #tpu.memory_space<hbm>> -> memref<3920xf32, #tpu.memory_space<hbm>>
    %dma_start3A_417 = tpu.memref_slice %arg7[%min3A_75] : memref<1000001xf32, #tpu.memory_space<hbm>> -> memref<3920xf32, #tpu.memory_space<hbm>>
    %dma_start3A_418 = arith.constant 0 : i32
    %dma_start3A_419 = tpu.memref_slice %arg11[%dma_start3A_412, %dma_start3A_418] : memref<3x3920xf32, #tpu.memory_space<vmem>> -> memref<1x3920xf32, #tpu.memory_space<vmem>>
    %dma_start3A_420 = tpu.memref_squeeze %dma_start3A_419 : memref<1x3920xf32, #tpu.memory_space<vmem>> -> memref<3920xf32, #tpu.memory_space<vmem>>
    tpu.enqueue_dma source(%dma_start3A_420 : memref<3920xf32, #tpu.memory_space<vmem>>) target(%dma_start3A_417 : memref<3920xf32, #tpu.memory_space<hbm>>) target_semaphore(%arg16 : memref<!tpu.dma_semaphore, #tpu.memory_space<semaphore_mem>>)
    %dma_start3A_421 = tpu.memref_slice %arg4[%min3A_91] : memref<1000001xf32, #tpu.memory_space<hbm>> -> memref<3920xf32, #tpu.memory_space<hbm>>
    %dma_start3A_422 = tpu.memref_slice %arg4[%min3A_91] : memref<1000001xf32, #tpu.memory_space<hbm>> -> memref<3920xf32, #tpu.memory_space<hbm>>
    tpu.enqueue_dma source(%dma_start3A_422 : memref<3920xf32, #tpu.memory_space<hbm>>) target(%arg9 : memref<3920xf32, #tpu.memory_space<vmem>>) target_semaphore(%arg14 : memref<!tpu.dma_semaphore, #tpu.memory_space<semaphore_mem>>)
    %dma_wait3A_423 = tpu.memref_slice %arg4[%min3A_83] : memref<1000001xf32, #tpu.memory_space<hbm>> -> memref<3920xf32, #tpu.memory_space<hbm>>
    %dma_wait3A_424 = tpu.memref_slice %arg4[%min3A_83] : memref<1000001xf32, #tpu.memory_space<hbm>> -> memref<3920xf32, #tpu.memory_space<hbm>>
    tpu.wait_dma2 semaphore(%arg13 : memref<!tpu.dma_semaphore, #tpu.memory_space<semaphore_mem>>) src(%dma_wait3A_424 : memref<3920xf32, #tpu.memory_space<hbm>>) dst(%arg8 : memref<3920xf32, #tpu.memory_space<vmem>>)
    %dma_wait3A_425 = arith.constant 0 : i32
    %dma_wait3A_426 = arith.constant 0 : i32
    %dma_wait3A_427 = tpu.memref_slice %arg10[%dma_wait3A_425, %dma_wait3A_426] : memref<3x3920xf32, #tpu.memory_space<vmem>> -> memref<1x3920xf32, #tpu.memory_space<vmem>>
    %dma_wait3A_428 = tpu.memref_squeeze %dma_wait3A_427 : memref<1x3920xf32, #tpu.memory_space<vmem>> -> memref<3920xf32, #tpu.memory_space<vmem>>
    %dma_wait3A_429 = tpu.memref_slice %arg5[%min3A_67] : memref<1000001xf32, #tpu.memory_space<hbm>> -> memref<3920xf32, #tpu.memory_space<hbm>>
    %dma_wait3A_430 = tpu.memref_slice %arg5[%min3A_67] : memref<1000001xf32, #tpu.memory_space<hbm>> -> memref<3920xf32, #tpu.memory_space<hbm>>
    %dma_wait3A_431 = arith.constant 0 : i32
    %dma_wait3A_432 = tpu.memref_slice %arg10[%dma_wait3A_425, %dma_wait3A_431] : memref<3x3920xf32, #tpu.memory_space<vmem>> -> memref<1x3920xf32, #tpu.memory_space<vmem>>
    %dma_wait3A_433 = tpu.memref_squeeze %dma_wait3A_432 : memref<1x3920xf32, #tpu.memory_space<vmem>> -> memref<3920xf32, #tpu.memory_space<vmem>>
    tpu.wait_dma2 semaphore(%arg15 : memref<!tpu.dma_semaphore, #tpu.memory_space<semaphore_mem>>) src(%dma_wait3A_433 : memref<3920xf32, #tpu.memory_space<vmem>>) dst(%dma_wait3A_430 : memref<3920xf32, #tpu.memory_space<hbm>>)
    %dma_wait3A_434 = arith.constant 1 : i32
    %dma_wait3A_435 = arith.constant 0 : i32
    %dma_wait3A_436 = tpu.memref_slice %arg10[%dma_wait3A_434, %dma_wait3A_435] : memref<3x3920xf32, #tpu.memory_space<vmem>> -> memref<1x3920xf32, #tpu.memory_space<vmem>>
    %dma_wait3A_437 = tpu.memref_squeeze %dma_wait3A_436 : memref<1x3920xf32, #tpu.memory_space<vmem>> -> memref<3920xf32, #tpu.memory_space<vmem>>
    %dma_wait3A_438 = tpu.memref_slice %arg6[%min3A_67] : memref<1000001xf32, #tpu.memory_space<hbm>> -> memref<3920xf32, #tpu.memory_space<hbm>>
    %dma_wait3A_439 = tpu.memref_slice %arg6[%min3A_67] : memref<1000001xf32, #tpu.memory_space<hbm>> -> memref<3920xf32, #tpu.memory_space<hbm>>
    %dma_wait3A_440 = arith.constant 0 : i32
    %dma_wait3A_441 = tpu.memref_slice %arg10[%dma_wait3A_434, %dma_wait3A_440] : memref<3x3920xf32, #tpu.memory_space<vmem>> -> memref<1x3920xf32, #tpu.memory_space<vmem>>
    %dma_wait3A_442 = tpu.memref_squeeze %dma_wait3A_441 : memref<1x3920xf32, #tpu.memory_space<vmem>> -> memref<3920xf32, #tpu.memory_space<vmem>>
    tpu.wait_dma2 semaphore(%arg15 : memref<!tpu.dma_semaphore, #tpu.memory_space<semaphore_mem>>) src(%dma_wait3A_442 : memref<3920xf32, #tpu.memory_space<vmem>>) dst(%dma_wait3A_439 : memref<3920xf32, #tpu.memory_space<hbm>>)
    %dma_wait3A_443 = arith.constant 2 : i32
    %dma_wait3A_444 = arith.constant 0 : i32
    %dma_wait3A_445 = tpu.memref_slice %arg10[%dma_wait3A_443, %dma_wait3A_444] : memref<3x3920xf32, #tpu.memory_space<vmem>> -> memref<1x3920xf32, #tpu.memory_space<vmem>>
    %dma_wait3A_446 = tpu.memref_squeeze %dma_wait3A_445 : memref<1x3920xf32, #tpu.memory_space<vmem>> -> memref<3920xf32, #tpu.memory_space<vmem>>
    %dma_wait3A_447 = tpu.memref_slice %arg7[%min3A_67] : memref<1000001xf32, #tpu.memory_space<hbm>> -> memref<3920xf32, #tpu.memory_space<hbm>>
    %dma_wait3A_448 = tpu.memref_slice %arg7[%min3A_67] : memref<1000001xf32, #tpu.memory_space<hbm>> -> memref<3920xf32, #tpu.memory_space<hbm>>
    %dma_wait3A_449 = arith.constant 0 : i32
    %dma_wait3A_450 = tpu.memref_slice %arg10[%dma_wait3A_443, %dma_wait3A_449] : memref<3x3920xf32, #tpu.memory_space<vmem>> -> memref<1x3920xf32, #tpu.memory_space<vmem>>
    %dma_wait3A_451 = tpu.memref_squeeze %dma_wait3A_450 : memref<1x3920xf32, #tpu.memory_space<vmem>> -> memref<3920xf32, #tpu.memory_space<vmem>>
    tpu.wait_dma2 semaphore(%arg15 : memref<!tpu.dma_semaphore, #tpu.memory_space<semaphore_mem>>) src(%dma_wait3A_451 : memref<3920xf32, #tpu.memory_space<vmem>>) dst(%dma_wait3A_448 : memref<3920xf32, #tpu.memory_space<hbm>>)
    %scan3A_452 = arith.constant 0 : i32
    %scan3A_453 = arith.constant 0 : i32
    %scan3A_454 = arith.constant 245 : i32
    %scan3A_455 = arith.addi %scan3A_453, %scan3A_454 : i32
    %scan3A_456 = arith.constant 1 : i32
    scf.for %scan3A_604 = %scan3A_453 to %scan3A_455 step %scan3A_456  : i32 {
      %mul3A_605 = arith.constant 16 : i32
      %mul3A_606 = arith.muli %scan3A_604, %mul3A_605 : i32
      %get3A = arith.index_cast %mul3A_606 : i32 to index
      %get3A_607 = tpu.vector_load %arg8[%get3A] {strides = array<i32>} : memref<3920xf32, #tpu.memory_space<vmem>>, vector<16xf32>,
      %mul3A_608 = arith.constant 9.999700e+04 : f32
      %mul3A_609 = vector.broadcast %mul3A_608 : f32 to vector<16xf32>
      %mul3A_610 = arith.mulf %get3A_607, %mul3A_609 : vector<16xf32>
      %convert_element_type3A_611 = arith.fptosi %mul3A_610 : vector<16xf32> to vector<16xi32>
      %add3A_612 = arith.constant 3 : i32
      %add3A_613 = vector.broadcast %add3A_612 : i32 to vector<16xi32>
      %add3A_614 = arith.addi %convert_element_type3A_611, %add3A_613 : vector<16xi32>
      %jit3A_615 = arith.constant 3 : i32
      %jit3A_616 = arith.constant 99999 : i32
      %max3A_617 = vector.broadcast %jit3A_615 : i32 to vector<16xi32>
      %max3A_618 = arith.maxsi %max3A_617, %add3A_614 : vector<16xi32>
      %min3A_619 = vector.broadcast %jit3A_616 : i32 to vector<16xi32>
      %min3A_620 = arith.minsi %min3A_619, %max3A_618 : vector<16xi32>
      %sub3A_621 = arith.constant 3 : i32
      %sub3A_622 = vector.broadcast %sub3A_621 : i32 to vector<16xi32>
      %sub3A_623 = arith.subi %min3A_620, %sub3A_622 : vector<16xi32>
      %add3A_624 = arith.constant 1 : i32
      %add3A_625 = vector.broadcast %add3A_624 : i32 to vector<16xi32>
      %add3A_626 = arith.addi %sub3A_623, %add3A_625 : vector<16xi32>
      %convert_element_type3A_627 = arith.sitofp %add3A_626 : vector<16xi32> to vector<16xf32>
      %mul3A_628 = arith.constant 1.000030e-05 : f32
      %mul3A_629 = vector.broadcast %mul3A_628 : f32 to vector<16xf32>
      %mul3A_630 = arith.mulf %convert_element_type3A_627, %mul3A_629 : vector<16xf32>
      %jit3A_631 = arith.constant 0.000000e+00 : f32
      %jit3A_632 = arith.constant 1.000000e+00 : f32
      %max3A_633 = vector.broadcast %jit3A_631 : f32 to vector<16xf32>
      %max3A_634 = arith.maximumf %max3A_633, %mul3A_630 : vector<16xf32>
      %min3A_635 = vector.broadcast %jit3A_632 : f32 to vector<16xf32>
      %min3A_636 = arith.minimumf %min3A_635, %max3A_634 : vector<16xf32>
      %ge3A = arith.cmpf oge, %get3A_607, %min3A_636 : vector<16xf32>
      %lt3A = arith.constant 99999 : i32
      %lt3A_637 = vector.broadcast %lt3A : i32 to vector<16xi32>
      %lt3A_638 = arith.cmpi slt, %min3A_620, %lt3A_637 : vector<16xi32>
      %and3A_639 = arith.andi %ge3A, %lt3A_638 : vector<16xi1>
      %jit3A_640 = arith.constant 1 : i32
      %jit3A_641 = arith.constant 0 : i32
      %broadcast_in_dim3A = vector.broadcast %jit3A_640 : i32 to vector<16xi32>
      %broadcast_in_dim3A_642 = vector.broadcast %jit3A_641 : i32 to vector<16xi32>
      %select_n3A_643 = arith.select %and3A_639, %broadcast_in_dim3A, %broadcast_in_dim3A_642 : vector<16xi1>, vector<16xi32>
      %convert_element_type3A_644 = arith.sitofp %sub3A_623 : vector<16xi32> to vector<16xf32>
      %mul3A_645 = arith.constant 1.000030e-05 : f32
      %mul3A_646 = vector.broadcast %mul3A_645 : f32 to vector<16xf32>
      %mul3A_647 = arith.mulf %convert_element_type3A_644, %mul3A_646 : vector<16xf32>
      %jit3A_648 = arith.constant 0.000000e+00 : f32
      %jit3A_649 = arith.constant 1.000000e+00 : f32
      %max3A_650 = vector.broadcast %jit3A_648 : f32 to vector<16xf32>
      %max3A_651 = arith.maximumf %max3A_650, %mul3A_647 : vector<16xf32>
      %min3A_652 = vector.broadcast %jit3A_649 : f32 to vector<16xf32>
      %min3A_653 = arith.minimumf %min3A_652, %max3A_651 : vector<16xf32>
      %lt3A_654 = arith.cmpf olt, %get3A_607, %min3A_653 : vector<16xf32>
      %gt3A = arith.constant 3 : i32
      %gt3A_655 = vector.broadcast %gt3A : i32 to vector<16xi32>
      %gt3A_656 = arith.cmpi sgt, %min3A_620, %gt3A_655 : vector<16xi32>
      %and3A_657 = arith.andi %lt3A_654, %gt3A_656 : vector<16xi1>
      %jit3A_658 = arith.constant 1 : i32
      %jit3A_659 = arith.constant 0 : i32
      %broadcast_in_dim3A_660 = vector.broadcast %jit3A_658 : i32 to vector<16xi32>
      %broadcast_in_dim3A_661 = vector.broadcast %jit3A_659 : i32 to vector<16xi32>
      %select_n3A_662 = arith.select %and3A_657, %broadcast_in_dim3A_660, %broadcast_in_dim3A_661 : vector<16xi1>, vector<16xi32>
      %add3A_663 = arith.addi %min3A_620, %select_n3A_643 : vector<16xi32>
      %sub3A_664 = arith.subi %add3A_663, %select_n3A_662 : vector<16xi32>
      %add3A_665 = arith.addi %sub3A_623, %select_n3A_643 : vector<16xi32>
      %sub3A_666 = arith.subi %add3A_665, %select_n3A_662 : vector<16xi32>
      %sub3A_667 = arith.constant 2 : i32
      %sub3A_668 = vector.broadcast %sub3A_667 : i32 to vector<16xi32>
      %sub3A_669 = arith.subi %sub3A_666, %sub3A_668 : vector<16xi32>
      %convert_element_type3A_670 = arith.sitofp %sub3A_669 : vector<16xi32> to vector<16xf32>
      %mul3A_671 = arith.constant 1.000030e-05 : f32
      %mul3A_672 = vector.broadcast %mul3A_671 : f32 to vector<16xf32>
      %mul3A_673 = arith.mulf %convert_element_type3A_670, %mul3A_672 : vector<16xf32>
      %jit3A_674 = arith.constant 0.000000e+00 : f32
      %jit3A_675 = arith.constant 1.000000e+00 : f32
      %max3A_676 = vector.broadcast %jit3A_674 : f32 to vector<16xf32>
      %max3A_677 = arith.maximumf %max3A_676, %mul3A_673 : vector<16xf32>
      %min3A_678 = vector.broadcast %jit3A_675 : f32 to vector<16xf32>
      %min3A_679 = arith.minimumf %min3A_678, %max3A_677 : vector<16xf32>
      %sub3A_680 = arith.constant 1 : i32
      %sub3A_681 = vector.broadcast %sub3A_680 : i32 to vector<16xi32>
      %sub3A_682 = arith.subi %sub3A_666, %sub3A_681 : vector<16xi32>
      %convert_element_type3A_683 = arith.sitofp %sub3A_682 : vector<16xi32> to vector<16xf32>
      %mul3A_684 = arith.constant 1.000030e-05 : f32
      %mul3A_685 = vector.broadcast %mul3A_684 : f32 to vector<16xf32>
      %mul3A_686 = arith.mulf %convert_element_type3A_683, %mul3A_685 : vector<16xf32>
      %jit3A_687 = arith.constant 0.000000e+00 : f32
      %jit3A_688 = arith.constant 1.000000e+00 : f32
      %max3A_689 = vector.broadcast %jit3A_687 : f32 to vector<16xf32>
      %max3A_690 = arith.maximumf %max3A_689, %mul3A_686 : vector<16xf32>
      %min3A_691 = vector.broadcast %jit3A_688 : f32 to vector<16xf32>
      %min3A_692 = arith.minimumf %min3A_691, %max3A_690 : vector<16xf32>
      %convert_element_type3A_693 = arith.sitofp %sub3A_666 : vector<16xi32> to vector<16xf32>
      %mul3A_694 = arith.constant 1.000030e-05 : f32
      %mul3A_695 = vector.broadcast %mul3A_694 : f32 to vector<16xf32>
      %mul3A_696 = arith.mulf %convert_element_type3A_693, %mul3A_695 : vector<16xf32>
      %jit3A_697 = arith.constant 0.000000e+00 : f32
      %jit3A_698 = arith.constant 1.000000e+00 : f32
      %max3A_699 = vector.broadcast %jit3A_697 : f32 to vector<16xf32>
      %max3A_700 = arith.maximumf %max3A_699, %mul3A_696 : vector<16xf32>
      %min3A_701 = vector.broadcast %jit3A_698 : f32 to vector<16xf32>
      %min3A_702 = arith.minimumf %min3A_701, %max3A_700 : vector<16xf32>
      %add3A_703 = arith.constant 1 : i32
      %add3A_704 = vector.broadcast %add3A_703 : i32 to vector<16xi32>
      %add3A_705 = arith.addi %sub3A_666, %add3A_704 : vector<16xi32>
      %convert_element_type3A_706 = arith.sitofp %add3A_705 : vector<16xi32> to vector<16xf32>
      %mul3A_707 = arith.constant 1.000030e-05 : f32
      %mul3A_708 = vector.broadcast %mul3A_707 : f32 to vector<16xf32>
      %mul3A_709 = arith.mulf %convert_element_type3A_706, %mul3A_708 : vector<16xf32>
      %jit3A_710 = arith.constant 0.000000e+00 : f32
      %jit3A_711 = arith.constant 1.000000e+00 : f32
      %max3A_712 = vector.broadcast %jit3A_710 : f32 to vector<16xf32>
      %max3A_713 = arith.maximumf %max3A_712, %mul3A_709 : vector<16xf32>
      %min3A_714 = vector.broadcast %jit3A_711 : f32 to vector<16xf32>
      %min3A_715 = arith.minimumf %min3A_714, %max3A_713 : vector<16xf32>
      %add3A_716 = arith.constant 2 : i32
      %add3A_717 = vector.broadcast %add3A_716 : i32 to vector<16xi32>
      %add3A_718 = arith.addi %sub3A_666, %add3A_717 : vector<16xi32>
      %convert_element_type3A_719 = arith.sitofp %add3A_718 : vector<16xi32> to vector<16xf32>
      %mul3A_720 = arith.constant 1.000030e-05 : f32
      %mul3A_721 = vector.broadcast %mul3A_720 : f32 to vector<16xf32>
      %mul3A_722 = arith.mulf %convert_element_type3A_719, %mul3A_721 : vector<16xf32>
      %jit3A_723 = arith.constant 0.000000e+00 : f32
      %jit3A_724 = arith.constant 1.000000e+00 : f32
      %max3A_725 = vector.broadcast %jit3A_723 : f32 to vector<16xf32>
      %max3A_726 = arith.maximumf %max3A_725, %mul3A_722 : vector<16xf32>
      %min3A_727 = vector.broadcast %jit3A_724 : f32 to vector<16xf32>
      %min3A_728 = arith.minimumf %min3A_727, %max3A_726 : vector<16xf32>
      %add3A_729 = arith.constant 3 : i32
      %add3A_730 = vector.broadcast %add3A_729 : i32 to vector<16xi32>
      %add3A_731 = arith.addi %sub3A_666, %add3A_730 : vector<16xi32>
      %convert_element_type3A_732 = arith.sitofp %add3A_731 : vector<16xi32> to vector<16xf32>
      %mul3A_733 = arith.constant 1.000030e-05 : f32
      %mul3A_734 = vector.broadcast %mul3A_733 : f32 to vector<16xf32>
      %mul3A_735 = arith.mulf %convert_element_type3A_732, %mul3A_734 : vector<16xf32>
      %jit3A_736 = arith.constant 0.000000e+00 : f32
      %jit3A_737 = arith.constant 1.000000e+00 : f32
      %max3A_738 = vector.broadcast %jit3A_736 : f32 to vector<16xf32>
      %max3A_739 = arith.maximumf %max3A_738, %mul3A_735 : vector<16xf32>
      %min3A_740 = vector.broadcast %jit3A_737 : f32 to vector<16xf32>
      %min3A_741 = arith.minimumf %min3A_740, %max3A_739 : vector<16xf32>
      %sub3A_742 = arith.subf %get3A_607, %min3A_702 : vector<16xf32>
      %sub3A_743 = arith.subf %get3A_607, %min3A_692 : vector<16xf32>
      %sub3A_744 = arith.subf %get3A_607, %min3A_679 : vector<16xf32>
      %sub3A_745 = arith.subf %min3A_715, %get3A_607 : vector<16xf32>
      %sub3A_746 = arith.subf %min3A_728, %get3A_607 : vector<16xf32>
      %sub3A_747 = arith.subf %min3A_741, %get3A_607 : vector<16xf32>
      %add3A_748 = arith.addf %sub3A_745, %sub3A_742 : vector<16xf32>
      %div3A_749 = arith.constant 1.000000e+00 : f32
      %div3A_750 = vector.broadcast %div3A_749 : f32 to vector<16xf32>
      %div3A_751 = arith.divf %div3A_750, %add3A_748 : vector<16xf32>
      %mul3A_752 = arith.mulf %sub3A_745, %div3A_751 : vector<16xf32>
      %mul3A_753 = arith.mulf %sub3A_742, %div3A_751 : vector<16xf32>
      %add3A_754 = arith.addf %sub3A_745, %sub3A_743 : vector<16xf32>
      %div3A_755 = arith.divf %mul3A_752, %add3A_754 : vector<16xf32>
      %mul3A_756 = arith.mulf %sub3A_745, %div3A_755 : vector<16xf32>
      %mul3A_757 = arith.mulf %sub3A_743, %div3A_755 : vector<16xf32>
      %add3A_758 = arith.addf %sub3A_746, %sub3A_742 : vector<16xf32>
      %div3A_759 = arith.divf %mul3A_753, %add3A_758 : vector<16xf32>
      %mul3A_760 = arith.mulf %sub3A_746, %div3A_759 : vector<16xf32>
      %add3A_761 = arith.addf %mul3A_757, %mul3A_760 : vector<16xf32>
      %mul3A_762 = arith.mulf %sub3A_742, %div3A_759 : vector<16xf32>
      %add3A_763 = arith.addf %sub3A_745, %sub3A_744 : vector<16xf32>
      %div3A_764 = arith.divf %mul3A_756, %add3A_763 : vector<16xf32>
      %mul3A_765 = arith.mulf %sub3A_745, %div3A_764 : vector<16xf32>
      %mul3A_766 = arith.mulf %sub3A_744, %div3A_764 : vector<16xf32>
      %add3A_767 = arith.addf %sub3A_746, %sub3A_743 : vector<16xf32>
      %div3A_768 = arith.divf %add3A_761, %add3A_767 : vector<16xf32>
      %mul3A_769 = arith.mulf %sub3A_746, %div3A_768 : vector<16xf32>
      %add3A_770 = arith.addf %mul3A_766, %mul3A_769 : vector<16xf32>
      %mul3A_771 = arith.mulf %sub3A_743, %div3A_768 : vector<16xf32>
      %add3A_772 = arith.addf %sub3A_747, %sub3A_742 : vector<16xf32>
      %div3A_773 = arith.divf %mul3A_762, %add3A_772 : vector<16xf32>
      %mul3A_774 = arith.mulf %sub3A_747, %div3A_773 : vector<16xf32>
      %add3A_775 = arith.addf %mul3A_771, %mul3A_774 : vector<16xf32>
      %mul3A_776 = arith.mulf %sub3A_742, %div3A_773 : vector<16xf32>
      %sub3A_777 = vector.broadcast %mul3A_27 : i32 to vector<16xi32>
      %sub3A_778 = arith.subi %sub3A_664, %sub3A_777 : vector<16xi32>
      %sub3A_779 = arith.constant 3 : i32
      %sub3A_780 = vector.broadcast %sub3A_779 : i32 to vector<16xi32>
      %sub3A_781 = arith.subi %sub3A_778, %sub3A_780 : vector<16xi32>
      %mul3A_782 = arith.constant 0 : i32
      %mul3A_783 = vector.broadcast %mul3A_782 : i32 to vector<16xi32>
      %mul3A_784 = arith.muli %sub3A_781, %mul3A_783 : vector<16xi32>
      %add3A_785 = arith.constant 0 : i32
      %add3A_786 = vector.broadcast %add3A_785 : i32 to vector<16xi32>
      %add3A_787 = arith.addi %sub3A_781, %add3A_786 : vector<16xi32>
      %add3A_788 = arith.constant 0 : i32
      %add3A_789 = vector.broadcast %add3A_788 : i32 to vector<16xi32>
      %add3A_790 = arith.addi %mul3A_784, %add3A_789 : vector<16xi32>
      %gather3A = tpu.vector_load_idx %arg12[%add3A_787, %add3A_790] : memref<3176x3xf32, #tpu.memory_space<vmem>>[vector<16xi32>, vector<16xi32>], vector<16xf32>,
      %add3A_791 = arith.constant 0 : i32
      %add3A_792 = vector.broadcast %add3A_791 : i32 to vector<16xi32>
      %add3A_793 = arith.addi %sub3A_781, %add3A_792 : vector<16xi32>
      %add3A_794 = arith.constant 1 : i32
      %add3A_795 = vector.broadcast %add3A_794 : i32 to vector<16xi32>
      %add3A_796 = arith.addi %mul3A_784, %add3A_795 : vector<16xi32>
      %gather3A_797 = tpu.vector_load_idx %arg12[%add3A_793, %add3A_796] : memref<3176x3xf32, #tpu.memory_space<vmem>>[vector<16xi32>, vector<16xi32>], vector<16xf32>,
      %add3A_798 = arith.constant 0 : i32
      %add3A_799 = vector.broadcast %add3A_798 : i32 to vector<16xi32>
      %add3A_800 = arith.addi %sub3A_781, %add3A_799 : vector<16xi32>
      %add3A_801 = arith.constant 2 : i32
      %add3A_802 = vector.broadcast %add3A_801 : i32 to vector<16xi32>
      %add3A_803 = arith.addi %mul3A_784, %add3A_802 : vector<16xi32>
      %gather3A_804 = tpu.vector_load_idx %arg12[%add3A_800, %add3A_803] : memref<3176x3xf32, #tpu.memory_space<vmem>>[vector<16xi32>, vector<16xi32>], vector<16xf32>,
      %add3A_805 = arith.constant 1 : i32
      %add3A_806 = vector.broadcast %add3A_805 : i32 to vector<16xi32>
      %add3A_807 = arith.addi %sub3A_781, %add3A_806 : vector<16xi32>
      %add3A_808 = arith.constant 0 : i32
      %add3A_809 = vector.broadcast %add3A_808 : i32 to vector<16xi32>
      %add3A_810 = arith.addi %mul3A_784, %add3A_809 : vector<16xi32>
      %gather3A_811 = tpu.vector_load_idx %arg12[%add3A_807, %add3A_810] : memref<3176x3xf32, #tpu.memory_space<vmem>>[vector<16xi32>, vector<16xi32>], vector<16xf32>,
      %add3A_812 = arith.constant 1 : i32
      %add3A_813 = vector.broadcast %add3A_812 : i32 to vector<16xi32>
      %add3A_814 = arith.addi %sub3A_781, %add3A_813 : vector<16xi32>
      %add3A_815 = arith.constant 1 : i32
      %add3A_816 = vector.broadcast %add3A_815 : i32 to vector<16xi32>
      %add3A_817 = arith.addi %mul3A_784, %add3A_816 : vector<16xi32>
      %gather3A_818 = tpu.vector_load_idx %arg12[%add3A_814, %add3A_817] : memref<3176x3xf32, #tpu.memory_space<vmem>>[vector<16xi32>, vector<16xi32>], vector<16xf32>,
      %add3A_819 = arith.constant 1 : i32
      %add3A_820 = vector.broadcast %add3A_819 : i32 to vector<16xi32>
      %add3A_821 = arith.addi %sub3A_781, %add3A_820 : vector<16xi32>
      %add3A_822 = arith.constant 2 : i32
      %add3A_823 = vector.broadcast %add3A_822 : i32 to vector<16xi32>
      %add3A_824 = arith.addi %mul3A_784, %add3A_823 : vector<16xi32>
      %gather3A_825 = tpu.vector_load_idx %arg12[%add3A_821, %add3A_824] : memref<3176x3xf32, #tpu.memory_space<vmem>>[vector<16xi32>, vector<16xi32>], vector<16xf32>,
      %add3A_826 = arith.constant 2 : i32
      %add3A_827 = vector.broadcast %add3A_826 : i32 to vector<16xi32>
      %add3A_828 = arith.addi %sub3A_781, %add3A_827 : vector<16xi32>
      %add3A_829 = arith.constant 0 : i32
      %add3A_830 = vector.broadcast %add3A_829 : i32 to vector<16xi32>
      %add3A_831 = arith.addi %mul3A_784, %add3A_830 : vector<16xi32>
      %gather3A_832 = tpu.vector_load_idx %arg12[%add3A_828, %add3A_831] : memref<3176x3xf32, #tpu.memory_space<vmem>>[vector<16xi32>, vector<16xi32>], vector<16xf32>,
      %add3A_833 = arith.constant 2 : i32
      %add3A_834 = vector.broadcast %add3A_833 : i32 to vector<16xi32>
      %add3A_835 = arith.addi %sub3A_781, %add3A_834 : vector<16xi32>
      %add3A_836 = arith.constant 1 : i32
      %add3A_837 = vector.broadcast %add3A_836 : i32 to vector<16xi32>
      %add3A_838 = arith.addi %mul3A_784, %add3A_837 : vector<16xi32>
      %gather3A_839 = tpu.vector_load_idx %arg12[%add3A_835, %add3A_838] : memref<3176x3xf32, #tpu.memory_space<vmem>>[vector<16xi32>, vector<16xi32>], vector<16xf32>,
      %add3A_840 = arith.constant 2 : i32
      %add3A_841 = vector.broadcast %add3A_840 : i32 to vector<16xi32>
      %add3A_842 = arith.addi %sub3A_781, %add3A_841 : vector<16xi32>
      %add3A_843 = arith.constant 2 : i32
      %add3A_844 = vector.broadcast %add3A_843 : i32 to vector<16xi32>
      %add3A_845 = arith.addi %mul3A_784, %add3A_844 : vector<16xi32>
      %gather3A_846 = tpu.vector_load_idx %arg12[%add3A_842, %add3A_845] : memref<3176x3xf32, #tpu.memory_space<vmem>>[vector<16xi32>, vector<16xi32>], vector<16xf32>,
      %add3A_847 = arith.constant 3 : i32
      %add3A_848 = vector.broadcast %add3A_847 : i32 to vector<16xi32>
      %add3A_849 = arith.addi %sub3A_781, %add3A_848 : vector<16xi32>
      %add3A_850 = arith.constant 0 : i32
      %add3A_851 = vector.broadcast %add3A_850 : i32 to vector<16xi32>
      %add3A_852 = arith.addi %mul3A_784, %add3A_851 : vector<16xi32>
      %gather3A_853 = tpu.vector_load_idx %arg12[%add3A_849, %add3A_852] : memref<3176x3xf32, #tpu.memory_space<vmem>>[vector<16xi32>, vector<16xi32>], vector<16xf32>,
      %add3A_854 = arith.constant 3 : i32
      %add3A_855 = vector.broadcast %add3A_854 : i32 to vector<16xi32>
      %add3A_856 = arith.addi %sub3A_781, %add3A_855 : vector<16xi32>
      %add3A_857 = arith.constant 1 : i32
      %add3A_858 = vector.broadcast %add3A_857 : i32 to vector<16xi32>
      %add3A_859 = arith.addi %mul3A_784, %add3A_858 : vector<16xi32>
      %gather3A_860 = tpu.vector_load_idx %arg12[%add3A_856, %add3A_859] : memref<3176x3xf32, #tpu.memory_space<vmem>>[vector<16xi32>, vector<16xi32>], vector<16xf32>,
      %add3A_861 = arith.constant 3 : i32
      %add3A_862 = vector.broadcast %add3A_861 : i32 to vector<16xi32>
      %add3A_863 = arith.addi %sub3A_781, %add3A_862 : vector<16xi32>
      %add3A_864 = arith.constant 2 : i32
      %add3A_865 = vector.broadcast %add3A_864 : i32 to vector<16xi32>
      %add3A_866 = arith.addi %mul3A_784, %add3A_865 : vector<16xi32>
      %gather3A_867 = tpu.vector_load_idx %arg12[%add3A_863, %add3A_866] : memref<3176x3xf32, #tpu.memory_space<vmem>>[vector<16xi32>, vector<16xi32>], vector<16xf32>,
      %mul3A_868 = arith.mulf %mul3A_765, %gather3A : vector<16xf32>
      %mul3A_869 = arith.mulf %add3A_770, %gather3A_811 : vector<16xf32>
      %add3A_870 = arith.addf %mul3A_868, %mul3A_869 : vector<16xf32>
      %mul3A_871 = arith.mulf %add3A_775, %gather3A_832 : vector<16xf32>
      %add3A_872 = arith.addf %add3A_870, %mul3A_871 : vector<16xf32>
      %mul3A_873 = arith.mulf %mul3A_776, %gather3A_853 : vector<16xf32>
      %add3A_874 = arith.addf %add3A_872, %mul3A_873 : vector<16xf32>
      %mul3A_875 = arith.mulf %mul3A_765, %gather3A_797 : vector<16xf32>
      %mul3A_876 = arith.mulf %add3A_770, %gather3A_818 : vector<16xf32>
      %add3A_877 = arith.addf %mul3A_875, %mul3A_876 : vector<16xf32>
      %mul3A_878 = arith.mulf %add3A_775, %gather3A_839 : vector<16xf32>
      %add3A_879 = arith.addf %add3A_877, %mul3A_878 : vector<16xf32>
      %mul3A_880 = arith.mulf %mul3A_776, %gather3A_860 : vector<16xf32>
      %add3A_881 = arith.addf %add3A_879, %mul3A_880 : vector<16xf32>
      %mul3A_882 = arith.mulf %mul3A_765, %gather3A_804 : vector<16xf32>
      %mul3A_883 = arith.mulf %add3A_770, %gather3A_825 : vector<16xf32>
      %add3A_884 = arith.addf %mul3A_882, %mul3A_883 : vector<16xf32>
      %mul3A_885 = arith.mulf %add3A_775, %gather3A_846 : vector<16xf32>
      %add3A_886 = arith.addf %add3A_884, %mul3A_885 : vector<16xf32>
      %mul3A_887 = arith.mulf %mul3A_776, %gather3A_867 : vector<16xf32>
      %add3A_888 = arith.addf %add3A_886, %mul3A_887 : vector<16xf32>
      %mul3A_889 = arith.constant 16 : i32
      %mul3A_890 = arith.muli %scan3A_604, %mul3A_889 : i32
      %swap3A = arith.constant 0 : i32
      %swap3A_891 = arith.index_cast %swap3A : i32 to index
      %swap3A_892 = arith.index_cast %mul3A_890 : i32 to index
      %swap3A_893 = tpu.vector_load %arg10[%swap3A_891, %swap3A_892] {strides = array<i32>} : memref<3x3920xf32, #tpu.memory_space<vmem>>, vector<16xf32>,
      tpu.vector_store %arg10[%swap3A_891, %swap3A_892], %add3A_874 {strides = array<i32>} : memref<3x3920xf32, #tpu.memory_space<vmem>>, vector<16xf32>,
      %mul3A_894 = arith.constant 16 : i32
      %mul3A_895 = arith.muli %scan3A_604, %mul3A_894 : i32
      %swap3A_896 = arith.constant 1 : i32
      %swap3A_897 = arith.index_cast %swap3A_896 : i32 to index
      %swap3A_898 = arith.index_cast %mul3A_895 : i32 to index
      %swap3A_899 = tpu.vector_load %arg10[%swap3A_897, %swap3A_898] {strides = array<i32>} : memref<3x3920xf32, #tpu.memory_space<vmem>>, vector<16xf32>,
      tpu.vector_store %arg10[%swap3A_897, %swap3A_898], %add3A_881 {strides = array<i32>} : memref<3x3920xf32, #tpu.memory_space<vmem>>, vector<16xf32>,
      %mul3A_900 = arith.constant 16 : i32
      %mul3A_901 = arith.muli %scan3A_604, %mul3A_900 : i32
      %swap3A_902 = arith.constant 2 : i32
      %swap3A_903 = arith.index_cast %swap3A_902 : i32 to index
      %swap3A_904 = arith.index_cast %mul3A_901 : i32 to index
      %swap3A_905 = tpu.vector_load %arg10[%swap3A_903, %swap3A_904] {strides = array<i32>} : memref<3x3920xf32, #tpu.memory_space<vmem>>, vector<16xf32>,
      tpu.vector_store %arg10[%swap3A_903, %swap3A_904], %add3A_888 {strides = array<i32>} : memref<3x3920xf32, #tpu.memory_space<vmem>>, vector<16xf32>,
    }
    %scan3A_457 = arith.constant 245 : i32
    %dma_start3A_458 = arith.constant 0 : i32
    %dma_start3A_459 = arith.constant 0 : i32
    %dma_start3A_460 = tpu.memref_slice %arg10[%dma_start3A_458, %dma_start3A_459] : memref<3x3920xf32, #tpu.memory_space<vmem>> -> memref<1x3920xf32, #tpu.memory_space<vmem>>
    %dma_start3A_461 = tpu.memref_squeeze %dma_start3A_460 : memref<1x3920xf32, #tpu.memory_space<vmem>> -> memref<3920xf32, #tpu.memory_space<vmem>>
    %dma_start3A_462 = tpu.memref_slice %arg5[%min3A_83] : memref<1000001xf32, #tpu.memory_space<hbm>> -> memref<3920xf32, #tpu.memory_space<hbm>>
    %dma_start3A_463 = tpu.memref_slice %arg5[%min3A_83] : memref<1000001xf32, #tpu.memory_space<hbm>> -> memref<3920xf32, #tpu.memory_space<hbm>>
    %dma_start3A_464 = arith.constant 0 : i32
    %dma_start3A_465 = tpu.memref_slice %arg10[%dma_start3A_458, %dma_start3A_464] : memref<3x3920xf32, #tpu.memory_space<vmem>> -> memref<1x3920xf32, #tpu.memory_space<vmem>>
    %dma_start3A_466 = tpu.memref_squeeze %dma_start3A_465 : memref<1x3920xf32, #tpu.memory_space<vmem>> -> memref<3920xf32, #tpu.memory_space<vmem>>
    tpu.enqueue_dma source(%dma_start3A_466 : memref<3920xf32, #tpu.memory_space<vmem>>) target(%dma_start3A_463 : memref<3920xf32, #tpu.memory_space<hbm>>) target_semaphore(%arg15 : memref<!tpu.dma_semaphore, #tpu.memory_space<semaphore_mem>>)
    %dma_start3A_467 = arith.constant 1 : i32
    %dma_start3A_468 = arith.constant 0 : i32
    %dma_start3A_469 = tpu.memref_slice %arg10[%dma_start3A_467, %dma_start3A_468] : memref<3x3920xf32, #tpu.memory_space<vmem>> -> memref<1x3920xf32, #tpu.memory_space<vmem>>
    %dma_start3A_470 = tpu.memref_squeeze %dma_start3A_469 : memref<1x3920xf32, #tpu.memory_space<vmem>> -> memref<3920xf32, #tpu.memory_space<vmem>>
    %dma_start3A_471 = tpu.memref_slice %arg6[%min3A_83] : memref<1000001xf32, #tpu.memory_space<hbm>> -> memref<3920xf32, #tpu.memory_space<hbm>>
    %dma_start3A_472 = tpu.memref_slice %arg6[%min3A_83] : memref<1000001xf32, #tpu.memory_space<hbm>> -> memref<3920xf32, #tpu.memory_space<hbm>>
    %dma_start3A_473 = arith.constant 0 : i32
    %dma_start3A_474 = tpu.memref_slice %arg10[%dma_start3A_467, %dma_start3A_473] : memref<3x3920xf32, #tpu.memory_space<vmem>> -> memref<1x3920xf32, #tpu.memory_space<vmem>>
    %dma_start3A_475 = tpu.memref_squeeze %dma_start3A_474 : memref<1x3920xf32, #tpu.memory_space<vmem>> -> memref<3920xf32, #tpu.memory_space<vmem>>
    tpu.enqueue_dma source(%dma_start3A_475 : memref<3920xf32, #tpu.memory_space<vmem>>) target(%dma_start3A_472 : memref<3920xf32, #tpu.memory_space<hbm>>) target_semaphore(%arg15 : memref<!tpu.dma_semaphore, #tpu.memory_space<semaphore_mem>>)
    %dma_start3A_476 = arith.constant 2 : i32
    %dma_start3A_477 = arith.constant 0 : i32
    %dma_start3A_478 = tpu.memref_slice %arg10[%dma_start3A_476, %dma_start3A_477] : memref<3x3920xf32, #tpu.memory_space<vmem>> -> memref<1x3920xf32, #tpu.memory_space<vmem>>
    %dma_start3A_479 = tpu.memref_squeeze %dma_start3A_478 : memref<1x3920xf32, #tpu.memory_space<vmem>> -> memref<3920xf32, #tpu.memory_space<vmem>>
    %dma_start3A_480 = tpu.memref_slice %arg7[%min3A_83] : memref<1000001xf32, #tpu.memory_space<hbm>> -> memref<3920xf32, #tpu.memory_space<hbm>>
    %dma_start3A_481 = tpu.memref_slice %arg7[%min3A_83] : memref<1000001xf32, #tpu.memory_space<hbm>> -> memref<3920xf32, #tpu.memory_space<hbm>>
    %dma_start3A_482 = arith.constant 0 : i32
    %dma_start3A_483 = tpu.memref_slice %arg10[%dma_start3A_476, %dma_start3A_482] : memref<3x3920xf32, #tpu.memory_space<vmem>> -> memref<1x3920xf32, #tpu.memory_space<vmem>>
    %dma_start3A_484 = tpu.memref_squeeze %dma_start3A_483 : memref<1x3920xf32, #tpu.memory_space<vmem>> -> memref<3920xf32, #tpu.memory_space<vmem>>
    tpu.enqueue_dma source(%dma_start3A_484 : memref<3920xf32, #tpu.memory_space<vmem>>) target(%dma_start3A_481 : memref<3920xf32, #tpu.memory_space<hbm>>) target_semaphore(%arg15 : memref<!tpu.dma_semaphore, #tpu.memory_space<semaphore_mem>>)
    %dma_wait3A_485 = tpu.memref_slice %arg4[%min3A_91] : memref<1000001xf32, #tpu.memory_space<hbm>> -> memref<3920xf32, #tpu.memory_space<hbm>>
    %dma_wait3A_486 = tpu.memref_slice %arg4[%min3A_91] : memref<1000001xf32, #tpu.memory_space<hbm>> -> memref<3920xf32, #tpu.memory_space<hbm>>
    tpu.wait_dma2 semaphore(%arg14 : memref<!tpu.dma_semaphore, #tpu.memory_space<semaphore_mem>>) src(%dma_wait3A_486 : memref<3920xf32, #tpu.memory_space<hbm>>) dst(%arg9 : memref<3920xf32, #tpu.memory_space<vmem>>)
    %dma_wait3A_487 = arith.constant 0 : i32
    %dma_wait3A_488 = arith.constant 0 : i32
    %dma_wait3A_489 = tpu.memref_slice %arg11[%dma_wait3A_487, %dma_wait3A_488] : memref<3x3920xf32, #tpu.memory_space<vmem>> -> memref<1x3920xf32, #tpu.memory_space<vmem>>
    %dma_wait3A_490 = tpu.memref_squeeze %dma_wait3A_489 : memref<1x3920xf32, #tpu.memory_space<vmem>> -> memref<3920xf32, #tpu.memory_space<vmem>>
    %dma_wait3A_491 = tpu.memref_slice %arg5[%min3A_75] : memref<1000001xf32, #tpu.memory_space<hbm>> -> memref<3920xf32, #tpu.memory_space<hbm>>
    %dma_wait3A_492 = tpu.memref_slice %arg5[%min3A_75] : memref<1000001xf32, #tpu.memory_space<hbm>> -> memref<3920xf32, #tpu.memory_space<hbm>>
    %dma_wait3A_493 = arith.constant 0 : i32
    %dma_wait3A_494 = tpu.memref_slice %arg11[%dma_wait3A_487, %dma_wait3A_493] : memref<3x3920xf32, #tpu.memory_space<vmem>> -> memref<1x3920xf32, #tpu.memory_space<vmem>>
    %dma_wait3A_495 = tpu.memref_squeeze %dma_wait3A_494 : memref<1x3920xf32, #tpu.memory_space<vmem>> -> memref<3920xf32, #tpu.memory_space<vmem>>
    tpu.wait_dma2 semaphore(%arg16 : memref<!tpu.dma_semaphore, #tpu.memory_space<semaphore_mem>>) src(%dma_wait3A_495 : memref<3920xf32, #tpu.memory_space<vmem>>) dst(%dma_wait3A_492 : memref<3920xf32, #tpu.memory_space<hbm>>)
    %dma_wait3A_496 = arith.constant 1 : i32
    %dma_wait3A_497 = arith.constant 0 : i32
    %dma_wait3A_498 = tpu.memref_slice %arg11[%dma_wait3A_496, %dma_wait3A_497] : memref<3x3920xf32, #tpu.memory_space<vmem>> -> memref<1x3920xf32, #tpu.memory_space<vmem>>
    %dma_wait3A_499 = tpu.memref_squeeze %dma_wait3A_498 : memref<1x3920xf32, #tpu.memory_space<vmem>> -> memref<3920xf32, #tpu.memory_space<vmem>>
    %dma_wait3A_500 = tpu.memref_slice %arg6[%min3A_75] : memref<1000001xf32, #tpu.memory_space<hbm>> -> memref<3920xf32, #tpu.memory_space<hbm>>
    %dma_wait3A_501 = tpu.memref_slice %arg6[%min3A_75] : memref<1000001xf32, #tpu.memory_space<hbm>> -> memref<3920xf32, #tpu.memory_space<hbm>>
    %dma_wait3A_502 = arith.constant 0 : i32
    %dma_wait3A_503 = tpu.memref_slice %arg11[%dma_wait3A_496, %dma_wait3A_502] : memref<3x3920xf32, #tpu.memory_space<vmem>> -> memref<1x3920xf32, #tpu.memory_space<vmem>>
    %dma_wait3A_504 = tpu.memref_squeeze %dma_wait3A_503 : memref<1x3920xf32, #tpu.memory_space<vmem>> -> memref<3920xf32, #tpu.memory_space<vmem>>
    tpu.wait_dma2 semaphore(%arg16 : memref<!tpu.dma_semaphore, #tpu.memory_space<semaphore_mem>>) src(%dma_wait3A_504 : memref<3920xf32, #tpu.memory_space<vmem>>) dst(%dma_wait3A_501 : memref<3920xf32, #tpu.memory_space<hbm>>)
    %dma_wait3A_505 = arith.constant 2 : i32
    %dma_wait3A_506 = arith.constant 0 : i32
    %dma_wait3A_507 = tpu.memref_slice %arg11[%dma_wait3A_505, %dma_wait3A_506] : memref<3x3920xf32, #tpu.memory_space<vmem>> -> memref<1x3920xf32, #tpu.memory_space<vmem>>
    %dma_wait3A_508 = tpu.memref_squeeze %dma_wait3A_507 : memref<1x3920xf32, #tpu.memory_space<vmem>> -> memref<3920xf32, #tpu.memory_space<vmem>>
    %dma_wait3A_509 = tpu.memref_slice %arg7[%min3A_75] : memref<1000001xf32, #tpu.memory_space<hbm>> -> memref<3920xf32, #tpu.memory_space<hbm>>
    %dma_wait3A_510 = tpu.memref_slice %arg7[%min3A_75] : memref<1000001xf32, #tpu.memory_space<hbm>> -> memref<3920xf32, #tpu.memory_space<hbm>>
    %dma_wait3A_511 = arith.constant 0 : i32
    %dma_wait3A_512 = tpu.memref_slice %arg11[%dma_wait3A_505, %dma_wait3A_511] : memref<3x3920xf32, #tpu.memory_space<vmem>> -> memref<1x3920xf32, #tpu.memory_space<vmem>>
    %dma_wait3A_513 = tpu.memref_squeeze %dma_wait3A_512 : memref<1x3920xf32, #tpu.memory_space<vmem>> -> memref<3920xf32, #tpu.memory_space<vmem>>
    tpu.wait_dma2 semaphore(%arg16 : memref<!tpu.dma_semaphore, #tpu.memory_space<semaphore_mem>>) src(%dma_wait3A_513 : memref<3920xf32, #tpu.memory_space<vmem>>) dst(%dma_wait3A_510 : memref<3920xf32, #tpu.memory_space<hbm>>)
    %scan3A_514 = arith.constant 0 : i32
    %scan3A_515 = arith.constant 0 : i32
    %scan3A_516 = arith.constant 245 : i32
    %scan3A_517 = arith.addi %scan3A_515, %scan3A_516 : i32
    %scan3A_518 = arith.constant 1 : i32
    scf.for %scan3A_604 = %scan3A_515 to %scan3A_517 step %scan3A_518  : i32 {
      %mul3A_605 = arith.constant 16 : i32
      %mul3A_606 = arith.muli %scan3A_604, %mul3A_605 : i32
      %get3A = arith.index_cast %mul3A_606 : i32 to index
      %get3A_607 = tpu.vector_load %arg9[%get3A] {strides = array<i32>} : memref<3920xf32, #tpu.memory_space<vmem>>, vector<16xf32>,
      %mul3A_608 = arith.constant 9.999700e+04 : f32
      %mul3A_609 = vector.broadcast %mul3A_608 : f32 to vector<16xf32>
      %mul3A_610 = arith.mulf %get3A_607, %mul3A_609 : vector<16xf32>
      %convert_element_type3A_611 = arith.fptosi %mul3A_610 : vector<16xf32> to vector<16xi32>
      %add3A_612 = arith.constant 3 : i32
      %add3A_613 = vector.broadcast %add3A_612 : i32 to vector<16xi32>
      %add3A_614 = arith.addi %convert_element_type3A_611, %add3A_613 : vector<16xi32>
      %jit3A_615 = arith.constant 3 : i32
      %jit3A_616 = arith.constant 99999 : i32
      %max3A_617 = vector.broadcast %jit3A_615 : i32 to vector<16xi32>
      %max3A_618 = arith.maxsi %max3A_617, %add3A_614 : vector<16xi32>
      %min3A_619 = vector.broadcast %jit3A_616 : i32 to vector<16xi32>
      %min3A_620 = arith.minsi %min3A_619, %max3A_618 : vector<16xi32>
      %sub3A_621 = arith.constant 3 : i32
      %sub3A_622 = vector.broadcast %sub3A_621 : i32 to vector<16xi32>
      %sub3A_623 = arith.subi %min3A_620, %sub3A_622 : vector<16xi32>
      %add3A_624 = arith.constant 1 : i32
      %add3A_625 = vector.broadcast %add3A_624 : i32 to vector<16xi32>
      %add3A_626 = arith.addi %sub3A_623, %add3A_625 : vector<16xi32>
      %convert_element_type3A_627 = arith.sitofp %add3A_626 : vector<16xi32> to vector<16xf32>
      %mul3A_628 = arith.constant 1.000030e-05 : f32
      %mul3A_629 = vector.broadcast %mul3A_628 : f32 to vector<16xf32>
      %mul3A_630 = arith.mulf %convert_element_type3A_627, %mul3A_629 : vector<16xf32>
      %jit3A_631 = arith.constant 0.000000e+00 : f32
      %jit3A_632 = arith.constant 1.000000e+00 : f32
      %max3A_633 = vector.broadcast %jit3A_631 : f32 to vector<16xf32>
      %max3A_634 = arith.maximumf %max3A_633, %mul3A_630 : vector<16xf32>
      %min3A_635 = vector.broadcast %jit3A_632 : f32 to vector<16xf32>
      %min3A_636 = arith.minimumf %min3A_635, %max3A_634 : vector<16xf32>
      %ge3A = arith.cmpf oge, %get3A_607, %min3A_636 : vector<16xf32>
      %lt3A = arith.constant 99999 : i32
      %lt3A_637 = vector.broadcast %lt3A : i32 to vector<16xi32>
      %lt3A_638 = arith.cmpi slt, %min3A_620, %lt3A_637 : vector<16xi32>
      %and3A_639 = arith.andi %ge3A, %lt3A_638 : vector<16xi1>
      %jit3A_640 = arith.constant 1 : i32
      %jit3A_641 = arith.constant 0 : i32
      %broadcast_in_dim3A = vector.broadcast %jit3A_640 : i32 to vector<16xi32>
      %broadcast_in_dim3A_642 = vector.broadcast %jit3A_641 : i32 to vector<16xi32>
      %select_n3A_643 = arith.select %and3A_639, %broadcast_in_dim3A, %broadcast_in_dim3A_642 : vector<16xi1>, vector<16xi32>
      %convert_element_type3A_644 = arith.sitofp %sub3A_623 : vector<16xi32> to vector<16xf32>
      %mul3A_645 = arith.constant 1.000030e-05 : f32
      %mul3A_646 = vector.broadcast %mul3A_645 : f32 to vector<16xf32>
      %mul3A_647 = arith.mulf %convert_element_type3A_644, %mul3A_646 : vector<16xf32>
      %jit3A_648 = arith.constant 0.000000e+00 : f32
      %jit3A_649 = arith.constant 1.000000e+00 : f32
      %max3A_650 = vector.broadcast %jit3A_648 : f32 to vector<16xf32>
      %max3A_651 = arith.maximumf %max3A_650, %mul3A_647 : vector<16xf32>
      %min3A_652 = vector.broadcast %jit3A_649 : f32 to vector<16xf32>
      %min3A_653 = arith.minimumf %min3A_652, %max3A_651 : vector<16xf32>
      %lt3A_654 = arith.cmpf olt, %get3A_607, %min3A_653 : vector<16xf32>
      %gt3A = arith.constant 3 : i32
      %gt3A_655 = vector.broadcast %gt3A : i32 to vector<16xi32>
      %gt3A_656 = arith.cmpi sgt, %min3A_620, %gt3A_655 : vector<16xi32>
      %and3A_657 = arith.andi %lt3A_654, %gt3A_656 : vector<16xi1>
      %jit3A_658 = arith.constant 1 : i32
      %jit3A_659 = arith.constant 0 : i32
      %broadcast_in_dim3A_660 = vector.broadcast %jit3A_658 : i32 to vector<16xi32>
      %broadcast_in_dim3A_661 = vector.broadcast %jit3A_659 : i32 to vector<16xi32>
      %select_n3A_662 = arith.select %and3A_657, %broadcast_in_dim3A_660, %broadcast_in_dim3A_661 : vector<16xi1>, vector<16xi32>
      %add3A_663 = arith.addi %min3A_620, %select_n3A_643 : vector<16xi32>
      %sub3A_664 = arith.subi %add3A_663, %select_n3A_662 : vector<16xi32>
      %add3A_665 = arith.addi %sub3A_623, %select_n3A_643 : vector<16xi32>
      %sub3A_666 = arith.subi %add3A_665, %select_n3A_662 : vector<16xi32>
      %sub3A_667 = arith.constant 2 : i32
      %sub3A_668 = vector.broadcast %sub3A_667 : i32 to vector<16xi32>
      %sub3A_669 = arith.subi %sub3A_666, %sub3A_668 : vector<16xi32>
      %convert_element_type3A_670 = arith.sitofp %sub3A_669 : vector<16xi32> to vector<16xf32>
      %mul3A_671 = arith.constant 1.000030e-05 : f32
      %mul3A_672 = vector.broadcast %mul3A_671 : f32 to vector<16xf32>
      %mul3A_673 = arith.mulf %convert_element_type3A_670, %mul3A_672 : vector<16xf32>
      %jit3A_674 = arith.constant 0.000000e+00 : f32
      %jit3A_675 = arith.constant 1.000000e+00 : f32
      %max3A_676 = vector.broadcast %jit3A_674 : f32 to vector<16xf32>
      %max3A_677 = arith.maximumf %max3A_676, %mul3A_673 : vector<16xf32>
      %min3A_678 = vector.broadcast %jit3A_675 : f32 to vector<16xf32>
      %min3A_679 = arith.minimumf %min3A_678, %max3A_677 : vector<16xf32>
      %sub3A_680 = arith.constant 1 : i32
      %sub3A_681 = vector.broadcast %sub3A_680 : i32 to vector<16xi32>
      %sub3A_682 = arith.subi %sub3A_666, %sub3A_681 : vector<16xi32>
      %convert_element_type3A_683 = arith.sitofp %sub3A_682 : vector<16xi32> to vector<16xf32>
      %mul3A_684 = arith.constant 1.000030e-05 : f32
      %mul3A_685 = vector.broadcast %mul3A_684 : f32 to vector<16xf32>
      %mul3A_686 = arith.mulf %convert_element_type3A_683, %mul3A_685 : vector<16xf32>
      %jit3A_687 = arith.constant 0.000000e+00 : f32
      %jit3A_688 = arith.constant 1.000000e+00 : f32
      %max3A_689 = vector.broadcast %jit3A_687 : f32 to vector<16xf32>
      %max3A_690 = arith.maximumf %max3A_689, %mul3A_686 : vector<16xf32>
      %min3A_691 = vector.broadcast %jit3A_688 : f32 to vector<16xf32>
      %min3A_692 = arith.minimumf %min3A_691, %max3A_690 : vector<16xf32>
      %convert_element_type3A_693 = arith.sitofp %sub3A_666 : vector<16xi32> to vector<16xf32>
      %mul3A_694 = arith.constant 1.000030e-05 : f32
      %mul3A_695 = vector.broadcast %mul3A_694 : f32 to vector<16xf32>
      %mul3A_696 = arith.mulf %convert_element_type3A_693, %mul3A_695 : vector<16xf32>
      %jit3A_697 = arith.constant 0.000000e+00 : f32
      %jit3A_698 = arith.constant 1.000000e+00 : f32
      %max3A_699 = vector.broadcast %jit3A_697 : f32 to vector<16xf32>
      %max3A_700 = arith.maximumf %max3A_699, %mul3A_696 : vector<16xf32>
      %min3A_701 = vector.broadcast %jit3A_698 : f32 to vector<16xf32>
      %min3A_702 = arith.minimumf %min3A_701, %max3A_700 : vector<16xf32>
      %add3A_703 = arith.constant 1 : i32
      %add3A_704 = vector.broadcast %add3A_703 : i32 to vector<16xi32>
      %add3A_705 = arith.addi %sub3A_666, %add3A_704 : vector<16xi32>
      %convert_element_type3A_706 = arith.sitofp %add3A_705 : vector<16xi32> to vector<16xf32>
      %mul3A_707 = arith.constant 1.000030e-05 : f32
      %mul3A_708 = vector.broadcast %mul3A_707 : f32 to vector<16xf32>
      %mul3A_709 = arith.mulf %convert_element_type3A_706, %mul3A_708 : vector<16xf32>
      %jit3A_710 = arith.constant 0.000000e+00 : f32
      %jit3A_711 = arith.constant 1.000000e+00 : f32
      %max3A_712 = vector.broadcast %jit3A_710 : f32 to vector<16xf32>
      %max3A_713 = arith.maximumf %max3A_712, %mul3A_709 : vector<16xf32>
      %min3A_714 = vector.broadcast %jit3A_711 : f32 to vector<16xf32>
      %min3A_715 = arith.minimumf %min3A_714, %max3A_713 : vector<16xf32>
      %add3A_716 = arith.constant 2 : i32
      %add3A_717 = vector.broadcast %add3A_716 : i32 to vector<16xi32>
      %add3A_718 = arith.addi %sub3A_666, %add3A_717 : vector<16xi32>
      %convert_element_type3A_719 = arith.sitofp %add3A_718 : vector<16xi32> to vector<16xf32>
      %mul3A_720 = arith.constant 1.000030e-05 : f32
      %mul3A_721 = vector.broadcast %mul3A_720 : f32 to vector<16xf32>
      %mul3A_722 = arith.mulf %convert_element_type3A_719, %mul3A_721 : vector<16xf32>
      %jit3A_723 = arith.constant 0.000000e+00 : f32
      %jit3A_724 = arith.constant 1.000000e+00 : f32
      %max3A_725 = vector.broadcast %jit3A_723 : f32 to vector<16xf32>
      %max3A_726 = arith.maximumf %max3A_725, %mul3A_722 : vector<16xf32>
      %min3A_727 = vector.broadcast %jit3A_724 : f32 to vector<16xf32>
      %min3A_728 = arith.minimumf %min3A_727, %max3A_726 : vector<16xf32>
      %add3A_729 = arith.constant 3 : i32
      %add3A_730 = vector.broadcast %add3A_729 : i32 to vector<16xi32>
      %add3A_731 = arith.addi %sub3A_666, %add3A_730 : vector<16xi32>
      %convert_element_type3A_732 = arith.sitofp %add3A_731 : vector<16xi32> to vector<16xf32>
      %mul3A_733 = arith.constant 1.000030e-05 : f32
      %mul3A_734 = vector.broadcast %mul3A_733 : f32 to vector<16xf32>
      %mul3A_735 = arith.mulf %convert_element_type3A_732, %mul3A_734 : vector<16xf32>
      %jit3A_736 = arith.constant 0.000000e+00 : f32
      %jit3A_737 = arith.constant 1.000000e+00 : f32
      %max3A_738 = vector.broadcast %jit3A_736 : f32 to vector<16xf32>
      %max3A_739 = arith.maximumf %max3A_738, %mul3A_735 : vector<16xf32>
      %min3A_740 = vector.broadcast %jit3A_737 : f32 to vector<16xf32>
      %min3A_741 = arith.minimumf %min3A_740, %max3A_739 : vector<16xf32>
      %sub3A_742 = arith.subf %get3A_607, %min3A_702 : vector<16xf32>
      %sub3A_743 = arith.subf %get3A_607, %min3A_692 : vector<16xf32>
      %sub3A_744 = arith.subf %get3A_607, %min3A_679 : vector<16xf32>
      %sub3A_745 = arith.subf %min3A_715, %get3A_607 : vector<16xf32>
      %sub3A_746 = arith.subf %min3A_728, %get3A_607 : vector<16xf32>
      %sub3A_747 = arith.subf %min3A_741, %get3A_607 : vector<16xf32>
      %add3A_748 = arith.addf %sub3A_745, %sub3A_742 : vector<16xf32>
      %div3A_749 = arith.constant 1.000000e+00 : f32
      %div3A_750 = vector.broadcast %div3A_749 : f32 to vector<16xf32>
      %div3A_751 = arith.divf %div3A_750, %add3A_748 : vector<16xf32>
      %mul3A_752 = arith.mulf %sub3A_745, %div3A_751 : vector<16xf32>
      %mul3A_753 = arith.mulf %sub3A_742, %div3A_751 : vector<16xf32>
      %add3A_754 = arith.addf %sub3A_745, %sub3A_743 : vector<16xf32>
      %div3A_755 = arith.divf %mul3A_752, %add3A_754 : vector<16xf32>
      %mul3A_756 = arith.mulf %sub3A_745, %div3A_755 : vector<16xf32>
      %mul3A_757 = arith.mulf %sub3A_743, %div3A_755 : vector<16xf32>
      %add3A_758 = arith.addf %sub3A_746, %sub3A_742 : vector<16xf32>
      %div3A_759 = arith.divf %mul3A_753, %add3A_758 : vector<16xf32>
      %mul3A_760 = arith.mulf %sub3A_746, %div3A_759 : vector<16xf32>
      %add3A_761 = arith.addf %mul3A_757, %mul3A_760 : vector<16xf32>
      %mul3A_762 = arith.mulf %sub3A_742, %div3A_759 : vector<16xf32>
      %add3A_763 = arith.addf %sub3A_745, %sub3A_744 : vector<16xf32>
      %div3A_764 = arith.divf %mul3A_756, %add3A_763 : vector<16xf32>
      %mul3A_765 = arith.mulf %sub3A_745, %div3A_764 : vector<16xf32>
      %mul3A_766 = arith.mulf %sub3A_744, %div3A_764 : vector<16xf32>
      %add3A_767 = arith.addf %sub3A_746, %sub3A_743 : vector<16xf32>
      %div3A_768 = arith.divf %add3A_761, %add3A_767 : vector<16xf32>
      %mul3A_769 = arith.mulf %sub3A_746, %div3A_768 : vector<16xf32>
      %add3A_770 = arith.addf %mul3A_766, %mul3A_769 : vector<16xf32>
      %mul3A_771 = arith.mulf %sub3A_743, %div3A_768 : vector<16xf32>
      %add3A_772 = arith.addf %sub3A_747, %sub3A_742 : vector<16xf32>
      %div3A_773 = arith.divf %mul3A_762, %add3A_772 : vector<16xf32>
      %mul3A_774 = arith.mulf %sub3A_747, %div3A_773 : vector<16xf32>
      %add3A_775 = arith.addf %mul3A_771, %mul3A_774 : vector<16xf32>
      %mul3A_776 = arith.mulf %sub3A_742, %div3A_773 : vector<16xf32>
      %sub3A_777 = vector.broadcast %mul3A_27 : i32 to vector<16xi32>
      %sub3A_778 = arith.subi %sub3A_664, %sub3A_777 : vector<16xi32>
      %sub3A_779 = arith.constant 3 : i32
      %sub3A_780 = vector.broadcast %sub3A_779 : i32 to vector<16xi32>
      %sub3A_781 = arith.subi %sub3A_778, %sub3A_780 : vector<16xi32>
      %mul3A_782 = arith.constant 0 : i32
      %mul3A_783 = vector.broadcast %mul3A_782 : i32 to vector<16xi32>
      %mul3A_784 = arith.muli %sub3A_781, %mul3A_783 : vector<16xi32>
      %add3A_785 = arith.constant 0 : i32
      %add3A_786 = vector.broadcast %add3A_785 : i32 to vector<16xi32>
      %add3A_787 = arith.addi %sub3A_781, %add3A_786 : vector<16xi32>
      %add3A_788 = arith.constant 0 : i32
      %add3A_789 = vector.broadcast %add3A_788 : i32 to vector<16xi32>
      %add3A_790 = arith.addi %mul3A_784, %add3A_789 : vector<16xi32>
      %gather3A = tpu.vector_load_idx %arg12[%add3A_787, %add3A_790] : memref<3176x3xf32, #tpu.memory_space<vmem>>[vector<16xi32>, vector<16xi32>], vector<16xf32>,
      %add3A_791 = arith.constant 0 : i32
      %add3A_792 = vector.broadcast %add3A_791 : i32 to vector<16xi32>
      %add3A_793 = arith.addi %sub3A_781, %add3A_792 : vector<16xi32>
      %add3A_794 = arith.constant 1 : i32
      %add3A_795 = vector.broadcast %add3A_794 : i32 to vector<16xi32>
      %add3A_796 = arith.addi %mul3A_784, %add3A_795 : vector<16xi32>
      %gather3A_797 = tpu.vector_load_idx %arg12[%add3A_793, %add3A_796] : memref<3176x3xf32, #tpu.memory_space<vmem>>[vector<16xi32>, vector<16xi32>], vector<16xf32>,
      %add3A_798 = arith.constant 0 : i32
      %add3A_799 = vector.broadcast %add3A_798 : i32 to vector<16xi32>
      %add3A_800 = arith.addi %sub3A_781, %add3A_799 : vector<16xi32>
      %add3A_801 = arith.constant 2 : i32
      %add3A_802 = vector.broadcast %add3A_801 : i32 to vector<16xi32>
      %add3A_803 = arith.addi %mul3A_784, %add3A_802 : vector<16xi32>
      %gather3A_804 = tpu.vector_load_idx %arg12[%add3A_800, %add3A_803] : memref<3176x3xf32, #tpu.memory_space<vmem>>[vector<16xi32>, vector<16xi32>], vector<16xf32>,
      %add3A_805 = arith.constant 1 : i32
      %add3A_806 = vector.broadcast %add3A_805 : i32 to vector<16xi32>
      %add3A_807 = arith.addi %sub3A_781, %add3A_806 : vector<16xi32>
      %add3A_808 = arith.constant 0 : i32
      %add3A_809 = vector.broadcast %add3A_808 : i32 to vector<16xi32>
      %add3A_810 = arith.addi %mul3A_784, %add3A_809 : vector<16xi32>
      %gather3A_811 = tpu.vector_load_idx %arg12[%add3A_807, %add3A_810] : memref<3176x3xf32, #tpu.memory_space<vmem>>[vector<16xi32>, vector<16xi32>], vector<16xf32>,
      %add3A_812 = arith.constant 1 : i32
      %add3A_813 = vector.broadcast %add3A_812 : i32 to vector<16xi32>
      %add3A_814 = arith.addi %sub3A_781, %add3A_813 : vector<16xi32>
      %add3A_815 = arith.constant 1 : i32
      %add3A_816 = vector.broadcast %add3A_815 : i32 to vector<16xi32>
      %add3A_817 = arith.addi %mul3A_784, %add3A_816 : vector<16xi32>
      %gather3A_818 = tpu.vector_load_idx %arg12[%add3A_814, %add3A_817] : memref<3176x3xf32, #tpu.memory_space<vmem>>[vector<16xi32>, vector<16xi32>], vector<16xf32>,
      %add3A_819 = arith.constant 1 : i32
      %add3A_820 = vector.broadcast %add3A_819 : i32 to vector<16xi32>
      %add3A_821 = arith.addi %sub3A_781, %add3A_820 : vector<16xi32>
      %add3A_822 = arith.constant 2 : i32
      %add3A_823 = vector.broadcast %add3A_822 : i32 to vector<16xi32>
      %add3A_824 = arith.addi %mul3A_784, %add3A_823 : vector<16xi32>
      %gather3A_825 = tpu.vector_load_idx %arg12[%add3A_821, %add3A_824] : memref<3176x3xf32, #tpu.memory_space<vmem>>[vector<16xi32>, vector<16xi32>], vector<16xf32>,
      %add3A_826 = arith.constant 2 : i32
      %add3A_827 = vector.broadcast %add3A_826 : i32 to vector<16xi32>
      %add3A_828 = arith.addi %sub3A_781, %add3A_827 : vector<16xi32>
      %add3A_829 = arith.constant 0 : i32
      %add3A_830 = vector.broadcast %add3A_829 : i32 to vector<16xi32>
      %add3A_831 = arith.addi %mul3A_784, %add3A_830 : vector<16xi32>
      %gather3A_832 = tpu.vector_load_idx %arg12[%add3A_828, %add3A_831] : memref<3176x3xf32, #tpu.memory_space<vmem>>[vector<16xi32>, vector<16xi32>], vector<16xf32>,
      %add3A_833 = arith.constant 2 : i32
      %add3A_834 = vector.broadcast %add3A_833 : i32 to vector<16xi32>
      %add3A_835 = arith.addi %sub3A_781, %add3A_834 : vector<16xi32>
      %add3A_836 = arith.constant 1 : i32
      %add3A_837 = vector.broadcast %add3A_836 : i32 to vector<16xi32>
      %add3A_838 = arith.addi %mul3A_784, %add3A_837 : vector<16xi32>
      %gather3A_839 = tpu.vector_load_idx %arg12[%add3A_835, %add3A_838] : memref<3176x3xf32, #tpu.memory_space<vmem>>[vector<16xi32>, vector<16xi32>], vector<16xf32>,
      %add3A_840 = arith.constant 2 : i32
      %add3A_841 = vector.broadcast %add3A_840 : i32 to vector<16xi32>
      %add3A_842 = arith.addi %sub3A_781, %add3A_841 : vector<16xi32>
      %add3A_843 = arith.constant 2 : i32
      %add3A_844 = vector.broadcast %add3A_843 : i32 to vector<16xi32>
      %add3A_845 = arith.addi %mul3A_784, %add3A_844 : vector<16xi32>
      %gather3A_846 = tpu.vector_load_idx %arg12[%add3A_842, %add3A_845] : memref<3176x3xf32, #tpu.memory_space<vmem>>[vector<16xi32>, vector<16xi32>], vector<16xf32>,
      %add3A_847 = arith.constant 3 : i32
      %add3A_848 = vector.broadcast %add3A_847 : i32 to vector<16xi32>
      %add3A_849 = arith.addi %sub3A_781, %add3A_848 : vector<16xi32>
      %add3A_850 = arith.constant 0 : i32
      %add3A_851 = vector.broadcast %add3A_850 : i32 to vector<16xi32>
      %add3A_852 = arith.addi %mul3A_784, %add3A_851 : vector<16xi32>
      %gather3A_853 = tpu.vector_load_idx %arg12[%add3A_849, %add3A_852] : memref<3176x3xf32, #tpu.memory_space<vmem>>[vector<16xi32>, vector<16xi32>], vector<16xf32>,
      %add3A_854 = arith.constant 3 : i32
      %add3A_855 = vector.broadcast %add3A_854 : i32 to vector<16xi32>
      %add3A_856 = arith.addi %sub3A_781, %add3A_855 : vector<16xi32>
      %add3A_857 = arith.constant 1 : i32
      %add3A_858 = vector.broadcast %add3A_857 : i32 to vector<16xi32>
      %add3A_859 = arith.addi %mul3A_784, %add3A_858 : vector<16xi32>
      %gather3A_860 = tpu.vector_load_idx %arg12[%add3A_856, %add3A_859] : memref<3176x3xf32, #tpu.memory_space<vmem>>[vector<16xi32>, vector<16xi32>], vector<16xf32>,
      %add3A_861 = arith.constant 3 : i32
      %add3A_862 = vector.broadcast %add3A_861 : i32 to vector<16xi32>
      %add3A_863 = arith.addi %sub3A_781, %add3A_862 : vector<16xi32>
      %add3A_864 = arith.constant 2 : i32
      %add3A_865 = vector.broadcast %add3A_864 : i32 to vector<16xi32>
      %add3A_866 = arith.addi %mul3A_784, %add3A_865 : vector<16xi32>
      %gather3A_867 = tpu.vector_load_idx %arg12[%add3A_863, %add3A_866] : memref<3176x3xf32, #tpu.memory_space<vmem>>[vector<16xi32>, vector<16xi32>], vector<16xf32>,
      %mul3A_868 = arith.mulf %mul3A_765, %gather3A : vector<16xf32>
      %mul3A_869 = arith.mulf %add3A_770, %gather3A_811 : vector<16xf32>
      %add3A_870 = arith.addf %mul3A_868, %mul3A_869 : vector<16xf32>
      %mul3A_871 = arith.mulf %add3A_775, %gather3A_832 : vector<16xf32>
      %add3A_872 = arith.addf %add3A_870, %mul3A_871 : vector<16xf32>
      %mul3A_873 = arith.mulf %mul3A_776, %gather3A_853 : vector<16xf32>
      %add3A_874 = arith.addf %add3A_872, %mul3A_873 : vector<16xf32>
      %mul3A_875 = arith.mulf %mul3A_765, %gather3A_797 : vector<16xf32>
      %mul3A_876 = arith.mulf %add3A_770, %gather3A_818 : vector<16xf32>
      %add3A_877 = arith.addf %mul3A_875, %mul3A_876 : vector<16xf32>
      %mul3A_878 = arith.mulf %add3A_775, %gather3A_839 : vector<16xf32>
      %add3A_879 = arith.addf %add3A_877, %mul3A_878 : vector<16xf32>
      %mul3A_880 = arith.mulf %mul3A_776, %gather3A_860 : vector<16xf32>
      %add3A_881 = arith.addf %add3A_879, %mul3A_880 : vector<16xf32>
      %mul3A_882 = arith.mulf %mul3A_765, %gather3A_804 : vector<16xf32>
      %mul3A_883 = arith.mulf %add3A_770, %gather3A_825 : vector<16xf32>
      %add3A_884 = arith.addf %mul3A_882, %mul3A_883 : vector<16xf32>
      %mul3A_885 = arith.mulf %add3A_775, %gather3A_846 : vector<16xf32>
      %add3A_886 = arith.addf %add3A_884, %mul3A_885 : vector<16xf32>
      %mul3A_887 = arith.mulf %mul3A_776, %gather3A_867 : vector<16xf32>
      %add3A_888 = arith.addf %add3A_886, %mul3A_887 : vector<16xf32>
      %mul3A_889 = arith.constant 16 : i32
      %mul3A_890 = arith.muli %scan3A_604, %mul3A_889 : i32
      %swap3A = arith.constant 0 : i32
      %swap3A_891 = arith.index_cast %swap3A : i32 to index
      %swap3A_892 = arith.index_cast %mul3A_890 : i32 to index
      %swap3A_893 = tpu.vector_load %arg11[%swap3A_891, %swap3A_892] {strides = array<i32>} : memref<3x3920xf32, #tpu.memory_space<vmem>>, vector<16xf32>,
      tpu.vector_store %arg11[%swap3A_891, %swap3A_892], %add3A_874 {strides = array<i32>} : memref<3x3920xf32, #tpu.memory_space<vmem>>, vector<16xf32>,
      %mul3A_894 = arith.constant 16 : i32
      %mul3A_895 = arith.muli %scan3A_604, %mul3A_894 : i32
      %swap3A_896 = arith.constant 1 : i32
      %swap3A_897 = arith.index_cast %swap3A_896 : i32 to index
      %swap3A_898 = arith.index_cast %mul3A_895 : i32 to index
      %swap3A_899 = tpu.vector_load %arg11[%swap3A_897, %swap3A_898] {strides = array<i32>} : memref<3x3920xf32, #tpu.memory_space<vmem>>, vector<16xf32>,
      tpu.vector_store %arg11[%swap3A_897, %swap3A_898], %add3A_881 {strides = array<i32>} : memref<3x3920xf32, #tpu.memory_space<vmem>>, vector<16xf32>,
      %mul3A_900 = arith.constant 16 : i32
      %mul3A_901 = arith.muli %scan3A_604, %mul3A_900 : i32
      %swap3A_902 = arith.constant 2 : i32
      %swap3A_903 = arith.index_cast %swap3A_902 : i32 to index
      %swap3A_904 = arith.index_cast %mul3A_901 : i32 to index
      %swap3A_905 = tpu.vector_load %arg11[%swap3A_903, %swap3A_904] {strides = array<i32>} : memref<3x3920xf32, #tpu.memory_space<vmem>>, vector<16xf32>,
      tpu.vector_store %arg11[%swap3A_903, %swap3A_904], %add3A_888 {strides = array<i32>} : memref<3x3920xf32, #tpu.memory_space<vmem>>, vector<16xf32>,
    }
    %scan3A_519 = arith.constant 245 : i32
    %dma_start3A_520 = arith.constant 0 : i32
    %dma_start3A_521 = arith.constant 0 : i32
    %dma_start3A_522 = tpu.memref_slice %arg11[%dma_start3A_520, %dma_start3A_521] : memref<3x3920xf32, #tpu.memory_space<vmem>> -> memref<1x3920xf32, #tpu.memory_space<vmem>>
    %dma_start3A_523 = tpu.memref_squeeze %dma_start3A_522 : memref<1x3920xf32, #tpu.memory_space<vmem>> -> memref<3920xf32, #tpu.memory_space<vmem>>
    %dma_start3A_524 = tpu.memref_slice %arg5[%min3A_91] : memref<1000001xf32, #tpu.memory_space<hbm>> -> memref<3920xf32, #tpu.memory_space<hbm>>
    %dma_start3A_525 = tpu.memref_slice %arg5[%min3A_91] : memref<1000001xf32, #tpu.memory_space<hbm>> -> memref<3920xf32, #tpu.memory_space<hbm>>
    %dma_start3A_526 = arith.constant 0 : i32
    %dma_start3A_527 = tpu.memref_slice %arg11[%dma_start3A_520, %dma_start3A_526] : memref<3x3920xf32, #tpu.memory_space<vmem>> -> memref<1x3920xf32, #tpu.memory_space<vmem>>
    %dma_start3A_528 = tpu.memref_squeeze %dma_start3A_527 : memref<1x3920xf32, #tpu.memory_space<vmem>> -> memref<3920xf32, #tpu.memory_space<vmem>>
    tpu.enqueue_dma source(%dma_start3A_528 : memref<3920xf32, #tpu.memory_space<vmem>>) target(%dma_start3A_525 : memref<3920xf32, #tpu.memory_space<hbm>>) target_semaphore(%arg16 : memref<!tpu.dma_semaphore, #tpu.memory_space<semaphore_mem>>)
    %dma_start3A_529 = arith.constant 1 : i32
    %dma_start3A_530 = arith.constant 0 : i32
    %dma_start3A_531 = tpu.memref_slice %arg11[%dma_start3A_529, %dma_start3A_530] : memref<3x3920xf32, #tpu.memory_space<vmem>> -> memref<1x3920xf32, #tpu.memory_space<vmem>>
    %dma_start3A_532 = tpu.memref_squeeze %dma_start3A_531 : memref<1x3920xf32, #tpu.memory_space<vmem>> -> memref<3920xf32, #tpu.memory_space<vmem>>
    %dma_start3A_533 = tpu.memref_slice %arg6[%min3A_91] : memref<1000001xf32, #tpu.memory_space<hbm>> -> memref<3920xf32, #tpu.memory_space<hbm>>
    %dma_start3A_534 = tpu.memref_slice %arg6[%min3A_91] : memref<1000001xf32, #tpu.memory_space<hbm>> -> memref<3920xf32, #tpu.memory_space<hbm>>
    %dma_start3A_535 = arith.constant 0 : i32
    %dma_start3A_536 = tpu.memref_slice %arg11[%dma_start3A_529, %dma_start3A_535] : memref<3x3920xf32, #tpu.memory_space<vmem>> -> memref<1x3920xf32, #tpu.memory_space<vmem>>
    %dma_start3A_537 = tpu.memref_squeeze %dma_start3A_536 : memref<1x3920xf32, #tpu.memory_space<vmem>> -> memref<3920xf32, #tpu.memory_space<vmem>>
    tpu.enqueue_dma source(%dma_start3A_537 : memref<3920xf32, #tpu.memory_space<vmem>>) target(%dma_start3A_534 : memref<3920xf32, #tpu.memory_space<hbm>>) target_semaphore(%arg16 : memref<!tpu.dma_semaphore, #tpu.memory_space<semaphore_mem>>)
    %dma_start3A_538 = arith.constant 2 : i32
    %dma_start3A_539 = arith.constant 0 : i32
    %dma_start3A_540 = tpu.memref_slice %arg11[%dma_start3A_538, %dma_start3A_539] : memref<3x3920xf32, #tpu.memory_space<vmem>> -> memref<1x3920xf32, #tpu.memory_space<vmem>>
    %dma_start3A_541 = tpu.memref_squeeze %dma_start3A_540 : memref<1x3920xf32, #tpu.memory_space<vmem>> -> memref<3920xf32, #tpu.memory_space<vmem>>
    %dma_start3A_542 = tpu.memref_slice %arg7[%min3A_91] : memref<1000001xf32, #tpu.memory_space<hbm>> -> memref<3920xf32, #tpu.memory_space<hbm>>
    %dma_start3A_543 = tpu.memref_slice %arg7[%min3A_91] : memref<1000001xf32, #tpu.memory_space<hbm>> -> memref<3920xf32, #tpu.memory_space<hbm>>
    %dma_start3A_544 = arith.constant 0 : i32
    %dma_start3A_545 = tpu.memref_slice %arg11[%dma_start3A_538, %dma_start3A_544] : memref<3x3920xf32, #tpu.memory_space<vmem>> -> memref<1x3920xf32, #tpu.memory_space<vmem>>
    %dma_start3A_546 = tpu.memref_squeeze %dma_start3A_545 : memref<1x3920xf32, #tpu.memory_space<vmem>> -> memref<3920xf32, #tpu.memory_space<vmem>>
    tpu.enqueue_dma source(%dma_start3A_546 : memref<3920xf32, #tpu.memory_space<vmem>>) target(%dma_start3A_543 : memref<3920xf32, #tpu.memory_space<hbm>>) target_semaphore(%arg16 : memref<!tpu.dma_semaphore, #tpu.memory_space<semaphore_mem>>)
    %dma_wait3A_547 = arith.constant 0 : i32
    %dma_wait3A_548 = arith.constant 0 : i32
    %dma_wait3A_549 = tpu.memref_slice %arg10[%dma_wait3A_547, %dma_wait3A_548] : memref<3x3920xf32, #tpu.memory_space<vmem>> -> memref<1x3920xf32, #tpu.memory_space<vmem>>
    %dma_wait3A_550 = tpu.memref_squeeze %dma_wait3A_549 : memref<1x3920xf32, #tpu.memory_space<vmem>> -> memref<3920xf32, #tpu.memory_space<vmem>>
    %dma_wait3A_551 = tpu.memref_slice %arg5[%min3A_83] : memref<1000001xf32, #tpu.memory_space<hbm>> -> memref<3920xf32, #tpu.memory_space<hbm>>
    %dma_wait3A_552 = tpu.memref_slice %arg5[%min3A_83] : memref<1000001xf32, #tpu.memory_space<hbm>> -> memref<3920xf32, #tpu.memory_space<hbm>>
    %dma_wait3A_553 = arith.constant 0 : i32
    %dma_wait3A_554 = tpu.memref_slice %arg10[%dma_wait3A_547, %dma_wait3A_553] : memref<3x3920xf32, #tpu.memory_space<vmem>> -> memref<1x3920xf32, #tpu.memory_space<vmem>>
    %dma_wait3A_555 = tpu.memref_squeeze %dma_wait3A_554 : memref<1x3920xf32, #tpu.memory_space<vmem>> -> memref<3920xf32, #tpu.memory_space<vmem>>
    tpu.wait_dma2 semaphore(%arg15 : memref<!tpu.dma_semaphore, #tpu.memory_space<semaphore_mem>>) src(%dma_wait3A_555 : memref<3920xf32, #tpu.memory_space<vmem>>) dst(%dma_wait3A_552 : memref<3920xf32, #tpu.memory_space<hbm>>)
    %dma_wait3A_556 = arith.constant 1 : i32
    %dma_wait3A_557 = arith.constant 0 : i32
    %dma_wait3A_558 = tpu.memref_slice %arg10[%dma_wait3A_556, %dma_wait3A_557] : memref<3x3920xf32, #tpu.memory_space<vmem>> -> memref<1x3920xf32, #tpu.memory_space<vmem>>
    %dma_wait3A_559 = tpu.memref_squeeze %dma_wait3A_558 : memref<1x3920xf32, #tpu.memory_space<vmem>> -> memref<3920xf32, #tpu.memory_space<vmem>>
    %dma_wait3A_560 = tpu.memref_slice %arg6[%min3A_83] : memref<1000001xf32, #tpu.memory_space<hbm>> -> memref<3920xf32, #tpu.memory_space<hbm>>
    %dma_wait3A_561 = tpu.memref_slice %arg6[%min3A_83] : memref<1000001xf32, #tpu.memory_space<hbm>> -> memref<3920xf32, #tpu.memory_space<hbm>>
    %dma_wait3A_562 = arith.constant 0 : i32
    %dma_wait3A_563 = tpu.memref_slice %arg10[%dma_wait3A_556, %dma_wait3A_562] : memref<3x3920xf32, #tpu.memory_space<vmem>> -> memref<1x3920xf32, #tpu.memory_space<vmem>>
    %dma_wait3A_564 = tpu.memref_squeeze %dma_wait3A_563 : memref<1x3920xf32, #tpu.memory_space<vmem>> -> memref<3920xf32, #tpu.memory_space<vmem>>
    tpu.wait_dma2 semaphore(%arg15 : memref<!tpu.dma_semaphore, #tpu.memory_space<semaphore_mem>>) src(%dma_wait3A_564 : memref<3920xf32, #tpu.memory_space<vmem>>) dst(%dma_wait3A_561 : memref<3920xf32, #tpu.memory_space<hbm>>)
    %dma_wait3A_565 = arith.constant 2 : i32
    %dma_wait3A_566 = arith.constant 0 : i32
    %dma_wait3A_567 = tpu.memref_slice %arg10[%dma_wait3A_565, %dma_wait3A_566] : memref<3x3920xf32, #tpu.memory_space<vmem>> -> memref<1x3920xf32, #tpu.memory_space<vmem>>
    %dma_wait3A_568 = tpu.memref_squeeze %dma_wait3A_567 : memref<1x3920xf32, #tpu.memory_space<vmem>> -> memref<3920xf32, #tpu.memory_space<vmem>>
    %dma_wait3A_569 = tpu.memref_slice %arg7[%min3A_83] : memref<1000001xf32, #tpu.memory_space<hbm>> -> memref<3920xf32, #tpu.memory_space<hbm>>
    %dma_wait3A_570 = tpu.memref_slice %arg7[%min3A_83] : memref<1000001xf32, #tpu.memory_space<hbm>> -> memref<3920xf32, #tpu.memory_space<hbm>>
    %dma_wait3A_571 = arith.constant 0 : i32
    %dma_wait3A_572 = tpu.memref_slice %arg10[%dma_wait3A_565, %dma_wait3A_571] : memref<3x3920xf32, #tpu.memory_space<vmem>> -> memref<1x3920xf32, #tpu.memory_space<vmem>>
    %dma_wait3A_573 = tpu.memref_squeeze %dma_wait3A_572 : memref<1x3920xf32, #tpu.memory_space<vmem>> -> memref<3920xf32, #tpu.memory_space<vmem>>
    tpu.wait_dma2 semaphore(%arg15 : memref<!tpu.dma_semaphore, #tpu.memory_space<semaphore_mem>>) src(%dma_wait3A_573 : memref<3920xf32, #tpu.memory_space<vmem>>) dst(%dma_wait3A_570 : memref<3920xf32, #tpu.memory_space<hbm>>)
    %dma_wait3A_574 = arith.constant 0 : i32
    %dma_wait3A_575 = arith.constant 0 : i32
    %dma_wait3A_576 = tpu.memref_slice %arg11[%dma_wait3A_574, %dma_wait3A_575] : memref<3x3920xf32, #tpu.memory_space<vmem>> -> memref<1x3920xf32, #tpu.memory_space<vmem>>
    %dma_wait3A_577 = tpu.memref_squeeze %dma_wait3A_576 : memref<1x3920xf32, #tpu.memory_space<vmem>> -> memref<3920xf32, #tpu.memory_space<vmem>>
    %dma_wait3A_578 = tpu.memref_slice %arg5[%min3A_91] : memref<1000001xf32, #tpu.memory_space<hbm>> -> memref<3920xf32, #tpu.memory_space<hbm>>
    %dma_wait3A_579 = tpu.memref_slice %arg5[%min3A_91] : memref<1000001xf32, #tpu.memory_space<hbm>> -> memref<3920xf32, #tpu.memory_space<hbm>>
    %dma_wait3A_580 = arith.constant 0 : i32
    %dma_wait3A_581 = tpu.memref_slice %arg11[%dma_wait3A_574, %dma_wait3A_580] : memref<3x3920xf32, #tpu.memory_space<vmem>> -> memref<1x3920xf32, #tpu.memory_space<vmem>>
    %dma_wait3A_582 = tpu.memref_squeeze %dma_wait3A_581 : memref<1x3920xf32, #tpu.memory_space<vmem>> -> memref<3920xf32, #tpu.memory_space<vmem>>
    tpu.wait_dma2 semaphore(%arg16 : memref<!tpu.dma_semaphore, #tpu.memory_space<semaphore_mem>>) src(%dma_wait3A_582 : memref<3920xf32, #tpu.memory_space<vmem>>) dst(%dma_wait3A_579 : memref<3920xf32, #tpu.memory_space<hbm>>)
    %dma_wait3A_583 = arith.constant 1 : i32
    %dma_wait3A_584 = arith.constant 0 : i32
    %dma_wait3A_585 = tpu.memref_slice %arg11[%dma_wait3A_583, %dma_wait3A_584] : memref<3x3920xf32, #tpu.memory_space<vmem>> -> memref<1x3920xf32, #tpu.memory_space<vmem>>
    %dma_wait3A_586 = tpu.memref_squeeze %dma_wait3A_585 : memref<1x3920xf32, #tpu.memory_space<vmem>> -> memref<3920xf32, #tpu.memory_space<vmem>>
    %dma_wait3A_587 = tpu.memref_slice %arg6[%min3A_91] : memref<1000001xf32, #tpu.memory_space<hbm>> -> memref<3920xf32, #tpu.memory_space<hbm>>
    %dma_wait3A_588 = tpu.memref_slice %arg6[%min3A_91] : memref<1000001xf32, #tpu.memory_space<hbm>> -> memref<3920xf32, #tpu.memory_space<hbm>>
    %dma_wait3A_589 = arith.constant 0 : i32
    %dma_wait3A_590 = tpu.memref_slice %arg11[%dma_wait3A_583, %dma_wait3A_589] : memref<3x3920xf32, #tpu.memory_space<vmem>> -> memref<1x3920xf32, #tpu.memory_space<vmem>>
    %dma_wait3A_591 = tpu.memref_squeeze %dma_wait3A_590 : memref<1x3920xf32, #tpu.memory_space<vmem>> -> memref<3920xf32, #tpu.memory_space<vmem>>
    tpu.wait_dma2 semaphore(%arg16 : memref<!tpu.dma_semaphore, #tpu.memory_space<semaphore_mem>>) src(%dma_wait3A_591 : memref<3920xf32, #tpu.memory_space<vmem>>) dst(%dma_wait3A_588 : memref<3920xf32, #tpu.memory_space<hbm>>)
    %dma_wait3A_592 = arith.constant 2 : i32
    %dma_wait3A_593 = arith.constant 0 : i32
    %dma_wait3A_594 = tpu.memref_slice %arg11[%dma_wait3A_592, %dma_wait3A_593] : memref<3x3920xf32, #tpu.memory_space<vmem>> -> memref<1x3920xf32, #tpu.memory_space<vmem>>
    %dma_wait3A_595 = tpu.memref_squeeze %dma_wait3A_594 : memref<1x3920xf32, #tpu.memory_space<vmem>> -> memref<3920xf32, #tpu.memory_space<vmem>>
    %dma_wait3A_596 = tpu.memref_slice %arg7[%min3A_91] : memref<1000001xf32, #tpu.memory_space<hbm>> -> memref<3920xf32, #tpu.memory_space<hbm>>
    %dma_wait3A_597 = tpu.memref_slice %arg7[%min3A_91] : memref<1000001xf32, #tpu.memory_space<hbm>> -> memref<3920xf32, #tpu.memory_space<hbm>>
    %dma_wait3A_598 = arith.constant 0 : i32
    %dma_wait3A_599 = tpu.memref_slice %arg11[%dma_wait3A_592, %dma_wait3A_598] : memref<3x3920xf32, #tpu.memory_space<vmem>> -> memref<1x3920xf32, #tpu.memory_space<vmem>>
    %dma_wait3A_600 = tpu.memref_squeeze %dma_wait3A_599 : memref<1x3920xf32, #tpu.memory_space<vmem>> -> memref<3920xf32, #tpu.memory_space<vmem>>
    tpu.wait_dma2 semaphore(%arg16 : memref<!tpu.dma_semaphore, #tpu.memory_space<semaphore_mem>>) src(%dma_wait3A_600 : memref<3920xf32, #tpu.memory_space<vmem>>) dst(%dma_wait3A_597 : memref<3920xf32, #tpu.memory_space<hbm>>)
    %eq3A = arith.constant 31 : i32
    %eq3A_601 = arith.cmpi eq, %add3A, %eq3A : i32
    %convert_element_type3A_602 = arith.extui %eq3A_601 : i1 to i32
    %cond3A = arith.constant 0 : i32
    %cond3A_603 = arith.cmpi ne, %convert_element_type3A_602, %cond3A : i32
    scf.if %cond3A_603 {
      %broadcast_in_dim3A = arith.constant 1.000000e+00 : f32
      %broadcast_in_dim3A_604 = vector.broadcast %broadcast_in_dim3A : f32 to vector<16xf32>
      %mul3A_605 = arith.constant 9.999700e+04 : f32
      %mul3A_606 = vector.broadcast %mul3A_605 : f32 to vector<16xf32>
      %mul3A_607 = arith.mulf %broadcast_in_dim3A_604, %mul3A_606 : vector<16xf32>
      %convert_element_type3A_608 = arith.fptosi %mul3A_607 : vector<16xf32> to vector<16xi32>
      %add3A_609 = arith.constant 3 : i32
      %add3A_610 = vector.broadcast %add3A_609 : i32 to vector<16xi32>
      %add3A_611 = arith.addi %convert_element_type3A_608, %add3A_610 : vector<16xi32>
      %jit3A_612 = arith.constant 3 : i32
      %jit3A_613 = arith.constant 99999 : i32
      %max3A_614 = vector.broadcast %jit3A_612 : i32 to vector<16xi32>
      %max3A_615 = arith.maxsi %max3A_614, %add3A_611 : vector<16xi32>
      %min3A_616 = vector.broadcast %jit3A_613 : i32 to vector<16xi32>
      %min3A_617 = arith.minsi %min3A_616, %max3A_615 : vector<16xi32>
      %sub3A_618 = arith.constant 3 : i32
      %sub3A_619 = vector.broadcast %sub3A_618 : i32 to vector<16xi32>
      %sub3A_620 = arith.subi %min3A_617, %sub3A_619 : vector<16xi32>
      %add3A_621 = arith.constant 1 : i32
      %add3A_622 = vector.broadcast %add3A_621 : i32 to vector<16xi32>
      %add3A_623 = arith.addi %sub3A_620, %add3A_622 : vector<16xi32>
      %convert_element_type3A_624 = arith.sitofp %add3A_623 : vector<16xi32> to vector<16xf32>
      %mul3A_625 = arith.constant 1.000030e-05 : f32
      %mul3A_626 = vector.broadcast %mul3A_625 : f32 to vector<16xf32>
      %mul3A_627 = arith.mulf %convert_element_type3A_624, %mul3A_626 : vector<16xf32>
      %jit3A_628 = arith.constant 0.000000e+00 : f32
      %jit3A_629 = arith.constant 1.000000e+00 : f32
      %max3A_630 = vector.broadcast %jit3A_628 : f32 to vector<16xf32>
      %max3A_631 = arith.maximumf %max3A_630, %mul3A_627 : vector<16xf32>
      %min3A_632 = vector.broadcast %jit3A_629 : f32 to vector<16xf32>
      %min3A_633 = arith.minimumf %min3A_632, %max3A_631 : vector<16xf32>
      %ge3A = arith.cmpf oge, %broadcast_in_dim3A_604, %min3A_633 : vector<16xf32>
      %lt3A = arith.constant 99999 : i32
      %lt3A_634 = vector.broadcast %lt3A : i32 to vector<16xi32>
      %lt3A_635 = arith.cmpi slt, %min3A_617, %lt3A_634 : vector<16xi32>
      %and3A_636 = arith.andi %ge3A, %lt3A_635 : vector<16xi1>
      %jit3A_637 = arith.constant 1 : i32
      %jit3A_638 = arith.constant 0 : i32
      %broadcast_in_dim3A_639 = vector.broadcast %jit3A_637 : i32 to vector<16xi32>
      %broadcast_in_dim3A_640 = vector.broadcast %jit3A_638 : i32 to vector<16xi32>
      %select_n3A_641 = arith.select %and3A_636, %broadcast_in_dim3A_639, %broadcast_in_dim3A_640 : vector<16xi1>, vector<16xi32>
      %convert_element_type3A_642 = arith.sitofp %sub3A_620 : vector<16xi32> to vector<16xf32>
      %mul3A_643 = arith.constant 1.000030e-05 : f32
      %mul3A_644 = vector.broadcast %mul3A_643 : f32 to vector<16xf32>
      %mul3A_645 = arith.mulf %convert_element_type3A_642, %mul3A_644 : vector<16xf32>
      %jit3A_646 = arith.constant 0.000000e+00 : f32
      %jit3A_647 = arith.constant 1.000000e+00 : f32
      %max3A_648 = vector.broadcast %jit3A_646 : f32 to vector<16xf32>
      %max3A_649 = arith.maximumf %max3A_648, %mul3A_645 : vector<16xf32>
      %min3A_650 = vector.broadcast %jit3A_647 : f32 to vector<16xf32>
      %min3A_651 = arith.minimumf %min3A_650, %max3A_649 : vector<16xf32>
      %lt3A_652 = arith.cmpf olt, %broadcast_in_dim3A_604, %min3A_651 : vector<16xf32>
      %gt3A = arith.constant 3 : i32
      %gt3A_653 = vector.broadcast %gt3A : i32 to vector<16xi32>
      %gt3A_654 = arith.cmpi sgt, %min3A_617, %gt3A_653 : vector<16xi32>
      %and3A_655 = arith.andi %lt3A_652, %gt3A_654 : vector<16xi1>
      %jit3A_656 = arith.constant 1 : i32
      %jit3A_657 = arith.constant 0 : i32
      %broadcast_in_dim3A_658 = vector.broadcast %jit3A_656 : i32 to vector<16xi32>
      %broadcast_in_dim3A_659 = vector.broadcast %jit3A_657 : i32 to vector<16xi32>
      %select_n3A_660 = arith.select %and3A_655, %broadcast_in_dim3A_658, %broadcast_in_dim3A_659 : vector<16xi1>, vector<16xi32>
      %add3A_661 = arith.addi %min3A_617, %select_n3A_641 : vector<16xi32>
      %sub3A_662 = arith.subi %add3A_661, %select_n3A_660 : vector<16xi32>
      %add3A_663 = arith.addi %sub3A_620, %select_n3A_641 : vector<16xi32>
      %sub3A_664 = arith.subi %add3A_663, %select_n3A_660 : vector<16xi32>
      %sub3A_665 = arith.constant 2 : i32
      %sub3A_666 = vector.broadcast %sub3A_665 : i32 to vector<16xi32>
      %sub3A_667 = arith.subi %sub3A_664, %sub3A_666 : vector<16xi32>
      %convert_element_type3A_668 = arith.sitofp %sub3A_667 : vector<16xi32> to vector<16xf32>
      %mul3A_669 = arith.constant 1.000030e-05 : f32
      %mul3A_670 = vector.broadcast %mul3A_669 : f32 to vector<16xf32>
      %mul3A_671 = arith.mulf %convert_element_type3A_668, %mul3A_670 : vector<16xf32>
      %jit3A_672 = arith.constant 0.000000e+00 : f32
      %jit3A_673 = arith.constant 1.000000e+00 : f32
      %max3A_674 = vector.broadcast %jit3A_672 : f32 to vector<16xf32>
      %max3A_675 = arith.maximumf %max3A_674, %mul3A_671 : vector<16xf32>
      %min3A_676 = vector.broadcast %jit3A_673 : f32 to vector<16xf32>
      %min3A_677 = arith.minimumf %min3A_676, %max3A_675 : vector<16xf32>
      %sub3A_678 = arith.constant 1 : i32
      %sub3A_679 = vector.broadcast %sub3A_678 : i32 to vector<16xi32>
      %sub3A_680 = arith.subi %sub3A_664, %sub3A_679 : vector<16xi32>
      %convert_element_type3A_681 = arith.sitofp %sub3A_680 : vector<16xi32> to vector<16xf32>
      %mul3A_682 = arith.constant 1.000030e-05 : f32
      %mul3A_683 = vector.broadcast %mul3A_682 : f32 to vector<16xf32>
      %mul3A_684 = arith.mulf %convert_element_type3A_681, %mul3A_683 : vector<16xf32>
      %jit3A_685 = arith.constant 0.000000e+00 : f32
      %jit3A_686 = arith.constant 1.000000e+00 : f32
      %max3A_687 = vector.broadcast %jit3A_685 : f32 to vector<16xf32>
      %max3A_688 = arith.maximumf %max3A_687, %mul3A_684 : vector<16xf32>
      %min3A_689 = vector.broadcast %jit3A_686 : f32 to vector<16xf32>
      %min3A_690 = arith.minimumf %min3A_689, %max3A_688 : vector<16xf32>
      %convert_element_type3A_691 = arith.sitofp %sub3A_664 : vector<16xi32> to vector<16xf32>
      %mul3A_692 = arith.constant 1.000030e-05 : f32
      %mul3A_693 = vector.broadcast %mul3A_692 : f32 to vector<16xf32>
      %mul3A_694 = arith.mulf %convert_element_type3A_691, %mul3A_693 : vector<16xf32>
      %jit3A_695 = arith.constant 0.000000e+00 : f32
      %jit3A_696 = arith.constant 1.000000e+00 : f32
      %max3A_697 = vector.broadcast %jit3A_695 : f32 to vector<16xf32>
      %max3A_698 = arith.maximumf %max3A_697, %mul3A_694 : vector<16xf32>
      %min3A_699 = vector.broadcast %jit3A_696 : f32 to vector<16xf32>
      %min3A_700 = arith.minimumf %min3A_699, %max3A_698 : vector<16xf32>
      %add3A_701 = arith.constant 1 : i32
      %add3A_702 = vector.broadcast %add3A_701 : i32 to vector<16xi32>
      %add3A_703 = arith.addi %sub3A_664, %add3A_702 : vector<16xi32>
      %convert_element_type3A_704 = arith.sitofp %add3A_703 : vector<16xi32> to vector<16xf32>
      %mul3A_705 = arith.constant 1.000030e-05 : f32
      %mul3A_706 = vector.broadcast %mul3A_705 : f32 to vector<16xf32>
      %mul3A_707 = arith.mulf %convert_element_type3A_704, %mul3A_706 : vector<16xf32>
      %jit3A_708 = arith.constant 0.000000e+00 : f32
      %jit3A_709 = arith.constant 1.000000e+00 : f32
      %max3A_710 = vector.broadcast %jit3A_708 : f32 to vector<16xf32>
      %max3A_711 = arith.maximumf %max3A_710, %mul3A_707 : vector<16xf32>
      %min3A_712 = vector.broadcast %jit3A_709 : f32 to vector<16xf32>
      %min3A_713 = arith.minimumf %min3A_712, %max3A_711 : vector<16xf32>
      %add3A_714 = arith.constant 2 : i32
      %add3A_715 = vector.broadcast %add3A_714 : i32 to vector<16xi32>
      %add3A_716 = arith.addi %sub3A_664, %add3A_715 : vector<16xi32>
      %convert_element_type3A_717 = arith.sitofp %add3A_716 : vector<16xi32> to vector<16xf32>
      %mul3A_718 = arith.constant 1.000030e-05 : f32
      %mul3A_719 = vector.broadcast %mul3A_718 : f32 to vector<16xf32>
      %mul3A_720 = arith.mulf %convert_element_type3A_717, %mul3A_719 : vector<16xf32>
      %jit3A_721 = arith.constant 0.000000e+00 : f32
      %jit3A_722 = arith.constant 1.000000e+00 : f32
      %max3A_723 = vector.broadcast %jit3A_721 : f32 to vector<16xf32>
      %max3A_724 = arith.maximumf %max3A_723, %mul3A_720 : vector<16xf32>
      %min3A_725 = vector.broadcast %jit3A_722 : f32 to vector<16xf32>
      %min3A_726 = arith.minimumf %min3A_725, %max3A_724 : vector<16xf32>
      %add3A_727 = arith.constant 3 : i32
      %add3A_728 = vector.broadcast %add3A_727 : i32 to vector<16xi32>
      %add3A_729 = arith.addi %sub3A_664, %add3A_728 : vector<16xi32>
      %convert_element_type3A_730 = arith.sitofp %add3A_729 : vector<16xi32> to vector<16xf32>
      %mul3A_731 = arith.constant 1.000030e-05 : f32
      %mul3A_732 = vector.broadcast %mul3A_731 : f32 to vector<16xf32>
      %mul3A_733 = arith.mulf %convert_element_type3A_730, %mul3A_732 : vector<16xf32>
      %jit3A_734 = arith.constant 0.000000e+00 : f32
      %jit3A_735 = arith.constant 1.000000e+00 : f32
      %max3A_736 = vector.broadcast %jit3A_734 : f32 to vector<16xf32>
      %max3A_737 = arith.maximumf %max3A_736, %mul3A_733 : vector<16xf32>
      %min3A_738 = vector.broadcast %jit3A_735 : f32 to vector<16xf32>
      %min3A_739 = arith.minimumf %min3A_738, %max3A_737 : vector<16xf32>
      %sub3A_740 = arith.subf %broadcast_in_dim3A_604, %min3A_700 : vector<16xf32>
      %sub3A_741 = arith.subf %broadcast_in_dim3A_604, %min3A_690 : vector<16xf32>
      %sub3A_742 = arith.subf %broadcast_in_dim3A_604, %min3A_677 : vector<16xf32>
      %sub3A_743 = arith.subf %min3A_713, %broadcast_in_dim3A_604 : vector<16xf32>
      %sub3A_744 = arith.subf %min3A_726, %broadcast_in_dim3A_604 : vector<16xf32>
      %sub3A_745 = arith.subf %min3A_739, %broadcast_in_dim3A_604 : vector<16xf32>
      %add3A_746 = arith.addf %sub3A_743, %sub3A_740 : vector<16xf32>
      %div3A_747 = arith.constant 1.000000e+00 : f32
      %div3A_748 = vector.broadcast %div3A_747 : f32 to vector<16xf32>
      %div3A_749 = arith.divf %div3A_748, %add3A_746 : vector<16xf32>
      %mul3A_750 = arith.mulf %sub3A_743, %div3A_749 : vector<16xf32>
      %mul3A_751 = arith.mulf %sub3A_740, %div3A_749 : vector<16xf32>
      %add3A_752 = arith.addf %sub3A_743, %sub3A_741 : vector<16xf32>
      %div3A_753 = arith.divf %mul3A_750, %add3A_752 : vector<16xf32>
      %mul3A_754 = arith.mulf %sub3A_743, %div3A_753 : vector<16xf32>
      %mul3A_755 = arith.mulf %sub3A_741, %div3A_753 : vector<16xf32>
      %add3A_756 = arith.addf %sub3A_744, %sub3A_740 : vector<16xf32>
      %div3A_757 = arith.divf %mul3A_751, %add3A_756 : vector<16xf32>
      %mul3A_758 = arith.mulf %sub3A_744, %div3A_757 : vector<16xf32>
      %add3A_759 = arith.addf %mul3A_755, %mul3A_758 : vector<16xf32>
      %mul3A_760 = arith.mulf %sub3A_740, %div3A_757 : vector<16xf32>
      %add3A_761 = arith.addf %sub3A_743, %sub3A_742 : vector<16xf32>
      %div3A_762 = arith.divf %mul3A_754, %add3A_761 : vector<16xf32>
      %mul3A_763 = arith.mulf %sub3A_743, %div3A_762 : vector<16xf32>
      %mul3A_764 = arith.mulf %sub3A_742, %div3A_762 : vector<16xf32>
      %add3A_765 = arith.addf %sub3A_744, %sub3A_741 : vector<16xf32>
      %div3A_766 = arith.divf %add3A_759, %add3A_765 : vector<16xf32>
      %mul3A_767 = arith.mulf %sub3A_744, %div3A_766 : vector<16xf32>
      %add3A_768 = arith.addf %mul3A_764, %mul3A_767 : vector<16xf32>
      %mul3A_769 = arith.mulf %sub3A_741, %div3A_766 : vector<16xf32>
      %add3A_770 = arith.addf %sub3A_745, %sub3A_740 : vector<16xf32>
      %div3A_771 = arith.divf %mul3A_760, %add3A_770 : vector<16xf32>
      %mul3A_772 = arith.mulf %sub3A_745, %div3A_771 : vector<16xf32>
      %add3A_773 = arith.addf %mul3A_769, %mul3A_772 : vector<16xf32>
      %mul3A_774 = arith.mulf %sub3A_740, %div3A_771 : vector<16xf32>
      %sub3A_775 = vector.broadcast %mul3A_27 : i32 to vector<16xi32>
      %sub3A_776 = arith.subi %sub3A_662, %sub3A_775 : vector<16xi32>
      %sub3A_777 = arith.constant 3 : i32
      %sub3A_778 = vector.broadcast %sub3A_777 : i32 to vector<16xi32>
      %sub3A_779 = arith.subi %sub3A_776, %sub3A_778 : vector<16xi32>
      %mul3A_780 = arith.constant 0 : i32
      %mul3A_781 = vector.broadcast %mul3A_780 : i32 to vector<16xi32>
      %mul3A_782 = arith.muli %sub3A_779, %mul3A_781 : vector<16xi32>
      %add3A_783 = arith.constant 0 : i32
      %add3A_784 = vector.broadcast %add3A_783 : i32 to vector<16xi32>
      %add3A_785 = arith.addi %sub3A_779, %add3A_784 : vector<16xi32>
      %add3A_786 = arith.constant 0 : i32
      %add3A_787 = vector.broadcast %add3A_786 : i32 to vector<16xi32>
      %add3A_788 = arith.addi %mul3A_782, %add3A_787 : vector<16xi32>
      %gather3A = tpu.vector_load_idx %arg12[%add3A_785, %add3A_788] : memref<3176x3xf32, #tpu.memory_space<vmem>>[vector<16xi32>, vector<16xi32>], vector<16xf32>,
      %add3A_789 = arith.constant 0 : i32
      %add3A_790 = vector.broadcast %add3A_789 : i32 to vector<16xi32>
      %add3A_791 = arith.addi %sub3A_779, %add3A_790 : vector<16xi32>
      %add3A_792 = arith.constant 1 : i32
      %add3A_793 = vector.broadcast %add3A_792 : i32 to vector<16xi32>
      %add3A_794 = arith.addi %mul3A_782, %add3A_793 : vector<16xi32>
      %gather3A_795 = tpu.vector_load_idx %arg12[%add3A_791, %add3A_794] : memref<3176x3xf32, #tpu.memory_space<vmem>>[vector<16xi32>, vector<16xi32>], vector<16xf32>,
      %add3A_796 = arith.constant 0 : i32
      %add3A_797 = vector.broadcast %add3A_796 : i32 to vector<16xi32>
      %add3A_798 = arith.addi %sub3A_779, %add3A_797 : vector<16xi32>
      %add3A_799 = arith.constant 2 : i32
      %add3A_800 = vector.broadcast %add3A_799 : i32 to vector<16xi32>
      %add3A_801 = arith.addi %mul3A_782, %add3A_800 : vector<16xi32>
      %gather3A_802 = tpu.vector_load_idx %arg12[%add3A_798, %add3A_801] : memref<3176x3xf32, #tpu.memory_space<vmem>>[vector<16xi32>, vector<16xi32>], vector<16xf32>,
      %add3A_803 = arith.constant 1 : i32
      %add3A_804 = vector.broadcast %add3A_803 : i32 to vector<16xi32>
      %add3A_805 = arith.addi %sub3A_779, %add3A_804 : vector<16xi32>
      %add3A_806 = arith.constant 0 : i32
      %add3A_807 = vector.broadcast %add3A_806 : i32 to vector<16xi32>
      %add3A_808 = arith.addi %mul3A_782, %add3A_807 : vector<16xi32>
      %gather3A_809 = tpu.vector_load_idx %arg12[%add3A_805, %add3A_808] : memref<3176x3xf32, #tpu.memory_space<vmem>>[vector<16xi32>, vector<16xi32>], vector<16xf32>,
      %add3A_810 = arith.constant 1 : i32
      %add3A_811 = vector.broadcast %add3A_810 : i32 to vector<16xi32>
      %add3A_812 = arith.addi %sub3A_779, %add3A_811 : vector<16xi32>
      %add3A_813 = arith.constant 1 : i32
      %add3A_814 = vector.broadcast %add3A_813 : i32 to vector<16xi32>
      %add3A_815 = arith.addi %mul3A_782, %add3A_814 : vector<16xi32>
      %gather3A_816 = tpu.vector_load_idx %arg12[%add3A_812, %add3A_815] : memref<3176x3xf32, #tpu.memory_space<vmem>>[vector<16xi32>, vector<16xi32>], vector<16xf32>,
      %add3A_817 = arith.constant 1 : i32
      %add3A_818 = vector.broadcast %add3A_817 : i32 to vector<16xi32>
      %add3A_819 = arith.addi %sub3A_779, %add3A_818 : vector<16xi32>
      %add3A_820 = arith.constant 2 : i32
      %add3A_821 = vector.broadcast %add3A_820 : i32 to vector<16xi32>
      %add3A_822 = arith.addi %mul3A_782, %add3A_821 : vector<16xi32>
      %gather3A_823 = tpu.vector_load_idx %arg12[%add3A_819, %add3A_822] : memref<3176x3xf32, #tpu.memory_space<vmem>>[vector<16xi32>, vector<16xi32>], vector<16xf32>,
      %add3A_824 = arith.constant 2 : i32
      %add3A_825 = vector.broadcast %add3A_824 : i32 to vector<16xi32>
      %add3A_826 = arith.addi %sub3A_779, %add3A_825 : vector<16xi32>
      %add3A_827 = arith.constant 0 : i32
      %add3A_828 = vector.broadcast %add3A_827 : i32 to vector<16xi32>
      %add3A_829 = arith.addi %mul3A_782, %add3A_828 : vector<16xi32>
      %gather3A_830 = tpu.vector_load_idx %arg12[%add3A_826, %add3A_829] : memref<3176x3xf32, #tpu.memory_space<vmem>>[vector<16xi32>, vector<16xi32>], vector<16xf32>,
      %add3A_831 = arith.constant 2 : i32
      %add3A_832 = vector.broadcast %add3A_831 : i32 to vector<16xi32>
      %add3A_833 = arith.addi %sub3A_779, %add3A_832 : vector<16xi32>
      %add3A_834 = arith.constant 1 : i32
      %add3A_835 = vector.broadcast %add3A_834 : i32 to vector<16xi32>
      %add3A_836 = arith.addi %mul3A_782, %add3A_835 : vector<16xi32>
      %gather3A_837 = tpu.vector_load_idx %arg12[%add3A_833, %add3A_836] : memref<3176x3xf32, #tpu.memory_space<vmem>>[vector<16xi32>, vector<16xi32>], vector<16xf32>,
      %add3A_838 = arith.constant 2 : i32
      %add3A_839 = vector.broadcast %add3A_838 : i32 to vector<16xi32>
      %add3A_840 = arith.addi %sub3A_779, %add3A_839 : vector<16xi32>
      %add3A_841 = arith.constant 2 : i32
      %add3A_842 = vector.broadcast %add3A_841 : i32 to vector<16xi32>
      %add3A_843 = arith.addi %mul3A_782, %add3A_842 : vector<16xi32>
      %gather3A_844 = tpu.vector_load_idx %arg12[%add3A_840, %add3A_843] : memref<3176x3xf32, #tpu.memory_space<vmem>>[vector<16xi32>, vector<16xi32>], vector<16xf32>,
      %add3A_845 = arith.constant 3 : i32
      %add3A_846 = vector.broadcast %add3A_845 : i32 to vector<16xi32>
      %add3A_847 = arith.addi %sub3A_779, %add3A_846 : vector<16xi32>
      %add3A_848 = arith.constant 0 : i32
      %add3A_849 = vector.broadcast %add3A_848 : i32 to vector<16xi32>
      %add3A_850 = arith.addi %mul3A_782, %add3A_849 : vector<16xi32>
      %gather3A_851 = tpu.vector_load_idx %arg12[%add3A_847, %add3A_850] : memref<3176x3xf32, #tpu.memory_space<vmem>>[vector<16xi32>, vector<16xi32>], vector<16xf32>,
      %add3A_852 = arith.constant 3 : i32
      %add3A_853 = vector.broadcast %add3A_852 : i32 to vector<16xi32>
      %add3A_854 = arith.addi %sub3A_779, %add3A_853 : vector<16xi32>
      %add3A_855 = arith.constant 1 : i32
      %add3A_856 = vector.broadcast %add3A_855 : i32 to vector<16xi32>
      %add3A_857 = arith.addi %mul3A_782, %add3A_856 : vector<16xi32>
      %gather3A_858 = tpu.vector_load_idx %arg12[%add3A_854, %add3A_857] : memref<3176x3xf32, #tpu.memory_space<vmem>>[vector<16xi32>, vector<16xi32>], vector<16xf32>,
      %add3A_859 = arith.constant 3 : i32
      %add3A_860 = vector.broadcast %add3A_859 : i32 to vector<16xi32>
      %add3A_861 = arith.addi %sub3A_779, %add3A_860 : vector<16xi32>
      %add3A_862 = arith.constant 2 : i32
      %add3A_863 = vector.broadcast %add3A_862 : i32 to vector<16xi32>
      %add3A_864 = arith.addi %mul3A_782, %add3A_863 : vector<16xi32>
      %gather3A_865 = tpu.vector_load_idx %arg12[%add3A_861, %add3A_864] : memref<3176x3xf32, #tpu.memory_space<vmem>>[vector<16xi32>, vector<16xi32>], vector<16xf32>,
      %mul3A_866 = arith.mulf %mul3A_763, %gather3A : vector<16xf32>
      %mul3A_867 = arith.mulf %add3A_768, %gather3A_809 : vector<16xf32>
      %add3A_868 = arith.addf %mul3A_866, %mul3A_867 : vector<16xf32>
      %mul3A_869 = arith.mulf %add3A_773, %gather3A_830 : vector<16xf32>
      %add3A_870 = arith.addf %add3A_868, %mul3A_869 : vector<16xf32>
      %mul3A_871 = arith.mulf %mul3A_774, %gather3A_851 : vector<16xf32>
      %add3A_872 = arith.addf %add3A_870, %mul3A_871 : vector<16xf32>
      %mul3A_873 = arith.mulf %mul3A_763, %gather3A_795 : vector<16xf32>
      %mul3A_874 = arith.mulf %add3A_768, %gather3A_816 : vector<16xf32>
      %add3A_875 = arith.addf %mul3A_873, %mul3A_874 : vector<16xf32>
      %mul3A_876 = arith.mulf %add3A_773, %gather3A_837 : vector<16xf32>
      %add3A_877 = arith.addf %add3A_875, %mul3A_876 : vector<16xf32>
      %mul3A_878 = arith.mulf %mul3A_774, %gather3A_858 : vector<16xf32>
      %add3A_879 = arith.addf %add3A_877, %mul3A_878 : vector<16xf32>
      %mul3A_880 = arith.mulf %mul3A_763, %gather3A_802 : vector<16xf32>
      %mul3A_881 = arith.mulf %add3A_768, %gather3A_823 : vector<16xf32>
      %add3A_882 = arith.addf %mul3A_880, %mul3A_881 : vector<16xf32>
      %mul3A_883 = arith.mulf %add3A_773, %gather3A_844 : vector<16xf32>
      %add3A_884 = arith.addf %add3A_882, %mul3A_883 : vector<16xf32>
      %mul3A_885 = arith.mulf %mul3A_774, %gather3A_865 : vector<16xf32>
      %add3A_886 = arith.addf %add3A_884, %mul3A_885 : vector<16xf32>
      %swap3A = arith.constant 0 : i32
      %swap3A_887 = arith.index_cast %swap3A : i32 to index
      %swap3A_888 = arith.constant 0 : index
      %swap3A_889 = tpu.vector_load %arg10[%swap3A_887, %swap3A_888] {strides = array<i32>} : memref<3x3920xf32, #tpu.memory_space<vmem>>, vector<16xf32>,
      tpu.vector_store %arg10[%swap3A_887, %swap3A_888], %add3A_872 {strides = array<i32>} : memref<3x3920xf32, #tpu.memory_space<vmem>>, vector<16xf32>,
      %swap3A_890 = arith.constant 1 : i32
      %swap3A_891 = arith.index_cast %swap3A_890 : i32 to index
      %swap3A_892 = arith.constant 0 : index
      %swap3A_893 = tpu.vector_load %arg10[%swap3A_891, %swap3A_892] {strides = array<i32>} : memref<3x3920xf32, #tpu.memory_space<vmem>>, vector<16xf32>,
      tpu.vector_store %arg10[%swap3A_891, %swap3A_892], %add3A_879 {strides = array<i32>} : memref<3x3920xf32, #tpu.memory_space<vmem>>, vector<16xf32>,
      %swap3A_894 = arith.constant 2 : i32
      %swap3A_895 = arith.index_cast %swap3A_894 : i32 to index
      %swap3A_896 = arith.constant 0 : index
      %swap3A_897 = tpu.vector_load %arg10[%swap3A_895, %swap3A_896] {strides = array<i32>} : memref<3x3920xf32, #tpu.memory_space<vmem>>, vector<16xf32>,
      tpu.vector_store %arg10[%swap3A_895, %swap3A_896], %add3A_886 {strides = array<i32>} : memref<3x3920xf32, #tpu.memory_space<vmem>>, vector<16xf32>,
      %run_scoped3A = arith.constant 0 : i32
      "tpu.region"() ({
        %run_scoped3A_900 = tpu.sem_alloc : memref<!tpu.dma_semaphore, #tpu.memory_space<semaphore_mem>>
        %dma_start3A_901 = arith.constant 0 : i32
        %dma_start3A_902 = tpu.memref_slice %arg10[%run_scoped3A, %dma_start3A_901] : memref<3x3920xf32, #tpu.memory_space<vmem>> -> memref<1x1xf32, #tpu.memory_space<vmem>>
        %dma_start3A_903 = tpu.memref_squeeze %dma_start3A_902 : memref<1x1xf32, #tpu.memory_space<vmem>> -> memref<1xf32, #tpu.memory_space<vmem>>
        %dma_start3A_904 = arith.constant 1000000 : i32
        %dma_start3A_905 = tpu.memref_slice %arg5[%dma_start3A_904] : memref<1000001xf32, #tpu.memory_space<hbm>> -> memref<1xf32, #tpu.memory_space<hbm>>
        %dma_start3A_906 = arith.constant 1000000 : i32
        %dma_start3A_907 = tpu.memref_slice %arg5[%dma_start3A_906] : memref<1000001xf32, #tpu.memory_space<hbm>> -> memref<1xf32, #tpu.memory_space<hbm>>
        %dma_start3A_908 = arith.constant 0 : i32
        %dma_start3A_909 = tpu.memref_slice %arg10[%run_scoped3A, %dma_start3A_908] : memref<3x3920xf32, #tpu.memory_space<vmem>> -> memref<1x1xf32, #tpu.memory_space<vmem>>
        %dma_start3A_910 = tpu.memref_squeeze %dma_start3A_909 : memref<1x1xf32, #tpu.memory_space<vmem>> -> memref<1xf32, #tpu.memory_space<vmem>>
        tpu.enqueue_dma source(%dma_start3A_910 : memref<1xf32, #tpu.memory_space<vmem>>) target(%dma_start3A_907 : memref<1xf32, #tpu.memory_space<hbm>>) target_semaphore(%run_scoped3A_900 : memref<!tpu.dma_semaphore, #tpu.memory_space<semaphore_mem>>)
        %dma_wait3A_911 = arith.constant 0 : i32
        %dma_wait3A_912 = tpu.memref_slice %arg10[%run_scoped3A, %dma_wait3A_911] : memref<3x3920xf32, #tpu.memory_space<vmem>> -> memref<1x1xf32, #tpu.memory_space<vmem>>
        %dma_wait3A_913 = tpu.memref_squeeze %dma_wait3A_912 : memref<1x1xf32, #tpu.memory_space<vmem>> -> memref<1xf32, #tpu.memory_space<vmem>>
        %dma_wait3A_914 = arith.constant 1000000 : i32
        %dma_wait3A_915 = tpu.memref_slice %arg5[%dma_wait3A_914] : memref<1000001xf32, #tpu.memory_space<hbm>> -> memref<1xf32, #tpu.memory_space<hbm>>
        %dma_wait3A_916 = arith.constant 1000000 : i32
        %dma_wait3A_917 = tpu.memref_slice %arg5[%dma_wait3A_916] : memref<1000001xf32, #tpu.memory_space<hbm>> -> memref<1xf32, #tpu.memory_space<hbm>>
        %dma_wait3A_918 = arith.constant 0 : i32
        %dma_wait3A_919 = tpu.memref_slice %arg10[%run_scoped3A, %dma_wait3A_918] : memref<3x3920xf32, #tpu.memory_space<vmem>> -> memref<1x1xf32, #tpu.memory_space<vmem>>
        %dma_wait3A_920 = tpu.memref_squeeze %dma_wait3A_919 : memref<1x1xf32, #tpu.memory_space<vmem>> -> memref<1xf32, #tpu.memory_space<vmem>>
        tpu.wait_dma2 semaphore(%run_scoped3A_900 : memref<!tpu.dma_semaphore, #tpu.memory_space<semaphore_mem>>) src(%dma_wait3A_920 : memref<1xf32, #tpu.memory_space<vmem>>) dst(%dma_wait3A_917 : memref<1xf32, #tpu.memory_space<hbm>>)
        tpu.yield
      }) : () -> ()
      %run_scoped3A_898 = arith.constant 1 : i32
      "tpu.region"() ({
        %run_scoped3A_900 = tpu.sem_alloc : memref<!tpu.dma_semaphore, #tpu.memory_space<semaphore_mem>>
        %dma_start3A_901 = arith.constant 0 : i32
        %dma_start3A_902 = tpu.memref_slice %arg10[%run_scoped3A_898, %dma_start3A_901] : memref<3x3920xf32, #tpu.memory_space<vmem>> -> memref<1x1xf32, #tpu.memory_space<vmem>>
        %dma_start3A_903 = tpu.memref_squeeze %dma_start3A_902 : memref<1x1xf32, #tpu.memory_space<vmem>> -> memref<1xf32, #tpu.memory_space<vmem>>
        %dma_start3A_904 = arith.constant 1000000 : i32
        %dma_start3A_905 = tpu.memref_slice %arg6[%dma_start3A_904] : memref<1000001xf32, #tpu.memory_space<hbm>> -> memref<1xf32, #tpu.memory_space<hbm>>
        %dma_start3A_906 = arith.constant 1000000 : i32
        %dma_start3A_907 = tpu.memref_slice %arg6[%dma_start3A_906] : memref<1000001xf32, #tpu.memory_space<hbm>> -> memref<1xf32, #tpu.memory_space<hbm>>
        %dma_start3A_908 = arith.constant 0 : i32
        %dma_start3A_909 = tpu.memref_slice %arg10[%run_scoped3A_898, %dma_start3A_908] : memref<3x3920xf32, #tpu.memory_space<vmem>> -> memref<1x1xf32, #tpu.memory_space<vmem>>
        %dma_start3A_910 = tpu.memref_squeeze %dma_start3A_909 : memref<1x1xf32, #tpu.memory_space<vmem>> -> memref<1xf32, #tpu.memory_space<vmem>>
        tpu.enqueue_dma source(%dma_start3A_910 : memref<1xf32, #tpu.memory_space<vmem>>) target(%dma_start3A_907 : memref<1xf32, #tpu.memory_space<hbm>>) target_semaphore(%run_scoped3A_900 : memref<!tpu.dma_semaphore, #tpu.memory_space<semaphore_mem>>)
        %dma_wait3A_911 = arith.constant 0 : i32
        %dma_wait3A_912 = tpu.memref_slice %arg10[%run_scoped3A_898, %dma_wait3A_911] : memref<3x3920xf32, #tpu.memory_space<vmem>> -> memref<1x1xf32, #tpu.memory_space<vmem>>
        %dma_wait3A_913 = tpu.memref_squeeze %dma_wait3A_912 : memref<1x1xf32, #tpu.memory_space<vmem>> -> memref<1xf32, #tpu.memory_space<vmem>>
        %dma_wait3A_914 = arith.constant 1000000 : i32
        %dma_wait3A_915 = tpu.memref_slice %arg6[%dma_wait3A_914] : memref<1000001xf32, #tpu.memory_space<hbm>> -> memref<1xf32, #tpu.memory_space<hbm>>
        %dma_wait3A_916 = arith.constant 1000000 : i32
        %dma_wait3A_917 = tpu.memref_slice %arg6[%dma_wait3A_916] : memref<1000001xf32, #tpu.memory_space<hbm>> -> memref<1xf32, #tpu.memory_space<hbm>>
        %dma_wait3A_918 = arith.constant 0 : i32
        %dma_wait3A_919 = tpu.memref_slice %arg10[%run_scoped3A_898, %dma_wait3A_918] : memref<3x3920xf32, #tpu.memory_space<vmem>> -> memref<1x1xf32, #tpu.memory_space<vmem>>
        %dma_wait3A_920 = tpu.memref_squeeze %dma_wait3A_919 : memref<1x1xf32, #tpu.memory_space<vmem>> -> memref<1xf32, #tpu.memory_space<vmem>>
        tpu.wait_dma2 semaphore(%run_scoped3A_900 : memref<!tpu.dma_semaphore, #tpu.memory_space<semaphore_mem>>) src(%dma_wait3A_920 : memref<1xf32, #tpu.memory_space<vmem>>) dst(%dma_wait3A_917 : memref<1xf32, #tpu.memory_space<hbm>>)
        tpu.yield
      }) : () -> ()
      %run_scoped3A_899 = arith.constant 2 : i32
      "tpu.region"() ({
        %run_scoped3A_900 = tpu.sem_alloc : memref<!tpu.dma_semaphore, #tpu.memory_space<semaphore_mem>>
        %dma_start3A_901 = arith.constant 0 : i32
        %dma_start3A_902 = tpu.memref_slice %arg10[%run_scoped3A_899, %dma_start3A_901] : memref<3x3920xf32, #tpu.memory_space<vmem>> -> memref<1x1xf32, #tpu.memory_space<vmem>>
        %dma_start3A_903 = tpu.memref_squeeze %dma_start3A_902 : memref<1x1xf32, #tpu.memory_space<vmem>> -> memref<1xf32, #tpu.memory_space<vmem>>
        %dma_start3A_904 = arith.constant 1000000 : i32
        %dma_start3A_905 = tpu.memref_slice %arg7[%dma_start3A_904] : memref<1000001xf32, #tpu.memory_space<hbm>> -> memref<1xf32, #tpu.memory_space<hbm>>
        %dma_start3A_906 = arith.constant 1000000 : i32
        %dma_start3A_907 = tpu.memref_slice %arg7[%dma_start3A_906] : memref<1000001xf32, #tpu.memory_space<hbm>> -> memref<1xf32, #tpu.memory_space<hbm>>
        %dma_start3A_908 = arith.constant 0 : i32
        %dma_start3A_909 = tpu.memref_slice %arg10[%run_scoped3A_899, %dma_start3A_908] : memref<3x3920xf32, #tpu.memory_space<vmem>> -> memref<1x1xf32, #tpu.memory_space<vmem>>
        %dma_start3A_910 = tpu.memref_squeeze %dma_start3A_909 : memref<1x1xf32, #tpu.memory_space<vmem>> -> memref<1xf32, #tpu.memory_space<vmem>>
        tpu.enqueue_dma source(%dma_start3A_910 : memref<1xf32, #tpu.memory_space<vmem>>) target(%dma_start3A_907 : memref<1xf32, #tpu.memory_space<hbm>>) target_semaphore(%run_scoped3A_900 : memref<!tpu.dma_semaphore, #tpu.memory_space<semaphore_mem>>)
        %dma_wait3A_911 = arith.constant 0 : i32
        %dma_wait3A_912 = tpu.memref_slice %arg10[%run_scoped3A_899, %dma_wait3A_911] : memref<3x3920xf32, #tpu.memory_space<vmem>> -> memref<1x1xf32, #tpu.memory_space<vmem>>
        %dma_wait3A_913 = tpu.memref_squeeze %dma_wait3A_912 : memref<1x1xf32, #tpu.memory_space<vmem>> -> memref<1xf32, #tpu.memory_space<vmem>>
        %dma_wait3A_914 = arith.constant 1000000 : i32
        %dma_wait3A_915 = tpu.memref_slice %arg7[%dma_wait3A_914] : memref<1000001xf32, #tpu.memory_space<hbm>> -> memref<1xf32, #tpu.memory_space<hbm>>
        %dma_wait3A_916 = arith.constant 1000000 : i32
        %dma_wait3A_917 = tpu.memref_slice %arg7[%dma_wait3A_916] : memref<1000001xf32, #tpu.memory_space<hbm>> -> memref<1xf32, #tpu.memory_space<hbm>>
        %dma_wait3A_918 = arith.constant 0 : i32
        %dma_wait3A_919 = tpu.memref_slice %arg10[%run_scoped3A_899, %dma_wait3A_918] : memref<3x3920xf32, #tpu.memory_space<vmem>> -> memref<1x1xf32, #tpu.memory_space<vmem>>
        %dma_wait3A_920 = tpu.memref_squeeze %dma_wait3A_919 : memref<1x1xf32, #tpu.memory_space<vmem>> -> memref<1xf32, #tpu.memory_space<vmem>>
        tpu.wait_dma2 semaphore(%run_scoped3A_900 : memref<!tpu.dma_semaphore, #tpu.memory_space<semaphore_mem>>) src(%dma_wait3A_920 : memref<1xf32, #tpu.memory_space<vmem>>) dst(%dma_wait3A_917 : memref<1xf32, #tpu.memory_space<hbm>>)
        tpu.yield
      }) : () -> ()
    } else {
    }
    return
  }
}

</mosaic_0001>

<sc_bundles>
// kernel: kernel.3.cloned.1.call-start
scs
__scs_entry_jumppad:
0x0: {  	(pc) =	sbr.rel $0x88, $3  }
0x1: {  	(tag) =	ssettag $0x0;
	lr =	simm.s32 $0x1  }
0x2: {  	[smem:$0x3F9E] =	sst lr;
	_ =	strace $0xD0000000  }
0x3: {  	_ = 	snop  }
0x4: {  	_ = 	snop  }
0x5: {  	_ = 	snop  }
0x6: {  	_ = 	snop  }
0x7: {  	_ = 	snop  }
__scs_overlays_trampoline_lowered:
0x8: {  	[smem:$0x3FAD] =	sst s0  }
0x9: {  	[smem:$0x3FAE] =	sst s1  }
0xa: {  	[smem:$0x3FAF] =	sst s2  }
0xb: {  	[smem:$0x3FB0] =	sst s3  }
0xc: {  	[smem:$0x3FB1] =	sst s4  }
0xd: {  	[smem:$0x3FB2] =	sst s5  }
0xe: {  	[smem:$0x3FB3] =	sst s6  }
0xf: {  	[smem:$0x3FB4] =	sst s7  }
0x10: {  	[smem:$0x3FB5] =	sst s8  }
0x11: {  	[smem:$0x3FB6] =	sst s9;
	s0 =	simm.s32 @!p0 $0x0  }
0x12: {  	s1 =	sld [smem:$0x3F9C];
	s0 =	simm.s32 @p0 $0x1  }
0x13: {  	[smem:$0x3FB7] =	sst s0;
	s0 =	simm.s32 @!p1 $0x0  }
0x14: {  	s2 =	sld [smem:$0x3F9B];
	s0 =	simm.s32 @p1 $0x1  }
0x15: {  	[smem:$0x3FB8] =	sst s0;
	s0 =	simm.s32 @!p2 $0x0  }
0x16: {  	s3 =	sld [smem:$0x3FDB];
	s0 =	simm.s32 @p2 $0x1  }
0x17: {  	s4 =	simm.s32 $0x1BF5;
	[smem:$0x3FBA] =	sst s0  }
0x18: {  	s0 =	sld [smem:$0x3F9D];
	_ =	swait.ge [sflag:s4], $0x0  }
0x19: {  	s7 =	sld [smem:$0x3F9E]  }
0x1a: {  	s8 =	sadd.s32 $0xFFFFE003, lr  }
0x1b: {  	s9 =	sadd.s32 $0xFFFFFEF7, lr;
	s5 =	simm.s32 $0xFFFFFFFF;
	p2 =	slt.u32 s8, $0xFFFFF086  }
0x1c: {  	p1 =	slt.u32 s9, $0xF7A;
	s5 =	simm.s32 @!p2 $0x0  }
0x1d: {  	s5 =	simm.s32 @p1 $0x1;
	p0 =	seq.s32 s7, s2  }
0x1e: {  	s7 =	smul.u32 @!p0 $0xF7A, s2;
	p2 =	seq.s32 @!p0 s5, $0x0  }
0x1f: {  	s9 =	smul.u32 $0xF7A, s1;
	s8 =	simm.s32 @!p0 $0x1BF5;
	p2 =	por !p2, p0  }
0x20: {  	[sflag:s8] =	ssyncset.s32 @!p0 $0xFFFFF086;
	s6 =	sadd.s32 @!p0 s3, s7;
	s7 =	simm.s32 @!p0 $0x108  }
0x21: {  	s3 =	sadd.s32 s3, s9;
	s6 =	sadd.s32 @!p0 $0x88, s6;
	s7 =	simm.s32 @p2 $0x1082  }
0x22: {  	[simem:s7], [sflag:s8] =	dma.local @!p0 [hbm:s6], $0xF7A  }
0x23: {  	s9 =	sor.u32 $0xD0000000, s2;
	s6 =	simm.s32 $0x108;
	_ =	swait.ge @!p0 [sflag:s8], $0x0  }
0x24: {  	s3 =	sadd.s32 $0x88, s3;
	s6 =	simm.s32 @!p1 $0x1082;
	[sflag:s4] =	ssyncset.s32 $0xFFFFF086  }
0x25: {  	[simem:s6], [sflag:s4] =	dma.local [hbm:s3], $0xF7A  }
0x26: {  	[smem:$0x3F9E] =	sst s1;
	(tag) =	ssettag s2;
	_ =	strace s9  }
0x27: {  	s1 =	sld [smem:$0x3FAE]  }
0x28: {  	s2 =	sld [smem:$0x3FAF]  }
0x29: {  	s4 =	sld [smem:$0x3FB1]  }
0x2a: {  	p0 =	seq.s32 s5, $0x0;
	s5 =	sld [smem:$0x3FB2]  }
0x2b: {  	s6 =	sld [smem:$0x3FB3]  }
0x2c: {  	s7 =	sld [smem:$0x3FB4]  }
0x2d: {  	s3 =	simm.s32 $0x108;
	s8 =	sld [smem:$0x3FB5]  }
0x2e: {  	s3 =	simm.s32 @!p0 $0x1082;
	s9 =	sld [smem:$0x3FB6]  }
0x2f: {  	lr =	sadd.s32 s0, s3;
	s0 =	sld [smem:$0x3FAD]  }
0x30: {  	s3 =	sld [smem:$0x3FB0]  }
0x31: {  	[smem:$0x3FB9] =	sst s10  }
0x32: {  	s10 =	sld [smem:$0x3FB7];
	_ =	sdelay $0x3  }
0x33: {  	p0 =	seq.s32 s10, $0x1;
	s10 =	sld [smem:$0x3FB9];
	_ =	sdelay $0x3  }
0x34: {  	[smem:$0x3FB9] =	sst s10  }
0x35: {  	s10 =	sld [smem:$0x3FB8];
	_ =	sdelay $0x3  }
0x36: {  	p1 =	seq.s32 s10, $0x1;
	s10 =	sld [smem:$0x3FB9];
	_ =	sdelay $0x3  }
0x37: {  	[smem:$0x3FB9] =	sst s10  }
0x38: {  	s10 =	sld [smem:$0x3FBA]  }
0x39: {  	_ = 	snop;
	(pc) =	sbr.ind lr, $3  }
0x3a: {  	_ = 	snop  }
0x3b: {  	_ = 	snop  }
0x3c: {  	p2 =	seq.s32 s10, $0x1;
	s10 =	sld [smem:$0x3FB9]  }
0x3d: {  	_ =	shalt  }
0x3e: {  	_ =	shalt  }
0x3f: {  	_ =	shalt  }
0x40: {  	_ =	shalt  }
0x41: {  	_ =	shalt  }
0x42: {  	_ =	shalt  }
0x43: {  	_ =	shalt  }
0x44: {  	_ =	shalt  }
0x45: {  	_ =	shalt  }
0x46: {  	_ =	shalt  }
0x47: {  	_ =	shalt  }
0x48: {  	_ =	shalt  }
0x49: {  	_ =	shalt  }
0x4a: {  	_ =	shalt  }
0x4b: {  	_ =	shalt  }
0x4c: {  	_ =	shalt  }
0x4d: {  	_ =	shalt  }
0x4e: {  	_ =	shalt  }
0x4f: {  	_ =	shalt  }
0x50: {  	_ =	shalt  }
0x51: {  	_ =	shalt  }
0x52: {  	_ =	shalt  }
0x53: {  	_ =	shalt  }
0x54: {  	_ =	shalt  }
0x55: {  	_ =	shalt  }
0x56: {  	_ =	shalt  }
0x57: {  	_ =	shalt  }
0x58: {  	_ =	shalt  }
0x59: {  	_ =	shalt  }
0x5a: {  	_ =	shalt  }
0x5b: {  	_ =	shalt  }
0x5c: {  	_ =	shalt  }
0x5d: {  	_ =	shalt  }
0x5e: {  	_ =	shalt  }
0x5f: {  	_ =	shalt  }
0x60: {  	_ =	shalt  }
0x61: {  	_ =	shalt  }
0x62: {  	_ =	shalt  }
0x63: {  	_ =	shalt  }
0x64: {  	_ =	shalt  }
0x65: {  	_ =	shalt  }
0x66: {  	_ =	shalt  }
0x67: {  	_ =	shalt  }
0x68: {  	_ =	shalt  }
0x69: {  	_ =	shalt  }
0x6a: {  	_ =	shalt  }
0x6b: {  	_ =	shalt  }
0x6c: {  	_ =	shalt  }
0x6d: {  	_ =	shalt  }
0x6e: {  	_ =	shalt  }
0x6f: {  	_ =	shalt  }
0x70: {  	_ =	shalt  }
0x71: {  	_ =	shalt  }
0x72: {  	_ =	shalt  }
0x73: {  	_ =	shalt  }
0x74: {  	_ =	shalt  }
0x75: {  	_ =	shalt  }
0x76: {  	_ =	shalt  }
0x77: {  	_ =	shalt  }
0x78: {  	_ =	shalt  }
0x79: {  	_ =	shalt  }
0x7a: {  	_ =	shalt  }
0x7b: {  	_ =	shalt  }
0x7c: {  	_ =	shalt  }
0x7d: {  	_ =	shalt  }
0x7e: {  	_ =	shalt  }
0x7f: {  	_ =	shalt  }
0x80: {  	_ =	shalt  }
0x81: {  	_ =	shalt  }
0x82: {  	_ =	shalt  }
0x83: {  	_ =	shalt  }
0x84: {  	_ =	shalt  }
0x85: {  	_ =	shalt  }
0x86: {  	_ =	shalt  }
0x87: {  	_ =	shalt  }
.Lfunc_end0:
.L_simem_size_0:
called_computation_lowered:
.L_overlay_start_0:
0x88: {  	s2 =	sld [smem:$0x3FD9]  }
0x89: {  	s3 =	sld [smem:$0x3FFE];
	_ =	sdelay $0x1  }
0x8a: {  	s1 =	srdreg.scid  }
0x8b: {  	s0 =	sand.u32 $0x1, s1  }
0x8c: {  	s17 =	sshll.u32 s0, $0xA;
	s2 =	sadd.s32 s3, s2  }
0x8d: {  	s2 =	sadd.s32 s2, s17  }
0x8e: {  	[smem:$0x3FC5] =	sst s2  }
0x8f: {  	_ = 	snop  }
0x90: {  	s2 =	sld [smem:$0x3FC7]  }
0x91: {  	s18 =	sld [smem:$0x3FD0];
	(tm) =	ssettm $0x1  }
0x92: {  	s4 =	sld [smem:$0x3FFB];
	_ =	sdelay $0x3  }
0x93: {  	_ =	strace s4  }
0x94: {  	s4 =	sld [smem:$0x3FFC];
	_ =	sdelay $0x3  }
0x95: {  	_ =	strace s4  }
0x96: {  	s4 =	sld [smem:$0x3FFD];
	_ =	sdelay $0x3  }
0x97: {  	_ =	strace s4  }
0x98: {  	_ =	strace $0x8FFFFFFF  }
0x99: {  	s19 =	sld [smem:$0x3FDB];
	_ =	sdelay $0x1  }
0x9a: {  	s5 =	simm.s32 $_scs_section_size  }
0x9b: {  	s6 =	simm.s32 $_size__tile_overlayer_lowered;
	s7 =	simm.s32 $_tile_overlayer_lowered  }
0x9c: {  	s22 =	simm.s32 $0x1BFF;
	s21 =	sshll.u32 s7, $0x1;
	s4 =	sadd.s32 s5, s19  }
0x9d: {  	s8 =	simm.s32 $0x0;
	s20 =	sshll.u32 s6, $0x1;
	s6 =	sadd.s32 s21, s4  }
0x9e: {  	[timem:s8], [sflag:s22] =	dma.local [hbm:s6], s20  }
0x9f: {  	_ =	swait.ge [sflag:s22], s20  }
0xa0: {  	s5 =	ssub.s32 $0x0, s20;
	[sflag:s22] =	ssyncset.done $0x0  }
0xa1: {  	[sflag:s22] =	ssyncadd.s32 s5;
	_ =	sdelay $0x1  }
0xa2: {  	s23 =	simm.s32 $0x1B8B  }
0xa3: {  	_ =	swait.ge [sflag:s23], $0x1  }
0xa4: {  	[sflag:s23] =	ssyncset.done $0x0  }
0xa5: {  	s25 =	simm.s32 $0x1B8E;
	s24 =	sld [smem:$0x3FFE];
	[sflag:s23] =	ssyncadd.s32 $0xFFFFFFFF  }
0xa6: {  	s26 =	simm.s32 $execute0_lowered;
	[smem:$0x3FD2] =	sst s25  }
0xa7: {  	s6 =	sshll.u32 s26, $0x1;
	_ =	strace $0x80000046;
	[dreg:$0x1] =	wrdreg $0xFFFFFFFF  }
0xa8: {  	s28 =	simm.s32 $_size_execute0_lowered;
	s4 =	sadd.s32 s4, s6;
	[dreg:$0x0] =	wrdreg $0x0  }
0xa9: {  	s6 =	sshll.u32 s28, $0x1;
	[dreg:$0x2] =	wrdreg s4  }
0xaa: {  	[dreg:$0x3] =	wrdreg s6  }
0xab: {  	[dreg:$0x4] =	wrdreg $0xC0  }
0xac: {  	_ =	task [dreg:s8], $0x5FFFF  }
0xad: {  	[dreg:$0x1] =	wrdreg $0xFFFFFFFF  }
0xae: {  	[dreg:$0x0] =	wrdreg $0x60  }
0xaf: {  	[dreg:$0x2] =	wrdreg s24  }
0xb0: {  	[dreg:$0x3] =	wrdreg s2  }
0xb1: {  	[dreg:$0x4] =	wrdreg s18  }
0xb2: {  	[dreg:$0x5] =	wrdreg $0x9  }
0xb3: {  	_ =	task.clear_ibuf [dreg:s8], $0x6FFFF;
	_ =	strace $0x90000046  }
0xb4: {  	s29 =	simm.s32 $0x9;
	_ =	strace $0x80000048  }
0xb5: {  	_ =	swait.ge [sflag:s29], $0x1  }
0xb6: {  	[sflag:s29] =	ssyncadd.s32 $0xFFFFFFFF  }
0xb7: {  	_ =	strace $0x90000048  }
0xb8: {  	_ =	sfence  }
0xb9: {  	s30 =	sld [smem:$0x0];
	_ =	sdelay $0x2  }
0xba: {  	s31 =	sshll.u32 s1, $0xD;
	s1 =	sshrl.u32 s1, $0x2  }
0xbb: {  	s3 =	sand.u32 $0x4000, s31;
	s1 =	sadd.s32 s1, s30  }
0xbc: {  	s0 =	sor.u32 s3, s0;
	s1 =	sshll.u32 s1, $0x11  }
0xbd: {  	s0 =	sor.u32 s1, s0  }
0xbe: {  	s0 =	sadd.s32 $0x8F2B, s0  }
0xbf: {  	[sflag:s0] =	ssyncadd.remote.s32 $0x1  }
0xc0: {  	_ =	sfence.sel $0xFFFF  }
0xc1: {  	[dreg:$0x0] =	wrdreg $0xFFFFFFFF;
	(pc) =	sbr.abs _section_cstart, $3  }
0xc2: {  	[dreg:$0x1] =	wrdreg $0xFFFFFFFF  }
0xc3: {  	_ =	task.clear_ibuf [dreg:s8], $0x2FFFF;
	_ =	strace $0x9FFFFFFF  }
0xc4: {  	(tm) =	ssettm $0x7FFFFFFF  }
0xc5: {  	_ =	shalt  }
tec
execute0_lowered:
.L_overlay_start_1:
0x0: {  	(tag) =	ssettag $0x1  }
0x1: {  	s0 =	srdreg.scid  }
0x2: {  	s1 =	sand.u32 $0x1, s0  }
0x3: {  	s2 =	stileid.u32;
	s0 =	sshll.u32 s1, $0x4  }
0x4: {  	s5 =	sor.u32 s2, s0  }
0x5: {  	s7 =	smul.u32 $0x7A80, s5;
	_ =	sdelay $0x1  }
0x6: {  	s15 =	scvt.s32.f32 s7;
	_ =	sdelay $0x1  }
0x7: {  	s0 =	smul.f32 $9.999699890e-02, s15;
	_ =	sdelay $0x1  }
0x8: {  	s0 =	scvt.f32.s32 s0;
	_ =	sdelay $0x1  }
0x9: {  	s2 =	sadd.s32 $0xFFFFFFF0, s0  }
0xa: {  	p0 =	sgt.s32 s2, $0x0  }
0xb: {  	p1 =	slt.s32 s2, $0x1;
	s2 =	simm.s32 @!p0 $0x0  }
0xc: {  	s3 =	smin.u32 s2, $0x17A38  }
0xd: {  	s4 =	sand.u32 $0x7, s3  }
0xe: {  	p6 =	sne.s32 s4, $0x0  }
0xf: {  	p0 =	por !p1, !p6  }
0x10: {  	s4 =	simm.s32 $0xFFFFFFFF;
	p0 =	por !p0, !p0  }
0x11: {  	s8 =	rddreg [dreg:$0x0];
	s1 =	ssub.s32 $0x2, s1;
	s4 =	simm.s32 @!p0 $0x0  }
0x12: {  	s6 =	rddreg [dreg:$0x2];
	s9 =	sshrl.u32 s1, $0x1;
	s4 =	sshll.u32 s4, $0x3  }
0x13: {  	s0 =	rddreg [dreg:$0x1];
	s2 =	simm.s32 $0x0;
	s10 =	sadd.s32 s3, s4  }
0x14: {  	s9 =	ssub.s32 s1, s9;
	[smem:$0x7FF] =	sst s2;
	s3 =	sand.u32 $0x1FFFFFF8, s10  }
0x15: {  	s1 =	sand.u32 $0xFFFFFFF8, s10;
	s10 =	sshrl.u32 s7, $0x3;
	s11 =	sadd.s32 s3, s8  }
0x16: {  	_ =	strace $0x80000047;
	s17 =	sadd.s32 $0x1EA, s10;
	s16 =	sadd.s32 $0xC00, s11  }
0x17: {  	s12 =	sadd.s32 $0x3D4, s10;
	s13 =	sadd.s32 s0, s17;
	[dreg:$0x4] =	wrdreg s16  }
0x18: {  	v0 =	vimm.f32 $1.001358030e-05;
	s18 =	sadd.s32 s0, s12;
	[dreg:$0x5] =	wrdreg s13  }
0x19: {  	(erf) = vrcp.f32 v0;
	s3 =	sadd.s32 $0x19400, s8;
	s19 =	sadd.s32 s6, s17;
	[dreg:$0x6] =	wrdreg s18  }
0x1a: {  	v0 =	vimm.f32 $2.002716060e-05;
	s4 =	sadd.s32 $0x37E00, s8;
	s20 =	sadd.s32 s3, s17;
	[dreg:$0x7] =	wrdreg s19  }
0x1b: {  	(erf) = vrcp.f32 v0;
	s21 =	sadd.s32 $0x5BE, s10;
	s11 =	sadd.s32 s4, s17;
	[dreg:$0x8] =	wrdreg s20  }
0x1c: {  	s22 =	sadd.s32 s0, s21;
	[dreg:$0x9] =	wrdreg s11  }
0x1d: {  	s23 =	sadd.s32 s6, s12;
	[dreg:$0xa] =	wrdreg s22  }
0x1e: {  	s24 =	sadd.s32 s3, s12;
	[dreg:$0xb] =	wrdreg s23  }
0x1f: {  	s9 =	smax.u32 s9, $0x1;
	s12 =	sadd.s32 s4, s12;
	[dreg:$0xc] =	wrdreg s24  }
0x20: {  	v0 =	vimm.f32 $3.004074100e-05;
	p0 =	sne.s32 s5, $0x1F;
	s26 =	sadd.s32 s6, s21;
	[dreg:$0xd] =	wrdreg s12  }
0x21: {  	(erf) = vrcp.f32 v0;
	s25 =	sadd.s32 $0x7A8, s10;
	s28 =	sadd.s32 s3, s21;
	[dreg:$0xe] =	wrdreg s26  }
0x22: {  	s7 =	smin.u32 s7, $0xEC7C0;
	s14 =	sadd.s32 s0, s25;
	[dreg:$0xf] =	wrdreg s28;
	v1 =	vpop (erf)  }
0x23: {  	s15 =	sadd.s32 s6, s25;
	s17 =	sadd.s32 s4, s25;
	[dreg:$0x11] =	wrdreg s14;
	v0 =	vmul.f32 $0.0e+00, v1;
	v2 =	vmul.f32 $1.001358030e-05, v1  }
0x24: {  	s13 =	sadd.s32 s4, s21;
	[dreg:$0x12] =	wrdreg s15;
	s16 =	sadd.s32 s3, s25;
	v3 =	vpop (erf)  }
0x25: {  	[dreg:$0x14] =	wrdreg s17;
	s18 =	sshrl.u32 s7, $0x3;
	s19 =	sadd.s32 s0, s10;
	v0 =	vmul.f32 v0, v3;
	v2 =	vmul.f32 v2, v1  }
0x26: {  	s20 =	sadd.s32 s6, s10;
	s21 =	sadd.s32 s3, s10;
	s22 =	sadd.s32 s4, s10  }
0x27: {  	s23 =	sadd.s32 $0x992, s10;
	s24 =	sadd.s32 $0xB7C, s10;
	[dreg:$0x10] =	wrdreg s13;
	v4 =	vmul.f32 $2.002716060e-05, v0;
	v5 =	vmul.f32 $0.0e+00, v2  }
0x28: {  	s7 =	sadd.s32 $0x37C48, s8;
	s8 =	sadd.s32 $0x56648, s8;
	[dreg:$0x13] =	wrdreg s16  }
0x29: {  	s10 =	simm.s32 $0x7A80;
	s11 =	simm.s32 $0x5;
	[dreg:$0x15] =	wrdreg s19;
	v0 =	vmul.f32 $0.0e+00, v0;
	v4 =	vadd.f32 v5, v4  }
0x2a: {  	s12 =	simm.s32 $0xF50;
	s14 =	simm.s32 $0x1EA0;
	[dreg:$0x16] =	wrdreg s20;
	v6 =	vpop (erf);
	v2 =	vmul.f32 $1.001358030e-05, v2;
	v5 =	vmov s1  }
0x2b: {  	s15 =	simm.s32 $0x2DF0;
	s17 =	simm.s32 $0x2;
	[dreg:$0x17] =	wrdreg s21;
	v6 =	vmul.f32 v0, v6;
	v7 =	vsub.s32 $0x0, v5;
	v3 =	vmul.f32 v4, v3  }
0x2c: {  	[dreg:$0x18] =	wrdreg s22;
	s5 =	sadd.s32 $0xD66, s18;
	s25 =	sadd.s32 s0, s23;
	v0 =	vbroadcast v7, $0x0;
	v7 =	vmul.f32 v2, v1  }
0x2d: {  	s26 =	sadd.s32 s6, s23;
	s28 =	sadd.s32 s3, s23;
	s29 =	sadd.s32 s0, s24;
	v4 =	vmul.f32 $3.004074100e-05, v6;
	v1 =	vsub.s32 $0x1869F, v5;
	v8 =	vmul.f32 $0.0e+00, v3  }
0x2e: {  	s31 =	sadd.s32 s6, s24;
	s13 =	simm.s32 $0x1;
	s16 =	simm.s32 $0x3D40;
	v2 =	vshll.u32 v1, $0x3;
	v5 =	vmul.f32 $2.002716060e-05, v3;
	v9 =	vmul.f32 $0.0e+00, v7  }
0x2f: {  	v17 =	vimm.s32 $0x0;
	s18 =	simm.s32 $0x4C90;
	s19 =	simm.s32 $0x5BE0;
	[dreg:$0x19] =	wrdreg s25;
	v2 =	vbroadcast v2, $0x0  }
0x30: {  	s20 =	simm.s32 $0x6B30;
	s21 =	simm.s32 $0x3;
	[dreg:$0x1a] =	wrdreg s26;
	v1 =	vmul.f32 $0.0e+00, v6;
	v3 =	vadd.f32 v8, v4;
	v4 =	vadd.f32 v5, v9  }
0x31: {  	s22 =	simm.s32 $0x4;
	[dreg:$0x1b] =	wrdreg s28;
	s30 =	sadd.s32 s0, s5;
	v5 =	vmul.f32 $1.001358030e-05, v7;
	v6 =	vadd.s32 $0xFFFFFFE8, v2;
	v7 =	vadd.s32 $0xFFFFFFE9, v2  }
0x32: {  	s0 =	sadd.s32 s4, s24;
	s1 =	sadd.s32 s4, s23;
	s4 =	sadd.s32 s4, s5;
	v8 =	vadd.s32 $0xFFFFFFEA, v2;
	v9 =	vadd.s32 $0xFFFFFFF0, v2;
	v10 =	vadd.s32 $0xFFFFFFF1, v2  }
0x33: {  	s23 =	simm.s32 $0x0;
	[dreg:$0x1c] =	wrdreg s1;
	s1 =	sadd.s32 s3, s24;
	v11 =	vadd.s32 $0xFFFFFFF2, v2;
	v12 =	vadd.s32 $0xFFFFFFF8, v2;
	v13 =	vadd.s32 $0xFFFFFFF9, v2  }
0x34: {  	s3 =	sadd.s32 s3, s5;
	s5 =	sadd.s32 s6, s5;
	s6 =	sadd.s32 $0x1E848, s6;
	v14 =	vadd.s32 $0xFFFFFFFA, v2;
	v15 =	vor.u32 $0x1, v2;
	v16 =	vor.u32 $0x2, v2  }
.LBB2_1:
0x35: {  	s24 =	rddreg [dreg:$0x4]  }
0x36: {  	[tilespmem:s10], [sflag:$0x5] =	stream.linear.gather [hbm4b:s24+s2], $0x6340, $0x38;
	[tilespmem:$0xDDC0] =	vst v63  }
0x37: {  	_ =	swait.ge [sflag:s11], $0x6340  }
0x38: {  	[sflag:s11] =	ssyncset.done $0x0  }
0x39: {  	s26 =	rddreg [dreg:$0x15];
	[sflag:s11] =	ssyncadd.s32 $0xFFFF9CC0  }
0x3a: {  	[tilespmem:s2], [sflag:$0x1] =	stream.linear.gather [hbm4b:s26+s2], $0xF50, $0x38;
	[tilespmem:$0xDDC0] =	vst v63  }
0x3b: {  	s28 =	rddreg [dreg:$0x5]  }
0x3c: {  	[tilespmem:s12], [sflag:$0x2] =	stream.linear.gather [hbm4b:s28+s2], $0xF50, $0x38;
	[tilespmem:$0xDDC0] =	vst v63  }
0x3d: {  	_ =	swait.ge [sflag:s13], $0xF50  }
0x3e: {  	[sflag:s13] =	ssyncset.done $0x0  }
0x3f: {  	s25 =	simm.s32 $0x0;
	[sflag:s13] =	ssyncadd.s32 $0xFFFFF0B0  }
0x40: {  	v20 =	vld [tilespmem:s25+$0x0];
	_ =	sdelay $0x4  }
0x41: {  	v18 =	vmul.f32 $9.999700000e+04, v20;
	_ =	sdelay $0x1  }
0x42: {  	v18 =	vtrunc.f32 v18  }
0x43: {  	v18 =	vcvt.f32.s32 v18;
	_ =	sdelay $0x1  }
0x44: {  	v18 =	vadd.s32 $0x3, v18  }
0x45: {  	vm0 =	vgt.s32 v18, $0x3  }
0x46: {  	v19 =	vnsel vm0, $0x3, v18  }
0x47: {  	v21 =	vmin.u32 v19, $0x1869F  }
0x48: {  	v19 =	vadd.s32 $0xFFFFFFFE, v21  }
0x49: {  	v22 =	vadd.s32 $0xFFFFFFFD, v21;
	v19 =	vcvt.s32.f32 v19  }
0x4a: {  	v23 =	vcvt.s32.f32 v22  }
0x4b: {  	v19 =	vmul.f32 $1.000029990e-05, v19  }
0x4c: {  	v23 =	vmul.f32 $1.000029990e-05, v23  }
0x4d: {  	v19 =	vmax.f32 v19, $0.0e+00  }
0x4e: {  	v23 =	vmax.f32 v23, $0.0e+00;
	v19 =	vmin.f32 v19, $1.000000000e+00  }
0x4f: {  	vm1 =	vlt.s32 v18, $0x1869F;
	v18 =	vmin.f32 v23, $1.000000000e+00;
	vm2 =	vge.f32 v20, v19  }
0x50: {  	vm11 =	vlt.f32 v20, v18;
	vm1 =	vmand vm1, vm2  }
0x51: {  	vm0 =	vmand vm0, vm11;
	v23 =	vsel vm1, $0x1, v17  }
0x52: {  	v24 =	vsel vm0, $0xFFFFFFFF, v17;
	v18 =	vadd.s32 v23, v22  }
0x53: {  	v22 =	vadd.s32 v24, v18  }
0x54: {  	v18 =	vadd.s32 $0x1, v22  }
0x55: {  	v19 =	vcvt.s32.f32 v22;
	v18 =	vcvt.s32.f32 v18;
	_ =	sdelay $0x1  }
0x56: {  	v19 =	vmul.f32 $1.000029990e-05, v19;
	v18 =	vmul.f32 $1.000029990e-05, v18  }
0x57: {  	v25 =	vadd.s32 $0xFFFFFFFF, v22  }
0x58: {  	v25 =	vcvt.s32.f32 v25;
	v19 =	vmax.f32 v19, $0.0e+00;
	v18 =	vmax.f32 v18, $0.0e+00  }
0x59: {  	v19 =	vmin.f32 v19, $1.000000000e+00;
	v26 =	vmin.f32 v18, $1.000000000e+00  }
0x5a: {  	v18 =	vsub.f32 v20, v19;
	v19 =	vmul.f32 $1.000029990e-05, v25;
	v26 =	vsub.f32 v26, v20  }
0x5b: {  	v25 =	vadd.s32 $0xFFFFFFFE, v22  }
0x5c: {  	v25 =	vcvt.s32.f32 v25;
	v19 =	vmax.f32 v19, $0.0e+00;
	v27 =	vadd.f32 v26, v18  }
0x5d: {  	v21 =	vadd.s32 v0, v21;
	v19 =	vmin.f32 v19, $1.000000000e+00  }
0x5e: {  	v32 =	vsub.f32 v20, v19;
	v19 =	vmul.f32 $1.000029990e-05, v25;
	(erf) = vrcp.f32 v27  }
0x5f: {  	v21 =	vadd.s32 v23, v21;
	v25 =	vadd.s32 $0x2, v22  }
0x60: {  	s24 =	simm.s32 $0x10;
	v25 =	vcvt.s32.f32 v25;
	v27 =	vadd.f32 v32, v26;
	v19 =	vmax.f32 v19, $0.0e+00  }
0x61: {  	v21 =	vadd.s32 v24, v21;
	v28 =	vmin.f32 v19, $1.000000000e+00;
	v19 =	vld [tilespmem:s24+$0x0]  }
0x62: {  	v25 =	vmul.f32 $1.000029990e-05, v25;
	(erf) = vrcp.f32 v27;
	v27 =	vsub.f32 v20, v28  }
0x63: {  	v37 =	vshll.u32 v21, $0x3  }
0x64: {  	v22 =	vadd.s32 $0x3, v22;
	v23 =	vmax.f32 v25, $0.0e+00;
	v25 =	vadd.f32 v27, v26  }
0x65: {  	v29 =	vadd.s32 $0xFFFFFFF0, v37;
	v22 =	vcvt.s32.f32 v22  }
0x66: {  	v33 =	vadd.s32 $0xFFFFFFF2, v37;
	(erf) = vrcp.f32 v25;
	v25 =	vmul.f32 $9.999700000e+04, v19  }
0x67: {  	v34 =	vadd.s32 $0xFFFFFFEA, v37;
	v38 =	vadd.s32 $0xFFFFFFF9, v37;
	v22 =	vmul.f32 $1.000029990e-05, v22;
	v24 =	vpop (erf)  }
0x68: {  	v41 =	vadd.s32 $0xFFFFFFFA, v37;
	v25 =	vtrunc.f32 v25;
	v21 =	vmul.f32 v24, v26  }
0x69: {  	v23 =	vmin.f32 v23, $1.000000000e+00;
	v28 =	vmul.f32 v24, v18;
	v24 =	vcvt.f32.s32 v25  }
0x6a: {  	v43 =	vor.u32 $0x1, v37;
	v22 =	vmax.f32 v22, $0.0e+00;
	v23 =	vsub.f32 v23, v20  }
0x6b: {  	v44 =	vor.u32 $0x2, v37;
	v22 =	vmin.f32 v22, $1.000000000e+00;
	v24 =	vadd.s32 $0x3, v24  }
0x6c: {  	v20 =	vsub.f32 v22, v20;
	v31 =	vadd.f32 v23, v18;
	v30 =	vpop (erf);
	vm12 =	vgt.s32 v24, $0x3  }
0x6d: {  	v22 =	vadd.s32 $0xFFFFFFE8, v37;
	v21 =	vmul.f32 v21, v30;
	v35 =	vnsel vm12, $0x3, v24  }
0x6e: {  	v45 =	vadd.s32 $0xFFFFFFF8, v37;
	(erf) = vrcp.f32 v31;
	v35 =	vmin.u32 v35, $0x1869F  }
0x6f: {  	v36 =	vmul.f32 v21, v32;
	v21 =	vmul.f32 v21, v26;
	v40 =	vadd.s32 $0xFFFFFFFE, v35  }
0x70: {  	v30 =	vadd.f32 v20, v18;
	v31 =	vpop (erf);
	v39 =	vadd.s32 $0xFFFFFFFD, v35;
	v40 =	vcvt.s32.f32 v40  }
0x71: {  	v21 =	vmul.f32 v21, v31;
	v31 =	vadd.s32 $0xFFFFFFE9, v37;
	v42 =	vcvt.s32.f32 v39  }
0x72: {  	v22 =	vld.idx.msk [tilespmem:v22+s10+$0x0], $0xffff;
	(erf) = vrcp.f32 v30;
	v30 =	vadd.f32 v32, v23;
	v40 =	vmul.f32 $1.000029990e-05, v40  }
0x73: {  	v25 =	vadd.s32 $0xFFFFFFF1, v37;
	vm13 =	vlt.s32 v24, $0x1869F;
	v24 =	vmul.f32 $1.000029990e-05, v42  }
0x74: {  	v34 =	vld.idx.msk [tilespmem:v34+s10+$0x0], $0xffff;
	v35 =	vadd.s32 v0, v35;
	(erf) = vrcp.f32 v30;
	v40 =	vmax.f32 v40, $0.0e+00  }
0x75: {  	v62 =	vmul.f32 v21, v26;
	v24 =	vmax.f32 v24, $0.0e+00;
	v26 =	vmin.f32 v40, $1.000000000e+00  }
0x76: {  	v21 =	vmul.f32 v21, v27;
	v30 =	vld.idx.msk [tilespmem:v31+s10+$0x0], $0xffff;
	vm14 =	vge.f32 v19, v26;
	v26 =	vmin.f32 v24, $1.000000000e+00  }
0x77: {  	v24 =	vmul.f32 v62, v22;
	v22 =	vpop (erf);
	vm1 =	vmand vm13, vm14;
	vm15 =	vlt.f32 v19, v26  }
0x78: {  	v22 =	vmul.f32 v28, v22;
	v31 =	vsel vm1, $0x1, v17;
	vm0 =	vmand vm12, vm15  }
0x79: {  	v26 =	vmul.f32 v62, v34;
	v63 =	vsel vm0, $0xFFFFFFFF, v17;
	v28 =	vadd.s32 v31, v39  }
0x7a: {  	v48 =	vmul.f32 v22, v23;
	v22 =	vmul.f32 v22, v18;
	v27 =	vadd.s32 v63, v28  }
0x7b: {  	v31 =	vadd.s32 v31, v35;
	v28 =	vmul.f32 v62, v30;
	v46 =	vadd.s32 $0x1, v27  }
0x7c: {  	v30 =	vpop (erf);
	v49 =	vcvt.s32.f32 v27;
	v50 =	vadd.s32 $0xFFFFFFFE, v27;
	v46 =	vcvt.s32.f32 v46  }
0x7d: {  	v36 =	vadd.f32 v48, v36;
	v52 =	vadd.s32 $0x3, v27;
	v30 =	vmul.f32 v22, v30  }
0x7e: {  	v22 =	vadd.s32 $0xFFFFFFFF, v27;
	v51 =	vmul.f32 $1.000029990e-05, v49;
	v46 =	vmul.f32 $1.000029990e-05, v46  }
0x7f: {  	v56 =	vadd.s32 $0x2, v27;
	v42 =	vcvt.s32.f32 v50;
	v57 =	vcvt.s32.f32 v22  }
0x80: {  	v59 =	vcvt.s32.f32 v56;
	v39 =	vmax.f32 v51, $0.0e+00;
	v54 =	vmax.f32 v46, $0.0e+00  }
0x81: {  	v47 =	vmul.f32 v30, v20;
	v20 =	vmin.f32 v39, $1.000000000e+00;
	v55 =	vmin.f32 v54, $1.000000000e+00  }
0x82: {  	v58 =	vld.idx.msk [tilespmem:v29+s10+$0x0], $0xffff;
	v53 =	vpop (erf);
	v29 =	vcvt.s32.f32 v52;
	v27 =	vsub.f32 v19, v20;
	v22 =	vsub.f32 v55, v19  }
0x83: {  	v25 =	vld.idx.msk [tilespmem:v25+s10+$0x0], $0xffff;
	v31 =	vadd.s32 v63, v31;
	v35 =	vmul.f32 v36, v53;
	v20 =	vmul.f32 $1.000029990e-05, v42  }
0x84: {  	v37 =	vld.idx.msk [tilespmem:v37+s10+$0x0], $0xffff;
	v60 =	vmul.f32 $1.000029990e-05, v57;
	v36 =	vmul.f32 $1.000029990e-05, v59;
	v61 =	vadd.f32 v22, v27  }
0x85: {  	v48 =	vld.idx.msk [tilespmem:v33+s10+$0x0], $0xffff;
	v23 =	vmul.f32 v35, v23;
	v49 =	vmul.f32 v35, v32;
	v20 =	vmax.f32 v20, $0.0e+00  }
0x86: {  	v34 =	vld.idx.msk [tilespmem:v44+s10+$0x0], $0xffff;
	v62 =	vmin.f32 v20, $1.000000000e+00;
	v20 =	vmax.f32 v60, $0.0e+00;
	(erf) = vrcp.f32 v61  }
0x87: {  	v32 =	vld.idx.msk [tilespmem:v38+s10+$0x0], $0xffff;
	v36 =	vmax.f32 v36, $0.0e+00;
	v63 =	vadd.f32 v23, v21;
	v20 =	vmin.f32 v20, $1.000000000e+00  }
0x88: {  	v33 =	vld.idx.msk [tilespmem:v41+s10+$0x0], $0xffff;
	v21 =	vmin.f32 v36, $1.000000000e+00;
	v38 =	vadd.f32 v49, v47;
	v20 =	vsub.f32 v19, v20  }
0x89: {  	v36 =	vld.idx.msk [tilespmem:v43+s10+$0x0], $0xffff;
	v21 =	vsub.f32 v21, v19;
	v39 =	vmul.f32 v63, v58;
	v40 =	vmul.f32 v63, v25  }
0x8a: {  	s26 =	simm.s32 $0x80;
	v35 =	vld.idx.msk [tilespmem:v45+s10+$0x0], $0xffff;
	v41 =	vmul.f32 v63, v48;
	v23 =	vsub.f32 v19, v62;
	v42 =	vadd.f32 v20, v22  }
.LBB2_2:
0x8b: {  	s28 =	sshra.s32 s26, $0x2;
	p1 =	sne.s32 s26, $0x3D00;
	s26 =	sadd.s32 $0x40, s26;
	v25 =	vshll.u32 v31, $0x3;
	v30 =	vmul.f32 v30, v18;
	v28 =	vadd.f32 v40, v28;
	v18 =	vmovc v27  }
0x8c: {  	v27 =	vld [tilespmem:s28+$0x0];
	(erf) = vrcp.f32 v42;
	v31 =	vmul.f32 v38, v32;
	v26 =	vadd.f32 v41, v26  }
0x8d: {  	v32 =	vadd.f32 v23, v22;
	v33 =	vmul.f32 v38, v33;
	v34 =	vmul.f32 v30, v34  }
0x8e: {  	v40 =	vmul.f32 $1.000029990e-05, v29;
	v24 =	vadd.f32 v39, v24;
	v36 =	vmul.f32 v30, v36  }
0x8f: {  	v26 =	vadd.f32 v26, v33;
	v39 =	vpop (erf);
	(erf) = vrcp.f32 v32;
	v32 =	vmul.f32 v38, v35  }
0x90: {  	v29 =	vadd.s32 $0xFFFFFFF0, v25;
	v30 =	vmul.f32 v30, v37;
	v33 =	vmul.f32 v39, v22  }
0x91: {  	v28 =	vadd.f32 v28, v31;
	v26 =	vadd.f32 v26, v34;
	v35 =	vmul.f32 $9.999700000e+04, v27  }
0x92: {  	v31 =	vmax.f32 v40, $0.0e+00;
	v34 =	vmul.f32 v39, v18;
	v24 =	vadd.f32 v24, v32  }
0x93: {  	v31 =	vmin.f32 v31, $1.000000000e+00;
	v28 =	vadd.f32 v28, v36;
	v32 =	vtrunc.f32 v35;
	[tilespmem:s25+$0x3D40] =	vst v26  }
0x94: {  	v31 =	vsub.f32 v31, v19;
	v19 =	vmovc v27;
	v24 =	vadd.f32 v24, v30;
	v26 =	vcvt.f32.s32 v32  }
0x95: {  	v27 =	vadd.s32 $0xFFFFFFE8, v25;
	v35 =	vadd.s32 $0xFFFFFFF2, v25;
	v32 =	vadd.s32 $0xFFFFFFF1, v25;
	v30 =	vpop (erf);
	[tilespmem:s25+$0x2DF0] =	vst v28  }
0x96: {  	v26 =	vadd.s32 $0x3, v26;
	v28 =	vmul.f32 v33, v30;
	v30 =	vadd.f32 v31, v18;
	[tilespmem:s25+$0x1EA0] =	vst v24;
	s25 =	smov.u32 s24;
	s24 =	smov.u32 s28  }
0x97: {  	v24 =	vadd.f32 v21, v18;
	v33 =	vadd.s32 $0xFFFFFFEA, v25;
	vm0 =	vgt.s32 v26, $0x3  }
0x98: {  	v38 =	vadd.s32 $0xFFFFFFF9, v25;
	v36 =	vnsel vm0, $0x3, v26;
	v37 =	vmul.f32 v28, v20;
	v39 =	vpop (erf)  }
0x99: {  	v28 =	vmul.f32 v28, v22;
	v36 =	vmin.u32 v36, $0x1869F;
	(erf) = vrcp.f32 v24  }
0x9a: {  	v41 =	vadd.s32 $0xFFFFFFFA, v25;
	v40 =	vadd.s32 $0xFFFFFFFD, v36;
	v24 =	vadd.s32 $0xFFFFFFFE, v36  }
0x9b: {  	v28 =	vmul.f32 v28, v39;
	v39 =	vadd.s32 $0xFFFFFFE9, v25;
	v24 =	vcvt.s32.f32 v24;
	v27 =	vld.idx.msk [tilespmem:v27+s10+$0x0], $0xffff  }
0x9c: {  	v43 =	vor.u32 $0x1, v25;
	v44 =	vor.u32 $0x2, v25;
	v42 =	vcvt.s32.f32 v40;
	v33 =	vld.idx.msk [tilespmem:v33+s10+$0x0], $0xffff  }
0x9d: {  	v45 =	vadd.s32 $0xFFFFFFF8, v25;
	v24 =	vmul.f32 $1.000029990e-05, v24;
	(erf) = vrcp.f32 v30  }
0x9e: {  	vm1 =	vlt.s32 v26, $0x1869F;
	v26 =	vmul.f32 $1.000029990e-05, v42;
	v30 =	vadd.f32 v20, v21  }
0x9f: {  	v36 =	vadd.s32 v0, v36;
	v22 =	vmul.f32 v28, v22;
	v24 =	vmax.f32 v24, $0.0e+00  }
0xa0: {  	v26 =	vmax.f32 v26, $0.0e+00;
	v24 =	vmin.f32 v24, $1.000000000e+00;
	v39 =	vld.idx.msk [tilespmem:v39+s10+$0x0], $0xffff;
	(erf) = vrcp.f32 v30  }
0xa1: {  	v26 =	vmin.f32 v26, $1.000000000e+00;
	vm2 =	vge.f32 v19, v24;
	v24 =	vmul.f32 v22, v27  }
0xa2: {  	vm1 =	vmand vm1, vm2;
	vm2 =	vlt.f32 v19, v26;
	v26 =	vmul.f32 v22, v33;
	v27 =	vpop (erf)  }
0xa3: {  	v33 =	vsel vm1, $0x1, v17;
	vm0 =	vmand vm0, vm2;
	v27 =	vmul.f32 v34, v27  }
0xa4: {  	v23 =	vmul.f32 v28, v23;
	v34 =	vsel vm0, $0xFFFFFFFF, v17;
	v30 =	vadd.s32 v33, v40  }
0xa5: {  	v40 =	vadd.s32 v34, v30;
	v30 =	vmul.f32 v27, v21;
	v27 =	vmul.f32 v27, v18  }
0xa6: {  	v28 =	vmul.f32 v22, v39;
	v42 =	vcvt.s32.f32 v40;
	v46 =	vadd.s32 $0x1, v40;
	v22 =	vpop (erf)  }
0xa7: {  	v39 =	vadd.s32 $0xFFFFFFFE, v40;
	v46 =	vcvt.s32.f32 v46;
	v37 =	vadd.f32 v30, v37  }
0xa8: {  	v47 =	vadd.s32 $0x3, v40;
	v30 =	vmul.f32 v27, v22;
	v42 =	vmul.f32 $1.000029990e-05, v42  }
0xa9: {  	v33 =	vadd.s32 v33, v36;
	v22 =	vadd.s32 $0xFFFFFFFF, v40;
	v27 =	vmul.f32 $1.000029990e-05, v46;
	v36 =	vpop (erf)  }
0xaa: {  	v39 =	vcvt.s32.f32 v39;
	v46 =	vmul.f32 v30, v31;
	v42 =	vmax.f32 v42, $0.0e+00  }
0xab: {  	v36 =	vmul.f32 v37, v36;
	v31 =	vmin.f32 v42, $1.000000000e+00;
	v27 =	vmax.f32 v27, $0.0e+00  }
0xac: {  	v40 =	vadd.s32 $0x2, v40;
	v37 =	vmin.f32 v27, $1.000000000e+00;
	v27 =	vsub.f32 v19, v31  }
0xad: {  	v39 =	vmul.f32 $1.000029990e-05, v39;
	v42 =	vcvt.s32.f32 v22;
	v22 =	vsub.f32 v37, v19;
	v37 =	vld.idx.msk [tilespmem:v29+s10+$0x0], $0xffff  }
0xae: {  	v40 =	vcvt.s32.f32 v40;
	v31 =	vadd.s32 v34, v33;
	v29 =	vcvt.s32.f32 v47;
	v47 =	vld.idx.msk [tilespmem:v32+s10+$0x0], $0xffff  }
0xaf: {  	v21 =	vmul.f32 v36, v21;
	v33 =	vmul.f32 $1.000029990e-05, v42;
	v34 =	vadd.f32 v22, v27;
	v48 =	vld.idx.msk [tilespmem:v35+s10+$0x0], $0xffff  }
0xb0: {  	v49 =	vmul.f32 v36, v20;
	v35 =	vmax.f32 v39, $0.0e+00;
	v39 =	vmul.f32 $1.000029990e-05, v40;
	v32 =	vld.idx.msk [tilespmem:v38+s10+$0x0], $0xffff  }
.Ltmp0:
0xb1: {  	v20 =	vmax.f32 v33, $0.0e+00;
	v35 =	vmin.f32 v35, $1.000000000e+00;
	(erf) = vrcp.f32 v34;
	v33 =	vld.idx.msk [tilespmem:v41+s10+$0x0], $0xffff;
	(pc) =	sbr.rel @p1 .LBB2_2-.Ltmp0, $4  }
0xb2: {  	v20 =	vmin.f32 v20, $1.000000000e+00;
	v36 =	vmax.f32 v39, $0.0e+00;
	v41 =	vadd.f32 v21, v23;
	v34 =	vld.idx.msk [tilespmem:v44+s10+$0x0], $0xffff  }
0xb3: {  	v20 =	vsub.f32 v19, v20;
	v23 =	vsub.f32 v19, v35;
	v21 =	vmin.f32 v36, $1.000000000e+00;
	v36 =	vld.idx.msk [tilespmem:v43+s10+$0x0], $0xffff  }
0xb4: {  	v21 =	vsub.f32 v21, v19;
	v39 =	vmul.f32 v41, v37;
	v40 =	vmul.f32 v41, v47;
	v35 =	vld.idx.msk [tilespmem:v45+s10+$0x0], $0xffff  }
0xb5: {  	v38 =	vadd.f32 v49, v46;
	v42 =	vadd.f32 v20, v22;
	v41 =	vmul.f32 v41, v48;
	v37 =	vld.idx.msk [tilespmem:v25+s10+$0x0], $0xffff  }
0xb6: {  	v25 =	vadd.f32 v23, v22;
	v29 =	vmul.f32 $1.000029990e-05, v29  }
0xb7: {  	v63 =	vadd.f32 v21, v27;
	(erf) = vrcp.f32 v42  }
0xb8: {  	(erf) = vrcp.f32 v25;
	v25 =	vmax.f32 v29, $0.0e+00  }
0xb9: {  	v18 =	vmul.f32 v30, v18;
	v25 =	vmin.f32 v25, $1.000000000e+00;
	(erf) = vrcp.f32 v63  }
0xba: {  	v26 =	vadd.f32 v41, v26;
	v30 =	vmul.f32 v38, v33;
	v19 =	vsub.f32 v25, v19  }
0xbb: {  	v28 =	vadd.f32 v40, v28;
	v24 =	vadd.f32 v39, v24;
	v29 =	vshll.u32 v31, $0x3  }
0xbc: {  	v31 =	vmul.f32 v18, v34;
	v26 =	vadd.f32 v26, v30;
	v41 =	vadd.f32 v19, v27  }
0xbd: {  	v44 =	vadd.f32 v20, v21;
	v42 =	vmul.f32 v18, v36;
	v25 =	vmul.f32 v38, v32  }
0xbe: {  	v35 =	vmul.f32 v38, v35;
	v43 =	vpop (erf);
	v26 =	vadd.f32 v26, v31;
	(erf) = vrcp.f32 v41  }
0xbf: {  	v46 =	vadd.s32 $0xFFFFFFEA, v29;
	v25 =	vadd.f32 v28, v25;
	(erf) = vrcp.f32 v44  }
0xc0: {  	v18 =	vmul.f32 v18, v37;
	v24 =	vadd.f32 v24, v35;
	v31 =	vadd.s32 $0xFFFFFFE8, v29;
	v28 =	vpop (erf)  }
0xc1: {  	v30 =	vmul.f32 v43, v22;
	v34 =	vmul.f32 v43, v27;
	v25 =	vadd.f32 v25, v42;
	v45 =	vpop (erf)  }
0xc2: {  	v47 =	vadd.s32 $0xFFFFFFF0, v29;
	[tilespmem:s25+$0x3D40] =	vst v26;
	v18 =	vadd.f32 v24, v18;
	v26 =	vpop (erf)  }
0xc3: {  	v48 =	vadd.s32 $0xFFFFFFF9, v29;
	[tilespmem:s25+$0x2DF0] =	vst v25;
	v25 =	vmul.f32 v30, v28;
	v26 =	vmul.f32 v34, v26  }
0xc4: {  	v24 =	vadd.s32 $0xFFFFFFE9, v29;
	[tilespmem:s25+$0x1EA0] =	vst v18  }
0xc5: {  	v18 =	vadd.s32 $0xFFFFFFF2, v29;
	v31 =	vld.idx.msk [tilespmem:v31+s10+$0x0], $0xffff;
	v30 =	vmul.f32 v25, v20;
	v34 =	vmul.f32 v26, v21  }
0xc6: {  	v28 =	vadd.s32 $0xFFFFFFF1, v29;
	v33 =	vld.idx.msk [tilespmem:v46+s10+$0x0], $0xffff;
	v25 =	vmul.f32 v25, v22  }
0xc7: {  	v49 =	vadd.s32 $0xFFFFFFFA, v29;
	v35 =	vld.idx.msk [tilespmem:v47+s10+$0x0], $0xffff;
	v50 =	vpop (erf);
	v30 =	vadd.f32 v34, v30  }
0xc8: {  	v53 =	vadd.s32 $0xFFFFFFF8, v29;
	v36 =	vld.idx.msk [tilespmem:v48+s10+$0x0], $0xffff;
	v25 =	vmul.f32 v25, v45;
	v52 =	vpop (erf)  }
0xc9: {  	v51 =	vor.u32 $0x2, v29;
	v24 =	vld.idx.msk [tilespmem:v24+s10+$0x0], $0xffff;
	v26 =	vmul.f32 v26, v27;
	v30 =	vmul.f32 v30, v52  }
0xca: {  	v54 =	vor.u32 $0x1, v29;
	v18 =	vld.idx.msk [tilespmem:v18+s10+$0x0], $0xffff;
	v23 =	vmul.f32 v25, v23  }
0xcb: {  	v28 =	vld.idx.msk [tilespmem:v28+s10+$0x0], $0xffff;
	v26 =	vmul.f32 v26, v50;
	v21 =	vmul.f32 v30, v21  }
0xcc: {  	v22 =	vmul.f32 v25, v22;
	v25 =	vld.idx.msk [tilespmem:v49+s10+$0x0], $0xffff  }
0xcd: {  	v55 =	vld.idx.msk [tilespmem:v53+s10+$0x0], $0xffff;
	v19 =	vmul.f32 v26, v19;
	v20 =	vmul.f32 v30, v20;
	v21 =	vadd.f32 v21, v23  }
0xce: {  	v30 =	vmul.f32 v22, v31;
	v31 =	vmul.f32 v22, v33;
	v23 =	vld.idx.msk [tilespmem:v51+s10+$0x0], $0xffff  }
0xcf: {  	v22 =	vmul.f32 v22, v24;
	v24 =	vld.idx.msk [tilespmem:v54+s10+$0x0], $0xffff;
	v19 =	vadd.f32 v20, v19;
	v18 =	vmul.f32 v21, v18  }
0xd0: {  	v20 =	vmul.f32 v21, v28;
	v28 =	vld.idx.msk [tilespmem:v29+s10+$0x0], $0xffff;
	v21 =	vmul.f32 v21, v35  }
0xd1: {  	v26 =	vmul.f32 v26, v27;
	v25 =	vmul.f32 v19, v25;
	v18 =	vadd.f32 v18, v31  }
0xd2: {  	v20 =	vadd.f32 v20, v22;
	v22 =	vmul.f32 v19, v36;
	v21 =	vadd.f32 v21, v30  }
0xd3: {  	v19 =	vmul.f32 v19, v55;
	v23 =	vmul.f32 v26, v23;
	v18 =	vadd.f32 v18, v25  }
0xd4: {  	v24 =	vmul.f32 v26, v24;
	v20 =	vadd.f32 v20, v22  }
0xd5: {  	v19 =	vadd.f32 v21, v19;
	v22 =	vmul.f32 v26, v28;
	v18 =	vadd.f32 v18, v23  }
0xd6: {  	v20 =	vadd.f32 v20, v24  }
0xd7: {  	[tilespmem:s24+$0x3D40] =	vst v18;
	v18 =	vadd.f32 v19, v22  }
0xd8: {  	[tilespmem:s24+$0x2DF0] =	vst v20  }
0xd9: {  	s26 =	rddreg [dreg:$0x16];
	[tilespmem:s24+$0x1EA0] =	vst v18;
	s24 =	simm.s32 $0x0  }
0xda: {  	[hbm4b:s26+s24] =	stream.linear.scatter [tilespmem:s14], [sflag:$0x3], $0xF50, $0x38;
	[tilespmem:$0xDDC0] =	vst v63  }
0xdb: {  	s28 =	rddreg [dreg:$0x17]  }
0xdc: {  	[hbm4b:s28+s24] =	stream.linear.scatter [tilespmem:s15], [sflag:$0x3], $0xF50, $0x38;
	[tilespmem:$0xDDC0] =	vst v63  }
0xdd: {  	s26 =	rddreg [dreg:$0x18]  }
0xde: {  	[hbm4b:s26+s24] =	stream.linear.scatter [tilespmem:s16], [sflag:$0x3], $0xF50, $0x38;
	[tilespmem:$0xDDC0] =	vst v63  }
0xdf: {  	s28 =	rddreg [dreg:$0x6]  }
0xe0: {  	[tilespmem:s24], [sflag:$0x1] =	stream.linear.gather [hbm4b:s28+s24], $0xF50, $0x38;
	[tilespmem:$0xDDC0] =	vst v63  }
0xe1: {  	_ =	swait.ge [sflag:s17], $0xF50  }
0xe2: {  	[sflag:s17] =	ssyncset.done $0x0  }
0xe3: {  	s25 =	simm.s32 $0x0;
	[sflag:s17] =	ssyncadd.s32 $0xFFFFF0B0  }
0xe4: {  	v20 =	vld [tilespmem:s25+$0xF50];
	_ =	sdelay $0x4  }
0xe5: {  	v18 =	vmul.f32 $9.999700000e+04, v20;
	_ =	sdelay $0x1  }
0xe6: {  	v18 =	vtrunc.f32 v18  }
0xe7: {  	v18 =	vcvt.f32.s32 v18;
	_ =	sdelay $0x1  }
0xe8: {  	v18 =	vadd.s32 $0x3, v18  }
0xe9: {  	vm0 =	vgt.s32 v18, $0x3  }
0xea: {  	v19 =	vnsel vm0, $0x3, v18  }
0xeb: {  	v21 =	vmin.u32 v19, $0x1869F  }
0xec: {  	v19 =	vadd.s32 $0xFFFFFFFE, v21  }
0xed: {  	v22 =	vadd.s32 $0xFFFFFFFD, v21;
	v19 =	vcvt.s32.f32 v19  }
0xee: {  	v23 =	vcvt.s32.f32 v22  }
0xef: {  	v19 =	vmul.f32 $1.000029990e-05, v19  }
0xf0: {  	v23 =	vmul.f32 $1.000029990e-05, v23  }
0xf1: {  	v19 =	vmax.f32 v19, $0.0e+00  }
0xf2: {  	v23 =	vmax.f32 v23, $0.0e+00;
	v19 =	vmin.f32 v19, $1.000000000e+00  }
0xf3: {  	vm1 =	vlt.s32 v18, $0x1869F;
	v18 =	vmin.f32 v23, $1.000000000e+00;
	vm2 =	vge.f32 v20, v19  }
0xf4: {  	vm11 =	vlt.f32 v20, v18;
	vm1 =	vmand vm1, vm2  }
0xf5: {  	vm0 =	vmand vm0, vm11;
	v23 =	vsel vm1, $0x1, v17  }
0xf6: {  	v24 =	vsel vm0, $0xFFFFFFFF, v17;
	v18 =	vadd.s32 v23, v22  }
0xf7: {  	v22 =	vadd.s32 v24, v18  }
0xf8: {  	v18 =	vadd.s32 $0x1, v22  }
0xf9: {  	v19 =	vcvt.s32.f32 v22;
	v18 =	vcvt.s32.f32 v18;
	_ =	sdelay $0x1  }
0xfa: {  	v19 =	vmul.f32 $1.000029990e-05, v19;
	v18 =	vmul.f32 $1.000029990e-05, v18;
	_ =	sdelay $0x1  }
0xfb: {  	v25 =	vadd.s32 $0xFFFFFFFF, v22;
	v19 =	vmax.f32 v19, $0.0e+00;
	v18 =	vmax.f32 v18, $0.0e+00  }
0xfc: {  	v25 =	vcvt.s32.f32 v25;
	v19 =	vmin.f32 v19, $1.000000000e+00;
	v26 =	vmin.f32 v18, $1.000000000e+00  }
0xfd: {  	v18 =	vsub.f32 v20, v19;
	v26 =	vsub.f32 v26, v20  }
0xfe: {  	v19 =	vmul.f32 $1.000029990e-05, v25  }
0xff: {  	v25 =	vadd.s32 $0xFFFFFFFE, v22;
	v27 =	vadd.f32 v26, v18  }
0x100: {  	v25 =	vcvt.s32.f32 v25;
	v19 =	vmax.f32 v19, $0.0e+00  }
0x101: {  	v19 =	vmin.f32 v19, $1.000000000e+00;
	(erf) = vrcp.f32 v27  }
0x102: {  	v21 =	vadd.s32 v0, v21;
	v32 =	vsub.f32 v20, v19;
	v19 =	vmul.f32 $1.000029990e-05, v25  }
0x103: {  	v21 =	vadd.s32 v23, v21;
	v25 =	vadd.s32 $0x2, v22  }
0x104: {  	s24 =	simm.s32 $0x10;
	v25 =	vcvt.s32.f32 v25;
	v27 =	vadd.f32 v32, v26;
	v19 =	vmax.f32 v19, $0.0e+00  }
0x105: {  	v21 =	vadd.s32 v24, v21;
	v28 =	vmin.f32 v19, $1.000000000e+00;
	v19 =	vld [tilespmem:s24+$0xF50]  }
0x106: {  	v25 =	vmul.f32 $1.000029990e-05, v25;
	(erf) = vrcp.f32 v27;
	v27 =	vsub.f32 v20, v28  }
0x107: {  	v37 =	vshll.u32 v21, $0x3  }
0x108: {  	v22 =	vadd.s32 $0x3, v22;
	v23 =	vmax.f32 v25, $0.0e+00;
	v25 =	vadd.f32 v27, v26  }
0x109: {  	v29 =	vadd.s32 $0xFFFFFFF0, v37;
	v22 =	vcvt.s32.f32 v22  }
0x10a: {  	v33 =	vadd.s32 $0xFFFFFFF2, v37;
	v24 =	vpop (erf);
	(erf) = vrcp.f32 v25;
	v25 =	vmul.f32 $9.999700000e+04, v19  }
0x10b: {  	v56 =	vadd.s32 $0xFFFFFFEA, v37;
	v38 =	vadd.s32 $0xFFFFFFF9, v37;
	v22 =	vmul.f32 $1.000029990e-05, v22  }
0x10c: {  	v41 =	vadd.s32 $0xFFFFFFFA, v37;
	v21 =	vmul.f32 v24, v26;
	v25 =	vtrunc.f32 v25  }
0x10d: {  	v23 =	vmin.f32 v23, $1.000000000e+00;
	v28 =	vmul.f32 v24, v18;
	v24 =	vcvt.f32.s32 v25  }
0x10e: {  	v43 =	vor.u32 $0x1, v37;
	v22 =	vmax.f32 v22, $0.0e+00;
	v23 =	vsub.f32 v23, v20  }
0x10f: {  	v44 =	vor.u32 $0x2, v37;
	v22 =	vmin.f32 v22, $1.000000000e+00;
	v24 =	vadd.s32 $0x3, v24  }
0x110: {  	v20 =	vsub.f32 v22, v20;
	v31 =	vadd.f32 v23, v18;
	v30 =	vpop (erf);
	vm12 =	vgt.s32 v24, $0x3  }
0x111: {  	v22 =	vadd.s32 $0xFFFFFFE8, v37;
	v21 =	vmul.f32 v21, v30;
	v57 =	vnsel vm12, $0x3, v24  }
0x112: {  	v45 =	vadd.s32 $0xFFFFFFF8, v37;
	(erf) = vrcp.f32 v31;
	v35 =	vmin.u32 v57, $0x1869F  }
0x113: {  	v58 =	vmul.f32 v21, v32;
	v21 =	vmul.f32 v21, v26;
	v60 =	vadd.s32 $0xFFFFFFFE, v35  }
0x114: {  	v30 =	vadd.f32 v20, v18;
	v31 =	vpop (erf);
	v59 =	vadd.s32 $0xFFFFFFFD, v35;
	v40 =	vcvt.s32.f32 v60  }
0x115: {  	v21 =	vmul.f32 v21, v31;
	v31 =	vadd.s32 $0xFFFFFFE9, v37;
	v61 =	vcvt.s32.f32 v59  }
0x116: {  	v22 =	vld.idx.msk [tilespmem:v22+s10+$0x0], $0xffff;
	(erf) = vrcp.f32 v30;
	v30 =	vadd.f32 v32, v23;
	v40 =	vmul.f32 $1.000029990e-05, v40  }
0x117: {  	v25 =	vadd.s32 $0xFFFFFFF1, v37;
	vm13 =	vlt.s32 v24, $0x1869F;
	v24 =	vmul.f32 $1.000029990e-05, v61  }
0x118: {  	v34 =	vld.idx.msk [tilespmem:v56+s10+$0x0], $0xffff;
	v35 =	vadd.s32 v0, v35;
	(erf) = vrcp.f32 v30;
	v40 =	vmax.f32 v40, $0.0e+00  }
0x119: {  	v62 =	vmul.f32 v21, v26;
	v24 =	vmax.f32 v24, $0.0e+00;
	v26 =	vmin.f32 v40, $1.000000000e+00  }
0x11a: {  	v21 =	vmul.f32 v21, v27;
	v30 =	vld.idx.msk [tilespmem:v31+s10+$0x0], $0xffff;
	vm14 =	vge.f32 v19, v26;
	v26 =	vmin.f32 v24, $1.000000000e+00  }
0x11b: {  	v24 =	vmul.f32 v62, v22;
	v22 =	vpop (erf);
	vm1 =	vmand vm13, vm14;
	vm15 =	vlt.f32 v19, v26  }
0x11c: {  	v22 =	vmul.f32 v28, v22;
	v31 =	vsel vm1, $0x1, v17;
	vm0 =	vmand vm12, vm15  }
0x11d: {  	v26 =	vmul.f32 v62, v34;
	v63 =	vsel vm0, $0xFFFFFFFF, v17;
	v28 =	vadd.s32 v31, v59  }
0x11e: {  	v48 =	vmul.f32 v22, v23;
	v22 =	vmul.f32 v22, v18;
	v27 =	vadd.s32 v63, v28  }
0x11f: {  	v31 =	vadd.s32 v31, v35;
	v28 =	vmul.f32 v62, v30;
	v46 =	vadd.s32 $0x1, v27  }
0x120: {  	v30 =	vpop (erf);
	v49 =	vcvt.s32.f32 v27;
	v50 =	vadd.s32 $0xFFFFFFFE, v27;
	v46 =	vcvt.s32.f32 v46  }
0x121: {  	v36 =	vadd.f32 v48, v58;
	v52 =	vadd.s32 $0x3, v27;
	v30 =	vmul.f32 v22, v30  }
0x122: {  	v22 =	vadd.s32 $0xFFFFFFFF, v27;
	v51 =	vmul.f32 $1.000029990e-05, v49;
	v46 =	vmul.f32 $1.000029990e-05, v46  }
0x123: {  	v56 =	vadd.s32 $0x2, v27;
	v42 =	vcvt.s32.f32 v50;
	v57 =	vcvt.s32.f32 v22  }
0x124: {  	v59 =	vcvt.s32.f32 v56;
	v39 =	vmax.f32 v51, $0.0e+00;
	v54 =	vmax.f32 v46, $0.0e+00  }
0x125: {  	v47 =	vmul.f32 v30, v20;
	v20 =	vmin.f32 v39, $1.000000000e+00;
	v55 =	vmin.f32 v54, $1.000000000e+00  }
0x126: {  	v53 =	vpop (erf);
	v58 =	vld.idx.msk [tilespmem:v29+s10+$0x0], $0xffff;
	v29 =	vcvt.s32.f32 v52;
	v27 =	vsub.f32 v19, v20;
	v22 =	vsub.f32 v55, v19  }
0x127: {  	v25 =	vld.idx.msk [tilespmem:v25+s10+$0x0], $0xffff;
	v31 =	vadd.s32 v63, v31;
	v35 =	vmul.f32 v36, v53;
	v20 =	vmul.f32 $1.000029990e-05, v42  }
0x128: {  	v37 =	vld.idx.msk [tilespmem:v37+s10+$0x0], $0xffff;
	v60 =	vmul.f32 $1.000029990e-05, v57;
	v36 =	vmul.f32 $1.000029990e-05, v59;
	v61 =	vadd.f32 v22, v27  }
0x129: {  	v48 =	vld.idx.msk [tilespmem:v33+s10+$0x0], $0xffff;
	v23 =	vmul.f32 v35, v23;
	v49 =	vmul.f32 v35, v32;
	v20 =	vmax.f32 v20, $0.0e+00  }
0x12a: {  	v34 =	vld.idx.msk [tilespmem:v44+s10+$0x0], $0xffff;
	v62 =	vmin.f32 v20, $1.000000000e+00;
	v20 =	vmax.f32 v60, $0.0e+00;
	(erf) = vrcp.f32 v61  }
0x12b: {  	v32 =	vld.idx.msk [tilespmem:v38+s10+$0x0], $0xffff;
	v36 =	vmax.f32 v36, $0.0e+00;
	v63 =	vadd.f32 v23, v21;
	v20 =	vmin.f32 v20, $1.000000000e+00  }
0x12c: {  	v33 =	vld.idx.msk [tilespmem:v41+s10+$0x0], $0xffff;
	v21 =	vmin.f32 v36, $1.000000000e+00;
	v38 =	vadd.f32 v49, v47;
	v20 =	vsub.f32 v19, v20  }
0x12d: {  	v36 =	vld.idx.msk [tilespmem:v43+s10+$0x0], $0xffff;
	v21 =	vsub.f32 v21, v19;
	v39 =	vmul.f32 v63, v58;
	v40 =	vmul.f32 v63, v25  }
0x12e: {  	s26 =	simm.s32 $0x80;
	v35 =	vld.idx.msk [tilespmem:v45+s10+$0x0], $0xffff;
	v41 =	vmul.f32 v63, v48;
	v23 =	vsub.f32 v19, v62;
	v42 =	vadd.f32 v20, v22  }
.LBB2_4:
0x12f: {  	s28 =	sshra.s32 s26, $0x2;
	p1 =	sne.s32 s26, $0x3D00;
	s26 =	sadd.s32 $0x40, s26;
	v25 =	vshll.u32 v31, $0x3;
	v30 =	vmul.f32 v30, v18;
	v28 =	vadd.f32 v40, v28;
	v18 =	vmovc v27  }
0x130: {  	v27 =	vld [tilespmem:s28+$0xF50];
	(erf) = vrcp.f32 v42;
	v31 =	vmul.f32 v38, v32;
	v26 =	vadd.f32 v41, v26  }
0x131: {  	v32 =	vadd.f32 v23, v22;
	v33 =	vmul.f32 v38, v33;
	v34 =	vmul.f32 v30, v34  }
0x132: {  	v40 =	vmul.f32 $1.000029990e-05, v29;
	v24 =	vadd.f32 v39, v24;
	v36 =	vmul.f32 v30, v36  }
0x133: {  	v26 =	vadd.f32 v26, v33;
	v39 =	vpop (erf);
	(erf) = vrcp.f32 v32;
	v32 =	vmul.f32 v38, v35  }
0x134: {  	v29 =	vadd.s32 $0xFFFFFFF0, v25;
	v30 =	vmul.f32 v30, v37;
	v33 =	vmul.f32 v39, v22  }
0x135: {  	v28 =	vadd.f32 v28, v31;
	v26 =	vadd.f32 v26, v34;
	v35 =	vmul.f32 $9.999700000e+04, v27  }
0x136: {  	v31 =	vmax.f32 v40, $0.0e+00;
	v34 =	vmul.f32 v39, v18;
	v24 =	vadd.f32 v24, v32  }
0x137: {  	v31 =	vmin.f32 v31, $1.000000000e+00;
	v28 =	vadd.f32 v28, v36;
	v32 =	vtrunc.f32 v35;
	[tilespmem:s25+$0x6B30] =	vst v26  }
0x138: {  	v31 =	vsub.f32 v31, v19;
	v19 =	vmovc v27;
	v24 =	vadd.f32 v24, v30;
	v26 =	vcvt.f32.s32 v32  }
0x139: {  	v27 =	vadd.s32 $0xFFFFFFE8, v25;
	v35 =	vadd.s32 $0xFFFFFFF2, v25;
	v32 =	vadd.s32 $0xFFFFFFF1, v25;
	v30 =	vpop (erf);
	[tilespmem:s25+$0x5BE0] =	vst v28  }
0x13a: {  	v26 =	vadd.s32 $0x3, v26;
	v28 =	vmul.f32 v33, v30;
	v30 =	vadd.f32 v31, v18;
	[tilespmem:s25+$0x4C90] =	vst v24;
	s25 =	smov.u32 s24;
	s24 =	smov.u32 s28  }
0x13b: {  	v24 =	vadd.f32 v21, v18;
	v33 =	vadd.s32 $0xFFFFFFEA, v25;
	vm0 =	vgt.s32 v26, $0x3  }
0x13c: {  	v38 =	vadd.s32 $0xFFFFFFF9, v25;
	v36 =	vnsel vm0, $0x3, v26;
	v37 =	vmul.f32 v28, v20;
	v39 =	vpop (erf)  }
0x13d: {  	v28 =	vmul.f32 v28, v22;
	v36 =	vmin.u32 v36, $0x1869F;
	(erf) = vrcp.f32 v24  }
0x13e: {  	v41 =	vadd.s32 $0xFFFFFFFA, v25;
	v40 =	vadd.s32 $0xFFFFFFFD, v36;
	v24 =	vadd.s32 $0xFFFFFFFE, v36  }
0x13f: {  	v28 =	vmul.f32 v28, v39;
	v39 =	vadd.s32 $0xFFFFFFE9, v25;
	v24 =	vcvt.s32.f32 v24;
	v27 =	vld.idx.msk [tilespmem:v27+s10+$0x0], $0xffff  }
0x140: {  	v43 =	vor.u32 $0x1, v25;
	v44 =	vor.u32 $0x2, v25;
	v42 =	vcvt.s32.f32 v40;
	v33 =	vld.idx.msk [tilespmem:v33+s10+$0x0], $0xffff  }
0x141: {  	v45 =	vadd.s32 $0xFFFFFFF8, v25;
	v24 =	vmul.f32 $1.000029990e-05, v24;
	(erf) = vrcp.f32 v30  }
0x142: {  	vm1 =	vlt.s32 v26, $0x1869F;
	v26 =	vmul.f32 $1.000029990e-05, v42;
	v30 =	vadd.f32 v20, v21  }
0x143: {  	v36 =	vadd.s32 v0, v36;
	v22 =	vmul.f32 v28, v22;
	v24 =	vmax.f32 v24, $0.0e+00  }
0x144: {  	v26 =	vmax.f32 v26, $0.0e+00;
	v24 =	vmin.f32 v24, $1.000000000e+00;
	v39 =	vld.idx.msk [tilespmem:v39+s10+$0x0], $0xffff;
	(erf) = vrcp.f32 v30  }
0x145: {  	v26 =	vmin.f32 v26, $1.000000000e+00;
	vm2 =	vge.f32 v19, v24;
	v24 =	vmul.f32 v22, v27  }
0x146: {  	vm1 =	vmand vm1, vm2;
	vm2 =	vlt.f32 v19, v26;
	v26 =	vmul.f32 v22, v33;
	v27 =	vpop (erf)  }
0x147: {  	v33 =	vsel vm1, $0x1, v17;
	vm0 =	vmand vm0, vm2;
	v27 =	vmul.f32 v34, v27  }
0x148: {  	v23 =	vmul.f32 v28, v23;
	v34 =	vsel vm0, $0xFFFFFFFF, v17;
	v30 =	vadd.s32 v33, v40  }
0x149: {  	v40 =	vadd.s32 v34, v30;
	v30 =	vmul.f32 v27, v21;
	v27 =	vmul.f32 v27, v18  }
0x14a: {  	v28 =	vmul.f32 v22, v39;
	v42 =	vcvt.s32.f32 v40;
	v46 =	vadd.s32 $0x1, v40;
	v22 =	vpop (erf)  }
0x14b: {  	v39 =	vadd.s32 $0xFFFFFFFE, v40;
	v46 =	vcvt.s32.f32 v46;
	v37 =	vadd.f32 v30, v37  }
0x14c: {  	v47 =	vadd.s32 $0x3, v40;
	v30 =	vmul.f32 v27, v22;
	v42 =	vmul.f32 $1.000029990e-05, v42  }
0x14d: {  	v33 =	vadd.s32 v33, v36;
	v22 =	vadd.s32 $0xFFFFFFFF, v40;
	v27 =	vmul.f32 $1.000029990e-05, v46;
	v36 =	vpop (erf)  }
0x14e: {  	v39 =	vcvt.s32.f32 v39;
	v46 =	vmul.f32 v30, v31;
	v42 =	vmax.f32 v42, $0.0e+00  }
0x14f: {  	v36 =	vmul.f32 v37, v36;
	v31 =	vmin.f32 v42, $1.000000000e+00;
	v27 =	vmax.f32 v27, $0.0e+00  }
0x150: {  	v40 =	vadd.s32 $0x2, v40;
	v37 =	vmin.f32 v27, $1.000000000e+00;
	v27 =	vsub.f32 v19, v31  }
0x151: {  	v39 =	vmul.f32 $1.000029990e-05, v39;
	v42 =	vcvt.s32.f32 v22;
	v22 =	vsub.f32 v37, v19;
	v37 =	vld.idx.msk [tilespmem:v29+s10+$0x0], $0xffff  }
0x152: {  	v40 =	vcvt.s32.f32 v40;
	v31 =	vadd.s32 v34, v33;
	v29 =	vcvt.s32.f32 v47;
	v47 =	vld.idx.msk [tilespmem:v32+s10+$0x0], $0xffff  }
0x153: {  	v21 =	vmul.f32 v36, v21;
	v33 =	vmul.f32 $1.000029990e-05, v42;
	v34 =	vadd.f32 v22, v27;
	v48 =	vld.idx.msk [tilespmem:v35+s10+$0x0], $0xffff  }
0x154: {  	v49 =	vmul.f32 v36, v20;
	v35 =	vmax.f32 v39, $0.0e+00;
	v39 =	vmul.f32 $1.000029990e-05, v40;
	v32 =	vld.idx.msk [tilespmem:v38+s10+$0x0], $0xffff  }
.Ltmp1:
0x155: {  	v20 =	vmax.f32 v33, $0.0e+00;
	v35 =	vmin.f32 v35, $1.000000000e+00;
	(erf) = vrcp.f32 v34;
	v33 =	vld.idx.msk [tilespmem:v41+s10+$0x0], $0xffff;
	(pc) =	sbr.rel @p1 .LBB2_4-.Ltmp1, $4  }
0x156: {  	v20 =	vmin.f32 v20, $1.000000000e+00;
	v36 =	vmax.f32 v39, $0.0e+00;
	v41 =	vadd.f32 v21, v23;
	v34 =	vld.idx.msk [tilespmem:v44+s10+$0x0], $0xffff  }
0x157: {  	v20 =	vsub.f32 v19, v20;
	v23 =	vsub.f32 v19, v35;
	v21 =	vmin.f32 v36, $1.000000000e+00;
	v36 =	vld.idx.msk [tilespmem:v43+s10+$0x0], $0xffff  }
0x158: {  	v21 =	vsub.f32 v21, v19;
	v39 =	vmul.f32 v41, v37;
	v40 =	vmul.f32 v41, v47;
	v35 =	vld.idx.msk [tilespmem:v45+s10+$0x0], $0xffff  }
0x159: {  	v38 =	vadd.f32 v49, v46;
	v42 =	vadd.f32 v20, v22;
	v41 =	vmul.f32 v41, v48;
	v37 =	vld.idx.msk [tilespmem:v25+s10+$0x0], $0xffff  }
0x15a: {  	v25 =	vadd.f32 v23, v22;
	v29 =	vmul.f32 $1.000029990e-05, v29  }
0x15b: {  	v63 =	vadd.f32 v21, v27;
	(erf) = vrcp.f32 v42  }
0x15c: {  	(erf) = vrcp.f32 v25;
	v25 =	vmax.f32 v29, $0.0e+00  }
0x15d: {  	v18 =	vmul.f32 v30, v18;
	v25 =	vmin.f32 v25, $1.000000000e+00;
	(erf) = vrcp.f32 v63  }
0x15e: {  	v26 =	vadd.f32 v41, v26;
	v30 =	vmul.f32 v38, v33;
	v19 =	vsub.f32 v25, v19  }
0x15f: {  	v28 =	vadd.f32 v40, v28;
	v24 =	vadd.f32 v39, v24;
	v29 =	vshll.u32 v31, $0x3  }
0x160: {  	v31 =	vmul.f32 v18, v34;
	v26 =	vadd.f32 v26, v30;
	v41 =	vadd.f32 v19, v27  }
0x161: {  	v44 =	vadd.f32 v20, v21;
	v42 =	vmul.f32 v18, v36;
	v25 =	vmul.f32 v38, v32  }
0x162: {  	v35 =	vmul.f32 v38, v35;
	v43 =	vpop (erf);
	v26 =	vadd.f32 v26, v31;
	(erf) = vrcp.f32 v41  }
0x163: {  	v46 =	vadd.s32 $0xFFFFFFEA, v29;
	v25 =	vadd.f32 v28, v25;
	(erf) = vrcp.f32 v44  }
0x164: {  	v18 =	vmul.f32 v18, v37;
	v24 =	vadd.f32 v24, v35;
	v31 =	vadd.s32 $0xFFFFFFE8, v29;
	v28 =	vpop (erf)  }
0x165: {  	v30 =	vmul.f32 v43, v22;
	v34 =	vmul.f32 v43, v27;
	v25 =	vadd.f32 v25, v42;
	v45 =	vpop (erf)  }
0x166: {  	v47 =	vadd.s32 $0xFFFFFFF0, v29;
	[tilespmem:s25+$0x6B30] =	vst v26;
	v18 =	vadd.f32 v24, v18;
	v26 =	vpop (erf)  }
0x167: {  	v48 =	vadd.s32 $0xFFFFFFF9, v29;
	[tilespmem:s25+$0x5BE0] =	vst v25;
	v25 =	vmul.f32 v30, v28;
	v26 =	vmul.f32 v34, v26  }
0x168: {  	v24 =	vadd.s32 $0xFFFFFFE9, v29;
	[tilespmem:s25+$0x4C90] =	vst v18  }
0x169: {  	v18 =	vadd.s32 $0xFFFFFFF2, v29;
	v31 =	vld.idx.msk [tilespmem:v31+s10+$0x0], $0xffff;
	v30 =	vmul.f32 v25, v20;
	v34 =	vmul.f32 v26, v21  }
0x16a: {  	v28 =	vadd.s32 $0xFFFFFFF1, v29;
	v33 =	vld.idx.msk [tilespmem:v46+s10+$0x0], $0xffff;
	v25 =	vmul.f32 v25, v22  }
0x16b: {  	v49 =	vadd.s32 $0xFFFFFFFA, v29;
	v35 =	vld.idx.msk [tilespmem:v47+s10+$0x0], $0xffff;
	v50 =	vpop (erf);
	v30 =	vadd.f32 v34, v30  }
0x16c: {  	v53 =	vadd.s32 $0xFFFFFFF8, v29;
	v36 =	vld.idx.msk [tilespmem:v48+s10+$0x0], $0xffff;
	v25 =	vmul.f32 v25, v45;
	v52 =	vpop (erf)  }
0x16d: {  	v51 =	vor.u32 $0x2, v29;
	v24 =	vld.idx.msk [tilespmem:v24+s10+$0x0], $0xffff;
	v26 =	vmul.f32 v26, v27;
	v30 =	vmul.f32 v30, v52  }
0x16e: {  	v54 =	vor.u32 $0x1, v29;
	v18 =	vld.idx.msk [tilespmem:v18+s10+$0x0], $0xffff;
	v23 =	vmul.f32 v25, v23  }
0x16f: {  	v28 =	vld.idx.msk [tilespmem:v28+s10+$0x0], $0xffff;
	v26 =	vmul.f32 v26, v50;
	v21 =	vmul.f32 v30, v21  }
0x170: {  	v22 =	vmul.f32 v25, v22;
	v25 =	vld.idx.msk [tilespmem:v49+s10+$0x0], $0xffff  }
0x171: {  	v55 =	vld.idx.msk [tilespmem:v53+s10+$0x0], $0xffff;
	v19 =	vmul.f32 v26, v19;
	v20 =	vmul.f32 v30, v20;
	v21 =	vadd.f32 v21, v23  }
0x172: {  	v30 =	vmul.f32 v22, v31;
	v31 =	vmul.f32 v22, v33;
	v23 =	vld.idx.msk [tilespmem:v51+s10+$0x0], $0xffff  }
0x173: {  	v22 =	vmul.f32 v22, v24;
	v24 =	vld.idx.msk [tilespmem:v54+s10+$0x0], $0xffff;
	v19 =	vadd.f32 v20, v19;
	v18 =	vmul.f32 v21, v18  }
0x174: {  	v20 =	vmul.f32 v21, v28;
	v28 =	vld.idx.msk [tilespmem:v29+s10+$0x0], $0xffff;
	v21 =	vmul.f32 v21, v35  }
0x175: {  	v26 =	vmul.f32 v26, v27;
	v25 =	vmul.f32 v19, v25;
	v18 =	vadd.f32 v18, v31  }
0x176: {  	v20 =	vadd.f32 v20, v22;
	v22 =	vmul.f32 v19, v36;
	v21 =	vadd.f32 v21, v30  }
0x177: {  	v19 =	vmul.f32 v19, v55;
	v23 =	vmul.f32 v26, v23;
	v18 =	vadd.f32 v18, v25  }
0x178: {  	v24 =	vmul.f32 v26, v24;
	v20 =	vadd.f32 v20, v22  }
0x179: {  	v19 =	vadd.f32 v21, v19;
	v22 =	vmul.f32 v26, v28;
	v18 =	vadd.f32 v18, v23  }
0x17a: {  	v20 =	vadd.f32 v20, v24  }
0x17b: {  	[tilespmem:s24+$0x6B30] =	vst v18;
	v18 =	vadd.f32 v19, v22  }
0x17c: {  	[tilespmem:s24+$0x5BE0] =	vst v20  }
0x17d: {  	s26 =	rddreg [dreg:$0x7];
	[tilespmem:s24+$0x4C90] =	vst v18;
	s24 =	simm.s32 $0x0  }
0x17e: {  	[hbm4b:s26+s24] =	stream.linear.scatter [tilespmem:s18], [sflag:$0x4], $0xF50, $0x38;
	[tilespmem:$0xDDC0] =	vst v63  }
0x17f: {  	s28 =	rddreg [dreg:$0x8]  }
0x180: {  	[hbm4b:s28+s24] =	stream.linear.scatter [tilespmem:s19], [sflag:$0x4], $0xF50, $0x38;
	[tilespmem:$0xDDC0] =	vst v63  }
0x181: {  	s26 =	rddreg [dreg:$0x9]  }
0x182: {  	[hbm4b:s26+s24] =	stream.linear.scatter [tilespmem:s20], [sflag:$0x4], $0xF50, $0x38;
	[tilespmem:$0xDDC0] =	vst v63  }
0x183: {  	s28 =	rddreg [dreg:$0xa]  }
0x184: {  	[tilespmem:s12], [sflag:$0x2] =	stream.linear.gather [hbm4b:s28+s24], $0xF50, $0x38;
	[tilespmem:$0xDDC0] =	vst v63  }
0x185: {  	_ =	swait.ge [sflag:s13], $0xF50  }
0x186: {  	[sflag:s13] =	ssyncset.done $0x0  }
0x187: {  	[sflag:s13] =	ssyncadd.s32 $0xFFFFF0B0  }
0x188: {  	_ =	swait.ge [sflag:s21], $0xF50  }
0x189: {  	[sflag:s21] =	ssyncset.done $0x0  }
0x18a: {  	[sflag:s21] =	ssyncadd.s32 $0xFFFFF0B0  }
0x18b: {  	_ =	swait.ge [sflag:s21], $0xF50  }
0x18c: {  	[sflag:s21] =	ssyncset.done $0x0  }
0x18d: {  	[sflag:s21] =	ssyncadd.s32 $0xFFFFF0B0  }
0x18e: {  	_ =	swait.ge [sflag:s21], $0xF50  }
0x18f: {  	[sflag:s21] =	ssyncset.done $0x0  }
0x190: {  	s25 =	simm.s32 $0x0;
	[sflag:s21] =	ssyncadd.s32 $0xFFFFF0B0  }
0x191: {  	v20 =	vld [tilespmem:s25+$0x0];
	_ =	sdelay $0x4  }
0x192: {  	v18 =	vmul.f32 $9.999700000e+04, v20;
	_ =	sdelay $0x1  }
0x193: {  	v18 =	vtrunc.f32 v18  }
0x194: {  	v18 =	vcvt.f32.s32 v18;
	_ =	sdelay $0x1  }
0x195: {  	v18 =	vadd.s32 $0x3, v18  }
0x196: {  	vm0 =	vgt.s32 v18, $0x3  }
0x197: {  	v19 =	vnsel vm0, $0x3, v18  }
0x198: {  	v21 =	vmin.u32 v19, $0x1869F  }
0x199: {  	v19 =	vadd.s32 $0xFFFFFFFE, v21  }
0x19a: {  	v22 =	vadd.s32 $0xFFFFFFFD, v21;
	v19 =	vcvt.s32.f32 v19  }
0x19b: {  	v23 =	vcvt.s32.f32 v22  }
0x19c: {  	v19 =	vmul.f32 $1.000029990e-05, v19  }
0x19d: {  	v23 =	vmul.f32 $1.000029990e-05, v23  }
0x19e: {  	v19 =	vmax.f32 v19, $0.0e+00  }
0x19f: {  	v23 =	vmax.f32 v23, $0.0e+00;
	v19 =	vmin.f32 v19, $1.000000000e+00  }
0x1a0: {  	vm1 =	vlt.s32 v18, $0x1869F;
	v18 =	vmin.f32 v23, $1.000000000e+00;
	vm2 =	vge.f32 v20, v19  }
0x1a1: {  	vm11 =	vlt.f32 v20, v18;
	vm1 =	vmand vm1, vm2  }
0x1a2: {  	vm0 =	vmand vm0, vm11;
	v23 =	vsel vm1, $0x1, v17  }
0x1a3: {  	v24 =	vsel vm0, $0xFFFFFFFF, v17;
	v18 =	vadd.s32 v23, v22  }
0x1a4: {  	v22 =	vadd.s32 v24, v18  }
0x1a5: {  	v18 =	vadd.s32 $0x1, v22  }
0x1a6: {  	v19 =	vcvt.s32.f32 v22;
	v18 =	vcvt.s32.f32 v18;
	_ =	sdelay $0x1  }
0x1a7: {  	v19 =	vmul.f32 $1.000029990e-05, v19;
	v18 =	vmul.f32 $1.000029990e-05, v18;
	_ =	sdelay $0x1  }
0x1a8: {  	v25 =	vadd.s32 $0xFFFFFFFF, v22;
	v19 =	vmax.f32 v19, $0.0e+00;
	v18 =	vmax.f32 v18, $0.0e+00  }
0x1a9: {  	v25 =	vcvt.s32.f32 v25;
	v19 =	vmin.f32 v19, $1.000000000e+00;
	v26 =	vmin.f32 v18, $1.000000000e+00  }
0x1aa: {  	v18 =	vsub.f32 v20, v19;
	v26 =	vsub.f32 v26, v20  }
0x1ab: {  	v19 =	vmul.f32 $1.000029990e-05, v25  }
0x1ac: {  	v25 =	vadd.s32 $0xFFFFFFFE, v22;
	v27 =	vadd.f32 v26, v18  }
0x1ad: {  	v25 =	vcvt.s32.f32 v25;
	v19 =	vmax.f32 v19, $0.0e+00  }
0x1ae: {  	v19 =	vmin.f32 v19, $1.000000000e+00;
	(erf) = vrcp.f32 v27  }
0x1af: {  	v21 =	vadd.s32 v0, v21;
	v32 =	vsub.f32 v20, v19;
	v19 =	vmul.f32 $1.000029990e-05, v25  }
0x1b0: {  	v21 =	vadd.s32 v23, v21;
	v25 =	vadd.s32 $0x2, v22  }
0x1b1: {  	s24 =	simm.s32 $0x10;
	v25 =	vcvt.s32.f32 v25;
	v27 =	vadd.f32 v32, v26;
	v19 =	vmax.f32 v19, $0.0e+00  }
0x1b2: {  	v21 =	vadd.s32 v24, v21;
	v28 =	vmin.f32 v19, $1.000000000e+00;
	v19 =	vld [tilespmem:s24+$0x0]  }
0x1b3: {  	v25 =	vmul.f32 $1.000029990e-05, v25;
	(erf) = vrcp.f32 v27;
	v27 =	vsub.f32 v20, v28  }
0x1b4: {  	v37 =	vshll.u32 v21, $0x3  }
0x1b5: {  	v22 =	vadd.s32 $0x3, v22;
	v23 =	vmax.f32 v25, $0.0e+00;
	v25 =	vadd.f32 v27, v26  }
0x1b6: {  	v29 =	vadd.s32 $0xFFFFFFF0, v37;
	v22 =	vcvt.s32.f32 v22  }
0x1b7: {  	v33 =	vadd.s32 $0xFFFFFFF2, v37;
	v24 =	vpop (erf);
	(erf) = vrcp.f32 v25;
	v25 =	vmul.f32 $9.999700000e+04, v19  }
0x1b8: {  	v56 =	vadd.s32 $0xFFFFFFEA, v37;
	v38 =	vadd.s32 $0xFFFFFFF9, v37;
	v22 =	vmul.f32 $1.000029990e-05, v22  }
0x1b9: {  	v41 =	vadd.s32 $0xFFFFFFFA, v37;
	v21 =	vmul.f32 v24, v26;
	v25 =	vtrunc.f32 v25  }
0x1ba: {  	v23 =	vmin.f32 v23, $1.000000000e+00;
	v28 =	vmul.f32 v24, v18;
	v24 =	vcvt.f32.s32 v25  }
0x1bb: {  	v43 =	vor.u32 $0x1, v37;
	v22 =	vmax.f32 v22, $0.0e+00;
	v23 =	vsub.f32 v23, v20  }
0x1bc: {  	v44 =	vor.u32 $0x2, v37;
	v22 =	vmin.f32 v22, $1.000000000e+00;
	v24 =	vadd.s32 $0x3, v24  }
0x1bd: {  	v20 =	vsub.f32 v22, v20;
	v31 =	vadd.f32 v23, v18;
	v30 =	vpop (erf);
	vm12 =	vgt.s32 v24, $0x3  }
0x1be: {  	v22 =	vadd.s32 $0xFFFFFFE8, v37;
	v21 =	vmul.f32 v21, v30;
	v57 =	vnsel vm12, $0x3, v24  }
0x1bf: {  	v45 =	vadd.s32 $0xFFFFFFF8, v37;
	(erf) = vrcp.f32 v31;
	v35 =	vmin.u32 v57, $0x1869F  }
0x1c0: {  	v58 =	vmul.f32 v21, v32;
	v21 =	vmul.f32 v21, v26;
	v60 =	vadd.s32 $0xFFFFFFFE, v35  }
0x1c1: {  	v30 =	vadd.f32 v20, v18;
	v31 =	vpop (erf);
	v59 =	vadd.s32 $0xFFFFFFFD, v35;
	v40 =	vcvt.s32.f32 v60  }
0x1c2: {  	v21 =	vmul.f32 v21, v31;
	v31 =	vadd.s32 $0xFFFFFFE9, v37;
	v61 =	vcvt.s32.f32 v59  }
0x1c3: {  	v22 =	vld.idx.msk [tilespmem:v22+s10+$0x0], $0xffff;
	(erf) = vrcp.f32 v30;
	v30 =	vadd.f32 v32, v23;
	v40 =	vmul.f32 $1.000029990e-05, v40  }
0x1c4: {  	v25 =	vadd.s32 $0xFFFFFFF1, v37;
	vm13 =	vlt.s32 v24, $0x1869F;
	v24 =	vmul.f32 $1.000029990e-05, v61  }
0x1c5: {  	v34 =	vld.idx.msk [tilespmem:v56+s10+$0x0], $0xffff;
	v35 =	vadd.s32 v0, v35;
	(erf) = vrcp.f32 v30;
	v40 =	vmax.f32 v40, $0.0e+00  }
0x1c6: {  	v62 =	vmul.f32 v21, v26;
	v24 =	vmax.f32 v24, $0.0e+00;
	v26 =	vmin.f32 v40, $1.000000000e+00  }
0x1c7: {  	v21 =	vmul.f32 v21, v27;
	v30 =	vld.idx.msk [tilespmem:v31+s10+$0x0], $0xffff;
	vm14 =	vge.f32 v19, v26;
	v26 =	vmin.f32 v24, $1.000000000e+00  }
0x1c8: {  	v24 =	vmul.f32 v62, v22;
	v22 =	vpop (erf);
	vm1 =	vmand vm13, vm14;
	vm15 =	vlt.f32 v19, v26  }
0x1c9: {  	v22 =	vmul.f32 v28, v22;
	v31 =	vsel vm1, $0x1, v17;
	vm0 =	vmand vm12, vm15  }
0x1ca: {  	v26 =	vmul.f32 v62, v34;
	v63 =	vsel vm0, $0xFFFFFFFF, v17;
	v28 =	vadd.s32 v31, v59  }
0x1cb: {  	v48 =	vmul.f32 v22, v23;
	v22 =	vmul.f32 v22, v18;
	v27 =	vadd.s32 v63, v28  }
0x1cc: {  	v31 =	vadd.s32 v31, v35;
	v28 =	vmul.f32 v62, v30;
	v46 =	vadd.s32 $0x1, v27  }
0x1cd: {  	v30 =	vpop (erf);
	v49 =	vcvt.s32.f32 v27;
	v50 =	vadd.s32 $0xFFFFFFFE, v27;
	v46 =	vcvt.s32.f32 v46  }
0x1ce: {  	v36 =	vadd.f32 v48, v58;
	v52 =	vadd.s32 $0x3, v27;
	v30 =	vmul.f32 v22, v30  }
0x1cf: {  	v22 =	vadd.s32 $0xFFFFFFFF, v27;
	v51 =	vmul.f32 $1.000029990e-05, v49;
	v46 =	vmul.f32 $1.000029990e-05, v46  }
0x1d0: {  	v56 =	vadd.s32 $0x2, v27;
	v42 =	vcvt.s32.f32 v50;
	v57 =	vcvt.s32.f32 v22  }
0x1d1: {  	v59 =	vcvt.s32.f32 v56;
	v39 =	vmax.f32 v51, $0.0e+00;
	v54 =	vmax.f32 v46, $0.0e+00  }
0x1d2: {  	v47 =	vmul.f32 v30, v20;
	v20 =	vmin.f32 v39, $1.000000000e+00;
	v55 =	vmin.f32 v54, $1.000000000e+00  }
0x1d3: {  	v53 =	vpop (erf);
	v58 =	vld.idx.msk [tilespmem:v29+s10+$0x0], $0xffff;
	v29 =	vcvt.s32.f32 v52;
	v27 =	vsub.f32 v19, v20;
	v22 =	vsub.f32 v55, v19  }
0x1d4: {  	v25 =	vld.idx.msk [tilespmem:v25+s10+$0x0], $0xffff;
	v31 =	vadd.s32 v63, v31;
	v35 =	vmul.f32 v36, v53;
	v20 =	vmul.f32 $1.000029990e-05, v42  }
0x1d5: {  	v37 =	vld.idx.msk [tilespmem:v37+s10+$0x0], $0xffff;
	v60 =	vmul.f32 $1.000029990e-05, v57;
	v36 =	vmul.f32 $1.000029990e-05, v59;
	v61 =	vadd.f32 v22, v27  }
0x1d6: {  	v48 =	vld.idx.msk [tilespmem:v33+s10+$0x0], $0xffff;
	v23 =	vmul.f32 v35, v23;
	v49 =	vmul.f32 v35, v32;
	v20 =	vmax.f32 v20, $0.0e+00  }
0x1d7: {  	v34 =	vld.idx.msk [tilespmem:v44+s10+$0x0], $0xffff;
	v62 =	vmin.f32 v20, $1.000000000e+00;
	v20 =	vmax.f32 v60, $0.0e+00;
	(erf) = vrcp.f32 v61  }
0x1d8: {  	v32 =	vld.idx.msk [tilespmem:v38+s10+$0x0], $0xffff;
	v36 =	vmax.f32 v36, $0.0e+00;
	v63 =	vadd.f32 v23, v21;
	v20 =	vmin.f32 v20, $1.000000000e+00  }
0x1d9: {  	v33 =	vld.idx.msk [tilespmem:v41+s10+$0x0], $0xffff;
	v21 =	vmin.f32 v36, $1.000000000e+00;
	v38 =	vadd.f32 v49, v47;
	v20 =	vsub.f32 v19, v20  }
0x1da: {  	v36 =	vld.idx.msk [tilespmem:v43+s10+$0x0], $0xffff;
	v21 =	vsub.f32 v21, v19;
	v39 =	vmul.f32 v63, v58;
	v40 =	vmul.f32 v63, v25  }
0x1db: {  	s26 =	simm.s32 $0x80;
	v35 =	vld.idx.msk [tilespmem:v45+s10+$0x0], $0xffff;
	v41 =	vmul.f32 v63, v48;
	v23 =	vsub.f32 v19, v62;
	v42 =	vadd.f32 v20, v22  }
.LBB2_6:
0x1dc: {  	s28 =	sshra.s32 s26, $0x2;
	p1 =	sne.s32 s26, $0x3D00;
	s26 =	sadd.s32 $0x40, s26;
	v25 =	vshll.u32 v31, $0x3;
	v30 =	vmul.f32 v30, v18;
	v28 =	vadd.f32 v40, v28;
	v18 =	vmovc v27  }
0x1dd: {  	v27 =	vld [tilespmem:s28+$0x0];
	(erf) = vrcp.f32 v42;
	v31 =	vmul.f32 v38, v32;
	v26 =	vadd.f32 v41, v26  }
0x1de: {  	v32 =	vadd.f32 v23, v22;
	v33 =	vmul.f32 v38, v33;
	v34 =	vmul.f32 v30, v34  }
0x1df: {  	v40 =	vmul.f32 $1.000029990e-05, v29;
	v24 =	vadd.f32 v39, v24;
	v36 =	vmul.f32 v30, v36  }
0x1e0: {  	v26 =	vadd.f32 v26, v33;
	v39 =	vpop (erf);
	(erf) = vrcp.f32 v32;
	v32 =	vmul.f32 v38, v35  }
0x1e1: {  	v29 =	vadd.s32 $0xFFFFFFF0, v25;
	v30 =	vmul.f32 v30, v37;
	v33 =	vmul.f32 v39, v22  }
0x1e2: {  	v28 =	vadd.f32 v28, v31;
	v26 =	vadd.f32 v26, v34;
	v35 =	vmul.f32 $9.999700000e+04, v27  }
0x1e3: {  	v31 =	vmax.f32 v40, $0.0e+00;
	v34 =	vmul.f32 v39, v18;
	v24 =	vadd.f32 v24, v32  }
0x1e4: {  	v31 =	vmin.f32 v31, $1.000000000e+00;
	v28 =	vadd.f32 v28, v36;
	v32 =	vtrunc.f32 v35;
	[tilespmem:s25+$0x3D40] =	vst v26  }
0x1e5: {  	v31 =	vsub.f32 v31, v19;
	v19 =	vmovc v27;
	v24 =	vadd.f32 v24, v30;
	v26 =	vcvt.f32.s32 v32  }
0x1e6: {  	v27 =	vadd.s32 $0xFFFFFFE8, v25;
	v35 =	vadd.s32 $0xFFFFFFF2, v25;
	v32 =	vadd.s32 $0xFFFFFFF1, v25;
	v30 =	vpop (erf);
	[tilespmem:s25+$0x2DF0] =	vst v28  }
0x1e7: {  	v26 =	vadd.s32 $0x3, v26;
	v28 =	vmul.f32 v33, v30;
	v30 =	vadd.f32 v31, v18;
	[tilespmem:s25+$0x1EA0] =	vst v24;
	s25 =	smov.u32 s24;
	s24 =	smov.u32 s28  }
0x1e8: {  	v24 =	vadd.f32 v21, v18;
	v33 =	vadd.s32 $0xFFFFFFEA, v25;
	vm0 =	vgt.s32 v26, $0x3  }
0x1e9: {  	v38 =	vadd.s32 $0xFFFFFFF9, v25;
	v36 =	vnsel vm0, $0x3, v26;
	v37 =	vmul.f32 v28, v20;
	v39 =	vpop (erf)  }
0x1ea: {  	v28 =	vmul.f32 v28, v22;
	v36 =	vmin.u32 v36, $0x1869F;
	(erf) = vrcp.f32 v24  }
0x1eb: {  	v41 =	vadd.s32 $0xFFFFFFFA, v25;
	v40 =	vadd.s32 $0xFFFFFFFD, v36;
	v24 =	vadd.s32 $0xFFFFFFFE, v36  }
0x1ec: {  	v28 =	vmul.f32 v28, v39;
	v39 =	vadd.s32 $0xFFFFFFE9, v25;
	v24 =	vcvt.s32.f32 v24;
	v27 =	vld.idx.msk [tilespmem:v27+s10+$0x0], $0xffff  }
0x1ed: {  	v43 =	vor.u32 $0x1, v25;
	v44 =	vor.u32 $0x2, v25;
	v42 =	vcvt.s32.f32 v40;
	v33 =	vld.idx.msk [tilespmem:v33+s10+$0x0], $0xffff  }
0x1ee: {  	v45 =	vadd.s32 $0xFFFFFFF8, v25;
	v24 =	vmul.f32 $1.000029990e-05, v24;
	(erf) = vrcp.f32 v30  }
0x1ef: {  	vm1 =	vlt.s32 v26, $0x1869F;
	v26 =	vmul.f32 $1.000029990e-05, v42;
	v30 =	vadd.f32 v20, v21  }
0x1f0: {  	v36 =	vadd.s32 v0, v36;
	v22 =	vmul.f32 v28, v22;
	v24 =	vmax.f32 v24, $0.0e+00  }
0x1f1: {  	v26 =	vmax.f32 v26, $0.0e+00;
	v24 =	vmin.f32 v24, $1.000000000e+00;
	v39 =	vld.idx.msk [tilespmem:v39+s10+$0x0], $0xffff;
	(erf) = vrcp.f32 v30  }
0x1f2: {  	v26 =	vmin.f32 v26, $1.000000000e+00;
	vm2 =	vge.f32 v19, v24;
	v24 =	vmul.f32 v22, v27  }
0x1f3: {  	vm1 =	vmand vm1, vm2;
	vm2 =	vlt.f32 v19, v26;
	v26 =	vmul.f32 v22, v33;
	v27 =	vpop (erf)  }
0x1f4: {  	v33 =	vsel vm1, $0x1, v17;
	vm0 =	vmand vm0, vm2;
	v27 =	vmul.f32 v34, v27  }
0x1f5: {  	v23 =	vmul.f32 v28, v23;
	v34 =	vsel vm0, $0xFFFFFFFF, v17;
	v30 =	vadd.s32 v33, v40  }
0x1f6: {  	v40 =	vadd.s32 v34, v30;
	v30 =	vmul.f32 v27, v21;
	v27 =	vmul.f32 v27, v18  }
0x1f7: {  	v28 =	vmul.f32 v22, v39;
	v42 =	vcvt.s32.f32 v40;
	v46 =	vadd.s32 $0x1, v40;
	v22 =	vpop (erf)  }
0x1f8: {  	v39 =	vadd.s32 $0xFFFFFFFE, v40;
	v46 =	vcvt.s32.f32 v46;
	v37 =	vadd.f32 v30, v37  }
0x1f9: {  	v47 =	vadd.s32 $0x3, v40;
	v30 =	vmul.f32 v27, v22;
	v42 =	vmul.f32 $1.000029990e-05, v42  }
0x1fa: {  	v33 =	vadd.s32 v33, v36;
	v22 =	vadd.s32 $0xFFFFFFFF, v40;
	v27 =	vmul.f32 $1.000029990e-05, v46;
	v36 =	vpop (erf)  }
0x1fb: {  	v39 =	vcvt.s32.f32 v39;
	v46 =	vmul.f32 v30, v31;
	v42 =	vmax.f32 v42, $0.0e+00  }
0x1fc: {  	v36 =	vmul.f32 v37, v36;
	v31 =	vmin.f32 v42, $1.000000000e+00;
	v27 =	vmax.f32 v27, $0.0e+00  }
0x1fd: {  	v40 =	vadd.s32 $0x2, v40;
	v37 =	vmin.f32 v27, $1.000000000e+00;
	v27 =	vsub.f32 v19, v31  }
0x1fe: {  	v39 =	vmul.f32 $1.000029990e-05, v39;
	v42 =	vcvt.s32.f32 v22;
	v22 =	vsub.f32 v37, v19;
	v37 =	vld.idx.msk [tilespmem:v29+s10+$0x0], $0xffff  }
0x1ff: {  	v40 =	vcvt.s32.f32 v40;
	v31 =	vadd.s32 v34, v33;
	v29 =	vcvt.s32.f32 v47;
	v47 =	vld.idx.msk [tilespmem:v32+s10+$0x0], $0xffff  }
0x200: {  	v21 =	vmul.f32 v36, v21;
	v33 =	vmul.f32 $1.000029990e-05, v42;
	v34 =	vadd.f32 v22, v27;
	v48 =	vld.idx.msk [tilespmem:v35+s10+$0x0], $0xffff  }
0x201: {  	v49 =	vmul.f32 v36, v20;
	v35 =	vmax.f32 v39, $0.0e+00;
	v39 =	vmul.f32 $1.000029990e-05, v40;
	v32 =	vld.idx.msk [tilespmem:v38+s10+$0x0], $0xffff  }
.Ltmp2:
0x202: {  	v20 =	vmax.f32 v33, $0.0e+00;
	v35 =	vmin.f32 v35, $1.000000000e+00;
	(erf) = vrcp.f32 v34;
	v33 =	vld.idx.msk [tilespmem:v41+s10+$0x0], $0xffff;
	(pc) =	sbr.rel @p1 .LBB2_6-.Ltmp2, $4  }
0x203: {  	v20 =	vmin.f32 v20, $1.000000000e+00;
	v36 =	vmax.f32 v39, $0.0e+00;
	v41 =	vadd.f32 v21, v23;
	v34 =	vld.idx.msk [tilespmem:v44+s10+$0x0], $0xffff  }
0x204: {  	v20 =	vsub.f32 v19, v20;
	v23 =	vsub.f32 v19, v35;
	v21 =	vmin.f32 v36, $1.000000000e+00;
	v36 =	vld.idx.msk [tilespmem:v43+s10+$0x0], $0xffff  }
0x205: {  	v21 =	vsub.f32 v21, v19;
	v39 =	vmul.f32 v41, v37;
	v40 =	vmul.f32 v41, v47;
	v35 =	vld.idx.msk [tilespmem:v45+s10+$0x0], $0xffff  }
0x206: {  	v38 =	vadd.f32 v49, v46;
	v42 =	vadd.f32 v20, v22;
	v41 =	vmul.f32 v41, v48;
	v37 =	vld.idx.msk [tilespmem:v25+s10+$0x0], $0xffff  }
0x207: {  	v25 =	vadd.f32 v23, v22;
	v29 =	vmul.f32 $1.000029990e-05, v29  }
0x208: {  	v63 =	vadd.f32 v21, v27;
	(erf) = vrcp.f32 v42  }
0x209: {  	(erf) = vrcp.f32 v25;
	v25 =	vmax.f32 v29, $0.0e+00  }
0x20a: {  	v18 =	vmul.f32 v30, v18;
	v25 =	vmin.f32 v25, $1.000000000e+00;
	(erf) = vrcp.f32 v63  }
0x20b: {  	v26 =	vadd.f32 v41, v26;
	v30 =	vmul.f32 v38, v33;
	v19 =	vsub.f32 v25, v19  }
0x20c: {  	v28 =	vadd.f32 v40, v28;
	v24 =	vadd.f32 v39, v24;
	v29 =	vshll.u32 v31, $0x3  }
0x20d: {  	v31 =	vmul.f32 v18, v34;
	v26 =	vadd.f32 v26, v30;
	v41 =	vadd.f32 v19, v27  }
0x20e: {  	v44 =	vadd.f32 v20, v21;
	v42 =	vmul.f32 v18, v36;
	v25 =	vmul.f32 v38, v32  }
0x20f: {  	v35 =	vmul.f32 v38, v35;
	v43 =	vpop (erf);
	v26 =	vadd.f32 v26, v31;
	(erf) = vrcp.f32 v41  }
0x210: {  	v46 =	vadd.s32 $0xFFFFFFEA, v29;
	v25 =	vadd.f32 v28, v25;
	(erf) = vrcp.f32 v44  }
0x211: {  	v18 =	vmul.f32 v18, v37;
	v24 =	vadd.f32 v24, v35;
	v31 =	vadd.s32 $0xFFFFFFE8, v29;
	v28 =	vpop (erf)  }
0x212: {  	v30 =	vmul.f32 v43, v22;
	v34 =	vmul.f32 v43, v27;
	v25 =	vadd.f32 v25, v42;
	v45 =	vpop (erf)  }
0x213: {  	v47 =	vadd.s32 $0xFFFFFFF0, v29;
	[tilespmem:s25+$0x3D40] =	vst v26;
	v18 =	vadd.f32 v24, v18;
	v26 =	vpop (erf)  }
0x214: {  	v48 =	vadd.s32 $0xFFFFFFF9, v29;
	[tilespmem:s25+$0x2DF0] =	vst v25;
	v25 =	vmul.f32 v30, v28;
	v26 =	vmul.f32 v34, v26  }
0x215: {  	v24 =	vadd.s32 $0xFFFFFFE9, v29;
	[tilespmem:s25+$0x1EA0] =	vst v18  }
0x216: {  	v18 =	vadd.s32 $0xFFFFFFF2, v29;
	v31 =	vld.idx.msk [tilespmem:v31+s10+$0x0], $0xffff;
	v30 =	vmul.f32 v25, v20;
	v34 =	vmul.f32 v26, v21  }
0x217: {  	v28 =	vadd.s32 $0xFFFFFFF1, v29;
	v33 =	vld.idx.msk [tilespmem:v46+s10+$0x0], $0xffff;
	v25 =	vmul.f32 v25, v22  }
0x218: {  	v49 =	vadd.s32 $0xFFFFFFFA, v29;
	v35 =	vld.idx.msk [tilespmem:v47+s10+$0x0], $0xffff;
	v50 =	vpop (erf);
	v30 =	vadd.f32 v34, v30  }
0x219: {  	v53 =	vadd.s32 $0xFFFFFFF8, v29;
	v36 =	vld.idx.msk [tilespmem:v48+s10+$0x0], $0xffff;
	v25 =	vmul.f32 v25, v45;
	v52 =	vpop (erf)  }
0x21a: {  	v51 =	vor.u32 $0x2, v29;
	v24 =	vld.idx.msk [tilespmem:v24+s10+$0x0], $0xffff;
	v26 =	vmul.f32 v26, v27;
	v30 =	vmul.f32 v30, v52  }
0x21b: {  	v54 =	vor.u32 $0x1, v29;
	v18 =	vld.idx.msk [tilespmem:v18+s10+$0x0], $0xffff;
	v23 =	vmul.f32 v25, v23  }
0x21c: {  	v28 =	vld.idx.msk [tilespmem:v28+s10+$0x0], $0xffff;
	v26 =	vmul.f32 v26, v50;
	v21 =	vmul.f32 v30, v21  }
0x21d: {  	v22 =	vmul.f32 v25, v22;
	v25 =	vld.idx.msk [tilespmem:v49+s10+$0x0], $0xffff  }
0x21e: {  	v55 =	vld.idx.msk [tilespmem:v53+s10+$0x0], $0xffff;
	v19 =	vmul.f32 v26, v19;
	v20 =	vmul.f32 v30, v20;
	v21 =	vadd.f32 v21, v23  }
0x21f: {  	v30 =	vmul.f32 v22, v31;
	v31 =	vmul.f32 v22, v33;
	v23 =	vld.idx.msk [tilespmem:v51+s10+$0x0], $0xffff  }
0x220: {  	v22 =	vmul.f32 v22, v24;
	v24 =	vld.idx.msk [tilespmem:v54+s10+$0x0], $0xffff;
	v19 =	vadd.f32 v20, v19;
	v18 =	vmul.f32 v21, v18  }
0x221: {  	v20 =	vmul.f32 v21, v28;
	v28 =	vld.idx.msk [tilespmem:v29+s10+$0x0], $0xffff;
	v21 =	vmul.f32 v21, v35  }
0x222: {  	v26 =	vmul.f32 v26, v27;
	v25 =	vmul.f32 v19, v25;
	v18 =	vadd.f32 v18, v31  }
0x223: {  	v20 =	vadd.f32 v20, v22;
	v22 =	vmul.f32 v19, v36;
	v21 =	vadd.f32 v21, v30  }
0x224: {  	v19 =	vmul.f32 v19, v55;
	v23 =	vmul.f32 v26, v23;
	v18 =	vadd.f32 v18, v25  }
0x225: {  	v24 =	vmul.f32 v26, v24;
	v20 =	vadd.f32 v20, v22  }
0x226: {  	v19 =	vadd.f32 v21, v19;
	v22 =	vmul.f32 v26, v28;
	v18 =	vadd.f32 v18, v23  }
0x227: {  	v20 =	vadd.f32 v20, v24  }
0x228: {  	[tilespmem:s24+$0x3D40] =	vst v18;
	v18 =	vadd.f32 v19, v22  }
0x229: {  	[tilespmem:s24+$0x2DF0] =	vst v20  }
0x22a: {  	s26 =	rddreg [dreg:$0xb];
	[tilespmem:s24+$0x1EA0] =	vst v18;
	s24 =	simm.s32 $0x0  }
0x22b: {  	[hbm4b:s26+s24] =	stream.linear.scatter [tilespmem:s14], [sflag:$0x3], $0xF50, $0x38;
	[tilespmem:$0xDDC0] =	vst v63  }
0x22c: {  	s28 =	rddreg [dreg:$0xc]  }
0x22d: {  	[hbm4b:s28+s24] =	stream.linear.scatter [tilespmem:s15], [sflag:$0x3], $0xF50, $0x38;
	[tilespmem:$0xDDC0] =	vst v63  }
0x22e: {  	s26 =	rddreg [dreg:$0xd]  }
0x22f: {  	[hbm4b:s26+s24] =	stream.linear.scatter [tilespmem:s16], [sflag:$0x3], $0xF50, $0x38;
	[tilespmem:$0xDDC0] =	vst v63  }
0x230: {  	s28 =	rddreg [dreg:$0x11]  }
0x231: {  	[tilespmem:s24], [sflag:$0x1] =	stream.linear.gather [hbm4b:s28+s24], $0xF50, $0x38;
	[tilespmem:$0xDDC0] =	vst v63  }
0x232: {  	_ =	swait.ge [sflag:s17], $0xF50  }
0x233: {  	[sflag:s17] =	ssyncset.done $0x0  }
0x234: {  	[sflag:s17] =	ssyncadd.s32 $0xFFFFF0B0  }
0x235: {  	_ =	swait.ge [sflag:s22], $0xF50  }
0x236: {  	[sflag:s22] =	ssyncset.done $0x0  }
0x237: {  	[sflag:s22] =	ssyncadd.s32 $0xFFFFF0B0  }
0x238: {  	_ =	swait.ge [sflag:s22], $0xF50  }
0x239: {  	[sflag:s22] =	ssyncset.done $0x0  }
0x23a: {  	[sflag:s22] =	ssyncadd.s32 $0xFFFFF0B0  }
0x23b: {  	_ =	swait.ge [sflag:s22], $0xF50  }
0x23c: {  	[sflag:s22] =	ssyncset.done $0x0  }
0x23d: {  	s25 =	simm.s32 $0x0;
	[sflag:s22] =	ssyncadd.s32 $0xFFFFF0B0  }
0x23e: {  	v20 =	vld [tilespmem:s25+$0xF50];
	_ =	sdelay $0x4  }
0x23f: {  	v18 =	vmul.f32 $9.999700000e+04, v20;
	_ =	sdelay $0x1  }
0x240: {  	v18 =	vtrunc.f32 v18  }
0x241: {  	v18 =	vcvt.f32.s32 v18;
	_ =	sdelay $0x1  }
0x242: {  	v18 =	vadd.s32 $0x3, v18  }
0x243: {  	vm0 =	vgt.s32 v18, $0x3  }
0x244: {  	v19 =	vnsel vm0, $0x3, v18  }
0x245: {  	v21 =	vmin.u32 v19, $0x1869F  }
0x246: {  	v19 =	vadd.s32 $0xFFFFFFFE, v21  }
0x247: {  	v22 =	vadd.s32 $0xFFFFFFFD, v21;
	v19 =	vcvt.s32.f32 v19  }
0x248: {  	v23 =	vcvt.s32.f32 v22  }
0x249: {  	v19 =	vmul.f32 $1.000029990e-05, v19  }
0x24a: {  	v23 =	vmul.f32 $1.000029990e-05, v23  }
0x24b: {  	v19 =	vmax.f32 v19, $0.0e+00  }
0x24c: {  	v23 =	vmax.f32 v23, $0.0e+00;
	v19 =	vmin.f32 v19, $1.000000000e+00  }
0x24d: {  	vm1 =	vlt.s32 v18, $0x1869F;
	v18 =	vmin.f32 v23, $1.000000000e+00;
	vm2 =	vge.f32 v20, v19  }
0x24e: {  	vm11 =	vlt.f32 v20, v18;
	vm1 =	vmand vm1, vm2  }
0x24f: {  	vm0 =	vmand vm0, vm11;
	v23 =	vsel vm1, $0x1, v17  }
0x250: {  	v24 =	vsel vm0, $0xFFFFFFFF, v17;
	v18 =	vadd.s32 v23, v22  }
0x251: {  	v22 =	vadd.s32 v24, v18  }
0x252: {  	v18 =	vadd.s32 $0x1, v22  }
0x253: {  	v19 =	vcvt.s32.f32 v22;
	v18 =	vcvt.s32.f32 v18;
	_ =	sdelay $0x1  }
0x254: {  	v19 =	vmul.f32 $1.000029990e-05, v19;
	v18 =	vmul.f32 $1.000029990e-05, v18;
	_ =	sdelay $0x1  }
0x255: {  	v25 =	vadd.s32 $0xFFFFFFFF, v22;
	v19 =	vmax.f32 v19, $0.0e+00;
	v18 =	vmax.f32 v18, $0.0e+00  }
0x256: {  	v25 =	vcvt.s32.f32 v25;
	v19 =	vmin.f32 v19, $1.000000000e+00;
	v26 =	vmin.f32 v18, $1.000000000e+00  }
0x257: {  	v18 =	vsub.f32 v20, v19;
	v26 =	vsub.f32 v26, v20  }
0x258: {  	v19 =	vmul.f32 $1.000029990e-05, v25  }
0x259: {  	v25 =	vadd.s32 $0xFFFFFFFE, v22;
	v27 =	vadd.f32 v26, v18  }
0x25a: {  	v25 =	vcvt.s32.f32 v25;
	v19 =	vmax.f32 v19, $0.0e+00  }
0x25b: {  	v19 =	vmin.f32 v19, $1.000000000e+00;
	(erf) = vrcp.f32 v27  }
0x25c: {  	v21 =	vadd.s32 v0, v21;
	v32 =	vsub.f32 v20, v19;
	v19 =	vmul.f32 $1.000029990e-05, v25  }
0x25d: {  	v21 =	vadd.s32 v23, v21;
	v25 =	vadd.s32 $0x2, v22  }
0x25e: {  	s24 =	simm.s32 $0x10;
	v25 =	vcvt.s32.f32 v25;
	v27 =	vadd.f32 v32, v26;
	v19 =	vmax.f32 v19, $0.0e+00  }
0x25f: {  	v21 =	vadd.s32 v24, v21;
	v28 =	vmin.f32 v19, $1.000000000e+00;
	v19 =	vld [tilespmem:s24+$0xF50]  }
0x260: {  	v25 =	vmul.f32 $1.000029990e-05, v25;
	(erf) = vrcp.f32 v27;
	v27 =	vsub.f32 v20, v28  }
0x261: {  	v37 =	vshll.u32 v21, $0x3  }
0x262: {  	v22 =	vadd.s32 $0x3, v22;
	v23 =	vmax.f32 v25, $0.0e+00;
	v25 =	vadd.f32 v27, v26  }
0x263: {  	v29 =	vadd.s32 $0xFFFFFFF0, v37;
	v22 =	vcvt.s32.f32 v22  }
0x264: {  	v33 =	vadd.s32 $0xFFFFFFF2, v37;
	v24 =	vpop (erf);
	(erf) = vrcp.f32 v25;
	v25 =	vmul.f32 $9.999700000e+04, v19  }
0x265: {  	v56 =	vadd.s32 $0xFFFFFFEA, v37;
	v38 =	vadd.s32 $0xFFFFFFF9, v37;
	v22 =	vmul.f32 $1.000029990e-05, v22  }
0x266: {  	v41 =	vadd.s32 $0xFFFFFFFA, v37;
	v21 =	vmul.f32 v24, v26;
	v25 =	vtrunc.f32 v25  }
0x267: {  	v23 =	vmin.f32 v23, $1.000000000e+00;
	v28 =	vmul.f32 v24, v18;
	v24 =	vcvt.f32.s32 v25  }
0x268: {  	v43 =	vor.u32 $0x1, v37;
	v22 =	vmax.f32 v22, $0.0e+00;
	v23 =	vsub.f32 v23, v20  }
0x269: {  	v44 =	vor.u32 $0x2, v37;
	v22 =	vmin.f32 v22, $1.000000000e+00;
	v24 =	vadd.s32 $0x3, v24  }
0x26a: {  	v20 =	vsub.f32 v22, v20;
	v31 =	vadd.f32 v23, v18;
	v30 =	vpop (erf);
	vm12 =	vgt.s32 v24, $0x3  }
0x26b: {  	v22 =	vadd.s32 $0xFFFFFFE8, v37;
	v21 =	vmul.f32 v21, v30;
	v57 =	vnsel vm12, $0x3, v24  }
0x26c: {  	v45 =	vadd.s32 $0xFFFFFFF8, v37;
	(erf) = vrcp.f32 v31;
	v35 =	vmin.u32 v57, $0x1869F  }
0x26d: {  	v58 =	vmul.f32 v21, v32;
	v21 =	vmul.f32 v21, v26;
	v60 =	vadd.s32 $0xFFFFFFFE, v35  }
0x26e: {  	v30 =	vadd.f32 v20, v18;
	v31 =	vpop (erf);
	v59 =	vadd.s32 $0xFFFFFFFD, v35;
	v40 =	vcvt.s32.f32 v60  }
0x26f: {  	v21 =	vmul.f32 v21, v31;
	v31 =	vadd.s32 $0xFFFFFFE9, v37;
	v61 =	vcvt.s32.f32 v59  }
0x270: {  	v22 =	vld.idx.msk [tilespmem:v22+s10+$0x0], $0xffff;
	(erf) = vrcp.f32 v30;
	v30 =	vadd.f32 v32, v23;
	v40 =	vmul.f32 $1.000029990e-05, v40  }
0x271: {  	v25 =	vadd.s32 $0xFFFFFFF1, v37;
	vm13 =	vlt.s32 v24, $0x1869F;
	v24 =	vmul.f32 $1.000029990e-05, v61  }
0x272: {  	v34 =	vld.idx.msk [tilespmem:v56+s10+$0x0], $0xffff;
	v35 =	vadd.s32 v0, v35;
	(erf) = vrcp.f32 v30;
	v40 =	vmax.f32 v40, $0.0e+00  }
0x273: {  	v62 =	vmul.f32 v21, v26;
	v24 =	vmax.f32 v24, $0.0e+00;
	v26 =	vmin.f32 v40, $1.000000000e+00  }
0x274: {  	v21 =	vmul.f32 v21, v27;
	v30 =	vld.idx.msk [tilespmem:v31+s10+$0x0], $0xffff;
	vm14 =	vge.f32 v19, v26;
	v26 =	vmin.f32 v24, $1.000000000e+00  }
0x275: {  	v24 =	vmul.f32 v62, v22;
	v22 =	vpop (erf);
	vm1 =	vmand vm13, vm14;
	vm15 =	vlt.f32 v19, v26  }
0x276: {  	v22 =	vmul.f32 v28, v22;
	v31 =	vsel vm1, $0x1, v17;
	vm0 =	vmand vm12, vm15  }
0x277: {  	v26 =	vmul.f32 v62, v34;
	v63 =	vsel vm0, $0xFFFFFFFF, v17;
	v28 =	vadd.s32 v31, v59  }
0x278: {  	v48 =	vmul.f32 v22, v23;
	v22 =	vmul.f32 v22, v18;
	v27 =	vadd.s32 v63, v28  }
0x279: {  	v31 =	vadd.s32 v31, v35;
	v28 =	vmul.f32 v62, v30;
	v46 =	vadd.s32 $0x1, v27  }
0x27a: {  	v30 =	vpop (erf);
	v49 =	vcvt.s32.f32 v27;
	v50 =	vadd.s32 $0xFFFFFFFE, v27;
	v46 =	vcvt.s32.f32 v46  }
0x27b: {  	v36 =	vadd.f32 v48, v58;
	v52 =	vadd.s32 $0x3, v27;
	v30 =	vmul.f32 v22, v30  }
0x27c: {  	v22 =	vadd.s32 $0xFFFFFFFF, v27;
	v51 =	vmul.f32 $1.000029990e-05, v49;
	v46 =	vmul.f32 $1.000029990e-05, v46  }
0x27d: {  	v56 =	vadd.s32 $0x2, v27;
	v42 =	vcvt.s32.f32 v50;
	v57 =	vcvt.s32.f32 v22  }
0x27e: {  	v59 =	vcvt.s32.f32 v56;
	v39 =	vmax.f32 v51, $0.0e+00;
	v54 =	vmax.f32 v46, $0.0e+00  }
0x27f: {  	v47 =	vmul.f32 v30, v20;
	v20 =	vmin.f32 v39, $1.000000000e+00;
	v55 =	vmin.f32 v54, $1.000000000e+00  }
0x280: {  	v53 =	vpop (erf);
	v58 =	vld.idx.msk [tilespmem:v29+s10+$0x0], $0xffff;
	v29 =	vcvt.s32.f32 v52;
	v27 =	vsub.f32 v19, v20;
	v22 =	vsub.f32 v55, v19  }
0x281: {  	v25 =	vld.idx.msk [tilespmem:v25+s10+$0x0], $0xffff;
	v31 =	vadd.s32 v63, v31;
	v35 =	vmul.f32 v36, v53;
	v20 =	vmul.f32 $1.000029990e-05, v42  }
0x282: {  	v37 =	vld.idx.msk [tilespmem:v37+s10+$0x0], $0xffff;
	v60 =	vmul.f32 $1.000029990e-05, v57;
	v36 =	vmul.f32 $1.000029990e-05, v59;
	v61 =	vadd.f32 v22, v27  }
0x283: {  	v48 =	vld.idx.msk [tilespmem:v33+s10+$0x0], $0xffff;
	v23 =	vmul.f32 v35, v23;
	v49 =	vmul.f32 v35, v32;
	v20 =	vmax.f32 v20, $0.0e+00  }
0x284: {  	v34 =	vld.idx.msk [tilespmem:v44+s10+$0x0], $0xffff;
	v62 =	vmin.f32 v20, $1.000000000e+00;
	v20 =	vmax.f32 v60, $0.0e+00;
	(erf) = vrcp.f32 v61  }
0x285: {  	v32 =	vld.idx.msk [tilespmem:v38+s10+$0x0], $0xffff;
	v36 =	vmax.f32 v36, $0.0e+00;
	v63 =	vadd.f32 v23, v21;
	v20 =	vmin.f32 v20, $1.000000000e+00  }
0x286: {  	v33 =	vld.idx.msk [tilespmem:v41+s10+$0x0], $0xffff;
	v21 =	vmin.f32 v36, $1.000000000e+00;
	v38 =	vadd.f32 v49, v47;
	v20 =	vsub.f32 v19, v20  }
0x287: {  	v36 =	vld.idx.msk [tilespmem:v43+s10+$0x0], $0xffff;
	v21 =	vsub.f32 v21, v19;
	v39 =	vmul.f32 v63, v58;
	v40 =	vmul.f32 v63, v25  }
0x288: {  	s26 =	simm.s32 $0x80;
	v35 =	vld.idx.msk [tilespmem:v45+s10+$0x0], $0xffff;
	v41 =	vmul.f32 v63, v48;
	v23 =	vsub.f32 v19, v62;
	v42 =	vadd.f32 v20, v22  }
.LBB2_8:
0x289: {  	s28 =	sshra.s32 s26, $0x2;
	p1 =	sne.s32 s26, $0x3D00;
	s26 =	sadd.s32 $0x40, s26;
	v25 =	vshll.u32 v31, $0x3;
	v30 =	vmul.f32 v30, v18;
	v28 =	vadd.f32 v40, v28;
	v18 =	vmovc v27  }
0x28a: {  	v27 =	vld [tilespmem:s28+$0xF50];
	(erf) = vrcp.f32 v42;
	v31 =	vmul.f32 v38, v32;
	v26 =	vadd.f32 v41, v26  }
0x28b: {  	v32 =	vadd.f32 v23, v22;
	v33 =	vmul.f32 v38, v33;
	v34 =	vmul.f32 v30, v34  }
0x28c: {  	v40 =	vmul.f32 $1.000029990e-05, v29;
	v24 =	vadd.f32 v39, v24;
	v36 =	vmul.f32 v30, v36  }
0x28d: {  	v26 =	vadd.f32 v26, v33;
	v39 =	vpop (erf);
	(erf) = vrcp.f32 v32;
	v32 =	vmul.f32 v38, v35  }
0x28e: {  	v29 =	vadd.s32 $0xFFFFFFF0, v25;
	v30 =	vmul.f32 v30, v37;
	v33 =	vmul.f32 v39, v22  }
0x28f: {  	v28 =	vadd.f32 v28, v31;
	v26 =	vadd.f32 v26, v34;
	v35 =	vmul.f32 $9.999700000e+04, v27  }
0x290: {  	v31 =	vmax.f32 v40, $0.0e+00;
	v34 =	vmul.f32 v39, v18;
	v24 =	vadd.f32 v24, v32  }
0x291: {  	v31 =	vmin.f32 v31, $1.000000000e+00;
	v28 =	vadd.f32 v28, v36;
	v32 =	vtrunc.f32 v35;
	[tilespmem:s25+$0x6B30] =	vst v26  }
0x292: {  	v31 =	vsub.f32 v31, v19;
	v19 =	vmovc v27;
	v24 =	vadd.f32 v24, v30;
	v26 =	vcvt.f32.s32 v32  }
0x293: {  	v27 =	vadd.s32 $0xFFFFFFE8, v25;
	v35 =	vadd.s32 $0xFFFFFFF2, v25;
	v32 =	vadd.s32 $0xFFFFFFF1, v25;
	v30 =	vpop (erf);
	[tilespmem:s25+$0x5BE0] =	vst v28  }
0x294: {  	v26 =	vadd.s32 $0x3, v26;
	v28 =	vmul.f32 v33, v30;
	v30 =	vadd.f32 v31, v18;
	[tilespmem:s25+$0x4C90] =	vst v24;
	s25 =	smov.u32 s24;
	s24 =	smov.u32 s28  }
0x295: {  	v24 =	vadd.f32 v21, v18;
	v33 =	vadd.s32 $0xFFFFFFEA, v25;
	vm0 =	vgt.s32 v26, $0x3  }
0x296: {  	v38 =	vadd.s32 $0xFFFFFFF9, v25;
	v36 =	vnsel vm0, $0x3, v26;
	v37 =	vmul.f32 v28, v20;
	v39 =	vpop (erf)  }
0x297: {  	v28 =	vmul.f32 v28, v22;
	v36 =	vmin.u32 v36, $0x1869F;
	(erf) = vrcp.f32 v24  }
0x298: {  	v41 =	vadd.s32 $0xFFFFFFFA, v25;
	v40 =	vadd.s32 $0xFFFFFFFD, v36;
	v24 =	vadd.s32 $0xFFFFFFFE, v36  }
0x299: {  	v28 =	vmul.f32 v28, v39;
	v39 =	vadd.s32 $0xFFFFFFE9, v25;
	v24 =	vcvt.s32.f32 v24;
	v27 =	vld.idx.msk [tilespmem:v27+s10+$0x0], $0xffff  }
0x29a: {  	v43 =	vor.u32 $0x1, v25;
	v44 =	vor.u32 $0x2, v25;
	v42 =	vcvt.s32.f32 v40;
	v33 =	vld.idx.msk [tilespmem:v33+s10+$0x0], $0xffff  }
0x29b: {  	v45 =	vadd.s32 $0xFFFFFFF8, v25;
	v24 =	vmul.f32 $1.000029990e-05, v24;
	(erf) = vrcp.f32 v30  }
0x29c: {  	vm1 =	vlt.s32 v26, $0x1869F;
	v26 =	vmul.f32 $1.000029990e-05, v42;
	v30 =	vadd.f32 v20, v21  }
0x29d: {  	v36 =	vadd.s32 v0, v36;
	v22 =	vmul.f32 v28, v22;
	v24 =	vmax.f32 v24, $0.0e+00  }
0x29e: {  	v26 =	vmax.f32 v26, $0.0e+00;
	v24 =	vmin.f32 v24, $1.000000000e+00;
	v39 =	vld.idx.msk [tilespmem:v39+s10+$0x0], $0xffff;
	(erf) = vrcp.f32 v30  }
0x29f: {  	v26 =	vmin.f32 v26, $1.000000000e+00;
	vm2 =	vge.f32 v19, v24;
	v24 =	vmul.f32 v22, v27  }
0x2a0: {  	vm1 =	vmand vm1, vm2;
	vm2 =	vlt.f32 v19, v26;
	v26 =	vmul.f32 v22, v33;
	v27 =	vpop (erf)  }
0x2a1: {  	v33 =	vsel vm1, $0x1, v17;
	vm0 =	vmand vm0, vm2;
	v27 =	vmul.f32 v34, v27  }
0x2a2: {  	v23 =	vmul.f32 v28, v23;
	v34 =	vsel vm0, $0xFFFFFFFF, v17;
	v30 =	vadd.s32 v33, v40  }
0x2a3: {  	v40 =	vadd.s32 v34, v30;
	v30 =	vmul.f32 v27, v21;
	v27 =	vmul.f32 v27, v18  }
0x2a4: {  	v28 =	vmul.f32 v22, v39;
	v42 =	vcvt.s32.f32 v40;
	v46 =	vadd.s32 $0x1, v40;
	v22 =	vpop (erf)  }
0x2a5: {  	v39 =	vadd.s32 $0xFFFFFFFE, v40;
	v46 =	vcvt.s32.f32 v46;
	v37 =	vadd.f32 v30, v37  }
0x2a6: {  	v47 =	vadd.s32 $0x3, v40;
	v30 =	vmul.f32 v27, v22;
	v42 =	vmul.f32 $1.000029990e-05, v42  }
0x2a7: {  	v33 =	vadd.s32 v33, v36;
	v22 =	vadd.s32 $0xFFFFFFFF, v40;
	v27 =	vmul.f32 $1.000029990e-05, v46;
	v36 =	vpop (erf)  }
0x2a8: {  	v39 =	vcvt.s32.f32 v39;
	v46 =	vmul.f32 v30, v31;
	v42 =	vmax.f32 v42, $0.0e+00  }
0x2a9: {  	v36 =	vmul.f32 v37, v36;
	v31 =	vmin.f32 v42, $1.000000000e+00;
	v27 =	vmax.f32 v27, $0.0e+00  }
0x2aa: {  	v40 =	vadd.s32 $0x2, v40;
	v37 =	vmin.f32 v27, $1.000000000e+00;
	v27 =	vsub.f32 v19, v31  }
0x2ab: {  	v39 =	vmul.f32 $1.000029990e-05, v39;
	v42 =	vcvt.s32.f32 v22;
	v22 =	vsub.f32 v37, v19;
	v37 =	vld.idx.msk [tilespmem:v29+s10+$0x0], $0xffff  }
0x2ac: {  	v40 =	vcvt.s32.f32 v40;
	v31 =	vadd.s32 v34, v33;
	v29 =	vcvt.s32.f32 v47;
	v47 =	vld.idx.msk [tilespmem:v32+s10+$0x0], $0xffff  }
0x2ad: {  	v21 =	vmul.f32 v36, v21;
	v33 =	vmul.f32 $1.000029990e-05, v42;
	v34 =	vadd.f32 v22, v27;
	v48 =	vld.idx.msk [tilespmem:v35+s10+$0x0], $0xffff  }
0x2ae: {  	v49 =	vmul.f32 v36, v20;
	v35 =	vmax.f32 v39, $0.0e+00;
	v39 =	vmul.f32 $1.000029990e-05, v40;
	v32 =	vld.idx.msk [tilespmem:v38+s10+$0x0], $0xffff  }
.Ltmp3:
0x2af: {  	v20 =	vmax.f32 v33, $0.0e+00;
	v35 =	vmin.f32 v35, $1.000000000e+00;
	(erf) = vrcp.f32 v34;
	v33 =	vld.idx.msk [tilespmem:v41+s10+$0x0], $0xffff;
	(pc) =	sbr.rel @p1 .LBB2_8-.Ltmp3, $4  }
0x2b0: {  	v20 =	vmin.f32 v20, $1.000000000e+00;
	v36 =	vmax.f32 v39, $0.0e+00;
	v41 =	vadd.f32 v21, v23;
	v34 =	vld.idx.msk [tilespmem:v44+s10+$0x0], $0xffff  }
0x2b1: {  	v20 =	vsub.f32 v19, v20;
	v23 =	vsub.f32 v19, v35;
	v21 =	vmin.f32 v36, $1.000000000e+00;
	v36 =	vld.idx.msk [tilespmem:v43+s10+$0x0], $0xffff  }
0x2b2: {  	v21 =	vsub.f32 v21, v19;
	v39 =	vmul.f32 v41, v37;
	v40 =	vmul.f32 v41, v47;
	v35 =	vld.idx.msk [tilespmem:v45+s10+$0x0], $0xffff  }
0x2b3: {  	v38 =	vadd.f32 v49, v46;
	v42 =	vadd.f32 v20, v22;
	v41 =	vmul.f32 v41, v48;
	v37 =	vld.idx.msk [tilespmem:v25+s10+$0x0], $0xffff  }
0x2b4: {  	v25 =	vadd.f32 v23, v22;
	v29 =	vmul.f32 $1.000029990e-05, v29  }
0x2b5: {  	v63 =	vadd.f32 v21, v27;
	(erf) = vrcp.f32 v42  }
0x2b6: {  	(erf) = vrcp.f32 v25;
	v25 =	vmax.f32 v29, $0.0e+00  }
0x2b7: {  	v18 =	vmul.f32 v30, v18;
	v25 =	vmin.f32 v25, $1.000000000e+00;
	(erf) = vrcp.f32 v63  }
0x2b8: {  	v26 =	vadd.f32 v41, v26;
	v30 =	vmul.f32 v38, v33;
	v19 =	vsub.f32 v25, v19  }
0x2b9: {  	v28 =	vadd.f32 v40, v28;
	v24 =	vadd.f32 v39, v24;
	v29 =	vshll.u32 v31, $0x3  }
0x2ba: {  	v31 =	vmul.f32 v18, v34;
	v26 =	vadd.f32 v26, v30;
	v41 =	vadd.f32 v19, v27  }
0x2bb: {  	v44 =	vadd.f32 v20, v21;
	v42 =	vmul.f32 v18, v36;
	v25 =	vmul.f32 v38, v32  }
0x2bc: {  	v35 =	vmul.f32 v38, v35;
	v43 =	vpop (erf);
	v26 =	vadd.f32 v26, v31;
	(erf) = vrcp.f32 v41  }
0x2bd: {  	v46 =	vadd.s32 $0xFFFFFFEA, v29;
	v25 =	vadd.f32 v28, v25;
	(erf) = vrcp.f32 v44  }
0x2be: {  	v18 =	vmul.f32 v18, v37;
	v24 =	vadd.f32 v24, v35;
	v31 =	vadd.s32 $0xFFFFFFE8, v29;
	v28 =	vpop (erf)  }
0x2bf: {  	v30 =	vmul.f32 v43, v22;
	v34 =	vmul.f32 v43, v27;
	v25 =	vadd.f32 v25, v42;
	v45 =	vpop (erf)  }
0x2c0: {  	v47 =	vadd.s32 $0xFFFFFFF0, v29;
	[tilespmem:s25+$0x6B30] =	vst v26;
	v18 =	vadd.f32 v24, v18;
	v26 =	vpop (erf)  }
0x2c1: {  	v48 =	vadd.s32 $0xFFFFFFF9, v29;
	[tilespmem:s25+$0x5BE0] =	vst v25;
	v25 =	vmul.f32 v30, v28;
	v26 =	vmul.f32 v34, v26  }
0x2c2: {  	v24 =	vadd.s32 $0xFFFFFFE9, v29;
	[tilespmem:s25+$0x4C90] =	vst v18  }
0x2c3: {  	v18 =	vadd.s32 $0xFFFFFFF2, v29;
	v31 =	vld.idx.msk [tilespmem:v31+s10+$0x0], $0xffff;
	v30 =	vmul.f32 v25, v20;
	v34 =	vmul.f32 v26, v21  }
0x2c4: {  	v28 =	vadd.s32 $0xFFFFFFF1, v29;
	v33 =	vld.idx.msk [tilespmem:v46+s10+$0x0], $0xffff;
	v25 =	vmul.f32 v25, v22  }
0x2c5: {  	v49 =	vadd.s32 $0xFFFFFFFA, v29;
	v35 =	vld.idx.msk [tilespmem:v47+s10+$0x0], $0xffff;
	v50 =	vpop (erf);
	v30 =	vadd.f32 v34, v30  }
0x2c6: {  	v53 =	vadd.s32 $0xFFFFFFF8, v29;
	v36 =	vld.idx.msk [tilespmem:v48+s10+$0x0], $0xffff;
	v25 =	vmul.f32 v25, v45;
	v52 =	vpop (erf)  }
0x2c7: {  	v51 =	vor.u32 $0x2, v29;
	v24 =	vld.idx.msk [tilespmem:v24+s10+$0x0], $0xffff;
	v26 =	vmul.f32 v26, v27;
	v30 =	vmul.f32 v30, v52  }
0x2c8: {  	v54 =	vor.u32 $0x1, v29;
	v18 =	vld.idx.msk [tilespmem:v18+s10+$0x0], $0xffff;
	v23 =	vmul.f32 v25, v23  }
0x2c9: {  	v28 =	vld.idx.msk [tilespmem:v28+s10+$0x0], $0xffff;
	v26 =	vmul.f32 v26, v50;
	v21 =	vmul.f32 v30, v21  }
0x2ca: {  	v22 =	vmul.f32 v25, v22;
	v25 =	vld.idx.msk [tilespmem:v49+s10+$0x0], $0xffff  }
0x2cb: {  	v55 =	vld.idx.msk [tilespmem:v53+s10+$0x0], $0xffff;
	v19 =	vmul.f32 v26, v19;
	v20 =	vmul.f32 v30, v20;
	v21 =	vadd.f32 v21, v23  }
0x2cc: {  	v30 =	vmul.f32 v22, v31;
	v31 =	vmul.f32 v22, v33;
	v23 =	vld.idx.msk [tilespmem:v51+s10+$0x0], $0xffff  }
0x2cd: {  	v22 =	vmul.f32 v22, v24;
	v24 =	vld.idx.msk [tilespmem:v54+s10+$0x0], $0xffff;
	v19 =	vadd.f32 v20, v19;
	v18 =	vmul.f32 v21, v18  }
0x2ce: {  	v20 =	vmul.f32 v21, v28;
	v28 =	vld.idx.msk [tilespmem:v29+s10+$0x0], $0xffff;
	v21 =	vmul.f32 v21, v35  }
0x2cf: {  	v26 =	vmul.f32 v26, v27;
	v25 =	vmul.f32 v19, v25;
	v18 =	vadd.f32 v18, v31  }
0x2d0: {  	v20 =	vadd.f32 v20, v22;
	v22 =	vmul.f32 v19, v36;
	v21 =	vadd.f32 v21, v30  }
0x2d1: {  	v19 =	vmul.f32 v19, v55;
	v23 =	vmul.f32 v26, v23;
	v18 =	vadd.f32 v18, v25  }
0x2d2: {  	v24 =	vmul.f32 v26, v24;
	v20 =	vadd.f32 v20, v22  }
0x2d3: {  	v19 =	vadd.f32 v21, v19;
	v22 =	vmul.f32 v26, v28;
	v18 =	vadd.f32 v18, v23  }
0x2d4: {  	v20 =	vadd.f32 v20, v24  }
0x2d5: {  	[tilespmem:s24+$0x6B30] =	vst v18;
	v18 =	vadd.f32 v19, v22  }
0x2d6: {  	[tilespmem:s24+$0x5BE0] =	vst v20  }
0x2d7: {  	s26 =	rddreg [dreg:$0xe];
	[tilespmem:s24+$0x4C90] =	vst v18;
	s24 =	simm.s32 $0x0  }
0x2d8: {  	[hbm4b:s26+s24] =	stream.linear.scatter [tilespmem:s18], [sflag:$0x4], $0xF50, $0x38;
	[tilespmem:$0xDDC0] =	vst v63  }
0x2d9: {  	s28 =	rddreg [dreg:$0xf]  }
0x2da: {  	[hbm4b:s28+s24] =	stream.linear.scatter [tilespmem:s19], [sflag:$0x4], $0xF50, $0x38;
	[tilespmem:$0xDDC0] =	vst v63  }
0x2db: {  	s26 =	rddreg [dreg:$0x10]  }
0x2dc: {  	[hbm4b:s26+s24] =	stream.linear.scatter [tilespmem:s20], [sflag:$0x4], $0xF50, $0x38;
	[tilespmem:$0xDDC0] =	vst v63  }
0x2dd: {  	s28 =	rddreg [dreg:$0x19]  }
0x2de: {  	[tilespmem:s12], [sflag:$0x2] =	stream.linear.gather [hbm4b:s28+s24], $0xF50, $0x38;
	[tilespmem:$0xDDC0] =	vst v63  }
0x2df: {  	_ =	swait.ge [sflag:s13], $0xF50  }
0x2e0: {  	[sflag:s13] =	ssyncset.done $0x0  }
0x2e1: {  	[sflag:s13] =	ssyncadd.s32 $0xFFFFF0B0  }
0x2e2: {  	_ =	swait.ge [sflag:s21], $0xF50  }
0x2e3: {  	[sflag:s21] =	ssyncset.done $0x0  }
0x2e4: {  	[sflag:s21] =	ssyncadd.s32 $0xFFFFF0B0  }
0x2e5: {  	_ =	swait.ge [sflag:s21], $0xF50  }
0x2e6: {  	[sflag:s21] =	ssyncset.done $0x0  }
0x2e7: {  	[sflag:s21] =	ssyncadd.s32 $0xFFFFF0B0  }
0x2e8: {  	_ =	swait.ge [sflag:s21], $0xF50  }
0x2e9: {  	[sflag:s21] =	ssyncset.done $0x0  }
0x2ea: {  	s25 =	simm.s32 $0x0;
	[sflag:s21] =	ssyncadd.s32 $0xFFFFF0B0  }
0x2eb: {  	v20 =	vld [tilespmem:s25+$0x0];
	_ =	sdelay $0x4  }
0x2ec: {  	v18 =	vmul.f32 $9.999700000e+04, v20;
	_ =	sdelay $0x1  }
0x2ed: {  	v18 =	vtrunc.f32 v18  }
0x2ee: {  	v18 =	vcvt.f32.s32 v18;
	_ =	sdelay $0x1  }
0x2ef: {  	v18 =	vadd.s32 $0x3, v18  }
0x2f0: {  	vm0 =	vgt.s32 v18, $0x3  }
0x2f1: {  	v19 =	vnsel vm0, $0x3, v18  }
0x2f2: {  	v21 =	vmin.u32 v19, $0x1869F  }
0x2f3: {  	v19 =	vadd.s32 $0xFFFFFFFE, v21  }
0x2f4: {  	v22 =	vadd.s32 $0xFFFFFFFD, v21;
	v19 =	vcvt.s32.f32 v19  }
0x2f5: {  	v23 =	vcvt.s32.f32 v22  }
0x2f6: {  	v19 =	vmul.f32 $1.000029990e-05, v19  }
0x2f7: {  	v23 =	vmul.f32 $1.000029990e-05, v23  }
0x2f8: {  	v19 =	vmax.f32 v19, $0.0e+00  }
0x2f9: {  	v23 =	vmax.f32 v23, $0.0e+00;
	v19 =	vmin.f32 v19, $1.000000000e+00  }
0x2fa: {  	vm1 =	vlt.s32 v18, $0x1869F;
	v18 =	vmin.f32 v23, $1.000000000e+00;
	vm2 =	vge.f32 v20, v19  }
0x2fb: {  	vm11 =	vlt.f32 v20, v18;
	vm1 =	vmand vm1, vm2  }
0x2fc: {  	vm0 =	vmand vm0, vm11;
	v23 =	vsel vm1, $0x1, v17  }
0x2fd: {  	v24 =	vsel vm0, $0xFFFFFFFF, v17;
	v18 =	vadd.s32 v23, v22  }
0x2fe: {  	v22 =	vadd.s32 v24, v18  }
0x2ff: {  	v18 =	vadd.s32 $0x1, v22  }
0x300: {  	v19 =	vcvt.s32.f32 v22;
	v18 =	vcvt.s32.f32 v18;
	_ =	sdelay $0x1  }
0x301: {  	v19 =	vmul.f32 $1.000029990e-05, v19;
	v18 =	vmul.f32 $1.000029990e-05, v18;
	_ =	sdelay $0x1  }
0x302: {  	v25 =	vadd.s32 $0xFFFFFFFF, v22;
	v19 =	vmax.f32 v19, $0.0e+00;
	v18 =	vmax.f32 v18, $0.0e+00  }
0x303: {  	v25 =	vcvt.s32.f32 v25;
	v19 =	vmin.f32 v19, $1.000000000e+00;
	v26 =	vmin.f32 v18, $1.000000000e+00  }
0x304: {  	v18 =	vsub.f32 v20, v19;
	v26 =	vsub.f32 v26, v20  }
0x305: {  	v19 =	vmul.f32 $1.000029990e-05, v25  }
0x306: {  	v25 =	vadd.s32 $0xFFFFFFFE, v22;
	v27 =	vadd.f32 v26, v18  }
0x307: {  	v25 =	vcvt.s32.f32 v25;
	v19 =	vmax.f32 v19, $0.0e+00  }
0x308: {  	v19 =	vmin.f32 v19, $1.000000000e+00;
	(erf) = vrcp.f32 v27  }
0x309: {  	v21 =	vadd.s32 v0, v21;
	v32 =	vsub.f32 v20, v19;
	v19 =	vmul.f32 $1.000029990e-05, v25  }
0x30a: {  	v21 =	vadd.s32 v23, v21;
	v25 =	vadd.s32 $0x2, v22  }
0x30b: {  	s24 =	simm.s32 $0x10;
	v25 =	vcvt.s32.f32 v25;
	v27 =	vadd.f32 v32, v26;
	v19 =	vmax.f32 v19, $0.0e+00  }
0x30c: {  	v21 =	vadd.s32 v24, v21;
	v28 =	vmin.f32 v19, $1.000000000e+00;
	v19 =	vld [tilespmem:s24+$0x0]  }
0x30d: {  	v25 =	vmul.f32 $1.000029990e-05, v25;
	(erf) = vrcp.f32 v27;
	v27 =	vsub.f32 v20, v28  }
0x30e: {  	v37 =	vshll.u32 v21, $0x3  }
0x30f: {  	v22 =	vadd.s32 $0x3, v22;
	v23 =	vmax.f32 v25, $0.0e+00;
	v25 =	vadd.f32 v27, v26  }
0x310: {  	v29 =	vadd.s32 $0xFFFFFFF0, v37;
	v22 =	vcvt.s32.f32 v22  }
0x311: {  	v33 =	vadd.s32 $0xFFFFFFF2, v37;
	v24 =	vpop (erf);
	(erf) = vrcp.f32 v25;
	v25 =	vmul.f32 $9.999700000e+04, v19  }
0x312: {  	v56 =	vadd.s32 $0xFFFFFFEA, v37;
	v38 =	vadd.s32 $0xFFFFFFF9, v37;
	v22 =	vmul.f32 $1.000029990e-05, v22  }
0x313: {  	v41 =	vadd.s32 $0xFFFFFFFA, v37;
	v21 =	vmul.f32 v24, v26;
	v25 =	vtrunc.f32 v25  }
0x314: {  	v23 =	vmin.f32 v23, $1.000000000e+00;
	v28 =	vmul.f32 v24, v18;
	v24 =	vcvt.f32.s32 v25  }
0x315: {  	v43 =	vor.u32 $0x1, v37;
	v22 =	vmax.f32 v22, $0.0e+00;
	v23 =	vsub.f32 v23, v20  }
0x316: {  	v44 =	vor.u32 $0x2, v37;
	v22 =	vmin.f32 v22, $1.000000000e+00;
	v24 =	vadd.s32 $0x3, v24  }
0x317: {  	v20 =	vsub.f32 v22, v20;
	v31 =	vadd.f32 v23, v18;
	v30 =	vpop (erf);
	vm12 =	vgt.s32 v24, $0x3  }
0x318: {  	v22 =	vadd.s32 $0xFFFFFFE8, v37;
	v21 =	vmul.f32 v21, v30;
	v57 =	vnsel vm12, $0x3, v24  }
0x319: {  	v45 =	vadd.s32 $0xFFFFFFF8, v37;
	(erf) = vrcp.f32 v31;
	v35 =	vmin.u32 v57, $0x1869F  }
0x31a: {  	v58 =	vmul.f32 v21, v32;
	v21 =	vmul.f32 v21, v26;
	v60 =	vadd.s32 $0xFFFFFFFE, v35  }
0x31b: {  	v30 =	vadd.f32 v20, v18;
	v31 =	vpop (erf);
	v59 =	vadd.s32 $0xFFFFFFFD, v35;
	v40 =	vcvt.s32.f32 v60  }
0x31c: {  	v21 =	vmul.f32 v21, v31;
	v31 =	vadd.s32 $0xFFFFFFE9, v37;
	v61 =	vcvt.s32.f32 v59  }
0x31d: {  	v22 =	vld.idx.msk [tilespmem:v22+s10+$0x0], $0xffff;
	(erf) = vrcp.f32 v30;
	v30 =	vadd.f32 v32, v23;
	v40 =	vmul.f32 $1.000029990e-05, v40  }
0x31e: {  	v25 =	vadd.s32 $0xFFFFFFF1, v37;
	vm13 =	vlt.s32 v24, $0x1869F;
	v24 =	vmul.f32 $1.000029990e-05, v61  }
0x31f: {  	v34 =	vld.idx.msk [tilespmem:v56+s10+$0x0], $0xffff;
	v35 =	vadd.s32 v0, v35;
	(erf) = vrcp.f32 v30;
	v40 =	vmax.f32 v40, $0.0e+00  }
0x320: {  	v62 =	vmul.f32 v21, v26;
	v24 =	vmax.f32 v24, $0.0e+00;
	v26 =	vmin.f32 v40, $1.000000000e+00  }
0x321: {  	v21 =	vmul.f32 v21, v27;
	v30 =	vld.idx.msk [tilespmem:v31+s10+$0x0], $0xffff;
	vm14 =	vge.f32 v19, v26;
	v26 =	vmin.f32 v24, $1.000000000e+00  }
0x322: {  	v24 =	vmul.f32 v62, v22;
	v22 =	vpop (erf);
	vm1 =	vmand vm13, vm14;
	vm15 =	vlt.f32 v19, v26  }
0x323: {  	v22 =	vmul.f32 v28, v22;
	v31 =	vsel vm1, $0x1, v17;
	vm0 =	vmand vm12, vm15  }
0x324: {  	v26 =	vmul.f32 v62, v34;
	v63 =	vsel vm0, $0xFFFFFFFF, v17;
	v28 =	vadd.s32 v31, v59  }
0x325: {  	v48 =	vmul.f32 v22, v23;
	v22 =	vmul.f32 v22, v18;
	v27 =	vadd.s32 v63, v28  }
0x326: {  	v31 =	vadd.s32 v31, v35;
	v28 =	vmul.f32 v62, v30;
	v46 =	vadd.s32 $0x1, v27  }
0x327: {  	v30 =	vpop (erf);
	v49 =	vcvt.s32.f32 v27;
	v50 =	vadd.s32 $0xFFFFFFFE, v27;
	v46 =	vcvt.s32.f32 v46  }
0x328: {  	v36 =	vadd.f32 v48, v58;
	v52 =	vadd.s32 $0x3, v27;
	v30 =	vmul.f32 v22, v30  }
0x329: {  	v22 =	vadd.s32 $0xFFFFFFFF, v27;
	v51 =	vmul.f32 $1.000029990e-05, v49;
	v46 =	vmul.f32 $1.000029990e-05, v46  }
0x32a: {  	v56 =	vadd.s32 $0x2, v27;
	v42 =	vcvt.s32.f32 v50;
	v57 =	vcvt.s32.f32 v22  }
0x32b: {  	v59 =	vcvt.s32.f32 v56;
	v39 =	vmax.f32 v51, $0.0e+00;
	v54 =	vmax.f32 v46, $0.0e+00  }
0x32c: {  	v47 =	vmul.f32 v30, v20;
	v20 =	vmin.f32 v39, $1.000000000e+00;
	v55 =	vmin.f32 v54, $1.000000000e+00  }
0x32d: {  	v53 =	vpop (erf);
	v58 =	vld.idx.msk [tilespmem:v29+s10+$0x0], $0xffff;
	v29 =	vcvt.s32.f32 v52;
	v27 =	vsub.f32 v19, v20;
	v22 =	vsub.f32 v55, v19  }
0x32e: {  	v25 =	vld.idx.msk [tilespmem:v25+s10+$0x0], $0xffff;
	v31 =	vadd.s32 v63, v31;
	v35 =	vmul.f32 v36, v53;
	v20 =	vmul.f32 $1.000029990e-05, v42  }
0x32f: {  	v37 =	vld.idx.msk [tilespmem:v37+s10+$0x0], $0xffff;
	v60 =	vmul.f32 $1.000029990e-05, v57;
	v36 =	vmul.f32 $1.000029990e-05, v59;
	v61 =	vadd.f32 v22, v27  }
0x330: {  	v48 =	vld.idx.msk [tilespmem:v33+s10+$0x0], $0xffff;
	v23 =	vmul.f32 v35, v23;
	v49 =	vmul.f32 v35, v32;
	v20 =	vmax.f32 v20, $0.0e+00  }
0x331: {  	v34 =	vld.idx.msk [tilespmem:v44+s10+$0x0], $0xffff;
	v62 =	vmin.f32 v20, $1.000000000e+00;
	v20 =	vmax.f32 v60, $0.0e+00;
	(erf) = vrcp.f32 v61  }
0x332: {  	v32 =	vld.idx.msk [tilespmem:v38+s10+$0x0], $0xffff;
	v36 =	vmax.f32 v36, $0.0e+00;
	v63 =	vadd.f32 v23, v21;
	v20 =	vmin.f32 v20, $1.000000000e+00  }
0x333: {  	v33 =	vld.idx.msk [tilespmem:v41+s10+$0x0], $0xffff;
	v21 =	vmin.f32 v36, $1.000000000e+00;
	v38 =	vadd.f32 v49, v47;
	v20 =	vsub.f32 v19, v20  }
0x334: {  	v36 =	vld.idx.msk [tilespmem:v43+s10+$0x0], $0xffff;
	v21 =	vsub.f32 v21, v19;
	v39 =	vmul.f32 v63, v58;
	v40 =	vmul.f32 v63, v25  }
0x335: {  	s26 =	simm.s32 $0x80;
	v35 =	vld.idx.msk [tilespmem:v45+s10+$0x0], $0xffff;
	v41 =	vmul.f32 v63, v48;
	v23 =	vsub.f32 v19, v62;
	v42 =	vadd.f32 v20, v22  }
.LBB2_10:
0x336: {  	s28 =	sshra.s32 s26, $0x2;
	p1 =	sne.s32 s26, $0x3D00;
	s26 =	sadd.s32 $0x40, s26;
	v25 =	vshll.u32 v31, $0x3;
	v30 =	vmul.f32 v30, v18;
	v28 =	vadd.f32 v40, v28;
	v18 =	vmovc v27  }
0x337: {  	v27 =	vld [tilespmem:s28+$0x0];
	(erf) = vrcp.f32 v42;
	v31 =	vmul.f32 v38, v32;
	v26 =	vadd.f32 v41, v26  }
0x338: {  	v32 =	vadd.f32 v23, v22;
	v33 =	vmul.f32 v38, v33;
	v34 =	vmul.f32 v30, v34  }
0x339: {  	v40 =	vmul.f32 $1.000029990e-05, v29;
	v24 =	vadd.f32 v39, v24;
	v36 =	vmul.f32 v30, v36  }
0x33a: {  	v26 =	vadd.f32 v26, v33;
	v39 =	vpop (erf);
	(erf) = vrcp.f32 v32;
	v32 =	vmul.f32 v38, v35  }
0x33b: {  	v29 =	vadd.s32 $0xFFFFFFF0, v25;
	v30 =	vmul.f32 v30, v37;
	v33 =	vmul.f32 v39, v22  }
0x33c: {  	v28 =	vadd.f32 v28, v31;
	v26 =	vadd.f32 v26, v34;
	v35 =	vmul.f32 $9.999700000e+04, v27  }
0x33d: {  	v31 =	vmax.f32 v40, $0.0e+00;
	v34 =	vmul.f32 v39, v18;
	v24 =	vadd.f32 v24, v32  }
0x33e: {  	v31 =	vmin.f32 v31, $1.000000000e+00;
	v28 =	vadd.f32 v28, v36;
	v32 =	vtrunc.f32 v35;
	[tilespmem:s25+$0x3D40] =	vst v26  }
0x33f: {  	v31 =	vsub.f32 v31, v19;
	v19 =	vmovc v27;
	v24 =	vadd.f32 v24, v30;
	v26 =	vcvt.f32.s32 v32  }
0x340: {  	v27 =	vadd.s32 $0xFFFFFFE8, v25;
	v35 =	vadd.s32 $0xFFFFFFF2, v25;
	v32 =	vadd.s32 $0xFFFFFFF1, v25;
	v30 =	vpop (erf);
	[tilespmem:s25+$0x2DF0] =	vst v28  }
0x341: {  	v26 =	vadd.s32 $0x3, v26;
	v28 =	vmul.f32 v33, v30;
	v30 =	vadd.f32 v31, v18;
	[tilespmem:s25+$0x1EA0] =	vst v24;
	s25 =	smov.u32 s24;
	s24 =	smov.u32 s28  }
0x342: {  	v24 =	vadd.f32 v21, v18;
	v33 =	vadd.s32 $0xFFFFFFEA, v25;
	vm0 =	vgt.s32 v26, $0x3  }
0x343: {  	v38 =	vadd.s32 $0xFFFFFFF9, v25;
	v36 =	vnsel vm0, $0x3, v26;
	v37 =	vmul.f32 v28, v20;
	v39 =	vpop (erf)  }
0x344: {  	v28 =	vmul.f32 v28, v22;
	v36 =	vmin.u32 v36, $0x1869F;
	(erf) = vrcp.f32 v24  }
0x345: {  	v41 =	vadd.s32 $0xFFFFFFFA, v25;
	v40 =	vadd.s32 $0xFFFFFFFD, v36;
	v24 =	vadd.s32 $0xFFFFFFFE, v36  }
0x346: {  	v28 =	vmul.f32 v28, v39;
	v39 =	vadd.s32 $0xFFFFFFE9, v25;
	v24 =	vcvt.s32.f32 v24;
	v27 =	vld.idx.msk [tilespmem:v27+s10+$0x0], $0xffff  }
0x347: {  	v43 =	vor.u32 $0x1, v25;
	v44 =	vor.u32 $0x2, v25;
	v42 =	vcvt.s32.f32 v40;
	v33 =	vld.idx.msk [tilespmem:v33+s10+$0x0], $0xffff  }
0x348: {  	v45 =	vadd.s32 $0xFFFFFFF8, v25;
	v24 =	vmul.f32 $1.000029990e-05, v24;
	(erf) = vrcp.f32 v30  }
0x349: {  	vm1 =	vlt.s32 v26, $0x1869F;
	v26 =	vmul.f32 $1.000029990e-05, v42;
	v30 =	vadd.f32 v20, v21  }
0x34a: {  	v36 =	vadd.s32 v0, v36;
	v22 =	vmul.f32 v28, v22;
	v24 =	vmax.f32 v24, $0.0e+00  }
0x34b: {  	v26 =	vmax.f32 v26, $0.0e+00;
	v24 =	vmin.f32 v24, $1.000000000e+00;
	v39 =	vld.idx.msk [tilespmem:v39+s10+$0x0], $0xffff;
	(erf) = vrcp.f32 v30  }
0x34c: {  	v26 =	vmin.f32 v26, $1.000000000e+00;
	vm2 =	vge.f32 v19, v24;
	v24 =	vmul.f32 v22, v27  }
0x34d: {  	vm1 =	vmand vm1, vm2;
	vm2 =	vlt.f32 v19, v26;
	v26 =	vmul.f32 v22, v33;
	v27 =	vpop (erf)  }
0x34e: {  	v33 =	vsel vm1, $0x1, v17;
	vm0 =	vmand vm0, vm2;
	v27 =	vmul.f32 v34, v27  }
0x34f: {  	v23 =	vmul.f32 v28, v23;
	v34 =	vsel vm0, $0xFFFFFFFF, v17;
	v30 =	vadd.s32 v33, v40  }
0x350: {  	v40 =	vadd.s32 v34, v30;
	v30 =	vmul.f32 v27, v21;
	v27 =	vmul.f32 v27, v18  }
0x351: {  	v28 =	vmul.f32 v22, v39;
	v42 =	vcvt.s32.f32 v40;
	v46 =	vadd.s32 $0x1, v40;
	v22 =	vpop (erf)  }
0x352: {  	v39 =	vadd.s32 $0xFFFFFFFE, v40;
	v46 =	vcvt.s32.f32 v46;
	v37 =	vadd.f32 v30, v37  }
0x353: {  	v47 =	vadd.s32 $0x3, v40;
	v30 =	vmul.f32 v27, v22;
	v42 =	vmul.f32 $1.000029990e-05, v42  }
0x354: {  	v33 =	vadd.s32 v33, v36;
	v22 =	vadd.s32 $0xFFFFFFFF, v40;
	v27 =	vmul.f32 $1.000029990e-05, v46;
	v36 =	vpop (erf)  }
0x355: {  	v39 =	vcvt.s32.f32 v39;
	v46 =	vmul.f32 v30, v31;
	v42 =	vmax.f32 v42, $0.0e+00  }
0x356: {  	v36 =	vmul.f32 v37, v36;
	v31 =	vmin.f32 v42, $1.000000000e+00;
	v27 =	vmax.f32 v27, $0.0e+00  }
0x357: {  	v40 =	vadd.s32 $0x2, v40;
	v37 =	vmin.f32 v27, $1.000000000e+00;
	v27 =	vsub.f32 v19, v31  }
0x358: {  	v39 =	vmul.f32 $1.000029990e-05, v39;
	v42 =	vcvt.s32.f32 v22;
	v22 =	vsub.f32 v37, v19;
	v37 =	vld.idx.msk [tilespmem:v29+s10+$0x0], $0xffff  }
0x359: {  	v40 =	vcvt.s32.f32 v40;
	v31 =	vadd.s32 v34, v33;
	v29 =	vcvt.s32.f32 v47;
	v47 =	vld.idx.msk [tilespmem:v32+s10+$0x0], $0xffff  }
0x35a: {  	v21 =	vmul.f32 v36, v21;
	v33 =	vmul.f32 $1.000029990e-05, v42;
	v34 =	vadd.f32 v22, v27;
	v48 =	vld.idx.msk [tilespmem:v35+s10+$0x0], $0xffff  }
0x35b: {  	v49 =	vmul.f32 v36, v20;
	v35 =	vmax.f32 v39, $0.0e+00;
	v39 =	vmul.f32 $1.000029990e-05, v40;
	v32 =	vld.idx.msk [tilespmem:v38+s10+$0x0], $0xffff  }
.Ltmp4:
0x35c: {  	v20 =	vmax.f32 v33, $0.0e+00;
	v35 =	vmin.f32 v35, $1.000000000e+00;
	(erf) = vrcp.f32 v34;
	v33 =	vld.idx.msk [tilespmem:v41+s10+$0x0], $0xffff;
	(pc) =	sbr.rel @p1 .LBB2_10-.Ltmp4, $4  }
0x35d: {  	v20 =	vmin.f32 v20, $1.000000000e+00;
	v36 =	vmax.f32 v39, $0.0e+00;
	v41 =	vadd.f32 v21, v23;
	v34 =	vld.idx.msk [tilespmem:v44+s10+$0x0], $0xffff  }
0x35e: {  	v20 =	vsub.f32 v19, v20;
	v23 =	vsub.f32 v19, v35;
	v21 =	vmin.f32 v36, $1.000000000e+00;
	v36 =	vld.idx.msk [tilespmem:v43+s10+$0x0], $0xffff  }
0x35f: {  	v21 =	vsub.f32 v21, v19;
	v39 =	vmul.f32 v41, v37;
	v40 =	vmul.f32 v41, v47;
	v35 =	vld.idx.msk [tilespmem:v45+s10+$0x0], $0xffff  }
0x360: {  	v38 =	vadd.f32 v49, v46;
	v42 =	vadd.f32 v20, v22;
	v41 =	vmul.f32 v41, v48;
	v37 =	vld.idx.msk [tilespmem:v25+s10+$0x0], $0xffff  }
0x361: {  	v25 =	vadd.f32 v23, v22;
	v29 =	vmul.f32 $1.000029990e-05, v29  }
0x362: {  	v63 =	vadd.f32 v21, v27;
	(erf) = vrcp.f32 v42  }
0x363: {  	(erf) = vrcp.f32 v25;
	v25 =	vmax.f32 v29, $0.0e+00  }
0x364: {  	v18 =	vmul.f32 v30, v18;
	v25 =	vmin.f32 v25, $1.000000000e+00;
	(erf) = vrcp.f32 v63  }
0x365: {  	v26 =	vadd.f32 v41, v26;
	v30 =	vmul.f32 v38, v33;
	v19 =	vsub.f32 v25, v19  }
0x366: {  	v28 =	vadd.f32 v40, v28;
	v24 =	vadd.f32 v39, v24;
	v29 =	vshll.u32 v31, $0x3  }
0x367: {  	v31 =	vmul.f32 v18, v34;
	v26 =	vadd.f32 v26, v30;
	v41 =	vadd.f32 v19, v27  }
0x368: {  	v44 =	vadd.f32 v20, v21;
	v42 =	vmul.f32 v18, v36;
	v25 =	vmul.f32 v38, v32  }
0x369: {  	v35 =	vmul.f32 v38, v35;
	v43 =	vpop (erf);
	v26 =	vadd.f32 v26, v31;
	(erf) = vrcp.f32 v41  }
0x36a: {  	v46 =	vadd.s32 $0xFFFFFFEA, v29;
	v25 =	vadd.f32 v28, v25;
	(erf) = vrcp.f32 v44  }
0x36b: {  	v18 =	vmul.f32 v18, v37;
	v24 =	vadd.f32 v24, v35;
	v31 =	vadd.s32 $0xFFFFFFE8, v29;
	v28 =	vpop (erf)  }
0x36c: {  	v30 =	vmul.f32 v43, v22;
	v34 =	vmul.f32 v43, v27;
	v25 =	vadd.f32 v25, v42;
	v45 =	vpop (erf)  }
0x36d: {  	v47 =	vadd.s32 $0xFFFFFFF0, v29;
	[tilespmem:s25+$0x3D40] =	vst v26;
	v18 =	vadd.f32 v24, v18;
	v26 =	vpop (erf)  }
0x36e: {  	v48 =	vadd.s32 $0xFFFFFFF9, v29;
	[tilespmem:s25+$0x2DF0] =	vst v25;
	v25 =	vmul.f32 v30, v28;
	v26 =	vmul.f32 v34, v26  }
0x36f: {  	v24 =	vadd.s32 $0xFFFFFFE9, v29;
	[tilespmem:s25+$0x1EA0] =	vst v18  }
0x370: {  	v18 =	vadd.s32 $0xFFFFFFF2, v29;
	v31 =	vld.idx.msk [tilespmem:v31+s10+$0x0], $0xffff;
	v30 =	vmul.f32 v25, v20;
	v34 =	vmul.f32 v26, v21  }
0x371: {  	v28 =	vadd.s32 $0xFFFFFFF1, v29;
	v33 =	vld.idx.msk [tilespmem:v46+s10+$0x0], $0xffff;
	v25 =	vmul.f32 v25, v22  }
0x372: {  	v49 =	vadd.s32 $0xFFFFFFFA, v29;
	v35 =	vld.idx.msk [tilespmem:v47+s10+$0x0], $0xffff;
	v50 =	vpop (erf);
	v30 =	vadd.f32 v34, v30  }
0x373: {  	v53 =	vadd.s32 $0xFFFFFFF8, v29;
	v36 =	vld.idx.msk [tilespmem:v48+s10+$0x0], $0xffff;
	v25 =	vmul.f32 v25, v45;
	v52 =	vpop (erf)  }
0x374: {  	v51 =	vor.u32 $0x2, v29;
	v24 =	vld.idx.msk [tilespmem:v24+s10+$0x0], $0xffff;
	v26 =	vmul.f32 v26, v27;
	v30 =	vmul.f32 v30, v52  }
0x375: {  	v54 =	vor.u32 $0x1, v29;
	v18 =	vld.idx.msk [tilespmem:v18+s10+$0x0], $0xffff;
	v23 =	vmul.f32 v25, v23  }
0x376: {  	v28 =	vld.idx.msk [tilespmem:v28+s10+$0x0], $0xffff;
	v26 =	vmul.f32 v26, v50;
	v21 =	vmul.f32 v30, v21  }
0x377: {  	v22 =	vmul.f32 v25, v22;
	v25 =	vld.idx.msk [tilespmem:v49+s10+$0x0], $0xffff  }
0x378: {  	v55 =	vld.idx.msk [tilespmem:v53+s10+$0x0], $0xffff;
	v19 =	vmul.f32 v26, v19;
	v20 =	vmul.f32 v30, v20;
	v21 =	vadd.f32 v21, v23  }
0x379: {  	v30 =	vmul.f32 v22, v31;
	v31 =	vmul.f32 v22, v33;
	v23 =	vld.idx.msk [tilespmem:v51+s10+$0x0], $0xffff  }
0x37a: {  	v22 =	vmul.f32 v22, v24;
	v24 =	vld.idx.msk [tilespmem:v54+s10+$0x0], $0xffff;
	v19 =	vadd.f32 v20, v19;
	v18 =	vmul.f32 v21, v18  }
0x37b: {  	v20 =	vmul.f32 v21, v28;
	v28 =	vld.idx.msk [tilespmem:v29+s10+$0x0], $0xffff;
	v21 =	vmul.f32 v21, v35  }
0x37c: {  	v26 =	vmul.f32 v26, v27;
	v25 =	vmul.f32 v19, v25;
	v18 =	vadd.f32 v18, v31  }
0x37d: {  	v20 =	vadd.f32 v20, v22;
	v22 =	vmul.f32 v19, v36;
	v21 =	vadd.f32 v21, v30  }
0x37e: {  	v19 =	vmul.f32 v19, v55;
	v23 =	vmul.f32 v26, v23;
	v18 =	vadd.f32 v18, v25  }
0x37f: {  	v24 =	vmul.f32 v26, v24;
	v20 =	vadd.f32 v20, v22  }
0x380: {  	v19 =	vadd.f32 v21, v19;
	v22 =	vmul.f32 v26, v28;
	v18 =	vadd.f32 v18, v23  }
0x381: {  	v20 =	vadd.f32 v20, v24  }
0x382: {  	[tilespmem:s24+$0x3D40] =	vst v18;
	v18 =	vadd.f32 v19, v22  }
0x383: {  	[tilespmem:s24+$0x2DF0] =	vst v20  }
0x384: {  	s28 =	rddreg [dreg:$0x12];
	[tilespmem:s24+$0x1EA0] =	vst v18;
	s24 =	simm.s32 $0x0  }
0x385: {  	[hbm4b:s28+s24] =	stream.linear.scatter [tilespmem:s14], [sflag:$0x3], $0xF50, $0x38;
	[tilespmem:$0xDDC0] =	vst v63  }
0x386: {  	s26 =	rddreg [dreg:$0x13]  }
0x387: {  	[hbm4b:s26+s24] =	stream.linear.scatter [tilespmem:s15], [sflag:$0x3], $0xF50, $0x38;
	[tilespmem:$0xDDC0] =	vst v63  }
0x388: {  	s28 =	rddreg [dreg:$0x14]  }
0x389: {  	[hbm4b:s28+s24] =	stream.linear.scatter [tilespmem:s16], [sflag:$0x3], $0xF50, $0x38;
	[tilespmem:$0xDDC0] =	vst v63  }
0x38a: {  	_ = 	snop  }
0x38b: {  	[tilespmem:s24], [sflag:$0x1] =	stream.linear.gather [hbm4b:s29+s24], $0xF50, $0x38;
	[tilespmem:$0xDDC0] =	vst v63  }
0x38c: {  	_ =	swait.ge [sflag:s17], $0xF50  }
0x38d: {  	[sflag:s17] =	ssyncset.done $0x0  }
0x38e: {  	[sflag:s17] =	ssyncadd.s32 $0xFFFFF0B0  }
0x38f: {  	_ =	swait.ge [sflag:s22], $0xF50  }
0x390: {  	[sflag:s22] =	ssyncset.done $0x0  }
0x391: {  	[sflag:s22] =	ssyncadd.s32 $0xFFFFF0B0  }
0x392: {  	_ =	swait.ge [sflag:s22], $0xF50  }
0x393: {  	[sflag:s22] =	ssyncset.done $0x0  }
0x394: {  	[sflag:s22] =	ssyncadd.s32 $0xFFFFF0B0  }
0x395: {  	_ =	swait.ge [sflag:s22], $0xF50  }
0x396: {  	[sflag:s22] =	ssyncset.done $0x0  }
0x397: {  	s25 =	simm.s32 $0x0;
	[sflag:s22] =	ssyncadd.s32 $0xFFFFF0B0  }
0x398: {  	v20 =	vld [tilespmem:s25+$0xF50];
	_ =	sdelay $0x4  }
0x399: {  	v18 =	vmul.f32 $9.999700000e+04, v20;
	_ =	sdelay $0x1  }
0x39a: {  	v18 =	vtrunc.f32 v18  }
0x39b: {  	v18 =	vcvt.f32.s32 v18;
	_ =	sdelay $0x1  }
0x39c: {  	v18 =	vadd.s32 $0x3, v18  }
0x39d: {  	vm0 =	vgt.s32 v18, $0x3  }
0x39e: {  	v19 =	vnsel vm0, $0x3, v18  }
0x39f: {  	v21 =	vmin.u32 v19, $0x1869F  }
0x3a0: {  	v19 =	vadd.s32 $0xFFFFFFFE, v21  }
0x3a1: {  	v22 =	vadd.s32 $0xFFFFFFFD, v21;
	v19 =	vcvt.s32.f32 v19  }
0x3a2: {  	v23 =	vcvt.s32.f32 v22  }
0x3a3: {  	v19 =	vmul.f32 $1.000029990e-05, v19  }
0x3a4: {  	v23 =	vmul.f32 $1.000029990e-05, v23  }
0x3a5: {  	v19 =	vmax.f32 v19, $0.0e+00  }
0x3a6: {  	v23 =	vmax.f32 v23, $0.0e+00;
	v19 =	vmin.f32 v19, $1.000000000e+00  }
0x3a7: {  	vm1 =	vlt.s32 v18, $0x1869F;
	v18 =	vmin.f32 v23, $1.000000000e+00;
	vm2 =	vge.f32 v20, v19  }
0x3a8: {  	vm11 =	vlt.f32 v20, v18;
	vm1 =	vmand vm1, vm2  }
0x3a9: {  	vm0 =	vmand vm0, vm11;
	v23 =	vsel vm1, $0x1, v17  }
0x3aa: {  	v24 =	vsel vm0, $0xFFFFFFFF, v17;
	v18 =	vadd.s32 v23, v22  }
0x3ab: {  	v22 =	vadd.s32 v24, v18  }
0x3ac: {  	v18 =	vadd.s32 $0x1, v22  }
0x3ad: {  	v19 =	vcvt.s32.f32 v22;
	v18 =	vcvt.s32.f32 v18;
	_ =	sdelay $0x1  }
0x3ae: {  	v19 =	vmul.f32 $1.000029990e-05, v19;
	v18 =	vmul.f32 $1.000029990e-05, v18;
	_ =	sdelay $0x1  }
0x3af: {  	v25 =	vadd.s32 $0xFFFFFFFF, v22;
	v19 =	vmax.f32 v19, $0.0e+00;
	v18 =	vmax.f32 v18, $0.0e+00  }
0x3b0: {  	v25 =	vcvt.s32.f32 v25;
	v19 =	vmin.f32 v19, $1.000000000e+00;
	v26 =	vmin.f32 v18, $1.000000000e+00  }
0x3b1: {  	v18 =	vsub.f32 v20, v19;
	v26 =	vsub.f32 v26, v20  }
0x3b2: {  	v19 =	vmul.f32 $1.000029990e-05, v25  }
0x3b3: {  	v25 =	vadd.s32 $0xFFFFFFFE, v22;
	v27 =	vadd.f32 v26, v18  }
0x3b4: {  	v25 =	vcvt.s32.f32 v25;
	v19 =	vmax.f32 v19, $0.0e+00  }
0x3b5: {  	v19 =	vmin.f32 v19, $1.000000000e+00;
	(erf) = vrcp.f32 v27  }
0x3b6: {  	v21 =	vadd.s32 v0, v21;
	v32 =	vsub.f32 v20, v19;
	v19 =	vmul.f32 $1.000029990e-05, v25  }
0x3b7: {  	v21 =	vadd.s32 v23, v21;
	v25 =	vadd.s32 $0x2, v22  }
0x3b8: {  	s24 =	simm.s32 $0x10;
	v25 =	vcvt.s32.f32 v25;
	v27 =	vadd.f32 v32, v26;
	v19 =	vmax.f32 v19, $0.0e+00  }
0x3b9: {  	v21 =	vadd.s32 v24, v21;
	v28 =	vmin.f32 v19, $1.000000000e+00;
	v19 =	vld [tilespmem:s24+$0xF50]  }
0x3ba: {  	v25 =	vmul.f32 $1.000029990e-05, v25;
	(erf) = vrcp.f32 v27;
	v27 =	vsub.f32 v20, v28  }
0x3bb: {  	v37 =	vshll.u32 v21, $0x3  }
0x3bc: {  	v22 =	vadd.s32 $0x3, v22;
	v23 =	vmax.f32 v25, $0.0e+00;
	v25 =	vadd.f32 v27, v26  }
0x3bd: {  	v29 =	vadd.s32 $0xFFFFFFF0, v37;
	v22 =	vcvt.s32.f32 v22  }
0x3be: {  	v33 =	vadd.s32 $0xFFFFFFF2, v37;
	v24 =	vpop (erf);
	(erf) = vrcp.f32 v25;
	v25 =	vmul.f32 $9.999700000e+04, v19  }
0x3bf: {  	v56 =	vadd.s32 $0xFFFFFFEA, v37;
	v38 =	vadd.s32 $0xFFFFFFF9, v37;
	v22 =	vmul.f32 $1.000029990e-05, v22  }
0x3c0: {  	v41 =	vadd.s32 $0xFFFFFFFA, v37;
	v21 =	vmul.f32 v24, v26;
	v25 =	vtrunc.f32 v25  }
0x3c1: {  	v23 =	vmin.f32 v23, $1.000000000e+00;
	v28 =	vmul.f32 v24, v18;
	v24 =	vcvt.f32.s32 v25  }
0x3c2: {  	v43 =	vor.u32 $0x1, v37;
	v22 =	vmax.f32 v22, $0.0e+00;
	v23 =	vsub.f32 v23, v20  }
0x3c3: {  	v44 =	vor.u32 $0x2, v37;
	v22 =	vmin.f32 v22, $1.000000000e+00;
	v24 =	vadd.s32 $0x3, v24  }
0x3c4: {  	v20 =	vsub.f32 v22, v20;
	v31 =	vadd.f32 v23, v18;
	v30 =	vpop (erf);
	vm12 =	vgt.s32 v24, $0x3  }
0x3c5: {  	v22 =	vadd.s32 $0xFFFFFFE8, v37;
	v21 =	vmul.f32 v21, v30;
	v57 =	vnsel vm12, $0x3, v24  }
0x3c6: {  	v45 =	vadd.s32 $0xFFFFFFF8, v37;
	(erf) = vrcp.f32 v31;
	v35 =	vmin.u32 v57, $0x1869F  }
0x3c7: {  	v58 =	vmul.f32 v21, v32;
	v21 =	vmul.f32 v21, v26;
	v60 =	vadd.s32 $0xFFFFFFFE, v35  }
0x3c8: {  	v30 =	vadd.f32 v20, v18;
	v31 =	vpop (erf);
	v59 =	vadd.s32 $0xFFFFFFFD, v35;
	v40 =	vcvt.s32.f32 v60  }
0x3c9: {  	v21 =	vmul.f32 v21, v31;
	v31 =	vadd.s32 $0xFFFFFFE9, v37;
	v61 =	vcvt.s32.f32 v59  }
0x3ca: {  	v22 =	vld.idx.msk [tilespmem:v22+s10+$0x0], $0xffff;
	(erf) = vrcp.f32 v30;
	v30 =	vadd.f32 v32, v23;
	v40 =	vmul.f32 $1.000029990e-05, v40  }
0x3cb: {  	v25 =	vadd.s32 $0xFFFFFFF1, v37;
	vm13 =	vlt.s32 v24, $0x1869F;
	v24 =	vmul.f32 $1.000029990e-05, v61  }
0x3cc: {  	v34 =	vld.idx.msk [tilespmem:v56+s10+$0x0], $0xffff;
	v35 =	vadd.s32 v0, v35;
	(erf) = vrcp.f32 v30;
	v40 =	vmax.f32 v40, $0.0e+00  }
0x3cd: {  	v62 =	vmul.f32 v21, v26;
	v24 =	vmax.f32 v24, $0.0e+00;
	v26 =	vmin.f32 v40, $1.000000000e+00  }
0x3ce: {  	v21 =	vmul.f32 v21, v27;
	v30 =	vld.idx.msk [tilespmem:v31+s10+$0x0], $0xffff;
	vm14 =	vge.f32 v19, v26;
	v26 =	vmin.f32 v24, $1.000000000e+00  }
0x3cf: {  	v24 =	vmul.f32 v62, v22;
	v22 =	vpop (erf);
	vm1 =	vmand vm13, vm14;
	vm15 =	vlt.f32 v19, v26  }
0x3d0: {  	v22 =	vmul.f32 v28, v22;
	v31 =	vsel vm1, $0x1, v17;
	vm0 =	vmand vm12, vm15  }
0x3d1: {  	v26 =	vmul.f32 v62, v34;
	v63 =	vsel vm0, $0xFFFFFFFF, v17;
	v28 =	vadd.s32 v31, v59  }
0x3d2: {  	v48 =	vmul.f32 v22, v23;
	v22 =	vmul.f32 v22, v18;
	v27 =	vadd.s32 v63, v28  }
0x3d3: {  	v31 =	vadd.s32 v31, v35;
	v28 =	vmul.f32 v62, v30;
	v46 =	vadd.s32 $0x1, v27  }
0x3d4: {  	v30 =	vpop (erf);
	v49 =	vcvt.s32.f32 v27;
	v50 =	vadd.s32 $0xFFFFFFFE, v27;
	v46 =	vcvt.s32.f32 v46  }
0x3d5: {  	v36 =	vadd.f32 v48, v58;
	v52 =	vadd.s32 $0x3, v27;
	v30 =	vmul.f32 v22, v30  }
0x3d6: {  	v22 =	vadd.s32 $0xFFFFFFFF, v27;
	v51 =	vmul.f32 $1.000029990e-05, v49;
	v46 =	vmul.f32 $1.000029990e-05, v46  }
0x3d7: {  	v56 =	vadd.s32 $0x2, v27;
	v42 =	vcvt.s32.f32 v50;
	v57 =	vcvt.s32.f32 v22  }
0x3d8: {  	v59 =	vcvt.s32.f32 v56;
	v39 =	vmax.f32 v51, $0.0e+00;
	v54 =	vmax.f32 v46, $0.0e+00  }
0x3d9: {  	v47 =	vmul.f32 v30, v20;
	v20 =	vmin.f32 v39, $1.000000000e+00;
	v55 =	vmin.f32 v54, $1.000000000e+00  }
0x3da: {  	v53 =	vpop (erf);
	v58 =	vld.idx.msk [tilespmem:v29+s10+$0x0], $0xffff;
	v29 =	vcvt.s32.f32 v52;
	v27 =	vsub.f32 v19, v20;
	v22 =	vsub.f32 v55, v19  }
0x3db: {  	v25 =	vld.idx.msk [tilespmem:v25+s10+$0x0], $0xffff;
	v31 =	vadd.s32 v63, v31;
	v35 =	vmul.f32 v36, v53;
	v20 =	vmul.f32 $1.000029990e-05, v42  }
0x3dc: {  	v37 =	vld.idx.msk [tilespmem:v37+s10+$0x0], $0xffff;
	v60 =	vmul.f32 $1.000029990e-05, v57;
	v36 =	vmul.f32 $1.000029990e-05, v59;
	v61 =	vadd.f32 v22, v27  }
0x3dd: {  	v48 =	vld.idx.msk [tilespmem:v33+s10+$0x0], $0xffff;
	v23 =	vmul.f32 v35, v23;
	v49 =	vmul.f32 v35, v32;
	v20 =	vmax.f32 v20, $0.0e+00  }
0x3de: {  	v34 =	vld.idx.msk [tilespmem:v44+s10+$0x0], $0xffff;
	v62 =	vmin.f32 v20, $1.000000000e+00;
	v20 =	vmax.f32 v60, $0.0e+00;
	(erf) = vrcp.f32 v61  }
0x3df: {  	v32 =	vld.idx.msk [tilespmem:v38+s10+$0x0], $0xffff;
	v36 =	vmax.f32 v36, $0.0e+00;
	v63 =	vadd.f32 v23, v21;
	v20 =	vmin.f32 v20, $1.000000000e+00  }
0x3e0: {  	v33 =	vld.idx.msk [tilespmem:v41+s10+$0x0], $0xffff;
	v21 =	vmin.f32 v36, $1.000000000e+00;
	v38 =	vadd.f32 v49, v47;
	v20 =	vsub.f32 v19, v20  }
0x3e1: {  	v36 =	vld.idx.msk [tilespmem:v43+s10+$0x0], $0xffff;
	v21 =	vsub.f32 v21, v19;
	v39 =	vmul.f32 v63, v58;
	v40 =	vmul.f32 v63, v25  }
0x3e2: {  	s26 =	simm.s32 $0x80;
	v35 =	vld.idx.msk [tilespmem:v45+s10+$0x0], $0xffff;
	v41 =	vmul.f32 v63, v48;
	v23 =	vsub.f32 v19, v62;
	v42 =	vadd.f32 v20, v22  }
.LBB2_12:
0x3e3: {  	s28 =	sshra.s32 s26, $0x2;
	p1 =	sne.s32 s26, $0x3D00;
	s26 =	sadd.s32 $0x40, s26;
	v25 =	vshll.u32 v31, $0x3;
	v30 =	vmul.f32 v30, v18;
	v28 =	vadd.f32 v40, v28;
	v18 =	vmovc v27  }
0x3e4: {  	v27 =	vld [tilespmem:s28+$0xF50];
	(erf) = vrcp.f32 v42;
	v31 =	vmul.f32 v38, v32;
	v26 =	vadd.f32 v41, v26  }
0x3e5: {  	v32 =	vadd.f32 v23, v22;
	v33 =	vmul.f32 v38, v33;
	v34 =	vmul.f32 v30, v34  }
0x3e6: {  	v40 =	vmul.f32 $1.000029990e-05, v29;
	v24 =	vadd.f32 v39, v24;
	v36 =	vmul.f32 v30, v36  }
0x3e7: {  	v26 =	vadd.f32 v26, v33;
	v39 =	vpop (erf);
	(erf) = vrcp.f32 v32;
	v32 =	vmul.f32 v38, v35  }
0x3e8: {  	v29 =	vadd.s32 $0xFFFFFFF0, v25;
	v30 =	vmul.f32 v30, v37;
	v33 =	vmul.f32 v39, v22  }
0x3e9: {  	v28 =	vadd.f32 v28, v31;
	v26 =	vadd.f32 v26, v34;
	v35 =	vmul.f32 $9.999700000e+04, v27  }
0x3ea: {  	v31 =	vmax.f32 v40, $0.0e+00;
	v34 =	vmul.f32 v39, v18;
	v24 =	vadd.f32 v24, v32  }
0x3eb: {  	v31 =	vmin.f32 v31, $1.000000000e+00;
	v28 =	vadd.f32 v28, v36;
	v32 =	vtrunc.f32 v35;
	[tilespmem:s25+$0x6B30] =	vst v26  }
0x3ec: {  	v31 =	vsub.f32 v31, v19;
	v19 =	vmovc v27;
	v24 =	vadd.f32 v24, v30;
	v26 =	vcvt.f32.s32 v32  }
0x3ed: {  	v27 =	vadd.s32 $0xFFFFFFE8, v25;
	v35 =	vadd.s32 $0xFFFFFFF2, v25;
	v32 =	vadd.s32 $0xFFFFFFF1, v25;
	v30 =	vpop (erf);
	[tilespmem:s25+$0x5BE0] =	vst v28  }
0x3ee: {  	v26 =	vadd.s32 $0x3, v26;
	v28 =	vmul.f32 v33, v30;
	v30 =	vadd.f32 v31, v18;
	[tilespmem:s25+$0x4C90] =	vst v24;
	s25 =	smov.u32 s24;
	s24 =	smov.u32 s28  }
0x3ef: {  	v24 =	vadd.f32 v21, v18;
	v33 =	vadd.s32 $0xFFFFFFEA, v25;
	vm0 =	vgt.s32 v26, $0x3  }
0x3f0: {  	v38 =	vadd.s32 $0xFFFFFFF9, v25;
	v36 =	vnsel vm0, $0x3, v26;
	v37 =	vmul.f32 v28, v20;
	v39 =	vpop (erf)  }
0x3f1: {  	v28 =	vmul.f32 v28, v22;
	v36 =	vmin.u32 v36, $0x1869F;
	(erf) = vrcp.f32 v24  }
0x3f2: {  	v41 =	vadd.s32 $0xFFFFFFFA, v25;
	v40 =	vadd.s32 $0xFFFFFFFD, v36;
	v24 =	vadd.s32 $0xFFFFFFFE, v36  }
0x3f3: {  	v28 =	vmul.f32 v28, v39;
	v39 =	vadd.s32 $0xFFFFFFE9, v25;
	v24 =	vcvt.s32.f32 v24;
	v27 =	vld.idx.msk [tilespmem:v27+s10+$0x0], $0xffff  }
0x3f4: {  	v43 =	vor.u32 $0x1, v25;
	v44 =	vor.u32 $0x2, v25;
	v42 =	vcvt.s32.f32 v40;
	v33 =	vld.idx.msk [tilespmem:v33+s10+$0x0], $0xffff  }
0x3f5: {  	v45 =	vadd.s32 $0xFFFFFFF8, v25;
	v24 =	vmul.f32 $1.000029990e-05, v24;
	(erf) = vrcp.f32 v30  }
0x3f6: {  	vm1 =	vlt.s32 v26, $0x1869F;
	v26 =	vmul.f32 $1.000029990e-05, v42;
	v30 =	vadd.f32 v20, v21  }
0x3f7: {  	v36 =	vadd.s32 v0, v36;
	v22 =	vmul.f32 v28, v22;
	v24 =	vmax.f32 v24, $0.0e+00  }
0x3f8: {  	v26 =	vmax.f32 v26, $0.0e+00;
	v24 =	vmin.f32 v24, $1.000000000e+00;
	v39 =	vld.idx.msk [tilespmem:v39+s10+$0x0], $0xffff;
	(erf) = vrcp.f32 v30  }
0x3f9: {  	v26 =	vmin.f32 v26, $1.000000000e+00;
	vm2 =	vge.f32 v19, v24;
	v24 =	vmul.f32 v22, v27  }
0x3fa: {  	vm1 =	vmand vm1, vm2;
	vm2 =	vlt.f32 v19, v26;
	v26 =	vmul.f32 v22, v33;
	v27 =	vpop (erf)  }
0x3fb: {  	v33 =	vsel vm1, $0x1, v17;
	vm0 =	vmand vm0, vm2;
	v27 =	vmul.f32 v34, v27  }
0x3fc: {  	v23 =	vmul.f32 v28, v23;
	v34 =	vsel vm0, $0xFFFFFFFF, v17;
	v30 =	vadd.s32 v33, v40  }
0x3fd: {  	v40 =	vadd.s32 v34, v30;
	v30 =	vmul.f32 v27, v21;
	v27 =	vmul.f32 v27, v18  }
0x3fe: {  	v28 =	vmul.f32 v22, v39;
	v42 =	vcvt.s32.f32 v40;
	v46 =	vadd.s32 $0x1, v40;
	v22 =	vpop (erf)  }
0x3ff: {  	v39 =	vadd.s32 $0xFFFFFFFE, v40;
	v46 =	vcvt.s32.f32 v46;
	v37 =	vadd.f32 v30, v37  }
0x400: {  	v47 =	vadd.s32 $0x3, v40;
	v30 =	vmul.f32 v27, v22;
	v42 =	vmul.f32 $1.000029990e-05, v42  }
0x401: {  	v33 =	vadd.s32 v33, v36;
	v22 =	vadd.s32 $0xFFFFFFFF, v40;
	v27 =	vmul.f32 $1.000029990e-05, v46;
	v36 =	vpop (erf)  }
0x402: {  	v39 =	vcvt.s32.f32 v39;
	v46 =	vmul.f32 v30, v31;
	v42 =	vmax.f32 v42, $0.0e+00  }
0x403: {  	v36 =	vmul.f32 v37, v36;
	v31 =	vmin.f32 v42, $1.000000000e+00;
	v27 =	vmax.f32 v27, $0.0e+00  }
0x404: {  	v40 =	vadd.s32 $0x2, v40;
	v37 =	vmin.f32 v27, $1.000000000e+00;
	v27 =	vsub.f32 v19, v31  }
0x405: {  	v39 =	vmul.f32 $1.000029990e-05, v39;
	v42 =	vcvt.s32.f32 v22;
	v22 =	vsub.f32 v37, v19;
	v37 =	vld.idx.msk [tilespmem:v29+s10+$0x0], $0xffff  }
0x406: {  	v40 =	vcvt.s32.f32 v40;
	v31 =	vadd.s32 v34, v33;
	v29 =	vcvt.s32.f32 v47;
	v47 =	vld.idx.msk [tilespmem:v32+s10+$0x0], $0xffff  }
0x407: {  	v21 =	vmul.f32 v36, v21;
	v33 =	vmul.f32 $1.000029990e-05, v42;
	v34 =	vadd.f32 v22, v27;
	v48 =	vld.idx.msk [tilespmem:v35+s10+$0x0], $0xffff  }
0x408: {  	v49 =	vmul.f32 v36, v20;
	v35 =	vmax.f32 v39, $0.0e+00;
	v39 =	vmul.f32 $1.000029990e-05, v40;
	v32 =	vld.idx.msk [tilespmem:v38+s10+$0x0], $0xffff  }
.Ltmp5:
0x409: {  	v20 =	vmax.f32 v33, $0.0e+00;
	v35 =	vmin.f32 v35, $1.000000000e+00;
	(erf) = vrcp.f32 v34;
	v33 =	vld.idx.msk [tilespmem:v41+s10+$0x0], $0xffff;
	(pc) =	sbr.rel @p1 .LBB2_12-.Ltmp5, $4  }
0x40a: {  	v20 =	vmin.f32 v20, $1.000000000e+00;
	v36 =	vmax.f32 v39, $0.0e+00;
	v41 =	vadd.f32 v21, v23;
	v34 =	vld.idx.msk [tilespmem:v44+s10+$0x0], $0xffff  }
0x40b: {  	v20 =	vsub.f32 v19, v20;
	v23 =	vsub.f32 v19, v35;
	v21 =	vmin.f32 v36, $1.000000000e+00;
	v36 =	vld.idx.msk [tilespmem:v43+s10+$0x0], $0xffff  }
0x40c: {  	v21 =	vsub.f32 v21, v19;
	v39 =	vmul.f32 v41, v37;
	v40 =	vmul.f32 v41, v47;
	v35 =	vld.idx.msk [tilespmem:v45+s10+$0x0], $0xffff  }
0x40d: {  	v38 =	vadd.f32 v49, v46;
	v42 =	vadd.f32 v20, v22;
	v41 =	vmul.f32 v41, v48;
	v37 =	vld.idx.msk [tilespmem:v25+s10+$0x0], $0xffff  }
0x40e: {  	v25 =	vadd.f32 v23, v22;
	v29 =	vmul.f32 $1.000029990e-05, v29  }
0x40f: {  	v63 =	vadd.f32 v21, v27;
	(erf) = vrcp.f32 v42  }
0x410: {  	(erf) = vrcp.f32 v25;
	v25 =	vmax.f32 v29, $0.0e+00  }
0x411: {  	v18 =	vmul.f32 v30, v18;
	v25 =	vmin.f32 v25, $1.000000000e+00;
	(erf) = vrcp.f32 v63  }
0x412: {  	v26 =	vadd.f32 v41, v26;
	v30 =	vmul.f32 v38, v33;
	v19 =	vsub.f32 v25, v19  }
0x413: {  	v28 =	vadd.f32 v40, v28;
	v24 =	vadd.f32 v39, v24;
	v29 =	vshll.u32 v31, $0x3  }
0x414: {  	v31 =	vmul.f32 v18, v34;
	v26 =	vadd.f32 v26, v30;
	v41 =	vadd.f32 v19, v27  }
0x415: {  	v44 =	vadd.f32 v20, v21;
	v42 =	vmul.f32 v18, v36;
	v25 =	vmul.f32 v38, v32  }
0x416: {  	v35 =	vmul.f32 v38, v35;
	v43 =	vpop (erf);
	v26 =	vadd.f32 v26, v31;
	(erf) = vrcp.f32 v41  }
0x417: {  	v46 =	vadd.s32 $0xFFFFFFEA, v29;
	v25 =	vadd.f32 v28, v25;
	(erf) = vrcp.f32 v44  }
0x418: {  	v18 =	vmul.f32 v18, v37;
	v24 =	vadd.f32 v24, v35;
	v31 =	vadd.s32 $0xFFFFFFE8, v29;
	v28 =	vpop (erf)  }
0x419: {  	v30 =	vmul.f32 v43, v22;
	v34 =	vmul.f32 v43, v27;
	v25 =	vadd.f32 v25, v42;
	v45 =	vpop (erf)  }
0x41a: {  	v47 =	vadd.s32 $0xFFFFFFF0, v29;
	[tilespmem:s25+$0x6B30] =	vst v26;
	v18 =	vadd.f32 v24, v18;
	v26 =	vpop (erf)  }
0x41b: {  	v48 =	vadd.s32 $0xFFFFFFF9, v29;
	[tilespmem:s25+$0x5BE0] =	vst v25;
	v25 =	vmul.f32 v30, v28;
	v26 =	vmul.f32 v34, v26  }
0x41c: {  	v24 =	vadd.s32 $0xFFFFFFE9, v29;
	[tilespmem:s25+$0x4C90] =	vst v18  }
0x41d: {  	v18 =	vadd.s32 $0xFFFFFFF2, v29;
	v31 =	vld.idx.msk [tilespmem:v31+s10+$0x0], $0xffff;
	v30 =	vmul.f32 v25, v20;
	v34 =	vmul.f32 v26, v21  }
0x41e: {  	v28 =	vadd.s32 $0xFFFFFFF1, v29;
	v33 =	vld.idx.msk [tilespmem:v46+s10+$0x0], $0xffff;
	v25 =	vmul.f32 v25, v22  }
0x41f: {  	v49 =	vadd.s32 $0xFFFFFFFA, v29;
	v35 =	vld.idx.msk [tilespmem:v47+s10+$0x0], $0xffff;
	v50 =	vpop (erf);
	v30 =	vadd.f32 v34, v30  }
0x420: {  	v53 =	vadd.s32 $0xFFFFFFF8, v29;
	v36 =	vld.idx.msk [tilespmem:v48+s10+$0x0], $0xffff;
	v25 =	vmul.f32 v25, v45;
	v52 =	vpop (erf)  }
0x421: {  	v51 =	vor.u32 $0x2, v29;
	v24 =	vld.idx.msk [tilespmem:v24+s10+$0x0], $0xffff;
	v26 =	vmul.f32 v26, v27;
	v30 =	vmul.f32 v30, v52  }
0x422: {  	v54 =	vor.u32 $0x1, v29;
	v18 =	vld.idx.msk [tilespmem:v18+s10+$0x0], $0xffff;
	v23 =	vmul.f32 v25, v23  }
0x423: {  	v28 =	vld.idx.msk [tilespmem:v28+s10+$0x0], $0xffff;
	v26 =	vmul.f32 v26, v50;
	v21 =	vmul.f32 v30, v21  }
0x424: {  	v22 =	vmul.f32 v25, v22;
	v25 =	vld.idx.msk [tilespmem:v49+s10+$0x0], $0xffff  }
0x425: {  	v55 =	vld.idx.msk [tilespmem:v53+s10+$0x0], $0xffff;
	v19 =	vmul.f32 v26, v19;
	v20 =	vmul.f32 v30, v20;
	v21 =	vadd.f32 v21, v23  }
0x426: {  	v30 =	vmul.f32 v22, v31;
	v31 =	vmul.f32 v22, v33;
	v23 =	vld.idx.msk [tilespmem:v51+s10+$0x0], $0xffff  }
0x427: {  	v22 =	vmul.f32 v22, v24;
	v24 =	vld.idx.msk [tilespmem:v54+s10+$0x0], $0xffff;
	v19 =	vadd.f32 v20, v19;
	v18 =	vmul.f32 v21, v18  }
0x428: {  	v20 =	vmul.f32 v21, v28;
	v28 =	vld.idx.msk [tilespmem:v29+s10+$0x0], $0xffff;
	v21 =	vmul.f32 v21, v35  }
0x429: {  	v26 =	vmul.f32 v26, v27;
	v25 =	vmul.f32 v19, v25;
	v18 =	vadd.f32 v18, v31  }
0x42a: {  	v20 =	vadd.f32 v20, v22;
	v22 =	vmul.f32 v19, v36;
	v21 =	vadd.f32 v21, v30  }
0x42b: {  	v19 =	vmul.f32 v19, v55;
	v23 =	vmul.f32 v26, v23;
	v18 =	vadd.f32 v18, v25  }
0x42c: {  	v24 =	vmul.f32 v26, v24;
	v20 =	vadd.f32 v20, v22  }
0x42d: {  	v19 =	vadd.f32 v21, v19;
	v22 =	vmul.f32 v26, v28;
	v18 =	vadd.f32 v18, v23  }
0x42e: {  	v20 =	vadd.f32 v20, v24  }
0x42f: {  	[tilespmem:s24+$0x6B30] =	vst v18;
	v18 =	vadd.f32 v19, v22  }
0x430: {  	[tilespmem:s24+$0x5BE0] =	vst v20  }
0x431: {  	s28 =	rddreg [dreg:$0x1a];
	[tilespmem:s24+$0x4C90] =	vst v18;
	s24 =	simm.s32 $0x0  }
0x432: {  	[hbm4b:s28+s24] =	stream.linear.scatter [tilespmem:s18], [sflag:$0x4], $0xF50, $0x38;
	[tilespmem:$0xDDC0] =	vst v63  }
0x433: {  	s26 =	rddreg [dreg:$0x1b]  }
0x434: {  	[hbm4b:s26+s24] =	stream.linear.scatter [tilespmem:s19], [sflag:$0x4], $0xF50, $0x38;
	[tilespmem:$0xDDC0] =	vst v63  }
0x435: {  	s28 =	rddreg [dreg:$0x1c]  }
0x436: {  	[hbm4b:s28+s24] =	stream.linear.scatter [tilespmem:s20], [sflag:$0x4], $0xF50, $0x38;
	[tilespmem:$0xDDC0] =	vst v63  }
0x437: {  	_ = 	snop  }
0x438: {  	[tilespmem:s12], [sflag:$0x2] =	stream.linear.gather [hbm4b:s30+s24], $0xF50, $0x38;
	[tilespmem:$0xDDC0] =	vst v63  }
0x439: {  	_ =	swait.ge [sflag:s13], $0xF50  }
0x43a: {  	[sflag:s13] =	ssyncset.done $0x0  }
0x43b: {  	[sflag:s13] =	ssyncadd.s32 $0xFFFFF0B0  }
0x43c: {  	_ =	swait.ge [sflag:s21], $0xF50  }
0x43d: {  	[sflag:s21] =	ssyncset.done $0x0  }
0x43e: {  	[sflag:s21] =	ssyncadd.s32 $0xFFFFF0B0  }
0x43f: {  	_ =	swait.ge [sflag:s21], $0xF50  }
0x440: {  	[sflag:s21] =	ssyncset.done $0x0  }
0x441: {  	[sflag:s21] =	ssyncadd.s32 $0xFFFFF0B0  }
0x442: {  	_ =	swait.ge [sflag:s21], $0xF50  }
0x443: {  	[sflag:s21] =	ssyncset.done $0x0  }
0x444: {  	s25 =	simm.s32 $0x0;
	[sflag:s21] =	ssyncadd.s32 $0xFFFFF0B0  }
0x445: {  	v20 =	vld [tilespmem:s25+$0x0];
	_ =	sdelay $0x4  }
0x446: {  	v18 =	vmul.f32 $9.999700000e+04, v20;
	_ =	sdelay $0x1  }
0x447: {  	v18 =	vtrunc.f32 v18  }
0x448: {  	v18 =	vcvt.f32.s32 v18;
	_ =	sdelay $0x1  }
0x449: {  	v18 =	vadd.s32 $0x3, v18  }
0x44a: {  	vm0 =	vgt.s32 v18, $0x3  }
0x44b: {  	v19 =	vnsel vm0, $0x3, v18  }
0x44c: {  	v21 =	vmin.u32 v19, $0x1869F  }
0x44d: {  	v19 =	vadd.s32 $0xFFFFFFFE, v21  }
0x44e: {  	v22 =	vadd.s32 $0xFFFFFFFD, v21;
	v19 =	vcvt.s32.f32 v19  }
0x44f: {  	v23 =	vcvt.s32.f32 v22  }
0x450: {  	v19 =	vmul.f32 $1.000029990e-05, v19  }
0x451: {  	v23 =	vmul.f32 $1.000029990e-05, v23  }
0x452: {  	v19 =	vmax.f32 v19, $0.0e+00  }
0x453: {  	v23 =	vmax.f32 v23, $0.0e+00;
	v19 =	vmin.f32 v19, $1.000000000e+00  }
0x454: {  	vm1 =	vlt.s32 v18, $0x1869F;
	v18 =	vmin.f32 v23, $1.000000000e+00;
	vm2 =	vge.f32 v20, v19  }
0x455: {  	vm11 =	vlt.f32 v20, v18;
	vm1 =	vmand vm1, vm2  }
0x456: {  	vm0 =	vmand vm0, vm11;
	v23 =	vsel vm1, $0x1, v17  }
0x457: {  	v24 =	vsel vm0, $0xFFFFFFFF, v17;
	v18 =	vadd.s32 v23, v22  }
0x458: {  	v22 =	vadd.s32 v24, v18  }
0x459: {  	v18 =	vadd.s32 $0x1, v22  }
0x45a: {  	v19 =	vcvt.s32.f32 v22;
	v18 =	vcvt.s32.f32 v18;
	_ =	sdelay $0x1  }
0x45b: {  	v19 =	vmul.f32 $1.000029990e-05, v19;
	v18 =	vmul.f32 $1.000029990e-05, v18;
	_ =	sdelay $0x1  }
0x45c: {  	v25 =	vadd.s32 $0xFFFFFFFF, v22;
	v19 =	vmax.f32 v19, $0.0e+00;
	v18 =	vmax.f32 v18, $0.0e+00  }
0x45d: {  	v25 =	vcvt.s32.f32 v25;
	v19 =	vmin.f32 v19, $1.000000000e+00;
	v26 =	vmin.f32 v18, $1.000000000e+00  }
0x45e: {  	v18 =	vsub.f32 v20, v19;
	v26 =	vsub.f32 v26, v20  }
0x45f: {  	v19 =	vmul.f32 $1.000029990e-05, v25  }
0x460: {  	v25 =	vadd.s32 $0xFFFFFFFE, v22;
	v27 =	vadd.f32 v26, v18  }
0x461: {  	v25 =	vcvt.s32.f32 v25;
	v19 =	vmax.f32 v19, $0.0e+00  }
0x462: {  	v19 =	vmin.f32 v19, $1.000000000e+00;
	(erf) = vrcp.f32 v27  }
0x463: {  	v21 =	vadd.s32 v0, v21;
	v32 =	vsub.f32 v20, v19;
	v19 =	vmul.f32 $1.000029990e-05, v25  }
0x464: {  	v21 =	vadd.s32 v23, v21;
	v25 =	vadd.s32 $0x2, v22  }
0x465: {  	s24 =	simm.s32 $0x10;
	v25 =	vcvt.s32.f32 v25;
	v27 =	vadd.f32 v32, v26;
	v19 =	vmax.f32 v19, $0.0e+00  }
0x466: {  	v21 =	vadd.s32 v24, v21;
	v28 =	vmin.f32 v19, $1.000000000e+00;
	v19 =	vld [tilespmem:s24+$0x0]  }
0x467: {  	v25 =	vmul.f32 $1.000029990e-05, v25;
	(erf) = vrcp.f32 v27;
	v27 =	vsub.f32 v20, v28  }
0x468: {  	v37 =	vshll.u32 v21, $0x3  }
0x469: {  	v22 =	vadd.s32 $0x3, v22;
	v23 =	vmax.f32 v25, $0.0e+00;
	v25 =	vadd.f32 v27, v26  }
0x46a: {  	v29 =	vadd.s32 $0xFFFFFFF0, v37;
	v22 =	vcvt.s32.f32 v22  }
0x46b: {  	v33 =	vadd.s32 $0xFFFFFFF2, v37;
	v24 =	vpop (erf);
	(erf) = vrcp.f32 v25;
	v25 =	vmul.f32 $9.999700000e+04, v19  }
0x46c: {  	v56 =	vadd.s32 $0xFFFFFFEA, v37;
	v38 =	vadd.s32 $0xFFFFFFF9, v37;
	v22 =	vmul.f32 $1.000029990e-05, v22  }
0x46d: {  	v41 =	vadd.s32 $0xFFFFFFFA, v37;
	v21 =	vmul.f32 v24, v26;
	v25 =	vtrunc.f32 v25  }
0x46e: {  	v23 =	vmin.f32 v23, $1.000000000e+00;
	v28 =	vmul.f32 v24, v18;
	v24 =	vcvt.f32.s32 v25  }
0x46f: {  	v43 =	vor.u32 $0x1, v37;
	v22 =	vmax.f32 v22, $0.0e+00;
	v23 =	vsub.f32 v23, v20  }
0x470: {  	v44 =	vor.u32 $0x2, v37;
	v22 =	vmin.f32 v22, $1.000000000e+00;
	v24 =	vadd.s32 $0x3, v24  }
0x471: {  	v20 =	vsub.f32 v22, v20;
	v31 =	vadd.f32 v23, v18;
	v30 =	vpop (erf);
	vm12 =	vgt.s32 v24, $0x3  }
0x472: {  	v22 =	vadd.s32 $0xFFFFFFE8, v37;
	v21 =	vmul.f32 v21, v30;
	v57 =	vnsel vm12, $0x3, v24  }
0x473: {  	v45 =	vadd.s32 $0xFFFFFFF8, v37;
	(erf) = vrcp.f32 v31;
	v35 =	vmin.u32 v57, $0x1869F  }
0x474: {  	v58 =	vmul.f32 v21, v32;
	v21 =	vmul.f32 v21, v26;
	v60 =	vadd.s32 $0xFFFFFFFE, v35  }
0x475: {  	v30 =	vadd.f32 v20, v18;
	v31 =	vpop (erf);
	v59 =	vadd.s32 $0xFFFFFFFD, v35;
	v40 =	vcvt.s32.f32 v60  }
0x476: {  	v21 =	vmul.f32 v21, v31;
	v31 =	vadd.s32 $0xFFFFFFE9, v37;
	v61 =	vcvt.s32.f32 v59  }
0x477: {  	v22 =	vld.idx.msk [tilespmem:v22+s10+$0x0], $0xffff;
	(erf) = vrcp.f32 v30;
	v30 =	vadd.f32 v32, v23;
	v40 =	vmul.f32 $1.000029990e-05, v40  }
0x478: {  	v25 =	vadd.s32 $0xFFFFFFF1, v37;
	vm13 =	vlt.s32 v24, $0x1869F;
	v24 =	vmul.f32 $1.000029990e-05, v61  }
0x479: {  	v34 =	vld.idx.msk [tilespmem:v56+s10+$0x0], $0xffff;
	v35 =	vadd.s32 v0, v35;
	(erf) = vrcp.f32 v30;
	v40 =	vmax.f32 v40, $0.0e+00  }
0x47a: {  	v62 =	vmul.f32 v21, v26;
	v24 =	vmax.f32 v24, $0.0e+00;
	v26 =	vmin.f32 v40, $1.000000000e+00  }
0x47b: {  	v21 =	vmul.f32 v21, v27;
	v30 =	vld.idx.msk [tilespmem:v31+s10+$0x0], $0xffff;
	vm14 =	vge.f32 v19, v26;
	v26 =	vmin.f32 v24, $1.000000000e+00  }
0x47c: {  	v24 =	vmul.f32 v62, v22;
	v22 =	vpop (erf);
	vm1 =	vmand vm13, vm14;
	vm15 =	vlt.f32 v19, v26  }
0x47d: {  	v22 =	vmul.f32 v28, v22;
	v31 =	vsel vm1, $0x1, v17;
	vm0 =	vmand vm12, vm15  }
0x47e: {  	v26 =	vmul.f32 v62, v34;
	v63 =	vsel vm0, $0xFFFFFFFF, v17;
	v28 =	vadd.s32 v31, v59  }
0x47f: {  	v48 =	vmul.f32 v22, v23;
	v22 =	vmul.f32 v22, v18;
	v27 =	vadd.s32 v63, v28  }
0x480: {  	v31 =	vadd.s32 v31, v35;
	v28 =	vmul.f32 v62, v30;
	v46 =	vadd.s32 $0x1, v27  }
0x481: {  	v30 =	vpop (erf);
	v49 =	vcvt.s32.f32 v27;
	v50 =	vadd.s32 $0xFFFFFFFE, v27;
	v46 =	vcvt.s32.f32 v46  }
0x482: {  	v36 =	vadd.f32 v48, v58;
	v52 =	vadd.s32 $0x3, v27;
	v30 =	vmul.f32 v22, v30  }
0x483: {  	v22 =	vadd.s32 $0xFFFFFFFF, v27;
	v51 =	vmul.f32 $1.000029990e-05, v49;
	v46 =	vmul.f32 $1.000029990e-05, v46  }
0x484: {  	v56 =	vadd.s32 $0x2, v27;
	v42 =	vcvt.s32.f32 v50;
	v57 =	vcvt.s32.f32 v22  }
0x485: {  	v59 =	vcvt.s32.f32 v56;
	v39 =	vmax.f32 v51, $0.0e+00;
	v54 =	vmax.f32 v46, $0.0e+00  }
0x486: {  	v47 =	vmul.f32 v30, v20;
	v20 =	vmin.f32 v39, $1.000000000e+00;
	v55 =	vmin.f32 v54, $1.000000000e+00  }
0x487: {  	v53 =	vpop (erf);
	v58 =	vld.idx.msk [tilespmem:v29+s10+$0x0], $0xffff;
	v29 =	vcvt.s32.f32 v52;
	v27 =	vsub.f32 v19, v20;
	v22 =	vsub.f32 v55, v19  }
0x488: {  	v25 =	vld.idx.msk [tilespmem:v25+s10+$0x0], $0xffff;
	v31 =	vadd.s32 v63, v31;
	v35 =	vmul.f32 v36, v53;
	v20 =	vmul.f32 $1.000029990e-05, v42  }
0x489: {  	v37 =	vld.idx.msk [tilespmem:v37+s10+$0x0], $0xffff;
	v60 =	vmul.f32 $1.000029990e-05, v57;
	v36 =	vmul.f32 $1.000029990e-05, v59;
	v61 =	vadd.f32 v22, v27  }
0x48a: {  	v48 =	vld.idx.msk [tilespmem:v33+s10+$0x0], $0xffff;
	v23 =	vmul.f32 v35, v23;
	v49 =	vmul.f32 v35, v32;
	v20 =	vmax.f32 v20, $0.0e+00  }
0x48b: {  	v34 =	vld.idx.msk [tilespmem:v44+s10+$0x0], $0xffff;
	v62 =	vmin.f32 v20, $1.000000000e+00;
	v20 =	vmax.f32 v60, $0.0e+00;
	(erf) = vrcp.f32 v61  }
0x48c: {  	v32 =	vld.idx.msk [tilespmem:v38+s10+$0x0], $0xffff;
	v36 =	vmax.f32 v36, $0.0e+00;
	v63 =	vadd.f32 v23, v21;
	v20 =	vmin.f32 v20, $1.000000000e+00  }
0x48d: {  	v33 =	vld.idx.msk [tilespmem:v41+s10+$0x0], $0xffff;
	v21 =	vmin.f32 v36, $1.000000000e+00;
	v38 =	vadd.f32 v49, v47;
	v20 =	vsub.f32 v19, v20  }
0x48e: {  	v36 =	vld.idx.msk [tilespmem:v43+s10+$0x0], $0xffff;
	v21 =	vsub.f32 v21, v19;
	v39 =	vmul.f32 v63, v58;
	v40 =	vmul.f32 v63, v25  }
0x48f: {  	s26 =	simm.s32 $0x80;
	v35 =	vld.idx.msk [tilespmem:v45+s10+$0x0], $0xffff;
	v41 =	vmul.f32 v63, v48;
	v23 =	vsub.f32 v19, v62;
	v42 =	vadd.f32 v20, v22  }
.LBB2_14:
0x490: {  	s28 =	sshra.s32 s26, $0x2;
	p1 =	sne.s32 s26, $0x3D00;
	s26 =	sadd.s32 $0x40, s26;
	v25 =	vshll.u32 v31, $0x3;
	v30 =	vmul.f32 v30, v18;
	v28 =	vadd.f32 v40, v28;
	v18 =	vmovc v27  }
0x491: {  	v27 =	vld [tilespmem:s28+$0x0];
	(erf) = vrcp.f32 v42;
	v31 =	vmul.f32 v38, v32;
	v26 =	vadd.f32 v41, v26  }
0x492: {  	v32 =	vadd.f32 v23, v22;
	v33 =	vmul.f32 v38, v33;
	v34 =	vmul.f32 v30, v34  }
0x493: {  	v40 =	vmul.f32 $1.000029990e-05, v29;
	v24 =	vadd.f32 v39, v24;
	v36 =	vmul.f32 v30, v36  }
0x494: {  	v26 =	vadd.f32 v26, v33;
	v39 =	vpop (erf);
	(erf) = vrcp.f32 v32;
	v32 =	vmul.f32 v38, v35  }
0x495: {  	v29 =	vadd.s32 $0xFFFFFFF0, v25;
	v30 =	vmul.f32 v30, v37;
	v33 =	vmul.f32 v39, v22  }
0x496: {  	v28 =	vadd.f32 v28, v31;
	v26 =	vadd.f32 v26, v34;
	v35 =	vmul.f32 $9.999700000e+04, v27  }
0x497: {  	v31 =	vmax.f32 v40, $0.0e+00;
	v34 =	vmul.f32 v39, v18;
	v24 =	vadd.f32 v24, v32  }
0x498: {  	v31 =	vmin.f32 v31, $1.000000000e+00;
	v28 =	vadd.f32 v28, v36;
	v32 =	vtrunc.f32 v35;
	[tilespmem:s25+$0x3D40] =	vst v26  }
0x499: {  	v31 =	vsub.f32 v31, v19;
	v19 =	vmovc v27;
	v24 =	vadd.f32 v24, v30;
	v26 =	vcvt.f32.s32 v32  }
0x49a: {  	v27 =	vadd.s32 $0xFFFFFFE8, v25;
	v35 =	vadd.s32 $0xFFFFFFF2, v25;
	v32 =	vadd.s32 $0xFFFFFFF1, v25;
	v30 =	vpop (erf);
	[tilespmem:s25+$0x2DF0] =	vst v28  }
0x49b: {  	v26 =	vadd.s32 $0x3, v26;
	v28 =	vmul.f32 v33, v30;
	v30 =	vadd.f32 v31, v18;
	[tilespmem:s25+$0x1EA0] =	vst v24;
	s25 =	smov.u32 s24;
	s24 =	smov.u32 s28  }
0x49c: {  	v24 =	vadd.f32 v21, v18;
	v33 =	vadd.s32 $0xFFFFFFEA, v25;
	vm0 =	vgt.s32 v26, $0x3  }
0x49d: {  	v38 =	vadd.s32 $0xFFFFFFF9, v25;
	v36 =	vnsel vm0, $0x3, v26;
	v37 =	vmul.f32 v28, v20;
	v39 =	vpop (erf)  }
0x49e: {  	v28 =	vmul.f32 v28, v22;
	v36 =	vmin.u32 v36, $0x1869F;
	(erf) = vrcp.f32 v24  }
0x49f: {  	v41 =	vadd.s32 $0xFFFFFFFA, v25;
	v40 =	vadd.s32 $0xFFFFFFFD, v36;
	v24 =	vadd.s32 $0xFFFFFFFE, v36  }
0x4a0: {  	v28 =	vmul.f32 v28, v39;
	v39 =	vadd.s32 $0xFFFFFFE9, v25;
	v24 =	vcvt.s32.f32 v24;
	v27 =	vld.idx.msk [tilespmem:v27+s10+$0x0], $0xffff  }
0x4a1: {  	v43 =	vor.u32 $0x1, v25;
	v44 =	vor.u32 $0x2, v25;
	v42 =	vcvt.s32.f32 v40;
	v33 =	vld.idx.msk [tilespmem:v33+s10+$0x0], $0xffff  }
0x4a2: {  	v45 =	vadd.s32 $0xFFFFFFF8, v25;
	v24 =	vmul.f32 $1.000029990e-05, v24;
	(erf) = vrcp.f32 v30  }
0x4a3: {  	vm1 =	vlt.s32 v26, $0x1869F;
	v26 =	vmul.f32 $1.000029990e-05, v42;
	v30 =	vadd.f32 v20, v21  }
0x4a4: {  	v36 =	vadd.s32 v0, v36;
	v22 =	vmul.f32 v28, v22;
	v24 =	vmax.f32 v24, $0.0e+00  }
0x4a5: {  	v26 =	vmax.f32 v26, $0.0e+00;
	v24 =	vmin.f32 v24, $1.000000000e+00;
	v39 =	vld.idx.msk [tilespmem:v39+s10+$0x0], $0xffff;
	(erf) = vrcp.f32 v30  }
0x4a6: {  	v26 =	vmin.f32 v26, $1.000000000e+00;
	vm2 =	vge.f32 v19, v24;
	v24 =	vmul.f32 v22, v27  }
0x4a7: {  	vm1 =	vmand vm1, vm2;
	vm2 =	vlt.f32 v19, v26;
	v26 =	vmul.f32 v22, v33;
	v27 =	vpop (erf)  }
0x4a8: {  	v33 =	vsel vm1, $0x1, v17;
	vm0 =	vmand vm0, vm2;
	v27 =	vmul.f32 v34, v27  }
0x4a9: {  	v23 =	vmul.f32 v28, v23;
	v34 =	vsel vm0, $0xFFFFFFFF, v17;
	v30 =	vadd.s32 v33, v40  }
0x4aa: {  	v40 =	vadd.s32 v34, v30;
	v30 =	vmul.f32 v27, v21;
	v27 =	vmul.f32 v27, v18  }
0x4ab: {  	v28 =	vmul.f32 v22, v39;
	v42 =	vcvt.s32.f32 v40;
	v46 =	vadd.s32 $0x1, v40;
	v22 =	vpop (erf)  }
0x4ac: {  	v39 =	vadd.s32 $0xFFFFFFFE, v40;
	v46 =	vcvt.s32.f32 v46;
	v37 =	vadd.f32 v30, v37  }
0x4ad: {  	v47 =	vadd.s32 $0x3, v40;
	v30 =	vmul.f32 v27, v22;
	v42 =	vmul.f32 $1.000029990e-05, v42  }
0x4ae: {  	v33 =	vadd.s32 v33, v36;
	v22 =	vadd.s32 $0xFFFFFFFF, v40;
	v27 =	vmul.f32 $1.000029990e-05, v46;
	v36 =	vpop (erf)  }
0x4af: {  	v39 =	vcvt.s32.f32 v39;
	v46 =	vmul.f32 v30, v31;
	v42 =	vmax.f32 v42, $0.0e+00  }
0x4b0: {  	v36 =	vmul.f32 v37, v36;
	v31 =	vmin.f32 v42, $1.000000000e+00;
	v27 =	vmax.f32 v27, $0.0e+00  }
0x4b1: {  	v40 =	vadd.s32 $0x2, v40;
	v37 =	vmin.f32 v27, $1.000000000e+00;
	v27 =	vsub.f32 v19, v31  }
0x4b2: {  	v39 =	vmul.f32 $1.000029990e-05, v39;
	v42 =	vcvt.s32.f32 v22;
	v22 =	vsub.f32 v37, v19;
	v37 =	vld.idx.msk [tilespmem:v29+s10+$0x0], $0xffff  }
0x4b3: {  	v40 =	vcvt.s32.f32 v40;
	v31 =	vadd.s32 v34, v33;
	v29 =	vcvt.s32.f32 v47;
	v47 =	vld.idx.msk [tilespmem:v32+s10+$0x0], $0xffff  }
0x4b4: {  	v21 =	vmul.f32 v36, v21;
	v33 =	vmul.f32 $1.000029990e-05, v42;
	v34 =	vadd.f32 v22, v27;
	v48 =	vld.idx.msk [tilespmem:v35+s10+$0x0], $0xffff  }
0x4b5: {  	v49 =	vmul.f32 v36, v20;
	v35 =	vmax.f32 v39, $0.0e+00;
	v39 =	vmul.f32 $1.000029990e-05, v40;
	v32 =	vld.idx.msk [tilespmem:v38+s10+$0x0], $0xffff  }
.Ltmp6:
0x4b6: {  	v20 =	vmax.f32 v33, $0.0e+00;
	v35 =	vmin.f32 v35, $1.000000000e+00;
	(erf) = vrcp.f32 v34;
	v33 =	vld.idx.msk [tilespmem:v41+s10+$0x0], $0xffff;
	(pc) =	sbr.rel @p1 .LBB2_14-.Ltmp6, $4  }
0x4b7: {  	v20 =	vmin.f32 v20, $1.000000000e+00;
	v36 =	vmax.f32 v39, $0.0e+00;
	v41 =	vadd.f32 v21, v23;
	v34 =	vld.idx.msk [tilespmem:v44+s10+$0x0], $0xffff  }
0x4b8: {  	v20 =	vsub.f32 v19, v20;
	v23 =	vsub.f32 v19, v35;
	v21 =	vmin.f32 v36, $1.000000000e+00;
	v36 =	vld.idx.msk [tilespmem:v43+s10+$0x0], $0xffff  }
0x4b9: {  	v21 =	vsub.f32 v21, v19;
	v39 =	vmul.f32 v41, v37;
	v40 =	vmul.f32 v41, v47;
	v35 =	vld.idx.msk [tilespmem:v45+s10+$0x0], $0xffff  }
0x4ba: {  	v38 =	vadd.f32 v49, v46;
	v42 =	vadd.f32 v20, v22;
	v41 =	vmul.f32 v41, v48;
	v37 =	vld.idx.msk [tilespmem:v25+s10+$0x0], $0xffff  }
0x4bb: {  	v25 =	vadd.f32 v23, v22;
	v29 =	vmul.f32 $1.000029990e-05, v29  }
0x4bc: {  	v63 =	vadd.f32 v21, v27;
	(erf) = vrcp.f32 v42  }
0x4bd: {  	(erf) = vrcp.f32 v25;
	v25 =	vmax.f32 v29, $0.0e+00  }
0x4be: {  	v18 =	vmul.f32 v30, v18;
	v25 =	vmin.f32 v25, $1.000000000e+00;
	(erf) = vrcp.f32 v63  }
0x4bf: {  	v26 =	vadd.f32 v41, v26;
	v30 =	vmul.f32 v38, v33;
	v19 =	vsub.f32 v25, v19  }
0x4c0: {  	v28 =	vadd.f32 v40, v28;
	v24 =	vadd.f32 v39, v24;
	v29 =	vshll.u32 v31, $0x3  }
0x4c1: {  	v31 =	vmul.f32 v18, v34;
	v26 =	vadd.f32 v26, v30;
	v41 =	vadd.f32 v19, v27  }
0x4c2: {  	v44 =	vadd.f32 v20, v21;
	v42 =	vmul.f32 v18, v36;
	v25 =	vmul.f32 v38, v32  }
0x4c3: {  	v35 =	vmul.f32 v38, v35;
	v43 =	vpop (erf);
	v26 =	vadd.f32 v26, v31;
	(erf) = vrcp.f32 v41  }
0x4c4: {  	v46 =	vadd.s32 $0xFFFFFFEA, v29;
	v25 =	vadd.f32 v28, v25;
	(erf) = vrcp.f32 v44  }
0x4c5: {  	v18 =	vmul.f32 v18, v37;
	v24 =	vadd.f32 v24, v35;
	v31 =	vadd.s32 $0xFFFFFFE8, v29;
	v28 =	vpop (erf)  }
0x4c6: {  	v30 =	vmul.f32 v43, v22;
	v34 =	vmul.f32 v43, v27;
	v25 =	vadd.f32 v25, v42;
	v45 =	vpop (erf)  }
0x4c7: {  	v47 =	vadd.s32 $0xFFFFFFF0, v29;
	[tilespmem:s25+$0x3D40] =	vst v26;
	v18 =	vadd.f32 v24, v18;
	v26 =	vpop (erf)  }
0x4c8: {  	v48 =	vadd.s32 $0xFFFFFFF9, v29;
	[tilespmem:s25+$0x2DF0] =	vst v25;
	v25 =	vmul.f32 v30, v28;
	v26 =	vmul.f32 v34, v26  }
0x4c9: {  	v24 =	vadd.s32 $0xFFFFFFE9, v29;
	[tilespmem:s25+$0x1EA0] =	vst v18  }
0x4ca: {  	v18 =	vadd.s32 $0xFFFFFFF2, v29;
	v31 =	vld.idx.msk [tilespmem:v31+s10+$0x0], $0xffff;
	v30 =	vmul.f32 v25, v20;
	v34 =	vmul.f32 v26, v21  }
0x4cb: {  	v28 =	vadd.s32 $0xFFFFFFF1, v29;
	v33 =	vld.idx.msk [tilespmem:v46+s10+$0x0], $0xffff;
	v25 =	vmul.f32 v25, v22  }
0x4cc: {  	v49 =	vadd.s32 $0xFFFFFFFA, v29;
	v35 =	vld.idx.msk [tilespmem:v47+s10+$0x0], $0xffff;
	v50 =	vpop (erf);
	v30 =	vadd.f32 v34, v30  }
0x4cd: {  	v53 =	vadd.s32 $0xFFFFFFF8, v29;
	v36 =	vld.idx.msk [tilespmem:v48+s10+$0x0], $0xffff;
	v25 =	vmul.f32 v25, v45;
	v52 =	vpop (erf)  }
0x4ce: {  	v51 =	vor.u32 $0x2, v29;
	v24 =	vld.idx.msk [tilespmem:v24+s10+$0x0], $0xffff;
	v26 =	vmul.f32 v26, v27;
	v30 =	vmul.f32 v30, v52  }
0x4cf: {  	v54 =	vor.u32 $0x1, v29;
	v18 =	vld.idx.msk [tilespmem:v18+s10+$0x0], $0xffff;
	v23 =	vmul.f32 v25, v23  }
0x4d0: {  	v28 =	vld.idx.msk [tilespmem:v28+s10+$0x0], $0xffff;
	v26 =	vmul.f32 v26, v50;
	v21 =	vmul.f32 v30, v21  }
0x4d1: {  	v22 =	vmul.f32 v25, v22;
	v25 =	vld.idx.msk [tilespmem:v49+s10+$0x0], $0xffff  }
0x4d2: {  	v55 =	vld.idx.msk [tilespmem:v53+s10+$0x0], $0xffff;
	v19 =	vmul.f32 v26, v19;
	v20 =	vmul.f32 v30, v20;
	v21 =	vadd.f32 v21, v23  }
0x4d3: {  	v30 =	vmul.f32 v22, v31;
	v31 =	vmul.f32 v22, v33;
	v23 =	vld.idx.msk [tilespmem:v51+s10+$0x0], $0xffff  }
0x4d4: {  	v22 =	vmul.f32 v22, v24;
	v24 =	vld.idx.msk [tilespmem:v54+s10+$0x0], $0xffff;
	v19 =	vadd.f32 v20, v19;
	v18 =	vmul.f32 v21, v18  }
0x4d5: {  	v20 =	vmul.f32 v21, v28;
	v28 =	vld.idx.msk [tilespmem:v29+s10+$0x0], $0xffff;
	v21 =	vmul.f32 v21, v35  }
0x4d6: {  	v26 =	vmul.f32 v26, v27;
	v25 =	vmul.f32 v19, v25;
	v18 =	vadd.f32 v18, v31  }
0x4d7: {  	v20 =	vadd.f32 v20, v22;
	v22 =	vmul.f32 v19, v36;
	v21 =	vadd.f32 v21, v30  }
0x4d8: {  	v19 =	vmul.f32 v19, v55;
	v23 =	vmul.f32 v26, v23;
	v18 =	vadd.f32 v18, v25  }
0x4d9: {  	v24 =	vmul.f32 v26, v24;
	v20 =	vadd.f32 v20, v22  }
0x4da: {  	v19 =	vadd.f32 v21, v19;
	v22 =	vmul.f32 v26, v28;
	v18 =	vadd.f32 v18, v23  }
0x4db: {  	v20 =	vadd.f32 v20, v24  }
0x4dc: {  	[tilespmem:s24+$0x3D40] =	vst v18;
	v18 =	vadd.f32 v19, v22  }
0x4dd: {  	[tilespmem:s24+$0x2DF0] =	vst v20  }
0x4de: {  	s28 =	simm.s32 $0x0;
	[tilespmem:s24+$0x1EA0] =	vst v18  }
0x4df: {  	[hbm4b:s31+s28] =	stream.linear.scatter [tilespmem:s14], [sflag:$0x3], $0xF50, $0x38;
	[tilespmem:$0xDDC0] =	vst v63  }
0x4e0: {  	_ = 	snop  }
0x4e1: {  	[hbm4b:s1+s28] =	stream.linear.scatter [tilespmem:s15], [sflag:$0x3], $0xF50, $0x38;
	[tilespmem:$0xDDC0] =	vst v63  }
0x4e2: {  	_ = 	snop  }
0x4e3: {  	[hbm4b:s0+s28] =	stream.linear.scatter [tilespmem:s16], [sflag:$0x3], $0xF50, $0x38;
	[tilespmem:$0xDDC0] =	vst v63  }
0x4e4: {  	_ =	swait.ge [sflag:s17], $0xF50  }
0x4e5: {  	[sflag:s17] =	ssyncset.done $0x0  }
0x4e6: {  	[sflag:s17] =	ssyncadd.s32 $0xFFFFF0B0  }
0x4e7: {  	_ =	swait.ge [sflag:s22], $0xF50  }
0x4e8: {  	[sflag:s22] =	ssyncset.done $0x0  }
0x4e9: {  	[sflag:s22] =	ssyncadd.s32 $0xFFFFF0B0  }
0x4ea: {  	_ =	swait.ge [sflag:s22], $0xF50  }
0x4eb: {  	[sflag:s22] =	ssyncset.done $0x0  }
0x4ec: {  	[sflag:s22] =	ssyncadd.s32 $0xFFFFF0B0  }
0x4ed: {  	_ =	swait.ge [sflag:s22], $0xF50  }
0x4ee: {  	[sflag:s22] =	ssyncset.done $0x0  }
0x4ef: {  	s25 =	simm.s32 $0x0;
	[sflag:s22] =	ssyncadd.s32 $0xFFFFF0B0  }
0x4f0: {  	v20 =	vld [tilespmem:s25+$0xF50];
	_ =	sdelay $0x4  }
0x4f1: {  	v18 =	vmul.f32 $9.999700000e+04, v20;
	_ =	sdelay $0x1  }
0x4f2: {  	v18 =	vtrunc.f32 v18  }
0x4f3: {  	v18 =	vcvt.f32.s32 v18;
	_ =	sdelay $0x1  }
0x4f4: {  	v18 =	vadd.s32 $0x3, v18  }
0x4f5: {  	vm0 =	vgt.s32 v18, $0x3  }
0x4f6: {  	v19 =	vnsel vm0, $0x3, v18  }
0x4f7: {  	v21 =	vmin.u32 v19, $0x1869F  }
0x4f8: {  	v19 =	vadd.s32 $0xFFFFFFFE, v21  }
0x4f9: {  	v22 =	vadd.s32 $0xFFFFFFFD, v21;
	v19 =	vcvt.s32.f32 v19  }
0x4fa: {  	v23 =	vcvt.s32.f32 v22  }
0x4fb: {  	v19 =	vmul.f32 $1.000029990e-05, v19  }
0x4fc: {  	v23 =	vmul.f32 $1.000029990e-05, v23  }
0x4fd: {  	v19 =	vmax.f32 v19, $0.0e+00  }
0x4fe: {  	v23 =	vmax.f32 v23, $0.0e+00;
	v19 =	vmin.f32 v19, $1.000000000e+00  }
0x4ff: {  	vm1 =	vlt.s32 v18, $0x1869F;
	v18 =	vmin.f32 v23, $1.000000000e+00;
	vm2 =	vge.f32 v20, v19  }
0x500: {  	vm11 =	vlt.f32 v20, v18;
	vm1 =	vmand vm1, vm2  }
0x501: {  	vm0 =	vmand vm0, vm11;
	v23 =	vsel vm1, $0x1, v17  }
0x502: {  	v24 =	vsel vm0, $0xFFFFFFFF, v17;
	v18 =	vadd.s32 v23, v22  }
0x503: {  	v22 =	vadd.s32 v24, v18  }
0x504: {  	v18 =	vadd.s32 $0x1, v22  }
0x505: {  	v19 =	vcvt.s32.f32 v22;
	v18 =	vcvt.s32.f32 v18;
	_ =	sdelay $0x1  }
0x506: {  	v19 =	vmul.f32 $1.000029990e-05, v19;
	v18 =	vmul.f32 $1.000029990e-05, v18;
	_ =	sdelay $0x1  }
0x507: {  	v25 =	vadd.s32 $0xFFFFFFFF, v22;
	v19 =	vmax.f32 v19, $0.0e+00;
	v18 =	vmax.f32 v18, $0.0e+00  }
0x508: {  	v25 =	vcvt.s32.f32 v25;
	v19 =	vmin.f32 v19, $1.000000000e+00;
	v26 =	vmin.f32 v18, $1.000000000e+00  }
0x509: {  	v18 =	vsub.f32 v20, v19;
	v26 =	vsub.f32 v26, v20  }
0x50a: {  	v19 =	vmul.f32 $1.000029990e-05, v25  }
0x50b: {  	v25 =	vadd.s32 $0xFFFFFFFE, v22;
	v27 =	vadd.f32 v26, v18  }
0x50c: {  	v25 =	vcvt.s32.f32 v25;
	v19 =	vmax.f32 v19, $0.0e+00  }
0x50d: {  	v19 =	vmin.f32 v19, $1.000000000e+00;
	(erf) = vrcp.f32 v27  }
0x50e: {  	v21 =	vadd.s32 v0, v21;
	v32 =	vsub.f32 v20, v19;
	v19 =	vmul.f32 $1.000029990e-05, v25  }
0x50f: {  	v21 =	vadd.s32 v23, v21;
	v25 =	vadd.s32 $0x2, v22  }
0x510: {  	s24 =	simm.s32 $0x10;
	v25 =	vcvt.s32.f32 v25;
	v27 =	vadd.f32 v32, v26;
	v19 =	vmax.f32 v19, $0.0e+00  }
0x511: {  	v21 =	vadd.s32 v24, v21;
	v28 =	vmin.f32 v19, $1.000000000e+00;
	v19 =	vld [tilespmem:s24+$0xF50]  }
0x512: {  	v25 =	vmul.f32 $1.000029990e-05, v25;
	(erf) = vrcp.f32 v27;
	v27 =	vsub.f32 v20, v28  }
0x513: {  	v37 =	vshll.u32 v21, $0x3  }
0x514: {  	v22 =	vadd.s32 $0x3, v22;
	v23 =	vmax.f32 v25, $0.0e+00;
	v25 =	vadd.f32 v27, v26  }
0x515: {  	v29 =	vadd.s32 $0xFFFFFFF0, v37;
	v22 =	vcvt.s32.f32 v22  }
0x516: {  	v33 =	vadd.s32 $0xFFFFFFF2, v37;
	v24 =	vpop (erf);
	(erf) = vrcp.f32 v25;
	v25 =	vmul.f32 $9.999700000e+04, v19  }
0x517: {  	v56 =	vadd.s32 $0xFFFFFFEA, v37;
	v38 =	vadd.s32 $0xFFFFFFF9, v37;
	v22 =	vmul.f32 $1.000029990e-05, v22  }
0x518: {  	v41 =	vadd.s32 $0xFFFFFFFA, v37;
	v21 =	vmul.f32 v24, v26;
	v25 =	vtrunc.f32 v25  }
0x519: {  	v23 =	vmin.f32 v23, $1.000000000e+00;
	v28 =	vmul.f32 v24, v18;
	v24 =	vcvt.f32.s32 v25  }
0x51a: {  	v43 =	vor.u32 $0x1, v37;
	v22 =	vmax.f32 v22, $0.0e+00;
	v23 =	vsub.f32 v23, v20  }
0x51b: {  	v44 =	vor.u32 $0x2, v37;
	v22 =	vmin.f32 v22, $1.000000000e+00;
	v24 =	vadd.s32 $0x3, v24  }
0x51c: {  	v20 =	vsub.f32 v22, v20;
	v31 =	vadd.f32 v23, v18;
	v30 =	vpop (erf);
	vm12 =	vgt.s32 v24, $0x3  }
0x51d: {  	v22 =	vadd.s32 $0xFFFFFFE8, v37;
	v21 =	vmul.f32 v21, v30;
	v57 =	vnsel vm12, $0x3, v24  }
0x51e: {  	v45 =	vadd.s32 $0xFFFFFFF8, v37;
	(erf) = vrcp.f32 v31;
	v35 =	vmin.u32 v57, $0x1869F  }
0x51f: {  	v58 =	vmul.f32 v21, v32;
	v21 =	vmul.f32 v21, v26;
	v60 =	vadd.s32 $0xFFFFFFFE, v35  }
0x520: {  	v30 =	vadd.f32 v20, v18;
	v31 =	vpop (erf);
	v59 =	vadd.s32 $0xFFFFFFFD, v35;
	v40 =	vcvt.s32.f32 v60  }
0x521: {  	v21 =	vmul.f32 v21, v31;
	v31 =	vadd.s32 $0xFFFFFFE9, v37;
	v61 =	vcvt.s32.f32 v59  }
0x522: {  	v22 =	vld.idx.msk [tilespmem:v22+s10+$0x0], $0xffff;
	(erf) = vrcp.f32 v30;
	v30 =	vadd.f32 v32, v23;
	v40 =	vmul.f32 $1.000029990e-05, v40  }
0x523: {  	v25 =	vadd.s32 $0xFFFFFFF1, v37;
	vm13 =	vlt.s32 v24, $0x1869F;
	v24 =	vmul.f32 $1.000029990e-05, v61  }
0x524: {  	v34 =	vld.idx.msk [tilespmem:v56+s10+$0x0], $0xffff;
	v35 =	vadd.s32 v0, v35;
	(erf) = vrcp.f32 v30;
	v40 =	vmax.f32 v40, $0.0e+00  }
0x525: {  	v62 =	vmul.f32 v21, v26;
	v24 =	vmax.f32 v24, $0.0e+00;
	v26 =	vmin.f32 v40, $1.000000000e+00  }
0x526: {  	v21 =	vmul.f32 v21, v27;
	v30 =	vld.idx.msk [tilespmem:v31+s10+$0x0], $0xffff;
	vm14 =	vge.f32 v19, v26;
	v26 =	vmin.f32 v24, $1.000000000e+00  }
0x527: {  	v24 =	vmul.f32 v62, v22;
	v22 =	vpop (erf);
	vm1 =	vmand vm13, vm14;
	vm15 =	vlt.f32 v19, v26  }
0x528: {  	v22 =	vmul.f32 v28, v22;
	v31 =	vsel vm1, $0x1, v17;
	vm0 =	vmand vm12, vm15  }
0x529: {  	v26 =	vmul.f32 v62, v34;
	v63 =	vsel vm0, $0xFFFFFFFF, v17;
	v28 =	vadd.s32 v31, v59  }
0x52a: {  	v48 =	vmul.f32 v22, v23;
	v22 =	vmul.f32 v22, v18;
	v27 =	vadd.s32 v63, v28  }
0x52b: {  	v31 =	vadd.s32 v31, v35;
	v28 =	vmul.f32 v62, v30;
	v46 =	vadd.s32 $0x1, v27  }
0x52c: {  	v30 =	vpop (erf);
	v49 =	vcvt.s32.f32 v27;
	v50 =	vadd.s32 $0xFFFFFFFE, v27;
	v46 =	vcvt.s32.f32 v46  }
0x52d: {  	v36 =	vadd.f32 v48, v58;
	v52 =	vadd.s32 $0x3, v27;
	v30 =	vmul.f32 v22, v30  }
0x52e: {  	v22 =	vadd.s32 $0xFFFFFFFF, v27;
	v51 =	vmul.f32 $1.000029990e-05, v49;
	v46 =	vmul.f32 $1.000029990e-05, v46  }
0x52f: {  	v56 =	vadd.s32 $0x2, v27;
	v42 =	vcvt.s32.f32 v50;
	v57 =	vcvt.s32.f32 v22  }
0x530: {  	v59 =	vcvt.s32.f32 v56;
	v39 =	vmax.f32 v51, $0.0e+00;
	v54 =	vmax.f32 v46, $0.0e+00  }
0x531: {  	v47 =	vmul.f32 v30, v20;
	v20 =	vmin.f32 v39, $1.000000000e+00;
	v55 =	vmin.f32 v54, $1.000000000e+00  }
0x532: {  	v53 =	vpop (erf);
	v58 =	vld.idx.msk [tilespmem:v29+s10+$0x0], $0xffff;
	v29 =	vcvt.s32.f32 v52;
	v27 =	vsub.f32 v19, v20;
	v22 =	vsub.f32 v55, v19  }
0x533: {  	v25 =	vld.idx.msk [tilespmem:v25+s10+$0x0], $0xffff;
	v31 =	vadd.s32 v63, v31;
	v35 =	vmul.f32 v36, v53;
	v20 =	vmul.f32 $1.000029990e-05, v42  }
0x534: {  	v37 =	vld.idx.msk [tilespmem:v37+s10+$0x0], $0xffff;
	v60 =	vmul.f32 $1.000029990e-05, v57;
	v36 =	vmul.f32 $1.000029990e-05, v59;
	v61 =	vadd.f32 v22, v27  }
0x535: {  	v48 =	vld.idx.msk [tilespmem:v33+s10+$0x0], $0xffff;
	v23 =	vmul.f32 v35, v23;
	v49 =	vmul.f32 v35, v32;
	v20 =	vmax.f32 v20, $0.0e+00  }
0x536: {  	v34 =	vld.idx.msk [tilespmem:v44+s10+$0x0], $0xffff;
	v62 =	vmin.f32 v20, $1.000000000e+00;
	v20 =	vmax.f32 v60, $0.0e+00;
	(erf) = vrcp.f32 v61  }
0x537: {  	v32 =	vld.idx.msk [tilespmem:v38+s10+$0x0], $0xffff;
	v36 =	vmax.f32 v36, $0.0e+00;
	v63 =	vadd.f32 v23, v21;
	v20 =	vmin.f32 v20, $1.000000000e+00  }
0x538: {  	v33 =	vld.idx.msk [tilespmem:v41+s10+$0x0], $0xffff;
	v21 =	vmin.f32 v36, $1.000000000e+00;
	v38 =	vadd.f32 v49, v47;
	v20 =	vsub.f32 v19, v20  }
0x539: {  	v36 =	vld.idx.msk [tilespmem:v43+s10+$0x0], $0xffff;
	v21 =	vsub.f32 v21, v19;
	v39 =	vmul.f32 v63, v58;
	v40 =	vmul.f32 v63, v25  }
0x53a: {  	s26 =	simm.s32 $0x80;
	v35 =	vld.idx.msk [tilespmem:v45+s10+$0x0], $0xffff;
	v41 =	vmul.f32 v63, v48;
	v23 =	vsub.f32 v19, v62;
	v42 =	vadd.f32 v20, v22  }
.LBB2_16:
0x53b: {  	s28 =	sshra.s32 s26, $0x2;
	p1 =	sne.s32 s26, $0x3D00;
	s26 =	sadd.s32 $0x40, s26;
	v25 =	vshll.u32 v31, $0x3;
	v30 =	vmul.f32 v30, v18;
	v28 =	vadd.f32 v40, v28;
	v18 =	vmovc v27  }
0x53c: {  	v27 =	vld [tilespmem:s28+$0xF50];
	(erf) = vrcp.f32 v42;
	v31 =	vmul.f32 v38, v32;
	v26 =	vadd.f32 v41, v26  }
0x53d: {  	v32 =	vadd.f32 v23, v22;
	v33 =	vmul.f32 v38, v33;
	v34 =	vmul.f32 v30, v34  }
0x53e: {  	v40 =	vmul.f32 $1.000029990e-05, v29;
	v24 =	vadd.f32 v39, v24;
	v36 =	vmul.f32 v30, v36  }
0x53f: {  	v26 =	vadd.f32 v26, v33;
	v39 =	vpop (erf);
	(erf) = vrcp.f32 v32;
	v32 =	vmul.f32 v38, v35  }
0x540: {  	v29 =	vadd.s32 $0xFFFFFFF0, v25;
	v30 =	vmul.f32 v30, v37;
	v33 =	vmul.f32 v39, v22  }
0x541: {  	v28 =	vadd.f32 v28, v31;
	v26 =	vadd.f32 v26, v34;
	v35 =	vmul.f32 $9.999700000e+04, v27  }
0x542: {  	v31 =	vmax.f32 v40, $0.0e+00;
	v34 =	vmul.f32 v39, v18;
	v24 =	vadd.f32 v24, v32  }
0x543: {  	v31 =	vmin.f32 v31, $1.000000000e+00;
	v28 =	vadd.f32 v28, v36;
	v32 =	vtrunc.f32 v35;
	[tilespmem:s25+$0x6B30] =	vst v26  }
0x544: {  	v31 =	vsub.f32 v31, v19;
	v19 =	vmovc v27;
	v24 =	vadd.f32 v24, v30;
	v26 =	vcvt.f32.s32 v32  }
0x545: {  	v27 =	vadd.s32 $0xFFFFFFE8, v25;
	v35 =	vadd.s32 $0xFFFFFFF2, v25;
	v32 =	vadd.s32 $0xFFFFFFF1, v25;
	v30 =	vpop (erf);
	[tilespmem:s25+$0x5BE0] =	vst v28  }
0x546: {  	v26 =	vadd.s32 $0x3, v26;
	v28 =	vmul.f32 v33, v30;
	v30 =	vadd.f32 v31, v18;
	[tilespmem:s25+$0x4C90] =	vst v24;
	s25 =	smov.u32 s24;
	s24 =	smov.u32 s28  }
0x547: {  	v24 =	vadd.f32 v21, v18;
	v33 =	vadd.s32 $0xFFFFFFEA, v25;
	vm0 =	vgt.s32 v26, $0x3  }
0x548: {  	v38 =	vadd.s32 $0xFFFFFFF9, v25;
	v36 =	vnsel vm0, $0x3, v26;
	v37 =	vmul.f32 v28, v20;
	v39 =	vpop (erf)  }
0x549: {  	v28 =	vmul.f32 v28, v22;
	v36 =	vmin.u32 v36, $0x1869F;
	(erf) = vrcp.f32 v24  }
0x54a: {  	v41 =	vadd.s32 $0xFFFFFFFA, v25;
	v40 =	vadd.s32 $0xFFFFFFFD, v36;
	v24 =	vadd.s32 $0xFFFFFFFE, v36  }
0x54b: {  	v28 =	vmul.f32 v28, v39;
	v39 =	vadd.s32 $0xFFFFFFE9, v25;
	v24 =	vcvt.s32.f32 v24;
	v27 =	vld.idx.msk [tilespmem:v27+s10+$0x0], $0xffff  }
0x54c: {  	v43 =	vor.u32 $0x1, v25;
	v44 =	vor.u32 $0x2, v25;
	v42 =	vcvt.s32.f32 v40;
	v33 =	vld.idx.msk [tilespmem:v33+s10+$0x0], $0xffff  }
0x54d: {  	v45 =	vadd.s32 $0xFFFFFFF8, v25;
	v24 =	vmul.f32 $1.000029990e-05, v24;
	(erf) = vrcp.f32 v30  }
0x54e: {  	vm1 =	vlt.s32 v26, $0x1869F;
	v26 =	vmul.f32 $1.000029990e-05, v42;
	v30 =	vadd.f32 v20, v21  }
0x54f: {  	v36 =	vadd.s32 v0, v36;
	v22 =	vmul.f32 v28, v22;
	v24 =	vmax.f32 v24, $0.0e+00  }
0x550: {  	v26 =	vmax.f32 v26, $0.0e+00;
	v24 =	vmin.f32 v24, $1.000000000e+00;
	v39 =	vld.idx.msk [tilespmem:v39+s10+$0x0], $0xffff;
	(erf) = vrcp.f32 v30  }
0x551: {  	v26 =	vmin.f32 v26, $1.000000000e+00;
	vm2 =	vge.f32 v19, v24;
	v24 =	vmul.f32 v22, v27  }
0x552: {  	vm1 =	vmand vm1, vm2;
	vm2 =	vlt.f32 v19, v26;
	v26 =	vmul.f32 v22, v33;
	v27 =	vpop (erf)  }
0x553: {  	v33 =	vsel vm1, $0x1, v17;
	vm0 =	vmand vm0, vm2;
	v27 =	vmul.f32 v34, v27  }
0x554: {  	v23 =	vmul.f32 v28, v23;
	v34 =	vsel vm0, $0xFFFFFFFF, v17;
	v30 =	vadd.s32 v33, v40  }
0x555: {  	v40 =	vadd.s32 v34, v30;
	v30 =	vmul.f32 v27, v21;
	v27 =	vmul.f32 v27, v18  }
0x556: {  	v28 =	vmul.f32 v22, v39;
	v42 =	vcvt.s32.f32 v40;
	v46 =	vadd.s32 $0x1, v40;
	v22 =	vpop (erf)  }
0x557: {  	v39 =	vadd.s32 $0xFFFFFFFE, v40;
	v46 =	vcvt.s32.f32 v46;
	v37 =	vadd.f32 v30, v37  }
0x558: {  	v47 =	vadd.s32 $0x3, v40;
	v30 =	vmul.f32 v27, v22;
	v42 =	vmul.f32 $1.000029990e-05, v42  }
0x559: {  	v33 =	vadd.s32 v33, v36;
	v22 =	vadd.s32 $0xFFFFFFFF, v40;
	v27 =	vmul.f32 $1.000029990e-05, v46;
	v36 =	vpop (erf)  }
0x55a: {  	v39 =	vcvt.s32.f32 v39;
	v46 =	vmul.f32 v30, v31;
	v42 =	vmax.f32 v42, $0.0e+00  }
0x55b: {  	v36 =	vmul.f32 v37, v36;
	v31 =	vmin.f32 v42, $1.000000000e+00;
	v27 =	vmax.f32 v27, $0.0e+00  }
0x55c: {  	v40 =	vadd.s32 $0x2, v40;
	v37 =	vmin.f32 v27, $1.000000000e+00;
	v27 =	vsub.f32 v19, v31  }
0x55d: {  	v39 =	vmul.f32 $1.000029990e-05, v39;
	v42 =	vcvt.s32.f32 v22;
	v22 =	vsub.f32 v37, v19;
	v37 =	vld.idx.msk [tilespmem:v29+s10+$0x0], $0xffff  }
0x55e: {  	v40 =	vcvt.s32.f32 v40;
	v31 =	vadd.s32 v34, v33;
	v29 =	vcvt.s32.f32 v47;
	v47 =	vld.idx.msk [tilespmem:v32+s10+$0x0], $0xffff  }
0x55f: {  	v21 =	vmul.f32 v36, v21;
	v33 =	vmul.f32 $1.000029990e-05, v42;
	v34 =	vadd.f32 v22, v27;
	v48 =	vld.idx.msk [tilespmem:v35+s10+$0x0], $0xffff  }
0x560: {  	v49 =	vmul.f32 v36, v20;
	v35 =	vmax.f32 v39, $0.0e+00;
	v39 =	vmul.f32 $1.000029990e-05, v40;
	v32 =	vld.idx.msk [tilespmem:v38+s10+$0x0], $0xffff  }
.Ltmp7:
0x561: {  	v20 =	vmax.f32 v33, $0.0e+00;
	v35 =	vmin.f32 v35, $1.000000000e+00;
	(erf) = vrcp.f32 v34;
	v33 =	vld.idx.msk [tilespmem:v41+s10+$0x0], $0xffff;
	(pc) =	sbr.rel @p1 .LBB2_16-.Ltmp7, $4  }
0x562: {  	v20 =	vmin.f32 v20, $1.000000000e+00;
	v36 =	vmax.f32 v39, $0.0e+00;
	v41 =	vadd.f32 v21, v23;
	v34 =	vld.idx.msk [tilespmem:v44+s10+$0x0], $0xffff  }
0x563: {  	v20 =	vsub.f32 v19, v20;
	v23 =	vsub.f32 v19, v35;
	v21 =	vmin.f32 v36, $1.000000000e+00;
	v36 =	vld.idx.msk [tilespmem:v43+s10+$0x0], $0xffff  }
0x564: {  	v21 =	vsub.f32 v21, v19;
	v39 =	vmul.f32 v41, v37;
	v40 =	vmul.f32 v41, v47;
	v35 =	vld.idx.msk [tilespmem:v45+s10+$0x0], $0xffff  }
0x565: {  	v38 =	vadd.f32 v49, v46;
	v42 =	vadd.f32 v20, v22;
	v41 =	vmul.f32 v41, v48;
	v37 =	vld.idx.msk [tilespmem:v25+s10+$0x0], $0xffff  }
0x566: {  	v25 =	vadd.f32 v23, v22;
	v29 =	vmul.f32 $1.000029990e-05, v29  }
0x567: {  	v49 =	vadd.f32 v21, v27;
	(erf) = vrcp.f32 v42  }
0x568: {  	(erf) = vrcp.f32 v25;
	v50 =	vmax.f32 v29, $0.0e+00  }
0x569: {  	v28 =	vadd.f32 v40, v28;
	v25 =	vmin.f32 v50, $1.000000000e+00;
	(erf) = vrcp.f32 v49  }
0x56a: {  	v18 =	vmul.f32 v30, v18;
	v24 =	vadd.f32 v39, v24;
	v19 =	vsub.f32 v25, v19  }
0x56b: {  	v57 =	vadd.f32 v20, v21;
	v51 =	vmul.f32 v38, v32;
	v26 =	vadd.f32 v41, v26  }
0x56c: {  	v52 =	vmul.f32 v38, v33;
	v53 =	vmul.f32 v18, v34;
	v54 =	vadd.f32 v19, v27  }
0x56d: {  	v29 =	vshll.u32 v31, $0x3;
	v55 =	vmul.f32 v18, v36;
	v35 =	vmul.f32 v38, v35  }
0x56e: {  	v26 =	vadd.f32 v26, v52;
	v60 =	vadd.s32 $0xFFFFFFE8, v29;
	v56 =	vpop (erf);
	(erf) = vrcp.f32 v54  }
0x56f: {  	v62 =	vadd.s32 $0xFFFFFFEA, v29;
	v25 =	vadd.f32 v28, v51;
	(erf) = vrcp.f32 v57  }
0x570: {  	v18 =	vmul.f32 v18, v37;
	v26 =	vadd.f32 v26, v53;
	v24 =	vadd.f32 v24, v35;
	v59 =	vpop (erf)  }
0x571: {  	v58 =	vmul.f32 v56, v22;
	v34 =	vmul.f32 v56, v27;
	v25 =	vadd.f32 v25, v55;
	v61 =	vpop (erf)  }
0x572: {  	v63 =	vadd.s32 $0xFFFFFFE9, v29;
	[tilespmem:s25+$0x6B30] =	vst v26;
	v18 =	vadd.f32 v24, v18;
	v39 =	vpop (erf)  }
0x573: {  	v40 =	vadd.s32 $0xFFFFFFF0, v29;
	[tilespmem:s25+$0x5BE0] =	vst v25;
	v41 =	vmul.f32 v58, v59;
	v26 =	vmul.f32 v34, v39  }
0x574: {  	v42 =	vadd.s32 $0xFFFFFFF1, v29;
	[tilespmem:s25+$0x4C90] =	vst v18  }
0x575: {  	v18 =	vadd.s32 $0xFFFFFFF2, v29;
	v31 =	vld.idx.msk [tilespmem:v60+s10+$0x0], $0xffff;
	v30 =	vmul.f32 v41, v20;
	v34 =	vmul.f32 v26, v21  }
0x576: {  	v43 =	vadd.s32 $0xFFFFFFF9, v29;
	v33 =	vld.idx.msk [tilespmem:v62+s10+$0x0], $0xffff;
	v25 =	vmul.f32 v41, v22  }
0x577: {  	v44 =	vadd.s32 $0xFFFFFFFA, v29;
	v24 =	vld.idx.msk [tilespmem:v63+s10+$0x0], $0xffff;
	v45 =	vpop (erf);
	v30 =	vadd.f32 v34, v30  }
0x578: {  	v46 =	vor.u32 $0x2, v29;
	v35 =	vld.idx.msk [tilespmem:v40+s10+$0x0], $0xffff;
	v25 =	vmul.f32 v25, v61;
	v47 =	vpop (erf)  }
0x579: {  	v48 =	vadd.s32 $0xFFFFFFF8, v29;
	v28 =	vld.idx.msk [tilespmem:v42+s10+$0x0], $0xffff;
	v26 =	vmul.f32 v26, v27;
	v30 =	vmul.f32 v30, v47  }
0x57a: {  	v49 =	vor.u32 $0x1, v29;
	v18 =	vld.idx.msk [tilespmem:v18+s10+$0x0], $0xffff;
	v50 =	vmul.f32 v25, v23  }
0x57b: {  	v36 =	vld.idx.msk [tilespmem:v43+s10+$0x0], $0xffff;
	v26 =	vmul.f32 v26, v45;
	v51 =	vmul.f32 v30, v21  }
0x57c: {  	v53 =	vld.idx.msk [tilespmem:v44+s10+$0x0], $0xffff;
	v52 =	vmul.f32 v25, v22  }
0x57d: {  	v55 =	vld.idx.msk [tilespmem:v46+s10+$0x0], $0xffff;
	v19 =	vmul.f32 v26, v19;
	v54 =	vmul.f32 v30, v20;
	v21 =	vadd.f32 v51, v50  }
0x57e: {  	v58 =	vld.idx.msk [tilespmem:v48+s10+$0x0], $0xffff;
	v56 =	vmul.f32 v52, v31;
	v57 =	vmul.f32 v52, v33  }
0x57f: {  	v59 =	vld.idx.msk [tilespmem:v49+s10+$0x0], $0xffff;
	v22 =	vmul.f32 v52, v24;
	v19 =	vadd.f32 v54, v19;
	v18 =	vmul.f32 v21, v18  }
0x580: {  	v61 =	vld.idx.msk [tilespmem:v29+s10+$0x0], $0xffff;
	v26 =	vmul.f32 v26, v27;
	v60 =	vmul.f32 v21, v28  }
0x581: {  	v21 =	vmul.f32 v21, v35;
	v25 =	vmul.f32 v19, v53;
	v18 =	vadd.f32 v18, v57  }
0x582: {  	v23 =	vmul.f32 v26, v55;
	v62 =	vmul.f32 v19, v36;
	v20 =	vadd.f32 v60, v22  }
0x583: {  	v19 =	vmul.f32 v19, v58;
	v21 =	vadd.f32 v21, v56;
	v18 =	vadd.f32 v18, v25  }
0x584: {  	v24 =	vmul.f32 v26, v59;
	v20 =	vadd.f32 v20, v62  }
0x585: {  	v63 =	vmul.f32 v26, v61;
	v19 =	vadd.f32 v21, v19;
	v18 =	vadd.f32 v18, v23  }
0x586: {  	v20 =	vadd.f32 v20, v24  }
0x587: {  	[tilespmem:s24+$0x6B30] =	vst v18;
	v18 =	vadd.f32 v19, v63  }
0x588: {  	[tilespmem:s24+$0x5BE0] =	vst v20  }
0x589: {  	[tilespmem:s24+$0x4C90] =	vst v18  }
0x58a: {  	[hbm4b:s5+s2] =	stream.linear.scatter [tilespmem:s18], [sflag:$0x4], $0xF50, $0x38;
	[tilespmem:$0xDDC0] =	vst v63  }
0x58b: {  	_ = 	snop  }
0x58c: {  	[hbm4b:s3+s2] =	stream.linear.scatter [tilespmem:s19], [sflag:$0x4], $0xF50, $0x38;
	[tilespmem:$0xDDC0] =	vst v63  }
0x58d: {  	_ = 	snop  }
0x58e: {  	[hbm4b:s4+s2] =	stream.linear.scatter [tilespmem:s20], [sflag:$0x4], $0xF50, $0x38;
	[tilespmem:$0xDDC0] =	vst v63  }
0x58f: {  	_ =	swait.ge [sflag:s21], $0xF50  }
0x590: {  	[sflag:s21] =	ssyncset.done $0x0  }
0x591: {  	[sflag:s21] =	ssyncadd.s32 $0xFFFFF0B0  }
0x592: {  	_ =	swait.ge [sflag:s21], $0xF50  }
0x593: {  	[sflag:s21] =	ssyncset.done $0x0  }
0x594: {  	[sflag:s21] =	ssyncadd.s32 $0xFFFFF0B0  }
0x595: {  	_ =	swait.ge [sflag:s21], $0xF50  }
0x596: {  	[sflag:s21] =	ssyncset.done $0x0  }
0x597: {  	[sflag:s21] =	ssyncadd.s32 $0xFFFFF0B0  }
0x598: {  	_ =	swait.ge [sflag:s22], $0xF50  }
0x599: {  	[sflag:s22] =	ssyncset.done $0x0  }
0x59a: {  	[sflag:s22] =	ssyncadd.s32 $0xFFFFF0B0  }
0x59b: {  	_ =	swait.ge [sflag:s22], $0xF50  }
0x59c: {  	[sflag:s22] =	ssyncset.done $0x0  }
0x59d: {  	[sflag:s22] =	ssyncadd.s32 $0xFFFFF0B0  }
0x59e: {  	_ =	swait.ge [sflag:s22], $0xF50  }
0x59f: {  	[sflag:s22] =	ssyncset.done $0x0  }
0x5a0: {  	s24 =	simm.s32 @!p0 $0x7A80;
	[sflag:s22] =	ssyncadd.s32 $0xFFFFF0B0  }
0x5a1: {  	v18 =	vld.idx.msk @!p0 [tilespmem:v6+s24+$0x0], $0xffff  }
0x5a2: {  	v19 =	vld.idx.msk @!p0 [tilespmem:v7+s24+$0x0], $0xffff  }
0x5a3: {  	v20 =	vld.idx.msk @!p0 [tilespmem:v8+s24+$0x0], $0xffff  }
0x5a4: {  	v21 =	vld.idx.msk @!p0 [tilespmem:v9+s24+$0x0], $0xffff  }
0x5a5: {  	v22 =	vld.idx.msk @!p0 [tilespmem:v10+s24+$0x0], $0xffff  }
0x5a6: {  	v23 =	vld.idx.msk @!p0 [tilespmem:v12+s24+$0x0], $0xffff  }
0x5a7: {  	v24 =	vld.idx.msk @!p0 [tilespmem:v11+s24+$0x0], $0xffff  }
0x5a8: {  	v25 =	vld.idx.msk @!p0 [tilespmem:v13+s24+$0x0], $0xffff  }
0x5a9: {  	v26 =	vld.idx.msk @!p0 [tilespmem:v14+s24+$0x0], $0xffff  }
0x5aa: {  	v27 =	vld.idx.msk @!p0 [tilespmem:v2+s24+$0x0], $0xffff;
	v18 =	vmul.f32 @!p0 v18, v1;
	v21 =	vmul.f32 @!p0 v21, v3  }
0x5ab: {  	v28 =	vld.idx.msk @!p0 [tilespmem:v15+s24+$0x0], $0xffff;
	v23 =	vmul.f32 @!p0 v23, v4  }
0x5ac: {  	v29 =	vld.idx.msk @!p0 [tilespmem:v16+s24+$0x0], $0xffff;
	v19 =	vmul.f32 @!p0 v19, v1;
	v18 =	vadd.f32 @!p0 v21, v18;
	v21 =	vmul.f32 @!p0 v22, v3  }
0x5ad: {  	v20 =	vmul.f32 @!p0 v20, v1;
	v22 =	vmul.f32 @!p0 v24, v3  }
0x5ae: {  	v18 =	vadd.f32 @!p0 v23, v18;
	v19 =	vadd.f32 @!p0 v21, v19;
	v21 =	vmul.f32 @!p0 v25, v4  }
0x5af: {  	v23 =	vmul.f32 @!p0 v27, v5;
	v20 =	vadd.f32 @!p0 v22, v20;
	v22 =	vmul.f32 @!p0 v26, v4  }
0x5b0: {  	v19 =	vadd.f32 @!p0 v21, v19;
	v21 =	vmul.f32 @!p0 v28, v5  }
0x5b1: {  	v18 =	vadd.f32 @!p0 v23, v18;
	v20 =	vadd.f32 @!p0 v22, v20;
	v22 =	vmul.f32 @!p0 v29, v5  }
0x5b2: {  	v19 =	vadd.f32 @!p0 v21, v19  }
0x5b3: {  	v20 =	vadd.f32 @!p0 v22, v20;
	[tilespmem:$0x1EA0] =	vst @!p0 v18  }
0x5b4: {  	[tilespmem:$0x2DF0] =	vst @!p0 v19  }
0x5b5: {  	s25 =	simm.s32 @!p0 $0x1EA0;
	s24 =	simm.s32 @!p0 $0x0;
	[tilespmem:$0x3D40] =	vst @!p0 v20  }
0x5b6: {  	[hbm4b:s6+s24] =	stream.linear.scatter @!p0 [tilespmem:s25], [sflag:$0x5], $0x1, $0x38;
	[tilespmem:$0xDDC0] =	vst v63  }
0x5b7: {  	s25 =	simm.s32 @!p0 $0x5  }
0x5b8: {  	_ =	swait.ge @!p0 [sflag:s25], $0x1  }
0x5b9: {  	[sflag:s25] =	ssyncset.done @!p0 $0x0  }
0x5ba: {  	s26 =	simm.s32 @!p0 $0x2DF0;
	[sflag:s25] =	ssyncadd.s32 @!p0 $0xFFFFFFFF  }
0x5bb: {  	[hbm4b:s7+s24] =	stream.linear.scatter @!p0 [tilespmem:s26], [sflag:$0x5], $0x1, $0x38;
	[tilespmem:$0xDDC0] =	vst v63  }
0x5bc: {  	s23 =	sadd.s32 $0x1, s23;
	_ =	swait.ge @!p0 [sflag:s25], $0x1  }
0x5bd: {  	p1 =	sne.s32 s23, s9;
	[sflag:s25] =	ssyncset.done @!p0 $0x0  }
.Ltmp8:
0x5be: {  	s26 =	simm.s32 @!p0 $0x3D40;
	[sflag:s25] =	ssyncadd.s32 @!p0 $0xFFFFFFFF;
	(pc) =	sbr.rel @p1 .LBB2_1-.Ltmp8, $4  }
0x5bf: {  	[hbm4b:s8+s24] =	stream.linear.scatter @!p0 [tilespmem:s26], [sflag:$0x5], $0x1, $0x38;
	[tilespmem:$0xDDC0] =	vst v63  }
0x5c0: {  	_ =	swait.ge @!p0 [sflag:s25], $0x1  }
0x5c1: {  	[sflag:s25] =	ssyncset.done @!p0 $0x0  }
0x5c2: {  	[sflag:s25] =	ssyncadd.s32 @!p0 $0xFFFFFFFF  }
0x5c3: {  	_ =	sfence.sel $0x180000  }
0x5c4: {  	[bflag:$0x0] =	sbarrier.arrive $0xFFFF  }
0x5c5: {  	_ =	strace $0x90000047  }
0x5c6: {  	s0 =	stileid.u32;
	[bflag:$0x2] =	sbarrier.arrive $0xFFFF  }
0x5c7: {  	p0 =	sne.s32 s0, $0x0;
	s0 =	rddreg [dreg:$0x3]  }
0x5c8: {  	s0 =	sadd.s32 @!p0 $0x100000, s0  }
0x5c9: {  	[sflag:s0] =	ssyncadd.tile.s32 @!p0 $0x1;
	_ =	shalt  }
.Lfunc_end2:
_tile_overlayer_lowered:
.L_overlay_start_2:
0x5ca: {  	(tag) =	ssettag $0x2  }
0x5cb: {  	s0 =	rddreg [dreg:$0x0];
	s2 =	stileid.u32  }
0x5cc: {  	s1 =	rddreg [dreg:$0x1];
	p0 =	sne.s32 s2, $0x0  }
0x5cd: {  	s3 =	rddreg [dreg:$0x2];
	[bflag:$0x3] =	sbarrier.arrive $0xFFFF;
	s2 =	simm.s32 @!p0 $0x1C05  }
0x5ce: {  	[timem:s3], [sflag:s2] =	dma.local @!p0 [hbm:s0], s1  }
0x5cf: {  	s0 =	simm.s32 @!p0 $0x5  }
0x5d0: {  	_ =	swait.ge @!p0 [sflag:s0], s1  }
0x5d1: {  	s1 =	ssub.s32 @!p0 $0x0, s1;
	[sflag:s0] =	ssyncset.done @!p0 $0x0  }
0x5d2: {  	[sflag:s0] =	ssyncadd.s32 @!p0 s1  }
0x5d3: {  	[bflag:$0x3] =	sbarrier.arrive $0xFFFF  }
0x5d4: {  	_ =	shalt  }

</sc_bundles>
